<compile_context>
chip_gen: v7x
topology: tpu7x:2x2x1
jax: 0.10.2.dev20260603
libtpu: 0.0.44.dev20260713+nightly
codegen_flags: <defaults>
</compile_context>

<pallas_src>
import functools

import numpy as np

import jax
import jax.numpy as jnp
from jax import lax
from jax.experimental import pallas as pl
from jax.experimental.pallas import tpu as pltpu
from jax.experimental.pallas import tpu_sc as plsc

_L = 16
_NW = 32


def _sc_body(shape, kp, x_hbm, wy_hbm, par_hbm, out_hbm,
             in0, in1, ou0, ou1, tabs_v, ta_v, tb_v, par_v,
             si0, si1, so0, so1):
    b_dim, c_dim, h_dim, w_dim = shape
    planes = b_dim * c_dim
    wid = lax.axis_index("s") * 2 + lax.axis_index("c")
    pltpu.sync_copy(par_hbm, par_v)
    w_lo = par_v[pl.ds(0, _L)]
    inv_dx = par_v[pl.ds(_L, _L)]
    tmax = float(np.nextafter(np.float32(kp - 1), np.float32(0.0)))
    hh = h_dim // 2
    per_w = planes // _NW
    kpad = ta_v.shape[1]
    nvec_w = w_dim // _L

    c_base = lax.rem(wid * per_w, c_dim)
    pltpu.sync_copy(wy_hbm.at[pl.ds(c_base * kpad, per_w * kpad)], tabs_v)

    @plsc.parallel_loop(0, per_w, step=1)
    def prep_row(r):
        base = r * kpad
        for j in range(kpad // _L):
            kidx = lax.iota(jnp.int32, _L) + jnp.full((_L,), j * _L, jnp.int32)
            y0 = tabs_v[pl.ds(base + j * _L, _L)]
            idx1 = jnp.minimum(kidx + jnp.full((_L,), 1, jnp.int32),
                               jnp.full((_L,), kpad - 1, jnp.int32))
            y1 = plsc.load_gather(tabs_v, [idx1 + jnp.full((_L,), 1, jnp.int32) * base])
            dy = y1 - y0
            ta_v[r, pl.ds(j * _L, _L)] = y0 - kidx.astype(jnp.float32) * dy
            tb_v[r, pl.ds(j * _L, _L)] = dy

    def chunk_coords(k):
        p = wid * per_w + k // 2
        b = p // c_dim
        c = lax.rem(p, c_dim)
        r0 = (k % 2) * hh
        return b, c, r0

    def start_in(k, buf, sem):
        b, c, r0 = chunk_coords(k)
        return pltpu.async_copy(x_hbm.at[b, c, pl.ds(r0, hh)], buf, sem)

    def compute(k, buf, obuf):
        ta = ta_v.at[k // 2]
        tb = tb_v.at[k // 2]

        @plsc.parallel_loop(0, hh, step=1, unroll=2)
        def row_body(r):
            for j in range(nvec_w):
                x = buf[r, pl.ds(j * _L, _L)]
                tt = (x - w_lo) * inv_dx
                tt = jnp.maximum(tt, jnp.zeros((_L,), jnp.float32))
                tt = jnp.minimum(tt, jnp.full((_L,), tmax, jnp.float32))
                i0 = tt.astype(jnp.int32)
                a = plsc.load_gather(ta, [i0])
                b = plsc.load_gather(tb, [i0])
                obuf[r, pl.ds(j * _L, _L)] = a + b * tt

    def start_out(k, obuf, sem):
        b, c, r0 = chunk_coords(k)
        return pltpu.async_copy(obuf, out_hbm.at[b, c, pl.ds(r0, hh)], sem)

    def wait_out(k, obuf, sem):
        b, c, r0 = chunk_coords(k)
        pltpu.make_async_copy(obuf, out_hbm.at[b, c, pl.ds(r0, hh)], sem).wait()

    start_in(0, in0, si0)

    def pair_body(t, carry):
        ka = 2 * t
        kb = 2 * t + 1
        start_in(kb, in1, si1)
        pltpu.make_async_copy(x_hbm.at[0, 0, pl.ds(0, hh)], in0, si0).wait()

        @pl.when(t > 0)
        def _():
            wait_out(ka, ou0, so0)

        compute(ka, in0, ou0)
        start_out(ka, ou0, so0)

        @pl.when(t + 1 < per_w)
        def _():
            start_in(ka + 2, in0, si0)

        pltpu.make_async_copy(x_hbm.at[0, 0, pl.ds(0, hh)], in1, si1).wait()

        @pl.when(t > 0)
        def _():
            wait_out(kb, ou1, so1)

        compute(kb, in1, ou1)
        start_out(kb, ou1, so1)
        return carry

    lax.fori_loop(0, per_w, pair_body, 0)
    wait_out(2 * per_w - 2, ou0, so0)
    wait_out(2 * per_w - 1, ou1, so1)


def kernel(input, labels, weightx, weighty):
    B, C, H, W = input.shape
    K = weightx.shape[0]
    P = B * C
    assert P % _NW == 0 and W % _L == 0 and H % 2 == 0
    per_w = P // _NW
    assert C % per_w == 0

    wy = weighty[labels]
    Kp = ((K + _L - 1) // _L) * _L
    wy_pad = jnp.pad(wy, ((0, 0), (0, Kp - K))).reshape(-1)

    w_lo = weightx[0]
    inv_dx = (K - 1) / (weightx[-1] - w_lo)
    par = jnp.concatenate(
        [jnp.full((_L,), w_lo), jnp.full((_L,), inv_dx)]
    ).astype(jnp.float32)

    mesh = plsc.VectorSubcoreMesh(core_axis_name="c", subcore_axis_name="s")
    body = functools.partial(_sc_body, (B, C, H, W), K)
    return pl.kernel(
        body,
        mesh=mesh,
        compiler_params=pltpu.CompilerParams(
            needs_layout_passes=False, skip_device_barrier=True),
        out_type=jax.ShapeDtypeStruct((B, C, H, W), jnp.float32),
        scratch_types=[
            pltpu.VMEM((H // 2, W), jnp.float32),
            pltpu.VMEM((H // 2, W), jnp.float32),
            pltpu.VMEM((H // 2, W), jnp.float32),
            pltpu.VMEM((H // 2, W), jnp.float32),
            pltpu.VMEM((P // _NW * Kp,), jnp.float32),
            pltpu.VMEM((P // _NW, Kp), jnp.float32),
            pltpu.VMEM((P // _NW, Kp), jnp.float32),
            pltpu.VMEM((2 * _L,), jnp.float32),
            pltpu.SemaphoreType.DMA,
            pltpu.SemaphoreType.DMA,
            pltpu.SemaphoreType.DMA,
            pltpu.SemaphoreType.DMA,
        ],
    )(input, wy_pad, par)

# --- scband reference (transcript-rebuilt; emitter-appended) ---
"""Pipeline reference for scband-line-85323820302554 (READ-ONLY COPY).

The authoritative reference and input builder live on the scoring server;
editing this copy changes nothing except your own understanding.
"""

import jax, jax.numpy as jnp
import numpy as np


def _softshrink(x, l):
    return jnp.where(x > l, x - l, jnp.where(x < -l, x + l, jnp.zeros_like(x)))


def setup_inputs(seed: int = 0) -> dict:
    key = jax.random.key(seed)
    B, C, H, W = 4, 96, 224, 224
    N_l, N_c = 16, 96
    lambd, beta = 0.001, 0.9
    k1, _ = jax.random.split(key)
    inp = jax.random.normal(k1, (B, C, H, W), dtype=jnp.float32)
    labels = 3  # layer index, scalar int < N_l
    weightx = jnp.arange(-500, 510, 10, dtype=jnp.float32) / 255.0  # [101]
    l = lambd / max(beta, 0.0001)
    weighty = _softshrink(
        jnp.broadcast_to(weightx[None, None, :], (N_l, N_c, weightx.shape[0])), l
    ).astype(jnp.float32)  # [N_l, N_c, 101]
    return {"input": inp, "labels": labels, "weightx": weightx, "weighty": weighty}


def reference(input, labels, weightx, weighty):
    # Piecewise-linear learned activation: bucketize each input value into the
    # weightx knot grid (histogram binning via searchsorted), then linearly
    # interpolate the per-(layer, channel) learned y-values weighty[labels].
    K = weightx.shape[0]
    x = jnp.clip(input, weightx[0], weightx[-1])
    idx = jnp.clip(jnp.searchsorted(weightx, x, side="right"), 1, K - 1)  # bin id per element
    x0 = weightx[idx - 1]
    x1 = weightx[idx]
    wy = weighty[labels]  # [N_c, K] -- select this layer's table
    C = input.shape[1]
    cidx = jnp.arange(C)[None, :, None, None]
    y0 = wy[cidx, idx - 1]
    y1 = wy[cidx, idx]
    frac = (x - x0) / (x1 - x0)
    return y0 + (y1 - y0) * frac

if __name__ == "__main__":
    import jax
    _d = setup_inputs()
    print(jax.jit(kernel)(*tuple(_d.values())))

</pallas_src>

<mosaic_0001>
#map = affine_map<(d0, d1) -> (0, 0, 0, 0)>
#map1 = affine_map<(d0, d1) -> (0)>
module attributes {stable_mosaic.version = 14 : i64} {
  func.func @_sc_body(%arg0: i32, %arg1: i32, %arg2: memref<4x96x224x224xf32, #tpu.memory_space<hbm>>, %arg3: memref<10752xf32, #tpu.memory_space<hbm>>, %arg4: memref<32xf32, #tpu.memory_space<hbm>>, %arg5: memref<4x96x224x224xf32, #tpu.memory_space<hbm>>, %arg6: memref<112x224xf32, #tpu.memory_space<vmem>>, %arg7: memref<112x224xf32, #tpu.memory_space<vmem>>, %arg8: memref<112x224xf32, #tpu.memory_space<vmem>>, %arg9: memref<112x224xf32, #tpu.memory_space<vmem>>, %arg10: memref<1344xf32, #tpu.memory_space<vmem>>, %arg11: memref<12x112xf32, #tpu.memory_space<vmem>>, %arg12: memref<12x112xf32, #tpu.memory_space<vmem>>, %arg13: memref<32xf32, #tpu.memory_space<vmem>>, %arg14: memref<!tpu.dma_semaphore, #tpu.memory_space<semaphore_mem>>, %arg15: memref<!tpu.dma_semaphore, #tpu.memory_space<semaphore_mem>>, %arg16: memref<!tpu.dma_semaphore, #tpu.memory_space<semaphore_mem>>, %arg17: memref<!tpu.dma_semaphore, #tpu.memory_space<semaphore_mem>>) attributes {dimension_semantics = [#tpu.dimension_semantics<core_parallel>, #tpu.dimension_semantics<subcore_parallel>], iteration_bounds = array<i64: 2, 16>, scalar_prefetch = 0 : i64, scratch_operands = 12 : i64, tpu.core_type = #tpu.core_type<sc_vector_subcore>, window_params = [{transform_indices = #map}, {transform_indices = #map1}, {transform_indices = #map1}, {transform_indices = #map}]} {
    %mul3A = arith.constant 2 : i32
    %mul3A_0 = arith.muli %arg1, %mul3A : i32
    %add3A = arith.addi %mul3A_0, %arg0 : i32
    "tpu.region"() ({
      %run_scoped3A = tpu.sem_alloc : memref<!tpu.dma_semaphore, #tpu.memory_space<semaphore_mem>>
      tpu.enqueue_dma source(%arg4 : memref<32xf32, #tpu.memory_space<hbm>>) target(%arg13 : memref<32xf32, #tpu.memory_space<vmem>>) target_semaphore(%run_scoped3A : memref<!tpu.dma_semaphore, #tpu.memory_space<semaphore_mem>>)
      tpu.wait_dma2 semaphore(%run_scoped3A : memref<!tpu.dma_semaphore, #tpu.memory_space<semaphore_mem>>) src(%arg4 : memref<32xf32, #tpu.memory_space<hbm>>) dst(%arg13 : memref<32xf32, #tpu.memory_space<vmem>>)
      tpu.yield
    }) : () -> ()
    %get3A = arith.constant 0 : index
    %get3A_1 = tpu.vector_load %arg13[%get3A] {strides = array<i32>} : memref<32xf32, #tpu.memory_space<vmem>>, vector<16xf32>,
    %get3A_2 = arith.constant 16 : index
    %get3A_3 = tpu.vector_load %arg13[%get3A_2] {strides = array<i32>} : memref<32xf32, #tpu.memory_space<vmem>>, vector<16xf32>,
    %mul3A_4 = arith.constant 12 : i32
    %mul3A_5 = arith.muli %add3A, %mul3A_4 : i32
    %rem3A = arith.constant 96 : i32
    %rem3A_6 = arith.remsi %mul3A_5, %rem3A : i32
    %mul3A_7 = arith.constant 112 : i32
    %mul3A_8 = arith.muli %rem3A_6, %mul3A_7 : i32
    "tpu.region"() ({
      %run_scoped3A = tpu.sem_alloc : memref<!tpu.dma_semaphore, #tpu.memory_space<semaphore_mem>>
      %dma_start3A_121 = tpu.memref_slice %arg3[%mul3A_8] : memref<10752xf32, #tpu.memory_space<hbm>> -> memref<1344xf32, #tpu.memory_space<hbm>>
      %dma_start3A_122 = tpu.memref_slice %arg3[%mul3A_8] : memref<10752xf32, #tpu.memory_space<hbm>> -> memref<1344xf32, #tpu.memory_space<hbm>>
      tpu.enqueue_dma source(%dma_start3A_122 : memref<1344xf32, #tpu.memory_space<hbm>>) target(%arg10 : memref<1344xf32, #tpu.memory_space<vmem>>) target_semaphore(%run_scoped3A : memref<!tpu.dma_semaphore, #tpu.memory_space<semaphore_mem>>)
      %dma_wait3A_123 = tpu.memref_slice %arg3[%mul3A_8] : memref<10752xf32, #tpu.memory_space<hbm>> -> memref<1344xf32, #tpu.memory_space<hbm>>
      %dma_wait3A_124 = tpu.memref_slice %arg3[%mul3A_8] : memref<10752xf32, #tpu.memory_space<hbm>> -> memref<1344xf32, #tpu.memory_space<hbm>>
      tpu.wait_dma2 semaphore(%run_scoped3A : memref<!tpu.dma_semaphore, #tpu.memory_space<semaphore_mem>>) src(%dma_wait3A_124 : memref<1344xf32, #tpu.memory_space<hbm>>) dst(%arg10 : memref<1344xf32, #tpu.memory_space<vmem>>)
      tpu.yield
    }) : () -> ()
    %parallel_loop3A = arith.constant 0 : i32
    %parallel_loop3A_9 = arith.constant 12 : i32
    %parallel_loop3A_10 = arith.constant 1 : i32
    scf.for %parallel_loop3A_121 = %parallel_loop3A to %parallel_loop3A_9 step %parallel_loop3A_10  : i32 {
      %parallel_loop3A_122 = arith.constant 112 : i32
      %parallel_loop3A_123 = arith.muli %parallel_loop3A_121, %parallel_loop3A_122 : i32
      %parallel_loop3A_124 = tpu.iota {dimensions = array<i32: 0>} : vector<16xi32>
      %parallel_loop3A_125 = arith.constant 0 : i32
      %parallel_loop3A_126 = vector.broadcast %parallel_loop3A_125 : i32 to vector<16xi32>
      %parallel_loop3A_127 = arith.addi %parallel_loop3A_124, %parallel_loop3A_126 : vector<16xi32>
      %parallel_loop3A_128 = arith.constant 0 : i32
      %parallel_loop3A_129 = arith.addi %parallel_loop3A_123, %parallel_loop3A_128 : i32
      %parallel_loop3A_130 = arith.index_cast %parallel_loop3A_129 : i32 to index
      %parallel_loop3A_131 = tpu.vector_load %arg10[%parallel_loop3A_130] {strides = array<i32>} : memref<1344xf32, #tpu.memory_space<vmem>>, vector<16xf32>,
      %parallel_loop3A_132 = arith.constant 1 : i32
      %parallel_loop3A_133 = vector.broadcast %parallel_loop3A_132 : i32 to vector<16xi32>
      %parallel_loop3A_134 = arith.addi %parallel_loop3A_127, %parallel_loop3A_133 : vector<16xi32>
      %parallel_loop3A_135 = arith.constant 111 : i32
      %parallel_loop3A_136 = vector.broadcast %parallel_loop3A_135 : i32 to vector<16xi32>
      %parallel_loop3A_137 = arith.minsi %parallel_loop3A_134, %parallel_loop3A_136 : vector<16xi32>
      %parallel_loop3A_138 = arith.constant 1 : i32
      %parallel_loop3A_139 = vector.broadcast %parallel_loop3A_138 : i32 to vector<16xi32>
      %parallel_loop3A_140 = vector.broadcast %parallel_loop3A_123 : i32 to vector<16xi32>
      %parallel_loop3A_141 = arith.muli %parallel_loop3A_139, %parallel_loop3A_140 : vector<16xi32>
      %parallel_loop3A_142 = arith.addi %parallel_loop3A_137, %parallel_loop3A_141 : vector<16xi32>
      %parallel_loop3A_143 = tpu.vector_load_idx %arg10[%parallel_loop3A_142] : memref<1344xf32, #tpu.memory_space<vmem>>[vector<16xi32>], vector<16xf32>,
      %parallel_loop3A_144 = arith.subf %parallel_loop3A_143, %parallel_loop3A_131 : vector<16xf32>
      %parallel_loop3A_145 = arith.sitofp %parallel_loop3A_127 : vector<16xi32> to vector<16xf32>
      %parallel_loop3A_146 = arith.mulf %parallel_loop3A_145, %parallel_loop3A_144 : vector<16xf32>
      %parallel_loop3A_147 = arith.subf %parallel_loop3A_131, %parallel_loop3A_146 : vector<16xf32>
      %parallel_loop3A_148 = arith.index_cast %parallel_loop3A_121 : i32 to index
      %parallel_loop3A_149 = arith.constant 0 : index
      %parallel_loop3A_150 = tpu.vector_load %arg11[%parallel_loop3A_148, %parallel_loop3A_149] {strides = array<i32>} : memref<12x112xf32, #tpu.memory_space<vmem>>, vector<16xf32>,
      tpu.vector_store %arg11[%parallel_loop3A_148, %parallel_loop3A_149], %parallel_loop3A_147 {strides = array<i32>} : memref<12x112xf32, #tpu.memory_space<vmem>>, vector<16xf32>,
      %parallel_loop3A_151 = arith.index_cast %parallel_loop3A_121 : i32 to index
      %parallel_loop3A_152 = arith.constant 0 : index
      %parallel_loop3A_153 = tpu.vector_load %arg12[%parallel_loop3A_151, %parallel_loop3A_152] {strides = array<i32>} : memref<12x112xf32, #tpu.memory_space<vmem>>, vector<16xf32>,
      tpu.vector_store %arg12[%parallel_loop3A_151, %parallel_loop3A_152], %parallel_loop3A_144 {strides = array<i32>} : memref<12x112xf32, #tpu.memory_space<vmem>>, vector<16xf32>,
      %parallel_loop3A_154 = tpu.iota {dimensions = array<i32: 0>} : vector<16xi32>
      %parallel_loop3A_155 = arith.constant 16 : i32
      %parallel_loop3A_156 = vector.broadcast %parallel_loop3A_155 : i32 to vector<16xi32>
      %parallel_loop3A_157 = arith.addi %parallel_loop3A_154, %parallel_loop3A_156 : vector<16xi32>
      %parallel_loop3A_158 = arith.constant 16 : i32
      %parallel_loop3A_159 = arith.addi %parallel_loop3A_123, %parallel_loop3A_158 : i32
      %parallel_loop3A_160 = arith.index_cast %parallel_loop3A_159 : i32 to index
      %parallel_loop3A_161 = tpu.vector_load %arg10[%parallel_loop3A_160] {strides = array<i32>} : memref<1344xf32, #tpu.memory_space<vmem>>, vector<16xf32>,
      %parallel_loop3A_162 = arith.constant 1 : i32
      %parallel_loop3A_163 = vector.broadcast %parallel_loop3A_162 : i32 to vector<16xi32>
      %parallel_loop3A_164 = arith.addi %parallel_loop3A_157, %parallel_loop3A_163 : vector<16xi32>
      %parallel_loop3A_165 = arith.constant 111 : i32
      %parallel_loop3A_166 = vector.broadcast %parallel_loop3A_165 : i32 to vector<16xi32>
      %parallel_loop3A_167 = arith.minsi %parallel_loop3A_164, %parallel_loop3A_166 : vector<16xi32>
      %parallel_loop3A_168 = arith.constant 1 : i32
      %parallel_loop3A_169 = vector.broadcast %parallel_loop3A_168 : i32 to vector<16xi32>
      %parallel_loop3A_170 = vector.broadcast %parallel_loop3A_123 : i32 to vector<16xi32>
      %parallel_loop3A_171 = arith.muli %parallel_loop3A_169, %parallel_loop3A_170 : vector<16xi32>
      %parallel_loop3A_172 = arith.addi %parallel_loop3A_167, %parallel_loop3A_171 : vector<16xi32>
      %parallel_loop3A_173 = tpu.vector_load_idx %arg10[%parallel_loop3A_172] : memref<1344xf32, #tpu.memory_space<vmem>>[vector<16xi32>], vector<16xf32>,
      %parallel_loop3A_174 = arith.subf %parallel_loop3A_173, %parallel_loop3A_161 : vector<16xf32>
      %parallel_loop3A_175 = arith.sitofp %parallel_loop3A_157 : vector<16xi32> to vector<16xf32>
      %parallel_loop3A_176 = arith.mulf %parallel_loop3A_175, %parallel_loop3A_174 : vector<16xf32>
      %parallel_loop3A_177 = arith.subf %parallel_loop3A_161, %parallel_loop3A_176 : vector<16xf32>
      %parallel_loop3A_178 = arith.index_cast %parallel_loop3A_121 : i32 to index
      %parallel_loop3A_179 = arith.constant 16 : index
      %parallel_loop3A_180 = tpu.vector_load %arg11[%parallel_loop3A_178, %parallel_loop3A_179] {strides = array<i32>} : memref<12x112xf32, #tpu.memory_space<vmem>>, vector<16xf32>,
      tpu.vector_store %arg11[%parallel_loop3A_178, %parallel_loop3A_179], %parallel_loop3A_177 {strides = array<i32>} : memref<12x112xf32, #tpu.memory_space<vmem>>, vector<16xf32>,
      %parallel_loop3A_181 = arith.index_cast %parallel_loop3A_121 : i32 to index
      %parallel_loop3A_182 = arith.constant 16 : index
      %parallel_loop3A_183 = tpu.vector_load %arg12[%parallel_loop3A_181, %parallel_loop3A_182] {strides = array<i32>} : memref<12x112xf32, #tpu.memory_space<vmem>>, vector<16xf32>,
      tpu.vector_store %arg12[%parallel_loop3A_181, %parallel_loop3A_182], %parallel_loop3A_174 {strides = array<i32>} : memref<12x112xf32, #tpu.memory_space<vmem>>, vector<16xf32>,
      %parallel_loop3A_184 = tpu.iota {dimensions = array<i32: 0>} : vector<16xi32>
      %parallel_loop3A_185 = arith.constant 32 : i32
      %parallel_loop3A_186 = vector.broadcast %parallel_loop3A_185 : i32 to vector<16xi32>
      %parallel_loop3A_187 = arith.addi %parallel_loop3A_184, %parallel_loop3A_186 : vector<16xi32>
      %parallel_loop3A_188 = arith.constant 32 : i32
      %parallel_loop3A_189 = arith.addi %parallel_loop3A_123, %parallel_loop3A_188 : i32
      %parallel_loop3A_190 = arith.index_cast %parallel_loop3A_189 : i32 to index
      %parallel_loop3A_191 = tpu.vector_load %arg10[%parallel_loop3A_190] {strides = array<i32>} : memref<1344xf32, #tpu.memory_space<vmem>>, vector<16xf32>,
      %parallel_loop3A_192 = arith.constant 1 : i32
      %parallel_loop3A_193 = vector.broadcast %parallel_loop3A_192 : i32 to vector<16xi32>
      %parallel_loop3A_194 = arith.addi %parallel_loop3A_187, %parallel_loop3A_193 : vector<16xi32>
      %parallel_loop3A_195 = arith.constant 111 : i32
      %parallel_loop3A_196 = vector.broadcast %parallel_loop3A_195 : i32 to vector<16xi32>
      %parallel_loop3A_197 = arith.minsi %parallel_loop3A_194, %parallel_loop3A_196 : vector<16xi32>
      %parallel_loop3A_198 = arith.constant 1 : i32
      %parallel_loop3A_199 = vector.broadcast %parallel_loop3A_198 : i32 to vector<16xi32>
      %parallel_loop3A_200 = vector.broadcast %parallel_loop3A_123 : i32 to vector<16xi32>
      %parallel_loop3A_201 = arith.muli %parallel_loop3A_199, %parallel_loop3A_200 : vector<16xi32>
      %parallel_loop3A_202 = arith.addi %parallel_loop3A_197, %parallel_loop3A_201 : vector<16xi32>
      %parallel_loop3A_203 = tpu.vector_load_idx %arg10[%parallel_loop3A_202] : memref<1344xf32, #tpu.memory_space<vmem>>[vector<16xi32>], vector<16xf32>,
      %parallel_loop3A_204 = arith.subf %parallel_loop3A_203, %parallel_loop3A_191 : vector<16xf32>
      %parallel_loop3A_205 = arith.sitofp %parallel_loop3A_187 : vector<16xi32> to vector<16xf32>
      %parallel_loop3A_206 = arith.mulf %parallel_loop3A_205, %parallel_loop3A_204 : vector<16xf32>
      %parallel_loop3A_207 = arith.subf %parallel_loop3A_191, %parallel_loop3A_206 : vector<16xf32>
      %parallel_loop3A_208 = arith.index_cast %parallel_loop3A_121 : i32 to index
      %parallel_loop3A_209 = arith.constant 32 : index
      %parallel_loop3A_210 = tpu.vector_load %arg11[%parallel_loop3A_208, %parallel_loop3A_209] {strides = array<i32>} : memref<12x112xf32, #tpu.memory_space<vmem>>, vector<16xf32>,
      tpu.vector_store %arg11[%parallel_loop3A_208, %parallel_loop3A_209], %parallel_loop3A_207 {strides = array<i32>} : memref<12x112xf32, #tpu.memory_space<vmem>>, vector<16xf32>,
      %parallel_loop3A_211 = arith.index_cast %parallel_loop3A_121 : i32 to index
      %parallel_loop3A_212 = arith.constant 32 : index
      %parallel_loop3A_213 = tpu.vector_load %arg12[%parallel_loop3A_211, %parallel_loop3A_212] {strides = array<i32>} : memref<12x112xf32, #tpu.memory_space<vmem>>, vector<16xf32>,
      tpu.vector_store %arg12[%parallel_loop3A_211, %parallel_loop3A_212], %parallel_loop3A_204 {strides = array<i32>} : memref<12x112xf32, #tpu.memory_space<vmem>>, vector<16xf32>,
      %parallel_loop3A_214 = tpu.iota {dimensions = array<i32: 0>} : vector<16xi32>
      %parallel_loop3A_215 = arith.constant 48 : i32
      %parallel_loop3A_216 = vector.broadcast %parallel_loop3A_215 : i32 to vector<16xi32>
      %parallel_loop3A_217 = arith.addi %parallel_loop3A_214, %parallel_loop3A_216 : vector<16xi32>
      %parallel_loop3A_218 = arith.constant 48 : i32
      %parallel_loop3A_219 = arith.addi %parallel_loop3A_123, %parallel_loop3A_218 : i32
      %parallel_loop3A_220 = arith.index_cast %parallel_loop3A_219 : i32 to index
      %parallel_loop3A_221 = tpu.vector_load %arg10[%parallel_loop3A_220] {strides = array<i32>} : memref<1344xf32, #tpu.memory_space<vmem>>, vector<16xf32>,
      %parallel_loop3A_222 = arith.constant 1 : i32
      %parallel_loop3A_223 = vector.broadcast %parallel_loop3A_222 : i32 to vector<16xi32>
      %parallel_loop3A_224 = arith.addi %parallel_loop3A_217, %parallel_loop3A_223 : vector<16xi32>
      %parallel_loop3A_225 = arith.constant 111 : i32
      %parallel_loop3A_226 = vector.broadcast %parallel_loop3A_225 : i32 to vector<16xi32>
      %parallel_loop3A_227 = arith.minsi %parallel_loop3A_224, %parallel_loop3A_226 : vector<16xi32>
      %parallel_loop3A_228 = arith.constant 1 : i32
      %parallel_loop3A_229 = vector.broadcast %parallel_loop3A_228 : i32 to vector<16xi32>
      %parallel_loop3A_230 = vector.broadcast %parallel_loop3A_123 : i32 to vector<16xi32>
      %parallel_loop3A_231 = arith.muli %parallel_loop3A_229, %parallel_loop3A_230 : vector<16xi32>
      %parallel_loop3A_232 = arith.addi %parallel_loop3A_227, %parallel_loop3A_231 : vector<16xi32>
      %parallel_loop3A_233 = tpu.vector_load_idx %arg10[%parallel_loop3A_232] : memref<1344xf32, #tpu.memory_space<vmem>>[vector<16xi32>], vector<16xf32>,
      %parallel_loop3A_234 = arith.subf %parallel_loop3A_233, %parallel_loop3A_221 : vector<16xf32>
      %parallel_loop3A_235 = arith.sitofp %parallel_loop3A_217 : vector<16xi32> to vector<16xf32>
      %parallel_loop3A_236 = arith.mulf %parallel_loop3A_235, %parallel_loop3A_234 : vector<16xf32>
      %parallel_loop3A_237 = arith.subf %parallel_loop3A_221, %parallel_loop3A_236 : vector<16xf32>
      %parallel_loop3A_238 = arith.index_cast %parallel_loop3A_121 : i32 to index
      %parallel_loop3A_239 = arith.constant 48 : index
      %parallel_loop3A_240 = tpu.vector_load %arg11[%parallel_loop3A_238, %parallel_loop3A_239] {strides = array<i32>} : memref<12x112xf32, #tpu.memory_space<vmem>>, vector<16xf32>,
      tpu.vector_store %arg11[%parallel_loop3A_238, %parallel_loop3A_239], %parallel_loop3A_237 {strides = array<i32>} : memref<12x112xf32, #tpu.memory_space<vmem>>, vector<16xf32>,
      %parallel_loop3A_241 = arith.index_cast %parallel_loop3A_121 : i32 to index
      %parallel_loop3A_242 = arith.constant 48 : index
      %parallel_loop3A_243 = tpu.vector_load %arg12[%parallel_loop3A_241, %parallel_loop3A_242] {strides = array<i32>} : memref<12x112xf32, #tpu.memory_space<vmem>>, vector<16xf32>,
      tpu.vector_store %arg12[%parallel_loop3A_241, %parallel_loop3A_242], %parallel_loop3A_234 {strides = array<i32>} : memref<12x112xf32, #tpu.memory_space<vmem>>, vector<16xf32>,
      %parallel_loop3A_244 = tpu.iota {dimensions = array<i32: 0>} : vector<16xi32>
      %parallel_loop3A_245 = arith.constant 64 : i32
      %parallel_loop3A_246 = vector.broadcast %parallel_loop3A_245 : i32 to vector<16xi32>
      %parallel_loop3A_247 = arith.addi %parallel_loop3A_244, %parallel_loop3A_246 : vector<16xi32>
      %parallel_loop3A_248 = arith.constant 64 : i32
      %parallel_loop3A_249 = arith.addi %parallel_loop3A_123, %parallel_loop3A_248 : i32
      %parallel_loop3A_250 = arith.index_cast %parallel_loop3A_249 : i32 to index
      %parallel_loop3A_251 = tpu.vector_load %arg10[%parallel_loop3A_250] {strides = array<i32>} : memref<1344xf32, #tpu.memory_space<vmem>>, vector<16xf32>,
      %parallel_loop3A_252 = arith.constant 1 : i32
      %parallel_loop3A_253 = vector.broadcast %parallel_loop3A_252 : i32 to vector<16xi32>
      %parallel_loop3A_254 = arith.addi %parallel_loop3A_247, %parallel_loop3A_253 : vector<16xi32>
      %parallel_loop3A_255 = arith.constant 111 : i32
      %parallel_loop3A_256 = vector.broadcast %parallel_loop3A_255 : i32 to vector<16xi32>
      %parallel_loop3A_257 = arith.minsi %parallel_loop3A_254, %parallel_loop3A_256 : vector<16xi32>
      %parallel_loop3A_258 = arith.constant 1 : i32
      %parallel_loop3A_259 = vector.broadcast %parallel_loop3A_258 : i32 to vector<16xi32>
      %parallel_loop3A_260 = vector.broadcast %parallel_loop3A_123 : i32 to vector<16xi32>
      %parallel_loop3A_261 = arith.muli %parallel_loop3A_259, %parallel_loop3A_260 : vector<16xi32>
      %parallel_loop3A_262 = arith.addi %parallel_loop3A_257, %parallel_loop3A_261 : vector<16xi32>
      %parallel_loop3A_263 = tpu.vector_load_idx %arg10[%parallel_loop3A_262] : memref<1344xf32, #tpu.memory_space<vmem>>[vector<16xi32>], vector<16xf32>,
      %parallel_loop3A_264 = arith.subf %parallel_loop3A_263, %parallel_loop3A_251 : vector<16xf32>
      %parallel_loop3A_265 = arith.sitofp %parallel_loop3A_247 : vector<16xi32> to vector<16xf32>
      %parallel_loop3A_266 = arith.mulf %parallel_loop3A_265, %parallel_loop3A_264 : vector<16xf32>
      %parallel_loop3A_267 = arith.subf %parallel_loop3A_251, %parallel_loop3A_266 : vector<16xf32>
      %parallel_loop3A_268 = arith.index_cast %parallel_loop3A_121 : i32 to index
      %parallel_loop3A_269 = arith.constant 64 : index
      %parallel_loop3A_270 = tpu.vector_load %arg11[%parallel_loop3A_268, %parallel_loop3A_269] {strides = array<i32>} : memref<12x112xf32, #tpu.memory_space<vmem>>, vector<16xf32>,
      tpu.vector_store %arg11[%parallel_loop3A_268, %parallel_loop3A_269], %parallel_loop3A_267 {strides = array<i32>} : memref<12x112xf32, #tpu.memory_space<vmem>>, vector<16xf32>,
      %parallel_loop3A_271 = arith.index_cast %parallel_loop3A_121 : i32 to index
      %parallel_loop3A_272 = arith.constant 64 : index
      %parallel_loop3A_273 = tpu.vector_load %arg12[%parallel_loop3A_271, %parallel_loop3A_272] {strides = array<i32>} : memref<12x112xf32, #tpu.memory_space<vmem>>, vector<16xf32>,
      tpu.vector_store %arg12[%parallel_loop3A_271, %parallel_loop3A_272], %parallel_loop3A_264 {strides = array<i32>} : memref<12x112xf32, #tpu.memory_space<vmem>>, vector<16xf32>,
      %parallel_loop3A_274 = tpu.iota {dimensions = array<i32: 0>} : vector<16xi32>
      %parallel_loop3A_275 = arith.constant 80 : i32
      %parallel_loop3A_276 = vector.broadcast %parallel_loop3A_275 : i32 to vector<16xi32>
      %parallel_loop3A_277 = arith.addi %parallel_loop3A_274, %parallel_loop3A_276 : vector<16xi32>
      %parallel_loop3A_278 = arith.constant 80 : i32
      %parallel_loop3A_279 = arith.addi %parallel_loop3A_123, %parallel_loop3A_278 : i32
      %parallel_loop3A_280 = arith.index_cast %parallel_loop3A_279 : i32 to index
      %parallel_loop3A_281 = tpu.vector_load %arg10[%parallel_loop3A_280] {strides = array<i32>} : memref<1344xf32, #tpu.memory_space<vmem>>, vector<16xf32>,
      %parallel_loop3A_282 = arith.constant 1 : i32
      %parallel_loop3A_283 = vector.broadcast %parallel_loop3A_282 : i32 to vector<16xi32>
      %parallel_loop3A_284 = arith.addi %parallel_loop3A_277, %parallel_loop3A_283 : vector<16xi32>
      %parallel_loop3A_285 = arith.constant 111 : i32
      %parallel_loop3A_286 = vector.broadcast %parallel_loop3A_285 : i32 to vector<16xi32>
      %parallel_loop3A_287 = arith.minsi %parallel_loop3A_284, %parallel_loop3A_286 : vector<16xi32>
      %parallel_loop3A_288 = arith.constant 1 : i32
      %parallel_loop3A_289 = vector.broadcast %parallel_loop3A_288 : i32 to vector<16xi32>
      %parallel_loop3A_290 = vector.broadcast %parallel_loop3A_123 : i32 to vector<16xi32>
      %parallel_loop3A_291 = arith.muli %parallel_loop3A_289, %parallel_loop3A_290 : vector<16xi32>
      %parallel_loop3A_292 = arith.addi %parallel_loop3A_287, %parallel_loop3A_291 : vector<16xi32>
      %parallel_loop3A_293 = tpu.vector_load_idx %arg10[%parallel_loop3A_292] : memref<1344xf32, #tpu.memory_space<vmem>>[vector<16xi32>], vector<16xf32>,
      %parallel_loop3A_294 = arith.subf %parallel_loop3A_293, %parallel_loop3A_281 : vector<16xf32>
      %parallel_loop3A_295 = arith.sitofp %parallel_loop3A_277 : vector<16xi32> to vector<16xf32>
      %parallel_loop3A_296 = arith.mulf %parallel_loop3A_295, %parallel_loop3A_294 : vector<16xf32>
      %parallel_loop3A_297 = arith.subf %parallel_loop3A_281, %parallel_loop3A_296 : vector<16xf32>
      %parallel_loop3A_298 = arith.index_cast %parallel_loop3A_121 : i32 to index
      %parallel_loop3A_299 = arith.constant 80 : index
      %parallel_loop3A_300 = tpu.vector_load %arg11[%parallel_loop3A_298, %parallel_loop3A_299] {strides = array<i32>} : memref<12x112xf32, #tpu.memory_space<vmem>>, vector<16xf32>,
      tpu.vector_store %arg11[%parallel_loop3A_298, %parallel_loop3A_299], %parallel_loop3A_297 {strides = array<i32>} : memref<12x112xf32, #tpu.memory_space<vmem>>, vector<16xf32>,
      %parallel_loop3A_301 = arith.index_cast %parallel_loop3A_121 : i32 to index
      %parallel_loop3A_302 = arith.constant 80 : index
      %parallel_loop3A_303 = tpu.vector_load %arg12[%parallel_loop3A_301, %parallel_loop3A_302] {strides = array<i32>} : memref<12x112xf32, #tpu.memory_space<vmem>>, vector<16xf32>,
      tpu.vector_store %arg12[%parallel_loop3A_301, %parallel_loop3A_302], %parallel_loop3A_294 {strides = array<i32>} : memref<12x112xf32, #tpu.memory_space<vmem>>, vector<16xf32>,
      %parallel_loop3A_304 = tpu.iota {dimensions = array<i32: 0>} : vector<16xi32>
      %parallel_loop3A_305 = arith.constant 96 : i32
      %parallel_loop3A_306 = vector.broadcast %parallel_loop3A_305 : i32 to vector<16xi32>
      %parallel_loop3A_307 = arith.addi %parallel_loop3A_304, %parallel_loop3A_306 : vector<16xi32>
      %parallel_loop3A_308 = arith.constant 96 : i32
      %parallel_loop3A_309 = arith.addi %parallel_loop3A_123, %parallel_loop3A_308 : i32
      %parallel_loop3A_310 = arith.index_cast %parallel_loop3A_309 : i32 to index
      %parallel_loop3A_311 = tpu.vector_load %arg10[%parallel_loop3A_310] {strides = array<i32>} : memref<1344xf32, #tpu.memory_space<vmem>>, vector<16xf32>,
      %parallel_loop3A_312 = arith.constant 1 : i32
      %parallel_loop3A_313 = vector.broadcast %parallel_loop3A_312 : i32 to vector<16xi32>
      %parallel_loop3A_314 = arith.addi %parallel_loop3A_307, %parallel_loop3A_313 : vector<16xi32>
      %parallel_loop3A_315 = arith.constant 111 : i32
      %parallel_loop3A_316 = vector.broadcast %parallel_loop3A_315 : i32 to vector<16xi32>
      %parallel_loop3A_317 = arith.minsi %parallel_loop3A_314, %parallel_loop3A_316 : vector<16xi32>
      %parallel_loop3A_318 = arith.constant 1 : i32
      %parallel_loop3A_319 = vector.broadcast %parallel_loop3A_318 : i32 to vector<16xi32>
      %parallel_loop3A_320 = vector.broadcast %parallel_loop3A_123 : i32 to vector<16xi32>
      %parallel_loop3A_321 = arith.muli %parallel_loop3A_319, %parallel_loop3A_320 : vector<16xi32>
      %parallel_loop3A_322 = arith.addi %parallel_loop3A_317, %parallel_loop3A_321 : vector<16xi32>
      %parallel_loop3A_323 = tpu.vector_load_idx %arg10[%parallel_loop3A_322] : memref<1344xf32, #tpu.memory_space<vmem>>[vector<16xi32>], vector<16xf32>,
      %parallel_loop3A_324 = arith.subf %parallel_loop3A_323, %parallel_loop3A_311 : vector<16xf32>
      %parallel_loop3A_325 = arith.sitofp %parallel_loop3A_307 : vector<16xi32> to vector<16xf32>
      %parallel_loop3A_326 = arith.mulf %parallel_loop3A_325, %parallel_loop3A_324 : vector<16xf32>
      %parallel_loop3A_327 = arith.subf %parallel_loop3A_311, %parallel_loop3A_326 : vector<16xf32>
      %parallel_loop3A_328 = arith.index_cast %parallel_loop3A_121 : i32 to index
      %parallel_loop3A_329 = arith.constant 96 : index
      %parallel_loop3A_330 = tpu.vector_load %arg11[%parallel_loop3A_328, %parallel_loop3A_329] {strides = array<i32>} : memref<12x112xf32, #tpu.memory_space<vmem>>, vector<16xf32>,
      tpu.vector_store %arg11[%parallel_loop3A_328, %parallel_loop3A_329], %parallel_loop3A_327 {strides = array<i32>} : memref<12x112xf32, #tpu.memory_space<vmem>>, vector<16xf32>,
      %parallel_loop3A_331 = arith.index_cast %parallel_loop3A_121 : i32 to index
      %parallel_loop3A_332 = arith.constant 96 : index
      %parallel_loop3A_333 = tpu.vector_load %arg12[%parallel_loop3A_331, %parallel_loop3A_332] {strides = array<i32>} : memref<12x112xf32, #tpu.memory_space<vmem>>, vector<16xf32>,
      tpu.vector_store %arg12[%parallel_loop3A_331, %parallel_loop3A_332], %parallel_loop3A_324 {strides = array<i32>} : memref<12x112xf32, #tpu.memory_space<vmem>>, vector<16xf32>,
    } {sc.loop_unroll_factor = 1 : i64, sc.parallel_access}
    %mul3A_11 = arith.constant 12 : i32
    %mul3A_12 = arith.muli %add3A, %mul3A_11 : i32
    %add3A_13 = arith.constant 0 : i32
    %add3A_14 = arith.addi %mul3A_12, %add3A_13 : i32
    %jit3A = arith.constant 96 : i32
    %div3A = arith.divsi %add3A_14, %jit3A : i32
    %sign3A = arith.constant 0 : i32
    %sign3A_15 = arith.cmpi sgt, %add3A_14, %sign3A : i32
    %sign3A_16 = arith.extui %sign3A_15 : i1 to i32
    %sign3A_17 = arith.constant 0 : i32
    %sign3A_18 = arith.cmpi slt, %add3A_14, %sign3A_17 : i32
    %sign3A_19 = arith.extui %sign3A_18 : i1 to i32
    %sign3A_20 = arith.subi %sign3A_16, %sign3A_19 : i32
    %sign3A_21 = arith.constant 0 : i32
    %sign3A_22 = arith.cmpi sgt, %jit3A, %sign3A_21 : i32
    %sign3A_23 = arith.extui %sign3A_22 : i1 to i32
    %sign3A_24 = arith.constant 0 : i32
    %sign3A_25 = arith.cmpi slt, %jit3A, %sign3A_24 : i32
    %sign3A_26 = arith.extui %sign3A_25 : i1 to i32
    %sign3A_27 = arith.subi %sign3A_23, %sign3A_26 : i32
    %ne3A = arith.cmpi ne, %sign3A_20, %sign3A_27 : i32
    %rem3A_28 = arith.remsi %add3A_14, %jit3A : i32
    %ne3A_29 = arith.constant 0 : i32
    %ne3A_30 = arith.cmpi ne, %rem3A_28, %ne3A_29 : i32
    %and3A = arith.andi %ne3A, %ne3A_30 : i1
    %sub3A = arith.constant 1 : i32
    %sub3A_31 = arith.subi %div3A, %sub3A : i32
    %select_n3A = arith.select %and3A, %sub3A_31, %div3A : i32
    %rem3A_32 = arith.constant 96 : i32
    %rem3A_33 = arith.remsi %add3A_14, %rem3A_32 : i32
    %dma_start3A = arith.constant 0 : i32
    %dma_start3A_34 = arith.constant 0 : i32
    %dma_start3A_35 = tpu.memref_slice %arg2[%select_n3A, %rem3A_33, %dma_start3A, %dma_start3A_34] : memref<4x96x224x224xf32, #tpu.memory_space<hbm>> -> memref<1x1x112x224xf32, #tpu.memory_space<hbm>>
    %dma_start3A_36 = tpu.memref_squeeze %dma_start3A_35 : memref<1x1x112x224xf32, #tpu.memory_space<hbm>> -> memref<112x224xf32, #tpu.memory_space<hbm>>
    %dma_start3A_37 = arith.constant 0 : i32
    %dma_start3A_38 = arith.constant 0 : i32
    %dma_start3A_39 = tpu.memref_slice %arg2[%select_n3A, %rem3A_33, %dma_start3A_37, %dma_start3A_38] : memref<4x96x224x224xf32, #tpu.memory_space<hbm>> -> memref<1x1x112x224xf32, #tpu.memory_space<hbm>>
    %dma_start3A_40 = tpu.memref_squeeze %dma_start3A_39 : memref<1x1x112x224xf32, #tpu.memory_space<hbm>> -> memref<112x224xf32, #tpu.memory_space<hbm>>
    tpu.enqueue_dma source(%dma_start3A_40 : memref<112x224xf32, #tpu.memory_space<hbm>>) target(%arg6 : memref<112x224xf32, #tpu.memory_space<vmem>>) target_semaphore(%arg14 : memref<!tpu.dma_semaphore, #tpu.memory_space<semaphore_mem>>)
    %scan3A = arith.constant 0 : i32
    %scan3A_41 = arith.constant 0 : i32
    %scan3A_42 = arith.constant 12 : i32
    %scan3A_43 = arith.addi %scan3A_41, %scan3A_42 : i32
    %scan3A_44 = arith.constant 1 : i32
    scf.for %scan3A_121 = %scan3A_41 to %scan3A_43 step %scan3A_44  : i32 {
      %mul3A_122 = arith.constant 2 : i32
      %mul3A_123 = arith.muli %mul3A_122, %scan3A_121 : i32
      %mul3A_124 = arith.constant 2 : i32
      %mul3A_125 = arith.muli %mul3A_124, %scan3A_121 : i32
      %add3A_126 = arith.constant 1 : i32
      %add3A_127 = arith.addi %mul3A_125, %add3A_126 : i32
      %mul3A_128 = arith.constant 12 : i32
      %mul3A_129 = arith.muli %add3A, %mul3A_128 : i32
      %jit3A_130 = arith.constant 2 : i32
      %div3A_131 = arith.divsi %add3A_127, %jit3A_130 : i32
      %sign3A_132 = arith.constant 0 : i32
      %sign3A_133 = arith.cmpi sgt, %add3A_127, %sign3A_132 : i32
      %sign3A_134 = arith.extui %sign3A_133 : i1 to i32
      %sign3A_135 = arith.constant 0 : i32
      %sign3A_136 = arith.cmpi slt, %add3A_127, %sign3A_135 : i32
      %sign3A_137 = arith.extui %sign3A_136 : i1 to i32
      %sign3A_138 = arith.subi %sign3A_134, %sign3A_137 : i32
      %sign3A_139 = arith.constant 0 : i32
      %sign3A_140 = arith.cmpi sgt, %jit3A_130, %sign3A_139 : i32
      %sign3A_141 = arith.extui %sign3A_140 : i1 to i32
      %sign3A_142 = arith.constant 0 : i32
      %sign3A_143 = arith.cmpi slt, %jit3A_130, %sign3A_142 : i32
      %sign3A_144 = arith.extui %sign3A_143 : i1 to i32
      %sign3A_145 = arith.subi %sign3A_141, %sign3A_144 : i32
      %ne3A_146 = arith.cmpi ne, %sign3A_138, %sign3A_145 : i32
      %rem3A_147 = arith.remsi %add3A_127, %jit3A_130 : i32
      %ne3A_148 = arith.constant 0 : i32
      %ne3A_149 = arith.cmpi ne, %rem3A_147, %ne3A_148 : i32
      %and3A_150 = arith.andi %ne3A_146, %ne3A_149 : i1
      %sub3A_151 = arith.constant 1 : i32
      %sub3A_152 = arith.subi %div3A_131, %sub3A_151 : i32
      %select_n3A_153 = arith.select %and3A_150, %sub3A_152, %div3A_131 : i32
      %add3A_154 = arith.addi %mul3A_129, %select_n3A_153 : i32
      %jit3A_155 = arith.constant 96 : i32
      %div3A_156 = arith.divsi %add3A_154, %jit3A_155 : i32
      %sign3A_157 = arith.constant 0 : i32
      %sign3A_158 = arith.cmpi sgt, %add3A_154, %sign3A_157 : i32
      %sign3A_159 = arith.extui %sign3A_158 : i1 to i32
      %sign3A_160 = arith.constant 0 : i32
      %sign3A_161 = arith.cmpi slt, %add3A_154, %sign3A_160 : i32
      %sign3A_162 = arith.extui %sign3A_161 : i1 to i32
      %sign3A_163 = arith.subi %sign3A_159, %sign3A_162 : i32
      %sign3A_164 = arith.constant 0 : i32
      %sign3A_165 = arith.cmpi sgt, %jit3A_155, %sign3A_164 : i32
      %sign3A_166 = arith.extui %sign3A_165 : i1 to i32
      %sign3A_167 = arith.constant 0 : i32
      %sign3A_168 = arith.cmpi slt, %jit3A_155, %sign3A_167 : i32
      %sign3A_169 = arith.extui %sign3A_168 : i1 to i32
      %sign3A_170 = arith.subi %sign3A_166, %sign3A_169 : i32
      %ne3A_171 = arith.cmpi ne, %sign3A_163, %sign3A_170 : i32
      %rem3A_172 = arith.remsi %add3A_154, %jit3A_155 : i32
      %ne3A_173 = arith.constant 0 : i32
      %ne3A_174 = arith.cmpi ne, %rem3A_172, %ne3A_173 : i32
      %and3A_175 = arith.andi %ne3A_171, %ne3A_174 : i1
      %sub3A_176 = arith.constant 1 : i32
      %sub3A_177 = arith.subi %div3A_156, %sub3A_176 : i32
      %select_n3A_178 = arith.select %and3A_175, %sub3A_177, %div3A_156 : i32
      %rem3A_179 = arith.constant 96 : i32
      %rem3A_180 = arith.remsi %add3A_154, %rem3A_179 : i32
      %jit3A_181 = arith.constant 2 : i32
      %eq3A = arith.constant 0 : i32
      %eq3A_182 = arith.cmpi eq, %jit3A_181, %eq3A : i32
      %jit3A_183 = arith.constant 1 : i32
      %select_n3A_184 = arith.select %eq3A_182, %jit3A_183, %jit3A_181 : i32
      %rem3A_185 = arith.remsi %add3A_127, %select_n3A_184 : i32
      %ne3A_186 = arith.constant 0 : i32
      %ne3A_187 = arith.cmpi ne, %rem3A_185, %ne3A_186 : i32
      %lt3A = arith.constant 0 : i32
      %lt3A_188 = arith.cmpi slt, %rem3A_185, %lt3A : i32
      %lt3A_189 = arith.constant 0 : i32
      %lt3A_190 = arith.cmpi slt, %select_n3A_184, %lt3A_189 : i32
      %ne3A_191 = arith.xori %lt3A_188, %lt3A_190 : i1
      %and3A_192 = arith.andi %ne3A_191, %ne3A_187 : i1
      %add3A_193 = arith.addi %rem3A_185, %select_n3A_184 : i32
      %select_n3A_194 = arith.select %and3A_192, %add3A_193, %rem3A_185 : i32
      %mul3A_195 = arith.constant 112 : i32
      %mul3A_196 = arith.muli %select_n3A_194, %mul3A_195 : i32
      %dma_start3A_197 = arith.constant 0 : i32
      %dma_start3A_198 = tpu.memref_slice %arg2[%select_n3A_178, %rem3A_180, %mul3A_196, %dma_start3A_197] : memref<4x96x224x224xf32, #tpu.memory_space<hbm>> -> memref<1x1x112x224xf32, #tpu.memory_space<hbm>>
      %dma_start3A_199 = tpu.memref_squeeze %dma_start3A_198 : memref<1x1x112x224xf32, #tpu.memory_space<hbm>> -> memref<112x224xf32, #tpu.memory_space<hbm>>
      %dma_start3A_200 = arith.constant 0 : i32
      %dma_start3A_201 = tpu.memref_slice %arg2[%select_n3A_178, %rem3A_180, %mul3A_196, %dma_start3A_200] : memref<4x96x224x224xf32, #tpu.memory_space<hbm>> -> memref<1x1x112x224xf32, #tpu.memory_space<hbm>>
      %dma_start3A_202 = tpu.memref_squeeze %dma_start3A_201 : memref<1x1x112x224xf32, #tpu.memory_space<hbm>> -> memref<112x224xf32, #tpu.memory_space<hbm>>
      tpu.enqueue_dma source(%dma_start3A_202 : memref<112x224xf32, #tpu.memory_space<hbm>>) target(%arg7 : memref<112x224xf32, #tpu.memory_space<vmem>>) target_semaphore(%arg15 : memref<!tpu.dma_semaphore, #tpu.memory_space<semaphore_mem>>)
      %dma_wait3A_203 = arith.constant 0 : i32
      %dma_wait3A_204 = arith.constant 0 : i32
      %dma_wait3A_205 = arith.constant 0 : i32
      %dma_wait3A_206 = arith.constant 0 : i32
      %dma_wait3A_207 = tpu.memref_slice %arg2[%dma_wait3A_203, %dma_wait3A_204, %dma_wait3A_205, %dma_wait3A_206] : memref<4x96x224x224xf32, #tpu.memory_space<hbm>> -> memref<1x1x112x224xf32, #tpu.memory_space<hbm>>
      %dma_wait3A_208 = tpu.memref_squeeze %dma_wait3A_207 : memref<1x1x112x224xf32, #tpu.memory_space<hbm>> -> memref<112x224xf32, #tpu.memory_space<hbm>>
      %dma_wait3A_209 = arith.constant 0 : i32
      %dma_wait3A_210 = arith.constant 0 : i32
      %dma_wait3A_211 = tpu.memref_slice %arg2[%dma_wait3A_203, %dma_wait3A_204, %dma_wait3A_209, %dma_wait3A_210] : memref<4x96x224x224xf32, #tpu.memory_space<hbm>> -> memref<1x1x112x224xf32, #tpu.memory_space<hbm>>
      %dma_wait3A_212 = tpu.memref_squeeze %dma_wait3A_211 : memref<1x1x112x224xf32, #tpu.memory_space<hbm>> -> memref<112x224xf32, #tpu.memory_space<hbm>>
      tpu.wait_dma2 semaphore(%arg14 : memref<!tpu.dma_semaphore, #tpu.memory_space<semaphore_mem>>) src(%dma_wait3A_212 : memref<112x224xf32, #tpu.memory_space<hbm>>) dst(%arg6 : memref<112x224xf32, #tpu.memory_space<vmem>>)
      %gt3A = arith.constant 0 : i32
      %gt3A_213 = arith.cmpi sgt, %scan3A_121, %gt3A : i32
      %convert_element_type3A = arith.extui %gt3A_213 : i1 to i32
      %cond3A = arith.constant 0 : i32
      %cond3A_214 = arith.cmpi ne, %convert_element_type3A, %cond3A : i32
      scf.if %cond3A_214 {
        %mul3A_493 = arith.constant 12 : i32
        %mul3A_494 = arith.muli %add3A, %mul3A_493 : i32
        %jit3A_495 = arith.constant 2 : i32
        %div3A_496 = arith.divsi %mul3A_123, %jit3A_495 : i32
        %sign3A_497 = arith.constant 0 : i32
        %sign3A_498 = arith.cmpi sgt, %mul3A_123, %sign3A_497 : i32
        %sign3A_499 = arith.extui %sign3A_498 : i1 to i32
        %sign3A_500 = arith.constant 0 : i32
        %sign3A_501 = arith.cmpi slt, %mul3A_123, %sign3A_500 : i32
        %sign3A_502 = arith.extui %sign3A_501 : i1 to i32
        %sign3A_503 = arith.subi %sign3A_499, %sign3A_502 : i32
        %sign3A_504 = arith.constant 0 : i32
        %sign3A_505 = arith.cmpi sgt, %jit3A_495, %sign3A_504 : i32
        %sign3A_506 = arith.extui %sign3A_505 : i1 to i32
        %sign3A_507 = arith.constant 0 : i32
        %sign3A_508 = arith.cmpi slt, %jit3A_495, %sign3A_507 : i32
        %sign3A_509 = arith.extui %sign3A_508 : i1 to i32
        %sign3A_510 = arith.subi %sign3A_506, %sign3A_509 : i32
        %ne3A_511 = arith.cmpi ne, %sign3A_503, %sign3A_510 : i32
        %rem3A_512 = arith.remsi %mul3A_123, %jit3A_495 : i32
        %ne3A_513 = arith.constant 0 : i32
        %ne3A_514 = arith.cmpi ne, %rem3A_512, %ne3A_513 : i32
        %and3A_515 = arith.andi %ne3A_511, %ne3A_514 : i1
        %sub3A_516 = arith.constant 1 : i32
        %sub3A_517 = arith.subi %div3A_496, %sub3A_516 : i32
        %select_n3A_518 = arith.select %and3A_515, %sub3A_517, %div3A_496 : i32
        %add3A_519 = arith.addi %mul3A_494, %select_n3A_518 : i32
        %jit3A_520 = arith.constant 96 : i32
        %div3A_521 = arith.divsi %add3A_519, %jit3A_520 : i32
        %sign3A_522 = arith.constant 0 : i32
        %sign3A_523 = arith.cmpi sgt, %add3A_519, %sign3A_522 : i32
        %sign3A_524 = arith.extui %sign3A_523 : i1 to i32
        %sign3A_525 = arith.constant 0 : i32
        %sign3A_526 = arith.cmpi slt, %add3A_519, %sign3A_525 : i32
        %sign3A_527 = arith.extui %sign3A_526 : i1 to i32
        %sign3A_528 = arith.subi %sign3A_524, %sign3A_527 : i32
        %sign3A_529 = arith.constant 0 : i32
        %sign3A_530 = arith.cmpi sgt, %jit3A_520, %sign3A_529 : i32
        %sign3A_531 = arith.extui %sign3A_530 : i1 to i32
        %sign3A_532 = arith.constant 0 : i32
        %sign3A_533 = arith.cmpi slt, %jit3A_520, %sign3A_532 : i32
        %sign3A_534 = arith.extui %sign3A_533 : i1 to i32
        %sign3A_535 = arith.subi %sign3A_531, %sign3A_534 : i32
        %ne3A_536 = arith.cmpi ne, %sign3A_528, %sign3A_535 : i32
        %rem3A_537 = arith.remsi %add3A_519, %jit3A_520 : i32
        %ne3A_538 = arith.constant 0 : i32
        %ne3A_539 = arith.cmpi ne, %rem3A_537, %ne3A_538 : i32
        %and3A_540 = arith.andi %ne3A_536, %ne3A_539 : i1
        %sub3A_541 = arith.constant 1 : i32
        %sub3A_542 = arith.subi %div3A_521, %sub3A_541 : i32
        %select_n3A_543 = arith.select %and3A_540, %sub3A_542, %div3A_521 : i32
        %rem3A_544 = arith.constant 96 : i32
        %rem3A_545 = arith.remsi %add3A_519, %rem3A_544 : i32
        %jit3A_546 = arith.constant 2 : i32
        %eq3A_547 = arith.constant 0 : i32
        %eq3A_548 = arith.cmpi eq, %jit3A_546, %eq3A_547 : i32
        %jit3A_549 = arith.constant 1 : i32
        %select_n3A_550 = arith.select %eq3A_548, %jit3A_549, %jit3A_546 : i32
        %rem3A_551 = arith.remsi %mul3A_123, %select_n3A_550 : i32
        %ne3A_552 = arith.constant 0 : i32
        %ne3A_553 = arith.cmpi ne, %rem3A_551, %ne3A_552 : i32
        %lt3A_554 = arith.constant 0 : i32
        %lt3A_555 = arith.cmpi slt, %rem3A_551, %lt3A_554 : i32
        %lt3A_556 = arith.constant 0 : i32
        %lt3A_557 = arith.cmpi slt, %select_n3A_550, %lt3A_556 : i32
        %ne3A_558 = arith.xori %lt3A_555, %lt3A_557 : i1
        %and3A_559 = arith.andi %ne3A_558, %ne3A_553 : i1
        %add3A_560 = arith.addi %rem3A_551, %select_n3A_550 : i32
        %select_n3A_561 = arith.select %and3A_559, %add3A_560, %rem3A_551 : i32
        %mul3A_562 = arith.constant 112 : i32
        %mul3A_563 = arith.muli %select_n3A_561, %mul3A_562 : i32
        %dma_wait3A_564 = arith.constant 0 : i32
        %dma_wait3A_565 = tpu.memref_slice %arg5[%select_n3A_543, %rem3A_545, %mul3A_563, %dma_wait3A_564] : memref<4x96x224x224xf32, #tpu.memory_space<hbm>> -> memref<1x1x112x224xf32, #tpu.memory_space<hbm>>
        %dma_wait3A_566 = tpu.memref_squeeze %dma_wait3A_565 : memref<1x1x112x224xf32, #tpu.memory_space<hbm>> -> memref<112x224xf32, #tpu.memory_space<hbm>>
        %dma_wait3A_567 = arith.constant 0 : i32
        %dma_wait3A_568 = tpu.memref_slice %arg5[%select_n3A_543, %rem3A_545, %mul3A_563, %dma_wait3A_567] : memref<4x96x224x224xf32, #tpu.memory_space<hbm>> -> memref<1x1x112x224xf32, #tpu.memory_space<hbm>>
        %dma_wait3A_569 = tpu.memref_squeeze %dma_wait3A_568 : memref<1x1x112x224xf32, #tpu.memory_space<hbm>> -> memref<112x224xf32, #tpu.memory_space<hbm>>
        tpu.wait_dma2 semaphore(%arg16 : memref<!tpu.dma_semaphore, #tpu.memory_space<semaphore_mem>>) src(%arg8 : memref<112x224xf32, #tpu.memory_space<vmem>>) dst(%dma_wait3A_569 : memref<112x224xf32, #tpu.memory_space<hbm>>)
      } else {
      }
      %jit3A_215 = arith.constant 2 : i32
      %div3A_216 = arith.divsi %mul3A_123, %jit3A_215 : i32
      %sign3A_217 = arith.constant 0 : i32
      %sign3A_218 = arith.cmpi sgt, %mul3A_123, %sign3A_217 : i32
      %sign3A_219 = arith.extui %sign3A_218 : i1 to i32
      %sign3A_220 = arith.constant 0 : i32
      %sign3A_221 = arith.cmpi slt, %mul3A_123, %sign3A_220 : i32
      %sign3A_222 = arith.extui %sign3A_221 : i1 to i32
      %sign3A_223 = arith.subi %sign3A_219, %sign3A_222 : i32
      %sign3A_224 = arith.constant 0 : i32
      %sign3A_225 = arith.cmpi sgt, %jit3A_215, %sign3A_224 : i32
      %sign3A_226 = arith.extui %sign3A_225 : i1 to i32
      %sign3A_227 = arith.constant 0 : i32
      %sign3A_228 = arith.cmpi slt, %jit3A_215, %sign3A_227 : i32
      %sign3A_229 = arith.extui %sign3A_228 : i1 to i32
      %sign3A_230 = arith.subi %sign3A_226, %sign3A_229 : i32
      %ne3A_231 = arith.cmpi ne, %sign3A_223, %sign3A_230 : i32
      %rem3A_232 = arith.remsi %mul3A_123, %jit3A_215 : i32
      %ne3A_233 = arith.constant 0 : i32
      %ne3A_234 = arith.cmpi ne, %rem3A_232, %ne3A_233 : i32
      %and3A_235 = arith.andi %ne3A_231, %ne3A_234 : i1
      %sub3A_236 = arith.constant 1 : i32
      %sub3A_237 = arith.subi %div3A_216, %sub3A_236 : i32
      %select_n3A_238 = arith.select %and3A_235, %sub3A_237, %div3A_216 : i32
      %jit3A_239 = arith.constant 2 : i32
      %div3A_240 = arith.divsi %mul3A_123, %jit3A_239 : i32
      %sign3A_241 = arith.constant 0 : i32
      %sign3A_242 = arith.cmpi sgt, %mul3A_123, %sign3A_241 : i32
      %sign3A_243 = arith.extui %sign3A_242 : i1 to i32
      %sign3A_244 = arith.constant 0 : i32
      %sign3A_245 = arith.cmpi slt, %mul3A_123, %sign3A_244 : i32
      %sign3A_246 = arith.extui %sign3A_245 : i1 to i32
      %sign3A_247 = arith.subi %sign3A_243, %sign3A_246 : i32
      %sign3A_248 = arith.constant 0 : i32
      %sign3A_249 = arith.cmpi sgt, %jit3A_239, %sign3A_248 : i32
      %sign3A_250 = arith.extui %sign3A_249 : i1 to i32
      %sign3A_251 = arith.constant 0 : i32
      %sign3A_252 = arith.cmpi slt, %jit3A_239, %sign3A_251 : i32
      %sign3A_253 = arith.extui %sign3A_252 : i1 to i32
      %sign3A_254 = arith.subi %sign3A_250, %sign3A_253 : i32
      %ne3A_255 = arith.cmpi ne, %sign3A_247, %sign3A_254 : i32
      %rem3A_256 = arith.remsi %mul3A_123, %jit3A_239 : i32
      %ne3A_257 = arith.constant 0 : i32
      %ne3A_258 = arith.cmpi ne, %rem3A_256, %ne3A_257 : i32
      %and3A_259 = arith.andi %ne3A_255, %ne3A_258 : i1
      %sub3A_260 = arith.constant 1 : i32
      %sub3A_261 = arith.subi %div3A_240, %sub3A_260 : i32
      %select_n3A_262 = arith.select %and3A_259, %sub3A_261, %div3A_240 : i32
      %parallel_loop3A_263 = arith.constant 0 : i32
      %parallel_loop3A_264 = arith.constant 112 : i32
      %parallel_loop3A_265 = arith.constant 1 : i32
      scf.for %parallel_loop3A_493 = %parallel_loop3A_263 to %parallel_loop3A_264 step %parallel_loop3A_265  : i32 {
        %parallel_loop3A_494 = arith.index_cast %parallel_loop3A_493 : i32 to index
        %parallel_loop3A_495 = arith.constant 0 : index
        %parallel_loop3A_496 = tpu.vector_load %arg6[%parallel_loop3A_494, %parallel_loop3A_495] {strides = array<i32>} : memref<112x224xf32, #tpu.memory_space<vmem>>, vector<16xf32>,
        %parallel_loop3A_497 = arith.subf %parallel_loop3A_496, %get3A_1 : vector<16xf32>
        %parallel_loop3A_498 = arith.mulf %parallel_loop3A_497, %get3A_3 : vector<16xf32>
        %parallel_loop3A_499 = arith.constant 0.000000e+00 : f32
        %parallel_loop3A_500 = vector.broadcast %parallel_loop3A_499 : f32 to vector<16xf32>
        %parallel_loop3A_501 = arith.maximumf %parallel_loop3A_498, %parallel_loop3A_500 : vector<16xf32>
        %parallel_loop3A_502 = arith.constant 99.9999923 : f32
        %parallel_loop3A_503 = vector.broadcast %parallel_loop3A_502 : f32 to vector<16xf32>
        %parallel_loop3A_504 = arith.minimumf %parallel_loop3A_501, %parallel_loop3A_503 : vector<16xf32>
        %parallel_loop3A_505 = arith.fptosi %parallel_loop3A_504 : vector<16xf32> to vector<16xi32>
        %parallel_loop3A_506 = arith.constant 0 : i32
        %parallel_loop3A_507 = tpu.memref_slice %arg11[%select_n3A_238, %parallel_loop3A_506] : memref<12x112xf32, #tpu.memory_space<vmem>> -> memref<1x112xf32, #tpu.memory_space<vmem>>
        %parallel_loop3A_508 = tpu.memref_squeeze %parallel_loop3A_507 : memref<1x112xf32, #tpu.memory_space<vmem>> -> memref<112xf32, #tpu.memory_space<vmem>>
        %parallel_loop3A_509 = tpu.vector_load_idx %parallel_loop3A_508[%parallel_loop3A_505] : memref<112xf32, #tpu.memory_space<vmem>>[vector<16xi32>], vector<16xf32>,
        %parallel_loop3A_510 = arith.constant 0 : i32
        %parallel_loop3A_511 = tpu.memref_slice %arg12[%select_n3A_262, %parallel_loop3A_510] : memref<12x112xf32, #tpu.memory_space<vmem>> -> memref<1x112xf32, #tpu.memory_space<vmem>>
        %parallel_loop3A_512 = tpu.memref_squeeze %parallel_loop3A_511 : memref<1x112xf32, #tpu.memory_space<vmem>> -> memref<112xf32, #tpu.memory_space<vmem>>
        %parallel_loop3A_513 = tpu.vector_load_idx %parallel_loop3A_512[%parallel_loop3A_505] : memref<112xf32, #tpu.memory_space<vmem>>[vector<16xi32>], vector<16xf32>,
        %parallel_loop3A_514 = arith.mulf %parallel_loop3A_513, %parallel_loop3A_504 : vector<16xf32>
        %parallel_loop3A_515 = arith.addf %parallel_loop3A_509, %parallel_loop3A_514 : vector<16xf32>
        %parallel_loop3A_516 = arith.index_cast %parallel_loop3A_493 : i32 to index
        %parallel_loop3A_517 = arith.constant 0 : index
        %parallel_loop3A_518 = tpu.vector_load %arg8[%parallel_loop3A_516, %parallel_loop3A_517] {strides = array<i32>} : memref<112x224xf32, #tpu.memory_space<vmem>>, vector<16xf32>,
        tpu.vector_store %arg8[%parallel_loop3A_516, %parallel_loop3A_517], %parallel_loop3A_515 {strides = array<i32>} : memref<112x224xf32, #tpu.memory_space<vmem>>, vector<16xf32>,
        %parallel_loop3A_519 = arith.index_cast %parallel_loop3A_493 : i32 to index
        %parallel_loop3A_520 = arith.constant 16 : index
        %parallel_loop3A_521 = tpu.vector_load %arg6[%parallel_loop3A_519, %parallel_loop3A_520] {strides = array<i32>} : memref<112x224xf32, #tpu.memory_space<vmem>>, vector<16xf32>,
        %parallel_loop3A_522 = arith.subf %parallel_loop3A_521, %get3A_1 : vector<16xf32>
        %parallel_loop3A_523 = arith.mulf %parallel_loop3A_522, %get3A_3 : vector<16xf32>
        %parallel_loop3A_524 = arith.constant 0.000000e+00 : f32
        %parallel_loop3A_525 = vector.broadcast %parallel_loop3A_524 : f32 to vector<16xf32>
        %parallel_loop3A_526 = arith.maximumf %parallel_loop3A_523, %parallel_loop3A_525 : vector<16xf32>
        %parallel_loop3A_527 = arith.constant 99.9999923 : f32
        %parallel_loop3A_528 = vector.broadcast %parallel_loop3A_527 : f32 to vector<16xf32>
        %parallel_loop3A_529 = arith.minimumf %parallel_loop3A_526, %parallel_loop3A_528 : vector<16xf32>
        %parallel_loop3A_530 = arith.fptosi %parallel_loop3A_529 : vector<16xf32> to vector<16xi32>
        %parallel_loop3A_531 = arith.constant 0 : i32
        %parallel_loop3A_532 = tpu.memref_slice %arg11[%select_n3A_238, %parallel_loop3A_531] : memref<12x112xf32, #tpu.memory_space<vmem>> -> memref<1x112xf32, #tpu.memory_space<vmem>>
        %parallel_loop3A_533 = tpu.memref_squeeze %parallel_loop3A_532 : memref<1x112xf32, #tpu.memory_space<vmem>> -> memref<112xf32, #tpu.memory_space<vmem>>
        %parallel_loop3A_534 = tpu.vector_load_idx %parallel_loop3A_533[%parallel_loop3A_530] : memref<112xf32, #tpu.memory_space<vmem>>[vector<16xi32>], vector<16xf32>,
        %parallel_loop3A_535 = arith.constant 0 : i32
        %parallel_loop3A_536 = tpu.memref_slice %arg12[%select_n3A_262, %parallel_loop3A_535] : memref<12x112xf32, #tpu.memory_space<vmem>> -> memref<1x112xf32, #tpu.memory_space<vmem>>
        %parallel_loop3A_537 = tpu.memref_squeeze %parallel_loop3A_536 : memref<1x112xf32, #tpu.memory_space<vmem>> -> memref<112xf32, #tpu.memory_space<vmem>>
        %parallel_loop3A_538 = tpu.vector_load_idx %parallel_loop3A_537[%parallel_loop3A_530] : memref<112xf32, #tpu.memory_space<vmem>>[vector<16xi32>], vector<16xf32>,
        %parallel_loop3A_539 = arith.mulf %parallel_loop3A_538, %parallel_loop3A_529 : vector<16xf32>
        %parallel_loop3A_540 = arith.addf %parallel_loop3A_534, %parallel_loop3A_539 : vector<16xf32>
        %parallel_loop3A_541 = arith.index_cast %parallel_loop3A_493 : i32 to index
        %parallel_loop3A_542 = arith.constant 16 : index
        %parallel_loop3A_543 = tpu.vector_load %arg8[%parallel_loop3A_541, %parallel_loop3A_542] {strides = array<i32>} : memref<112x224xf32, #tpu.memory_space<vmem>>, vector<16xf32>,
        tpu.vector_store %arg8[%parallel_loop3A_541, %parallel_loop3A_542], %parallel_loop3A_540 {strides = array<i32>} : memref<112x224xf32, #tpu.memory_space<vmem>>, vector<16xf32>,
        %parallel_loop3A_544 = arith.index_cast %parallel_loop3A_493 : i32 to index
        %parallel_loop3A_545 = arith.constant 32 : index
        %parallel_loop3A_546 = tpu.vector_load %arg6[%parallel_loop3A_544, %parallel_loop3A_545] {strides = array<i32>} : memref<112x224xf32, #tpu.memory_space<vmem>>, vector<16xf32>,
        %parallel_loop3A_547 = arith.subf %parallel_loop3A_546, %get3A_1 : vector<16xf32>
        %parallel_loop3A_548 = arith.mulf %parallel_loop3A_547, %get3A_3 : vector<16xf32>
        %parallel_loop3A_549 = arith.constant 0.000000e+00 : f32
        %parallel_loop3A_550 = vector.broadcast %parallel_loop3A_549 : f32 to vector<16xf32>
        %parallel_loop3A_551 = arith.maximumf %parallel_loop3A_548, %parallel_loop3A_550 : vector<16xf32>
        %parallel_loop3A_552 = arith.constant 99.9999923 : f32
        %parallel_loop3A_553 = vector.broadcast %parallel_loop3A_552 : f32 to vector<16xf32>
        %parallel_loop3A_554 = arith.minimumf %parallel_loop3A_551, %parallel_loop3A_553 : vector<16xf32>
        %parallel_loop3A_555 = arith.fptosi %parallel_loop3A_554 : vector<16xf32> to vector<16xi32>
        %parallel_loop3A_556 = arith.constant 0 : i32
        %parallel_loop3A_557 = tpu.memref_slice %arg11[%select_n3A_238, %parallel_loop3A_556] : memref<12x112xf32, #tpu.memory_space<vmem>> -> memref<1x112xf32, #tpu.memory_space<vmem>>
        %parallel_loop3A_558 = tpu.memref_squeeze %parallel_loop3A_557 : memref<1x112xf32, #tpu.memory_space<vmem>> -> memref<112xf32, #tpu.memory_space<vmem>>
        %parallel_loop3A_559 = tpu.vector_load_idx %parallel_loop3A_558[%parallel_loop3A_555] : memref<112xf32, #tpu.memory_space<vmem>>[vector<16xi32>], vector<16xf32>,
        %parallel_loop3A_560 = arith.constant 0 : i32
        %parallel_loop3A_561 = tpu.memref_slice %arg12[%select_n3A_262, %parallel_loop3A_560] : memref<12x112xf32, #tpu.memory_space<vmem>> -> memref<1x112xf32, #tpu.memory_space<vmem>>
        %parallel_loop3A_562 = tpu.memref_squeeze %parallel_loop3A_561 : memref<1x112xf32, #tpu.memory_space<vmem>> -> memref<112xf32, #tpu.memory_space<vmem>>
        %parallel_loop3A_563 = tpu.vector_load_idx %parallel_loop3A_562[%parallel_loop3A_555] : memref<112xf32, #tpu.memory_space<vmem>>[vector<16xi32>], vector<16xf32>,
        %parallel_loop3A_564 = arith.mulf %parallel_loop3A_563, %parallel_loop3A_554 : vector<16xf32>
        %parallel_loop3A_565 = arith.addf %parallel_loop3A_559, %parallel_loop3A_564 : vector<16xf32>
        %parallel_loop3A_566 = arith.index_cast %parallel_loop3A_493 : i32 to index
        %parallel_loop3A_567 = arith.constant 32 : index
        %parallel_loop3A_568 = tpu.vector_load %arg8[%parallel_loop3A_566, %parallel_loop3A_567] {strides = array<i32>} : memref<112x224xf32, #tpu.memory_space<vmem>>, vector<16xf32>,
        tpu.vector_store %arg8[%parallel_loop3A_566, %parallel_loop3A_567], %parallel_loop3A_565 {strides = array<i32>} : memref<112x224xf32, #tpu.memory_space<vmem>>, vector<16xf32>,
        %parallel_loop3A_569 = arith.index_cast %parallel_loop3A_493 : i32 to index
        %parallel_loop3A_570 = arith.constant 48 : index
        %parallel_loop3A_571 = tpu.vector_load %arg6[%parallel_loop3A_569, %parallel_loop3A_570] {strides = array<i32>} : memref<112x224xf32, #tpu.memory_space<vmem>>, vector<16xf32>,
        %parallel_loop3A_572 = arith.subf %parallel_loop3A_571, %get3A_1 : vector<16xf32>
        %parallel_loop3A_573 = arith.mulf %parallel_loop3A_572, %get3A_3 : vector<16xf32>
        %parallel_loop3A_574 = arith.constant 0.000000e+00 : f32
        %parallel_loop3A_575 = vector.broadcast %parallel_loop3A_574 : f32 to vector<16xf32>
        %parallel_loop3A_576 = arith.maximumf %parallel_loop3A_573, %parallel_loop3A_575 : vector<16xf32>
        %parallel_loop3A_577 = arith.constant 99.9999923 : f32
        %parallel_loop3A_578 = vector.broadcast %parallel_loop3A_577 : f32 to vector<16xf32>
        %parallel_loop3A_579 = arith.minimumf %parallel_loop3A_576, %parallel_loop3A_578 : vector<16xf32>
        %parallel_loop3A_580 = arith.fptosi %parallel_loop3A_579 : vector<16xf32> to vector<16xi32>
        %parallel_loop3A_581 = arith.constant 0 : i32
        %parallel_loop3A_582 = tpu.memref_slice %arg11[%select_n3A_238, %parallel_loop3A_581] : memref<12x112xf32, #tpu.memory_space<vmem>> -> memref<1x112xf32, #tpu.memory_space<vmem>>
        %parallel_loop3A_583 = tpu.memref_squeeze %parallel_loop3A_582 : memref<1x112xf32, #tpu.memory_space<vmem>> -> memref<112xf32, #tpu.memory_space<vmem>>
        %parallel_loop3A_584 = tpu.vector_load_idx %parallel_loop3A_583[%parallel_loop3A_580] : memref<112xf32, #tpu.memory_space<vmem>>[vector<16xi32>], vector<16xf32>,
        %parallel_loop3A_585 = arith.constant 0 : i32
        %parallel_loop3A_586 = tpu.memref_slice %arg12[%select_n3A_262, %parallel_loop3A_585] : memref<12x112xf32, #tpu.memory_space<vmem>> -> memref<1x112xf32, #tpu.memory_space<vmem>>
        %parallel_loop3A_587 = tpu.memref_squeeze %parallel_loop3A_586 : memref<1x112xf32, #tpu.memory_space<vmem>> -> memref<112xf32, #tpu.memory_space<vmem>>
        %parallel_loop3A_588 = tpu.vector_load_idx %parallel_loop3A_587[%parallel_loop3A_580] : memref<112xf32, #tpu.memory_space<vmem>>[vector<16xi32>], vector<16xf32>,
        %parallel_loop3A_589 = arith.mulf %parallel_loop3A_588, %parallel_loop3A_579 : vector<16xf32>
        %parallel_loop3A_590 = arith.addf %parallel_loop3A_584, %parallel_loop3A_589 : vector<16xf32>
        %parallel_loop3A_591 = arith.index_cast %parallel_loop3A_493 : i32 to index
        %parallel_loop3A_592 = arith.constant 48 : index
        %parallel_loop3A_593 = tpu.vector_load %arg8[%parallel_loop3A_591, %parallel_loop3A_592] {strides = array<i32>} : memref<112x224xf32, #tpu.memory_space<vmem>>, vector<16xf32>,
        tpu.vector_store %arg8[%parallel_loop3A_591, %parallel_loop3A_592], %parallel_loop3A_590 {strides = array<i32>} : memref<112x224xf32, #tpu.memory_space<vmem>>, vector<16xf32>,
        %parallel_loop3A_594 = arith.index_cast %parallel_loop3A_493 : i32 to index
        %parallel_loop3A_595 = arith.constant 64 : index
        %parallel_loop3A_596 = tpu.vector_load %arg6[%parallel_loop3A_594, %parallel_loop3A_595] {strides = array<i32>} : memref<112x224xf32, #tpu.memory_space<vmem>>, vector<16xf32>,
        %parallel_loop3A_597 = arith.subf %parallel_loop3A_596, %get3A_1 : vector<16xf32>
        %parallel_loop3A_598 = arith.mulf %parallel_loop3A_597, %get3A_3 : vector<16xf32>
        %parallel_loop3A_599 = arith.constant 0.000000e+00 : f32
        %parallel_loop3A_600 = vector.broadcast %parallel_loop3A_599 : f32 to vector<16xf32>
        %parallel_loop3A_601 = arith.maximumf %parallel_loop3A_598, %parallel_loop3A_600 : vector<16xf32>
        %parallel_loop3A_602 = arith.constant 99.9999923 : f32
        %parallel_loop3A_603 = vector.broadcast %parallel_loop3A_602 : f32 to vector<16xf32>
        %parallel_loop3A_604 = arith.minimumf %parallel_loop3A_601, %parallel_loop3A_603 : vector<16xf32>
        %parallel_loop3A_605 = arith.fptosi %parallel_loop3A_604 : vector<16xf32> to vector<16xi32>
        %parallel_loop3A_606 = arith.constant 0 : i32
        %parallel_loop3A_607 = tpu.memref_slice %arg11[%select_n3A_238, %parallel_loop3A_606] : memref<12x112xf32, #tpu.memory_space<vmem>> -> memref<1x112xf32, #tpu.memory_space<vmem>>
        %parallel_loop3A_608 = tpu.memref_squeeze %parallel_loop3A_607 : memref<1x112xf32, #tpu.memory_space<vmem>> -> memref<112xf32, #tpu.memory_space<vmem>>
        %parallel_loop3A_609 = tpu.vector_load_idx %parallel_loop3A_608[%parallel_loop3A_605] : memref<112xf32, #tpu.memory_space<vmem>>[vector<16xi32>], vector<16xf32>,
        %parallel_loop3A_610 = arith.constant 0 : i32
        %parallel_loop3A_611 = tpu.memref_slice %arg12[%select_n3A_262, %parallel_loop3A_610] : memref<12x112xf32, #tpu.memory_space<vmem>> -> memref<1x112xf32, #tpu.memory_space<vmem>>
        %parallel_loop3A_612 = tpu.memref_squeeze %parallel_loop3A_611 : memref<1x112xf32, #tpu.memory_space<vmem>> -> memref<112xf32, #tpu.memory_space<vmem>>
        %parallel_loop3A_613 = tpu.vector_load_idx %parallel_loop3A_612[%parallel_loop3A_605] : memref<112xf32, #tpu.memory_space<vmem>>[vector<16xi32>], vector<16xf32>,
        %parallel_loop3A_614 = arith.mulf %parallel_loop3A_613, %parallel_loop3A_604 : vector<16xf32>
        %parallel_loop3A_615 = arith.addf %parallel_loop3A_609, %parallel_loop3A_614 : vector<16xf32>
        %parallel_loop3A_616 = arith.index_cast %parallel_loop3A_493 : i32 to index
        %parallel_loop3A_617 = arith.constant 64 : index
        %parallel_loop3A_618 = tpu.vector_load %arg8[%parallel_loop3A_616, %parallel_loop3A_617] {strides = array<i32>} : memref<112x224xf32, #tpu.memory_space<vmem>>, vector<16xf32>,
        tpu.vector_store %arg8[%parallel_loop3A_616, %parallel_loop3A_617], %parallel_loop3A_615 {strides = array<i32>} : memref<112x224xf32, #tpu.memory_space<vmem>>, vector<16xf32>,
        %parallel_loop3A_619 = arith.index_cast %parallel_loop3A_493 : i32 to index
        %parallel_loop3A_620 = arith.constant 80 : index
        %parallel_loop3A_621 = tpu.vector_load %arg6[%parallel_loop3A_619, %parallel_loop3A_620] {strides = array<i32>} : memref<112x224xf32, #tpu.memory_space<vmem>>, vector<16xf32>,
        %parallel_loop3A_622 = arith.subf %parallel_loop3A_621, %get3A_1 : vector<16xf32>
        %parallel_loop3A_623 = arith.mulf %parallel_loop3A_622, %get3A_3 : vector<16xf32>
        %parallel_loop3A_624 = arith.constant 0.000000e+00 : f32
        %parallel_loop3A_625 = vector.broadcast %parallel_loop3A_624 : f32 to vector<16xf32>
        %parallel_loop3A_626 = arith.maximumf %parallel_loop3A_623, %parallel_loop3A_625 : vector<16xf32>
        %parallel_loop3A_627 = arith.constant 99.9999923 : f32
        %parallel_loop3A_628 = vector.broadcast %parallel_loop3A_627 : f32 to vector<16xf32>
        %parallel_loop3A_629 = arith.minimumf %parallel_loop3A_626, %parallel_loop3A_628 : vector<16xf32>
        %parallel_loop3A_630 = arith.fptosi %parallel_loop3A_629 : vector<16xf32> to vector<16xi32>
        %parallel_loop3A_631 = arith.constant 0 : i32
        %parallel_loop3A_632 = tpu.memref_slice %arg11[%select_n3A_238, %parallel_loop3A_631] : memref<12x112xf32, #tpu.memory_space<vmem>> -> memref<1x112xf32, #tpu.memory_space<vmem>>
        %parallel_loop3A_633 = tpu.memref_squeeze %parallel_loop3A_632 : memref<1x112xf32, #tpu.memory_space<vmem>> -> memref<112xf32, #tpu.memory_space<vmem>>
        %parallel_loop3A_634 = tpu.vector_load_idx %parallel_loop3A_633[%parallel_loop3A_630] : memref<112xf32, #tpu.memory_space<vmem>>[vector<16xi32>], vector<16xf32>,
        %parallel_loop3A_635 = arith.constant 0 : i32
        %parallel_loop3A_636 = tpu.memref_slice %arg12[%select_n3A_262, %parallel_loop3A_635] : memref<12x112xf32, #tpu.memory_space<vmem>> -> memref<1x112xf32, #tpu.memory_space<vmem>>
        %parallel_loop3A_637 = tpu.memref_squeeze %parallel_loop3A_636 : memref<1x112xf32, #tpu.memory_space<vmem>> -> memref<112xf32, #tpu.memory_space<vmem>>
        %parallel_loop3A_638 = tpu.vector_load_idx %parallel_loop3A_637[%parallel_loop3A_630] : memref<112xf32, #tpu.memory_space<vmem>>[vector<16xi32>], vector<16xf32>,
        %parallel_loop3A_639 = arith.mulf %parallel_loop3A_638, %parallel_loop3A_629 : vector<16xf32>
        %parallel_loop3A_640 = arith.addf %parallel_loop3A_634, %parallel_loop3A_639 : vector<16xf32>
        %parallel_loop3A_641 = arith.index_cast %parallel_loop3A_493 : i32 to index
        %parallel_loop3A_642 = arith.constant 80 : index
        %parallel_loop3A_643 = tpu.vector_load %arg8[%parallel_loop3A_641, %parallel_loop3A_642] {strides = array<i32>} : memref<112x224xf32, #tpu.memory_space<vmem>>, vector<16xf32>,
        tpu.vector_store %arg8[%parallel_loop3A_641, %parallel_loop3A_642], %parallel_loop3A_640 {strides = array<i32>} : memref<112x224xf32, #tpu.memory_space<vmem>>, vector<16xf32>,
        %parallel_loop3A_644 = arith.index_cast %parallel_loop3A_493 : i32 to index
        %parallel_loop3A_645 = arith.constant 96 : index
        %parallel_loop3A_646 = tpu.vector_load %arg6[%parallel_loop3A_644, %parallel_loop3A_645] {strides = array<i32>} : memref<112x224xf32, #tpu.memory_space<vmem>>, vector<16xf32>,
        %parallel_loop3A_647 = arith.subf %parallel_loop3A_646, %get3A_1 : vector<16xf32>
        %parallel_loop3A_648 = arith.mulf %parallel_loop3A_647, %get3A_3 : vector<16xf32>
        %parallel_loop3A_649 = arith.constant 0.000000e+00 : f32
        %parallel_loop3A_650 = vector.broadcast %parallel_loop3A_649 : f32 to vector<16xf32>
        %parallel_loop3A_651 = arith.maximumf %parallel_loop3A_648, %parallel_loop3A_650 : vector<16xf32>
        %parallel_loop3A_652 = arith.constant 99.9999923 : f32
        %parallel_loop3A_653 = vector.broadcast %parallel_loop3A_652 : f32 to vector<16xf32>
        %parallel_loop3A_654 = arith.minimumf %parallel_loop3A_651, %parallel_loop3A_653 : vector<16xf32>
        %parallel_loop3A_655 = arith.fptosi %parallel_loop3A_654 : vector<16xf32> to vector<16xi32>
        %parallel_loop3A_656 = arith.constant 0 : i32
        %parallel_loop3A_657 = tpu.memref_slice %arg11[%select_n3A_238, %parallel_loop3A_656] : memref<12x112xf32, #tpu.memory_space<vmem>> -> memref<1x112xf32, #tpu.memory_space<vmem>>
        %parallel_loop3A_658 = tpu.memref_squeeze %parallel_loop3A_657 : memref<1x112xf32, #tpu.memory_space<vmem>> -> memref<112xf32, #tpu.memory_space<vmem>>
        %parallel_loop3A_659 = tpu.vector_load_idx %parallel_loop3A_658[%parallel_loop3A_655] : memref<112xf32, #tpu.memory_space<vmem>>[vector<16xi32>], vector<16xf32>,
        %parallel_loop3A_660 = arith.constant 0 : i32
        %parallel_loop3A_661 = tpu.memref_slice %arg12[%select_n3A_262, %parallel_loop3A_660] : memref<12x112xf32, #tpu.memory_space<vmem>> -> memref<1x112xf32, #tpu.memory_space<vmem>>
        %parallel_loop3A_662 = tpu.memref_squeeze %parallel_loop3A_661 : memref<1x112xf32, #tpu.memory_space<vmem>> -> memref<112xf32, #tpu.memory_space<vmem>>
        %parallel_loop3A_663 = tpu.vector_load_idx %parallel_loop3A_662[%parallel_loop3A_655] : memref<112xf32, #tpu.memory_space<vmem>>[vector<16xi32>], vector<16xf32>,
        %parallel_loop3A_664 = arith.mulf %parallel_loop3A_663, %parallel_loop3A_654 : vector<16xf32>
        %parallel_loop3A_665 = arith.addf %parallel_loop3A_659, %parallel_loop3A_664 : vector<16xf32>
        %parallel_loop3A_666 = arith.index_cast %parallel_loop3A_493 : i32 to index
        %parallel_loop3A_667 = arith.constant 96 : index
        %parallel_loop3A_668 = tpu.vector_load %arg8[%parallel_loop3A_666, %parallel_loop3A_667] {strides = array<i32>} : memref<112x224xf32, #tpu.memory_space<vmem>>, vector<16xf32>,
        tpu.vector_store %arg8[%parallel_loop3A_666, %parallel_loop3A_667], %parallel_loop3A_665 {strides = array<i32>} : memref<112x224xf32, #tpu.memory_space<vmem>>, vector<16xf32>,
        %parallel_loop3A_669 = arith.index_cast %parallel_loop3A_493 : i32 to index
        %parallel_loop3A_670 = arith.constant 112 : index
        %parallel_loop3A_671 = tpu.vector_load %arg6[%parallel_loop3A_669, %parallel_loop3A_670] {strides = array<i32>} : memref<112x224xf32, #tpu.memory_space<vmem>>, vector<16xf32>,
        %parallel_loop3A_672 = arith.subf %parallel_loop3A_671, %get3A_1 : vector<16xf32>
        %parallel_loop3A_673 = arith.mulf %parallel_loop3A_672, %get3A_3 : vector<16xf32>
        %parallel_loop3A_674 = arith.constant 0.000000e+00 : f32
        %parallel_loop3A_675 = vector.broadcast %parallel_loop3A_674 : f32 to vector<16xf32>
        %parallel_loop3A_676 = arith.maximumf %parallel_loop3A_673, %parallel_loop3A_675 : vector<16xf32>
        %parallel_loop3A_677 = arith.constant 99.9999923 : f32
        %parallel_loop3A_678 = vector.broadcast %parallel_loop3A_677 : f32 to vector<16xf32>
        %parallel_loop3A_679 = arith.minimumf %parallel_loop3A_676, %parallel_loop3A_678 : vector<16xf32>
        %parallel_loop3A_680 = arith.fptosi %parallel_loop3A_679 : vector<16xf32> to vector<16xi32>
        %parallel_loop3A_681 = arith.constant 0 : i32
        %parallel_loop3A_682 = tpu.memref_slice %arg11[%select_n3A_238, %parallel_loop3A_681] : memref<12x112xf32, #tpu.memory_space<vmem>> -> memref<1x112xf32, #tpu.memory_space<vmem>>
        %parallel_loop3A_683 = tpu.memref_squeeze %parallel_loop3A_682 : memref<1x112xf32, #tpu.memory_space<vmem>> -> memref<112xf32, #tpu.memory_space<vmem>>
        %parallel_loop3A_684 = tpu.vector_load_idx %parallel_loop3A_683[%parallel_loop3A_680] : memref<112xf32, #tpu.memory_space<vmem>>[vector<16xi32>], vector<16xf32>,
        %parallel_loop3A_685 = arith.constant 0 : i32
        %parallel_loop3A_686 = tpu.memref_slice %arg12[%select_n3A_262, %parallel_loop3A_685] : memref<12x112xf32, #tpu.memory_space<vmem>> -> memref<1x112xf32, #tpu.memory_space<vmem>>
        %parallel_loop3A_687 = tpu.memref_squeeze %parallel_loop3A_686 : memref<1x112xf32, #tpu.memory_space<vmem>> -> memref<112xf32, #tpu.memory_space<vmem>>
        %parallel_loop3A_688 = tpu.vector_load_idx %parallel_loop3A_687[%parallel_loop3A_680] : memref<112xf32, #tpu.memory_space<vmem>>[vector<16xi32>], vector<16xf32>,
        %parallel_loop3A_689 = arith.mulf %parallel_loop3A_688, %parallel_loop3A_679 : vector<16xf32>
        %parallel_loop3A_690 = arith.addf %parallel_loop3A_684, %parallel_loop3A_689 : vector<16xf32>
        %parallel_loop3A_691 = arith.index_cast %parallel_loop3A_493 : i32 to index
        %parallel_loop3A_692 = arith.constant 112 : index
        %parallel_loop3A_693 = tpu.vector_load %arg8[%parallel_loop3A_691, %parallel_loop3A_692] {strides = array<i32>} : memref<112x224xf32, #tpu.memory_space<vmem>>, vector<16xf32>,
        tpu.vector_store %arg8[%parallel_loop3A_691, %parallel_loop3A_692], %parallel_loop3A_690 {strides = array<i32>} : memref<112x224xf32, #tpu.memory_space<vmem>>, vector<16xf32>,
        %parallel_loop3A_694 = arith.index_cast %parallel_loop3A_493 : i32 to index
        %parallel_loop3A_695 = arith.constant 128 : index
        %parallel_loop3A_696 = tpu.vector_load %arg6[%parallel_loop3A_694, %parallel_loop3A_695] {strides = array<i32>} : memref<112x224xf32, #tpu.memory_space<vmem>>, vector<16xf32>,
        %parallel_loop3A_697 = arith.subf %parallel_loop3A_696, %get3A_1 : vector<16xf32>
        %parallel_loop3A_698 = arith.mulf %parallel_loop3A_697, %get3A_3 : vector<16xf32>
        %parallel_loop3A_699 = arith.constant 0.000000e+00 : f32
        %parallel_loop3A_700 = vector.broadcast %parallel_loop3A_699 : f32 to vector<16xf32>
        %parallel_loop3A_701 = arith.maximumf %parallel_loop3A_698, %parallel_loop3A_700 : vector<16xf32>
        %parallel_loop3A_702 = arith.constant 99.9999923 : f32
        %parallel_loop3A_703 = vector.broadcast %parallel_loop3A_702 : f32 to vector<16xf32>
        %parallel_loop3A_704 = arith.minimumf %parallel_loop3A_701, %parallel_loop3A_703 : vector<16xf32>
        %parallel_loop3A_705 = arith.fptosi %parallel_loop3A_704 : vector<16xf32> to vector<16xi32>
        %parallel_loop3A_706 = arith.constant 0 : i32
        %parallel_loop3A_707 = tpu.memref_slice %arg11[%select_n3A_238, %parallel_loop3A_706] : memref<12x112xf32, #tpu.memory_space<vmem>> -> memref<1x112xf32, #tpu.memory_space<vmem>>
        %parallel_loop3A_708 = tpu.memref_squeeze %parallel_loop3A_707 : memref<1x112xf32, #tpu.memory_space<vmem>> -> memref<112xf32, #tpu.memory_space<vmem>>
        %parallel_loop3A_709 = tpu.vector_load_idx %parallel_loop3A_708[%parallel_loop3A_705] : memref<112xf32, #tpu.memory_space<vmem>>[vector<16xi32>], vector<16xf32>,
        %parallel_loop3A_710 = arith.constant 0 : i32
        %parallel_loop3A_711 = tpu.memref_slice %arg12[%select_n3A_262, %parallel_loop3A_710] : memref<12x112xf32, #tpu.memory_space<vmem>> -> memref<1x112xf32, #tpu.memory_space<vmem>>
        %parallel_loop3A_712 = tpu.memref_squeeze %parallel_loop3A_711 : memref<1x112xf32, #tpu.memory_space<vmem>> -> memref<112xf32, #tpu.memory_space<vmem>>
        %parallel_loop3A_713 = tpu.vector_load_idx %parallel_loop3A_712[%parallel_loop3A_705] : memref<112xf32, #tpu.memory_space<vmem>>[vector<16xi32>], vector<16xf32>,
        %parallel_loop3A_714 = arith.mulf %parallel_loop3A_713, %parallel_loop3A_704 : vector<16xf32>
        %parallel_loop3A_715 = arith.addf %parallel_loop3A_709, %parallel_loop3A_714 : vector<16xf32>
        %parallel_loop3A_716 = arith.index_cast %parallel_loop3A_493 : i32 to index
        %parallel_loop3A_717 = arith.constant 128 : index
        %parallel_loop3A_718 = tpu.vector_load %arg8[%parallel_loop3A_716, %parallel_loop3A_717] {strides = array<i32>} : memref<112x224xf32, #tpu.memory_space<vmem>>, vector<16xf32>,
        tpu.vector_store %arg8[%parallel_loop3A_716, %parallel_loop3A_717], %parallel_loop3A_715 {strides = array<i32>} : memref<112x224xf32, #tpu.memory_space<vmem>>, vector<16xf32>,
        %parallel_loop3A_719 = arith.index_cast %parallel_loop3A_493 : i32 to index
        %parallel_loop3A_720 = arith.constant 144 : index
        %parallel_loop3A_721 = tpu.vector_load %arg6[%parallel_loop3A_719, %parallel_loop3A_720] {strides = array<i32>} : memref<112x224xf32, #tpu.memory_space<vmem>>, vector<16xf32>,
        %parallel_loop3A_722 = arith.subf %parallel_loop3A_721, %get3A_1 : vector<16xf32>
        %parallel_loop3A_723 = arith.mulf %parallel_loop3A_722, %get3A_3 : vector<16xf32>
        %parallel_loop3A_724 = arith.constant 0.000000e+00 : f32
        %parallel_loop3A_725 = vector.broadcast %parallel_loop3A_724 : f32 to vector<16xf32>
        %parallel_loop3A_726 = arith.maximumf %parallel_loop3A_723, %parallel_loop3A_725 : vector<16xf32>
        %parallel_loop3A_727 = arith.constant 99.9999923 : f32
        %parallel_loop3A_728 = vector.broadcast %parallel_loop3A_727 : f32 to vector<16xf32>
        %parallel_loop3A_729 = arith.minimumf %parallel_loop3A_726, %parallel_loop3A_728 : vector<16xf32>
        %parallel_loop3A_730 = arith.fptosi %parallel_loop3A_729 : vector<16xf32> to vector<16xi32>
        %parallel_loop3A_731 = arith.constant 0 : i32
        %parallel_loop3A_732 = tpu.memref_slice %arg11[%select_n3A_238, %parallel_loop3A_731] : memref<12x112xf32, #tpu.memory_space<vmem>> -> memref<1x112xf32, #tpu.memory_space<vmem>>
        %parallel_loop3A_733 = tpu.memref_squeeze %parallel_loop3A_732 : memref<1x112xf32, #tpu.memory_space<vmem>> -> memref<112xf32, #tpu.memory_space<vmem>>
        %parallel_loop3A_734 = tpu.vector_load_idx %parallel_loop3A_733[%parallel_loop3A_730] : memref<112xf32, #tpu.memory_space<vmem>>[vector<16xi32>], vector<16xf32>,
        %parallel_loop3A_735 = arith.constant 0 : i32
        %parallel_loop3A_736 = tpu.memref_slice %arg12[%select_n3A_262, %parallel_loop3A_735] : memref<12x112xf32, #tpu.memory_space<vmem>> -> memref<1x112xf32, #tpu.memory_space<vmem>>
        %parallel_loop3A_737 = tpu.memref_squeeze %parallel_loop3A_736 : memref<1x112xf32, #tpu.memory_space<vmem>> -> memref<112xf32, #tpu.memory_space<vmem>>
        %parallel_loop3A_738 = tpu.vector_load_idx %parallel_loop3A_737[%parallel_loop3A_730] : memref<112xf32, #tpu.memory_space<vmem>>[vector<16xi32>], vector<16xf32>,
        %parallel_loop3A_739 = arith.mulf %parallel_loop3A_738, %parallel_loop3A_729 : vector<16xf32>
        %parallel_loop3A_740 = arith.addf %parallel_loop3A_734, %parallel_loop3A_739 : vector<16xf32>
        %parallel_loop3A_741 = arith.index_cast %parallel_loop3A_493 : i32 to index
        %parallel_loop3A_742 = arith.constant 144 : index
        %parallel_loop3A_743 = tpu.vector_load %arg8[%parallel_loop3A_741, %parallel_loop3A_742] {strides = array<i32>} : memref<112x224xf32, #tpu.memory_space<vmem>>, vector<16xf32>,
        tpu.vector_store %arg8[%parallel_loop3A_741, %parallel_loop3A_742], %parallel_loop3A_740 {strides = array<i32>} : memref<112x224xf32, #tpu.memory_space<vmem>>, vector<16xf32>,
        %parallel_loop3A_744 = arith.index_cast %parallel_loop3A_493 : i32 to index
        %parallel_loop3A_745 = arith.constant 160 : index
        %parallel_loop3A_746 = tpu.vector_load %arg6[%parallel_loop3A_744, %parallel_loop3A_745] {strides = array<i32>} : memref<112x224xf32, #tpu.memory_space<vmem>>, vector<16xf32>,
        %parallel_loop3A_747 = arith.subf %parallel_loop3A_746, %get3A_1 : vector<16xf32>
        %parallel_loop3A_748 = arith.mulf %parallel_loop3A_747, %get3A_3 : vector<16xf32>
        %parallel_loop3A_749 = arith.constant 0.000000e+00 : f32
        %parallel_loop3A_750 = vector.broadcast %parallel_loop3A_749 : f32 to vector<16xf32>
        %parallel_loop3A_751 = arith.maximumf %parallel_loop3A_748, %parallel_loop3A_750 : vector<16xf32>
        %parallel_loop3A_752 = arith.constant 99.9999923 : f32
        %parallel_loop3A_753 = vector.broadcast %parallel_loop3A_752 : f32 to vector<16xf32>
        %parallel_loop3A_754 = arith.minimumf %parallel_loop3A_751, %parallel_loop3A_753 : vector<16xf32>
        %parallel_loop3A_755 = arith.fptosi %parallel_loop3A_754 : vector<16xf32> to vector<16xi32>
        %parallel_loop3A_756 = arith.constant 0 : i32
        %parallel_loop3A_757 = tpu.memref_slice %arg11[%select_n3A_238, %parallel_loop3A_756] : memref<12x112xf32, #tpu.memory_space<vmem>> -> memref<1x112xf32, #tpu.memory_space<vmem>>
        %parallel_loop3A_758 = tpu.memref_squeeze %parallel_loop3A_757 : memref<1x112xf32, #tpu.memory_space<vmem>> -> memref<112xf32, #tpu.memory_space<vmem>>
        %parallel_loop3A_759 = tpu.vector_load_idx %parallel_loop3A_758[%parallel_loop3A_755] : memref<112xf32, #tpu.memory_space<vmem>>[vector<16xi32>], vector<16xf32>,
        %parallel_loop3A_760 = arith.constant 0 : i32
        %parallel_loop3A_761 = tpu.memref_slice %arg12[%select_n3A_262, %parallel_loop3A_760] : memref<12x112xf32, #tpu.memory_space<vmem>> -> memref<1x112xf32, #tpu.memory_space<vmem>>
        %parallel_loop3A_762 = tpu.memref_squeeze %parallel_loop3A_761 : memref<1x112xf32, #tpu.memory_space<vmem>> -> memref<112xf32, #tpu.memory_space<vmem>>
        %parallel_loop3A_763 = tpu.vector_load_idx %parallel_loop3A_762[%parallel_loop3A_755] : memref<112xf32, #tpu.memory_space<vmem>>[vector<16xi32>], vector<16xf32>,
        %parallel_loop3A_764 = arith.mulf %parallel_loop3A_763, %parallel_loop3A_754 : vector<16xf32>
        %parallel_loop3A_765 = arith.addf %parallel_loop3A_759, %parallel_loop3A_764 : vector<16xf32>
        %parallel_loop3A_766 = arith.index_cast %parallel_loop3A_493 : i32 to index
        %parallel_loop3A_767 = arith.constant 160 : index
        %parallel_loop3A_768 = tpu.vector_load %arg8[%parallel_loop3A_766, %parallel_loop3A_767] {strides = array<i32>} : memref<112x224xf32, #tpu.memory_space<vmem>>, vector<16xf32>,
        tpu.vector_store %arg8[%parallel_loop3A_766, %parallel_loop3A_767], %parallel_loop3A_765 {strides = array<i32>} : memref<112x224xf32, #tpu.memory_space<vmem>>, vector<16xf32>,
        %parallel_loop3A_769 = arith.index_cast %parallel_loop3A_493 : i32 to index
        %parallel_loop3A_770 = arith.constant 176 : index
        %parallel_loop3A_771 = tpu.vector_load %arg6[%parallel_loop3A_769, %parallel_loop3A_770] {strides = array<i32>} : memref<112x224xf32, #tpu.memory_space<vmem>>, vector<16xf32>,
        %parallel_loop3A_772 = arith.subf %parallel_loop3A_771, %get3A_1 : vector<16xf32>
        %parallel_loop3A_773 = arith.mulf %parallel_loop3A_772, %get3A_3 : vector<16xf32>
        %parallel_loop3A_774 = arith.constant 0.000000e+00 : f32
        %parallel_loop3A_775 = vector.broadcast %parallel_loop3A_774 : f32 to vector<16xf32>
        %parallel_loop3A_776 = arith.maximumf %parallel_loop3A_773, %parallel_loop3A_775 : vector<16xf32>
        %parallel_loop3A_777 = arith.constant 99.9999923 : f32
        %parallel_loop3A_778 = vector.broadcast %parallel_loop3A_777 : f32 to vector<16xf32>
        %parallel_loop3A_779 = arith.minimumf %parallel_loop3A_776, %parallel_loop3A_778 : vector<16xf32>
        %parallel_loop3A_780 = arith.fptosi %parallel_loop3A_779 : vector<16xf32> to vector<16xi32>
        %parallel_loop3A_781 = arith.constant 0 : i32
        %parallel_loop3A_782 = tpu.memref_slice %arg11[%select_n3A_238, %parallel_loop3A_781] : memref<12x112xf32, #tpu.memory_space<vmem>> -> memref<1x112xf32, #tpu.memory_space<vmem>>
        %parallel_loop3A_783 = tpu.memref_squeeze %parallel_loop3A_782 : memref<1x112xf32, #tpu.memory_space<vmem>> -> memref<112xf32, #tpu.memory_space<vmem>>
        %parallel_loop3A_784 = tpu.vector_load_idx %parallel_loop3A_783[%parallel_loop3A_780] : memref<112xf32, #tpu.memory_space<vmem>>[vector<16xi32>], vector<16xf32>,
        %parallel_loop3A_785 = arith.constant 0 : i32
        %parallel_loop3A_786 = tpu.memref_slice %arg12[%select_n3A_262, %parallel_loop3A_785] : memref<12x112xf32, #tpu.memory_space<vmem>> -> memref<1x112xf32, #tpu.memory_space<vmem>>
        %parallel_loop3A_787 = tpu.memref_squeeze %parallel_loop3A_786 : memref<1x112xf32, #tpu.memory_space<vmem>> -> memref<112xf32, #tpu.memory_space<vmem>>
        %parallel_loop3A_788 = tpu.vector_load_idx %parallel_loop3A_787[%parallel_loop3A_780] : memref<112xf32, #tpu.memory_space<vmem>>[vector<16xi32>], vector<16xf32>,
        %parallel_loop3A_789 = arith.mulf %parallel_loop3A_788, %parallel_loop3A_779 : vector<16xf32>
        %parallel_loop3A_790 = arith.addf %parallel_loop3A_784, %parallel_loop3A_789 : vector<16xf32>
        %parallel_loop3A_791 = arith.index_cast %parallel_loop3A_493 : i32 to index
        %parallel_loop3A_792 = arith.constant 176 : index
        %parallel_loop3A_793 = tpu.vector_load %arg8[%parallel_loop3A_791, %parallel_loop3A_792] {strides = array<i32>} : memref<112x224xf32, #tpu.memory_space<vmem>>, vector<16xf32>,
        tpu.vector_store %arg8[%parallel_loop3A_791, %parallel_loop3A_792], %parallel_loop3A_790 {strides = array<i32>} : memref<112x224xf32, #tpu.memory_space<vmem>>, vector<16xf32>,
        %parallel_loop3A_794 = arith.index_cast %parallel_loop3A_493 : i32 to index
        %parallel_loop3A_795 = arith.constant 192 : index
        %parallel_loop3A_796 = tpu.vector_load %arg6[%parallel_loop3A_794, %parallel_loop3A_795] {strides = array<i32>} : memref<112x224xf32, #tpu.memory_space<vmem>>, vector<16xf32>,
        %parallel_loop3A_797 = arith.subf %parallel_loop3A_796, %get3A_1 : vector<16xf32>
        %parallel_loop3A_798 = arith.mulf %parallel_loop3A_797, %get3A_3 : vector<16xf32>
        %parallel_loop3A_799 = arith.constant 0.000000e+00 : f32
        %parallel_loop3A_800 = vector.broadcast %parallel_loop3A_799 : f32 to vector<16xf32>
        %parallel_loop3A_801 = arith.maximumf %parallel_loop3A_798, %parallel_loop3A_800 : vector<16xf32>
        %parallel_loop3A_802 = arith.constant 99.9999923 : f32
        %parallel_loop3A_803 = vector.broadcast %parallel_loop3A_802 : f32 to vector<16xf32>
        %parallel_loop3A_804 = arith.minimumf %parallel_loop3A_801, %parallel_loop3A_803 : vector<16xf32>
        %parallel_loop3A_805 = arith.fptosi %parallel_loop3A_804 : vector<16xf32> to vector<16xi32>
        %parallel_loop3A_806 = arith.constant 0 : i32
        %parallel_loop3A_807 = tpu.memref_slice %arg11[%select_n3A_238, %parallel_loop3A_806] : memref<12x112xf32, #tpu.memory_space<vmem>> -> memref<1x112xf32, #tpu.memory_space<vmem>>
        %parallel_loop3A_808 = tpu.memref_squeeze %parallel_loop3A_807 : memref<1x112xf32, #tpu.memory_space<vmem>> -> memref<112xf32, #tpu.memory_space<vmem>>
        %parallel_loop3A_809 = tpu.vector_load_idx %parallel_loop3A_808[%parallel_loop3A_805] : memref<112xf32, #tpu.memory_space<vmem>>[vector<16xi32>], vector<16xf32>,
        %parallel_loop3A_810 = arith.constant 0 : i32
        %parallel_loop3A_811 = tpu.memref_slice %arg12[%select_n3A_262, %parallel_loop3A_810] : memref<12x112xf32, #tpu.memory_space<vmem>> -> memref<1x112xf32, #tpu.memory_space<vmem>>
        %parallel_loop3A_812 = tpu.memref_squeeze %parallel_loop3A_811 : memref<1x112xf32, #tpu.memory_space<vmem>> -> memref<112xf32, #tpu.memory_space<vmem>>
        %parallel_loop3A_813 = tpu.vector_load_idx %parallel_loop3A_812[%parallel_loop3A_805] : memref<112xf32, #tpu.memory_space<vmem>>[vector<16xi32>], vector<16xf32>,
        %parallel_loop3A_814 = arith.mulf %parallel_loop3A_813, %parallel_loop3A_804 : vector<16xf32>
        %parallel_loop3A_815 = arith.addf %parallel_loop3A_809, %parallel_loop3A_814 : vector<16xf32>
        %parallel_loop3A_816 = arith.index_cast %parallel_loop3A_493 : i32 to index
        %parallel_loop3A_817 = arith.constant 192 : index
        %parallel_loop3A_818 = tpu.vector_load %arg8[%parallel_loop3A_816, %parallel_loop3A_817] {strides = array<i32>} : memref<112x224xf32, #tpu.memory_space<vmem>>, vector<16xf32>,
        tpu.vector_store %arg8[%parallel_loop3A_816, %parallel_loop3A_817], %parallel_loop3A_815 {strides = array<i32>} : memref<112x224xf32, #tpu.memory_space<vmem>>, vector<16xf32>,
        %parallel_loop3A_819 = arith.index_cast %parallel_loop3A_493 : i32 to index
        %parallel_loop3A_820 = arith.constant 208 : index
        %parallel_loop3A_821 = tpu.vector_load %arg6[%parallel_loop3A_819, %parallel_loop3A_820] {strides = array<i32>} : memref<112x224xf32, #tpu.memory_space<vmem>>, vector<16xf32>,
        %parallel_loop3A_822 = arith.subf %parallel_loop3A_821, %get3A_1 : vector<16xf32>
        %parallel_loop3A_823 = arith.mulf %parallel_loop3A_822, %get3A_3 : vector<16xf32>
        %parallel_loop3A_824 = arith.constant 0.000000e+00 : f32
        %parallel_loop3A_825 = vector.broadcast %parallel_loop3A_824 : f32 to vector<16xf32>
        %parallel_loop3A_826 = arith.maximumf %parallel_loop3A_823, %parallel_loop3A_825 : vector<16xf32>
        %parallel_loop3A_827 = arith.constant 99.9999923 : f32
        %parallel_loop3A_828 = vector.broadcast %parallel_loop3A_827 : f32 to vector<16xf32>
        %parallel_loop3A_829 = arith.minimumf %parallel_loop3A_826, %parallel_loop3A_828 : vector<16xf32>
        %parallel_loop3A_830 = arith.fptosi %parallel_loop3A_829 : vector<16xf32> to vector<16xi32>
        %parallel_loop3A_831 = arith.constant 0 : i32
        %parallel_loop3A_832 = tpu.memref_slice %arg11[%select_n3A_238, %parallel_loop3A_831] : memref<12x112xf32, #tpu.memory_space<vmem>> -> memref<1x112xf32, #tpu.memory_space<vmem>>
        %parallel_loop3A_833 = tpu.memref_squeeze %parallel_loop3A_832 : memref<1x112xf32, #tpu.memory_space<vmem>> -> memref<112xf32, #tpu.memory_space<vmem>>
        %parallel_loop3A_834 = tpu.vector_load_idx %parallel_loop3A_833[%parallel_loop3A_830] : memref<112xf32, #tpu.memory_space<vmem>>[vector<16xi32>], vector<16xf32>,
        %parallel_loop3A_835 = arith.constant 0 : i32
        %parallel_loop3A_836 = tpu.memref_slice %arg12[%select_n3A_262, %parallel_loop3A_835] : memref<12x112xf32, #tpu.memory_space<vmem>> -> memref<1x112xf32, #tpu.memory_space<vmem>>
        %parallel_loop3A_837 = tpu.memref_squeeze %parallel_loop3A_836 : memref<1x112xf32, #tpu.memory_space<vmem>> -> memref<112xf32, #tpu.memory_space<vmem>>
        %parallel_loop3A_838 = tpu.vector_load_idx %parallel_loop3A_837[%parallel_loop3A_830] : memref<112xf32, #tpu.memory_space<vmem>>[vector<16xi32>], vector<16xf32>,
        %parallel_loop3A_839 = arith.mulf %parallel_loop3A_838, %parallel_loop3A_829 : vector<16xf32>
        %parallel_loop3A_840 = arith.addf %parallel_loop3A_834, %parallel_loop3A_839 : vector<16xf32>
        %parallel_loop3A_841 = arith.index_cast %parallel_loop3A_493 : i32 to index
        %parallel_loop3A_842 = arith.constant 208 : index
        %parallel_loop3A_843 = tpu.vector_load %arg8[%parallel_loop3A_841, %parallel_loop3A_842] {strides = array<i32>} : memref<112x224xf32, #tpu.memory_space<vmem>>, vector<16xf32>,
        tpu.vector_store %arg8[%parallel_loop3A_841, %parallel_loop3A_842], %parallel_loop3A_840 {strides = array<i32>} : memref<112x224xf32, #tpu.memory_space<vmem>>, vector<16xf32>,
      } {sc.loop_unroll_factor = 2 : i64, sc.parallel_access}
      %mul3A_266 = arith.constant 12 : i32
      %mul3A_267 = arith.muli %add3A, %mul3A_266 : i32
      %jit3A_268 = arith.constant 2 : i32
      %div3A_269 = arith.divsi %mul3A_123, %jit3A_268 : i32
      %sign3A_270 = arith.constant 0 : i32
      %sign3A_271 = arith.cmpi sgt, %mul3A_123, %sign3A_270 : i32
      %sign3A_272 = arith.extui %sign3A_271 : i1 to i32
      %sign3A_273 = arith.constant 0 : i32
      %sign3A_274 = arith.cmpi slt, %mul3A_123, %sign3A_273 : i32
      %sign3A_275 = arith.extui %sign3A_274 : i1 to i32
      %sign3A_276 = arith.subi %sign3A_272, %sign3A_275 : i32
      %sign3A_277 = arith.constant 0 : i32
      %sign3A_278 = arith.cmpi sgt, %jit3A_268, %sign3A_277 : i32
      %sign3A_279 = arith.extui %sign3A_278 : i1 to i32
      %sign3A_280 = arith.constant 0 : i32
      %sign3A_281 = arith.cmpi slt, %jit3A_268, %sign3A_280 : i32
      %sign3A_282 = arith.extui %sign3A_281 : i1 to i32
      %sign3A_283 = arith.subi %sign3A_279, %sign3A_282 : i32
      %ne3A_284 = arith.cmpi ne, %sign3A_276, %sign3A_283 : i32
      %rem3A_285 = arith.remsi %mul3A_123, %jit3A_268 : i32
      %ne3A_286 = arith.constant 0 : i32
      %ne3A_287 = arith.cmpi ne, %rem3A_285, %ne3A_286 : i32
      %and3A_288 = arith.andi %ne3A_284, %ne3A_287 : i1
      %sub3A_289 = arith.constant 1 : i32
      %sub3A_290 = arith.subi %div3A_269, %sub3A_289 : i32
      %select_n3A_291 = arith.select %and3A_288, %sub3A_290, %div3A_269 : i32
      %add3A_292 = arith.addi %mul3A_267, %select_n3A_291 : i32
      %jit3A_293 = arith.constant 96 : i32
      %div3A_294 = arith.divsi %add3A_292, %jit3A_293 : i32
      %sign3A_295 = arith.constant 0 : i32
      %sign3A_296 = arith.cmpi sgt, %add3A_292, %sign3A_295 : i32
      %sign3A_297 = arith.extui %sign3A_296 : i1 to i32
      %sign3A_298 = arith.constant 0 : i32
      %sign3A_299 = arith.cmpi slt, %add3A_292, %sign3A_298 : i32
      %sign3A_300 = arith.extui %sign3A_299 : i1 to i32
      %sign3A_301 = arith.subi %sign3A_297, %sign3A_300 : i32
      %sign3A_302 = arith.constant 0 : i32
      %sign3A_303 = arith.cmpi sgt, %jit3A_293, %sign3A_302 : i32
      %sign3A_304 = arith.extui %sign3A_303 : i1 to i32
      %sign3A_305 = arith.constant 0 : i32
      %sign3A_306 = arith.cmpi slt, %jit3A_293, %sign3A_305 : i32
      %sign3A_307 = arith.extui %sign3A_306 : i1 to i32
      %sign3A_308 = arith.subi %sign3A_304, %sign3A_307 : i32
      %ne3A_309 = arith.cmpi ne, %sign3A_301, %sign3A_308 : i32
      %rem3A_310 = arith.remsi %add3A_292, %jit3A_293 : i32
      %ne3A_311 = arith.constant 0 : i32
      %ne3A_312 = arith.cmpi ne, %rem3A_310, %ne3A_311 : i32
      %and3A_313 = arith.andi %ne3A_309, %ne3A_312 : i1
      %sub3A_314 = arith.constant 1 : i32
      %sub3A_315 = arith.subi %div3A_294, %sub3A_314 : i32
      %select_n3A_316 = arith.select %and3A_313, %sub3A_315, %div3A_294 : i32
      %rem3A_317 = arith.constant 96 : i32
      %rem3A_318 = arith.remsi %add3A_292, %rem3A_317 : i32
      %jit3A_319 = arith.constant 2 : i32
      %eq3A_320 = arith.constant 0 : i32
      %eq3A_321 = arith.cmpi eq, %jit3A_319, %eq3A_320 : i32
      %jit3A_322 = arith.constant 1 : i32
      %select_n3A_323 = arith.select %eq3A_321, %jit3A_322, %jit3A_319 : i32
      %rem3A_324 = arith.remsi %mul3A_123, %select_n3A_323 : i32
      %ne3A_325 = arith.constant 0 : i32
      %ne3A_326 = arith.cmpi ne, %rem3A_324, %ne3A_325 : i32
      %lt3A_327 = arith.constant 0 : i32
      %lt3A_328 = arith.cmpi slt, %rem3A_324, %lt3A_327 : i32
      %lt3A_329 = arith.constant 0 : i32
      %lt3A_330 = arith.cmpi slt, %select_n3A_323, %lt3A_329 : i32
      %ne3A_331 = arith.xori %lt3A_328, %lt3A_330 : i1
      %and3A_332 = arith.andi %ne3A_331, %ne3A_326 : i1
      %add3A_333 = arith.addi %rem3A_324, %select_n3A_323 : i32
      %select_n3A_334 = arith.select %and3A_332, %add3A_333, %rem3A_324 : i32
      %mul3A_335 = arith.constant 112 : i32
      %mul3A_336 = arith.muli %select_n3A_334, %mul3A_335 : i32
      %dma_start3A_337 = arith.constant 0 : i32
      %dma_start3A_338 = tpu.memref_slice %arg5[%select_n3A_316, %rem3A_318, %mul3A_336, %dma_start3A_337] : memref<4x96x224x224xf32, #tpu.memory_space<hbm>> -> memref<1x1x112x224xf32, #tpu.memory_space<hbm>>
      %dma_start3A_339 = tpu.memref_squeeze %dma_start3A_338 : memref<1x1x112x224xf32, #tpu.memory_space<hbm>> -> memref<112x224xf32, #tpu.memory_space<hbm>>
      %dma_start3A_340 = arith.constant 0 : i32
      %dma_start3A_341 = tpu.memref_slice %arg5[%select_n3A_316, %rem3A_318, %mul3A_336, %dma_start3A_340] : memref<4x96x224x224xf32, #tpu.memory_space<hbm>> -> memref<1x1x112x224xf32, #tpu.memory_space<hbm>>
      %dma_start3A_342 = tpu.memref_squeeze %dma_start3A_341 : memref<1x1x112x224xf32, #tpu.memory_space<hbm>> -> memref<112x224xf32, #tpu.memory_space<hbm>>
      tpu.enqueue_dma source(%arg8 : memref<112x224xf32, #tpu.memory_space<vmem>>) target(%dma_start3A_342 : memref<112x224xf32, #tpu.memory_space<hbm>>) target_semaphore(%arg16 : memref<!tpu.dma_semaphore, #tpu.memory_space<semaphore_mem>>)
      %add3A_343 = arith.constant 1 : i32
      %add3A_344 = arith.addi %scan3A_121, %add3A_343 : i32
      %lt3A_345 = arith.constant 12 : i32
      %lt3A_346 = arith.cmpi slt, %add3A_344, %lt3A_345 : i32
      %convert_element_type3A_347 = arith.extui %lt3A_346 : i1 to i32
      %cond3A_348 = arith.constant 0 : i32
      %cond3A_349 = arith.cmpi ne, %convert_element_type3A_347, %cond3A_348 : i32
      scf.if %cond3A_349 {
        %add3A_493 = arith.constant 2 : i32
        %add3A_494 = arith.addi %mul3A_123, %add3A_493 : i32
        %mul3A_495 = arith.constant 12 : i32
        %mul3A_496 = arith.muli %add3A, %mul3A_495 : i32
        %jit3A_497 = arith.constant 2 : i32
        %div3A_498 = arith.divsi %add3A_494, %jit3A_497 : i32
        %sign3A_499 = arith.constant 0 : i32
        %sign3A_500 = arith.cmpi sgt, %add3A_494, %sign3A_499 : i32
        %sign3A_501 = arith.extui %sign3A_500 : i1 to i32
        %sign3A_502 = arith.constant 0 : i32
        %sign3A_503 = arith.cmpi slt, %add3A_494, %sign3A_502 : i32
        %sign3A_504 = arith.extui %sign3A_503 : i1 to i32
        %sign3A_505 = arith.subi %sign3A_501, %sign3A_504 : i32
        %sign3A_506 = arith.constant 0 : i32
        %sign3A_507 = arith.cmpi sgt, %jit3A_497, %sign3A_506 : i32
        %sign3A_508 = arith.extui %sign3A_507 : i1 to i32
        %sign3A_509 = arith.constant 0 : i32
        %sign3A_510 = arith.cmpi slt, %jit3A_497, %sign3A_509 : i32
        %sign3A_511 = arith.extui %sign3A_510 : i1 to i32
        %sign3A_512 = arith.subi %sign3A_508, %sign3A_511 : i32
        %ne3A_513 = arith.cmpi ne, %sign3A_505, %sign3A_512 : i32
        %rem3A_514 = arith.remsi %add3A_494, %jit3A_497 : i32
        %ne3A_515 = arith.constant 0 : i32
        %ne3A_516 = arith.cmpi ne, %rem3A_514, %ne3A_515 : i32
        %and3A_517 = arith.andi %ne3A_513, %ne3A_516 : i1
        %sub3A_518 = arith.constant 1 : i32
        %sub3A_519 = arith.subi %div3A_498, %sub3A_518 : i32
        %select_n3A_520 = arith.select %and3A_517, %sub3A_519, %div3A_498 : i32
        %add3A_521 = arith.addi %mul3A_496, %select_n3A_520 : i32
        %jit3A_522 = arith.constant 96 : i32
        %div3A_523 = arith.divsi %add3A_521, %jit3A_522 : i32
        %sign3A_524 = arith.constant 0 : i32
        %sign3A_525 = arith.cmpi sgt, %add3A_521, %sign3A_524 : i32
        %sign3A_526 = arith.extui %sign3A_525 : i1 to i32
        %sign3A_527 = arith.constant 0 : i32
        %sign3A_528 = arith.cmpi slt, %add3A_521, %sign3A_527 : i32
        %sign3A_529 = arith.extui %sign3A_528 : i1 to i32
        %sign3A_530 = arith.subi %sign3A_526, %sign3A_529 : i32
        %sign3A_531 = arith.constant 0 : i32
        %sign3A_532 = arith.cmpi sgt, %jit3A_522, %sign3A_531 : i32
        %sign3A_533 = arith.extui %sign3A_532 : i1 to i32
        %sign3A_534 = arith.constant 0 : i32
        %sign3A_535 = arith.cmpi slt, %jit3A_522, %sign3A_534 : i32
        %sign3A_536 = arith.extui %sign3A_535 : i1 to i32
        %sign3A_537 = arith.subi %sign3A_533, %sign3A_536 : i32
        %ne3A_538 = arith.cmpi ne, %sign3A_530, %sign3A_537 : i32
        %rem3A_539 = arith.remsi %add3A_521, %jit3A_522 : i32
        %ne3A_540 = arith.constant 0 : i32
        %ne3A_541 = arith.cmpi ne, %rem3A_539, %ne3A_540 : i32
        %and3A_542 = arith.andi %ne3A_538, %ne3A_541 : i1
        %sub3A_543 = arith.constant 1 : i32
        %sub3A_544 = arith.subi %div3A_523, %sub3A_543 : i32
        %select_n3A_545 = arith.select %and3A_542, %sub3A_544, %div3A_523 : i32
        %rem3A_546 = arith.constant 96 : i32
        %rem3A_547 = arith.remsi %add3A_521, %rem3A_546 : i32
        %jit3A_548 = arith.constant 2 : i32
        %eq3A_549 = arith.constant 0 : i32
        %eq3A_550 = arith.cmpi eq, %jit3A_548, %eq3A_549 : i32
        %jit3A_551 = arith.constant 1 : i32
        %select_n3A_552 = arith.select %eq3A_550, %jit3A_551, %jit3A_548 : i32
        %rem3A_553 = arith.remsi %add3A_494, %select_n3A_552 : i32
        %ne3A_554 = arith.constant 0 : i32
        %ne3A_555 = arith.cmpi ne, %rem3A_553, %ne3A_554 : i32
        %lt3A_556 = arith.constant 0 : i32
        %lt3A_557 = arith.cmpi slt, %rem3A_553, %lt3A_556 : i32
        %lt3A_558 = arith.constant 0 : i32
        %lt3A_559 = arith.cmpi slt, %select_n3A_552, %lt3A_558 : i32
        %ne3A_560 = arith.xori %lt3A_557, %lt3A_559 : i1
        %and3A_561 = arith.andi %ne3A_560, %ne3A_555 : i1
        %add3A_562 = arith.addi %rem3A_553, %select_n3A_552 : i32
        %select_n3A_563 = arith.select %and3A_561, %add3A_562, %rem3A_553 : i32
        %mul3A_564 = arith.constant 112 : i32
        %mul3A_565 = arith.muli %select_n3A_563, %mul3A_564 : i32
        %dma_start3A_566 = arith.constant 0 : i32
        %dma_start3A_567 = tpu.memref_slice %arg2[%select_n3A_545, %rem3A_547, %mul3A_565, %dma_start3A_566] : memref<4x96x224x224xf32, #tpu.memory_space<hbm>> -> memref<1x1x112x224xf32, #tpu.memory_space<hbm>>
        %dma_start3A_568 = tpu.memref_squeeze %dma_start3A_567 : memref<1x1x112x224xf32, #tpu.memory_space<hbm>> -> memref<112x224xf32, #tpu.memory_space<hbm>>
        %dma_start3A_569 = arith.constant 0 : i32
        %dma_start3A_570 = tpu.memref_slice %arg2[%select_n3A_545, %rem3A_547, %mul3A_565, %dma_start3A_569] : memref<4x96x224x224xf32, #tpu.memory_space<hbm>> -> memref<1x1x112x224xf32, #tpu.memory_space<hbm>>
        %dma_start3A_571 = tpu.memref_squeeze %dma_start3A_570 : memref<1x1x112x224xf32, #tpu.memory_space<hbm>> -> memref<112x224xf32, #tpu.memory_space<hbm>>
        tpu.enqueue_dma source(%dma_start3A_571 : memref<112x224xf32, #tpu.memory_space<hbm>>) target(%arg6 : memref<112x224xf32, #tpu.memory_space<vmem>>) target_semaphore(%arg14 : memref<!tpu.dma_semaphore, #tpu.memory_space<semaphore_mem>>)
      } else {
      }
      %dma_wait3A_350 = arith.constant 0 : i32
      %dma_wait3A_351 = arith.constant 0 : i32
      %dma_wait3A_352 = arith.constant 0 : i32
      %dma_wait3A_353 = arith.constant 0 : i32
      %dma_wait3A_354 = tpu.memref_slice %arg2[%dma_wait3A_350, %dma_wait3A_351, %dma_wait3A_352, %dma_wait3A_353] : memref<4x96x224x224xf32, #tpu.memory_space<hbm>> -> memref<1x1x112x224xf32, #tpu.memory_space<hbm>>
      %dma_wait3A_355 = tpu.memref_squeeze %dma_wait3A_354 : memref<1x1x112x224xf32, #tpu.memory_space<hbm>> -> memref<112x224xf32, #tpu.memory_space<hbm>>
      %dma_wait3A_356 = arith.constant 0 : i32
      %dma_wait3A_357 = arith.constant 0 : i32
      %dma_wait3A_358 = tpu.memref_slice %arg2[%dma_wait3A_350, %dma_wait3A_351, %dma_wait3A_356, %dma_wait3A_357] : memref<4x96x224x224xf32, #tpu.memory_space<hbm>> -> memref<1x1x112x224xf32, #tpu.memory_space<hbm>>
      %dma_wait3A_359 = tpu.memref_squeeze %dma_wait3A_358 : memref<1x1x112x224xf32, #tpu.memory_space<hbm>> -> memref<112x224xf32, #tpu.memory_space<hbm>>
      tpu.wait_dma2 semaphore(%arg15 : memref<!tpu.dma_semaphore, #tpu.memory_space<semaphore_mem>>) src(%dma_wait3A_359 : memref<112x224xf32, #tpu.memory_space<hbm>>) dst(%arg7 : memref<112x224xf32, #tpu.memory_space<vmem>>)
      %gt3A_360 = arith.constant 0 : i32
      %gt3A_361 = arith.cmpi sgt, %scan3A_121, %gt3A_360 : i32
      %convert_element_type3A_362 = arith.extui %gt3A_361 : i1 to i32
      %cond3A_363 = arith.constant 0 : i32
      %cond3A_364 = arith.cmpi ne, %convert_element_type3A_362, %cond3A_363 : i32
      scf.if %cond3A_364 {
        %mul3A_493 = arith.constant 12 : i32
        %mul3A_494 = arith.muli %add3A, %mul3A_493 : i32
        %jit3A_495 = arith.constant 2 : i32
        %div3A_496 = arith.divsi %add3A_127, %jit3A_495 : i32
        %sign3A_497 = arith.constant 0 : i32
        %sign3A_498 = arith.cmpi sgt, %add3A_127, %sign3A_497 : i32
        %sign3A_499 = arith.extui %sign3A_498 : i1 to i32
        %sign3A_500 = arith.constant 0 : i32
        %sign3A_501 = arith.cmpi slt, %add3A_127, %sign3A_500 : i32
        %sign3A_502 = arith.extui %sign3A_501 : i1 to i32
        %sign3A_503 = arith.subi %sign3A_499, %sign3A_502 : i32
        %sign3A_504 = arith.constant 0 : i32
        %sign3A_505 = arith.cmpi sgt, %jit3A_495, %sign3A_504 : i32
        %sign3A_506 = arith.extui %sign3A_505 : i1 to i32
        %sign3A_507 = arith.constant 0 : i32
        %sign3A_508 = arith.cmpi slt, %jit3A_495, %sign3A_507 : i32
        %sign3A_509 = arith.extui %sign3A_508 : i1 to i32
        %sign3A_510 = arith.subi %sign3A_506, %sign3A_509 : i32
        %ne3A_511 = arith.cmpi ne, %sign3A_503, %sign3A_510 : i32
        %rem3A_512 = arith.remsi %add3A_127, %jit3A_495 : i32
        %ne3A_513 = arith.constant 0 : i32
        %ne3A_514 = arith.cmpi ne, %rem3A_512, %ne3A_513 : i32
        %and3A_515 = arith.andi %ne3A_511, %ne3A_514 : i1
        %sub3A_516 = arith.constant 1 : i32
        %sub3A_517 = arith.subi %div3A_496, %sub3A_516 : i32
        %select_n3A_518 = arith.select %and3A_515, %sub3A_517, %div3A_496 : i32
        %add3A_519 = arith.addi %mul3A_494, %select_n3A_518 : i32
        %jit3A_520 = arith.constant 96 : i32
        %div3A_521 = arith.divsi %add3A_519, %jit3A_520 : i32
        %sign3A_522 = arith.constant 0 : i32
        %sign3A_523 = arith.cmpi sgt, %add3A_519, %sign3A_522 : i32
        %sign3A_524 = arith.extui %sign3A_523 : i1 to i32
        %sign3A_525 = arith.constant 0 : i32
        %sign3A_526 = arith.cmpi slt, %add3A_519, %sign3A_525 : i32
        %sign3A_527 = arith.extui %sign3A_526 : i1 to i32
        %sign3A_528 = arith.subi %sign3A_524, %sign3A_527 : i32
        %sign3A_529 = arith.constant 0 : i32
        %sign3A_530 = arith.cmpi sgt, %jit3A_520, %sign3A_529 : i32
        %sign3A_531 = arith.extui %sign3A_530 : i1 to i32
        %sign3A_532 = arith.constant 0 : i32
        %sign3A_533 = arith.cmpi slt, %jit3A_520, %sign3A_532 : i32
        %sign3A_534 = arith.extui %sign3A_533 : i1 to i32
        %sign3A_535 = arith.subi %sign3A_531, %sign3A_534 : i32
        %ne3A_536 = arith.cmpi ne, %sign3A_528, %sign3A_535 : i32
        %rem3A_537 = arith.remsi %add3A_519, %jit3A_520 : i32
        %ne3A_538 = arith.constant 0 : i32
        %ne3A_539 = arith.cmpi ne, %rem3A_537, %ne3A_538 : i32
        %and3A_540 = arith.andi %ne3A_536, %ne3A_539 : i1
        %sub3A_541 = arith.constant 1 : i32
        %sub3A_542 = arith.subi %div3A_521, %sub3A_541 : i32
        %select_n3A_543 = arith.select %and3A_540, %sub3A_542, %div3A_521 : i32
        %rem3A_544 = arith.constant 96 : i32
        %rem3A_545 = arith.remsi %add3A_519, %rem3A_544 : i32
        %jit3A_546 = arith.constant 2 : i32
        %eq3A_547 = arith.constant 0 : i32
        %eq3A_548 = arith.cmpi eq, %jit3A_546, %eq3A_547 : i32
        %jit3A_549 = arith.constant 1 : i32
        %select_n3A_550 = arith.select %eq3A_548, %jit3A_549, %jit3A_546 : i32
        %rem3A_551 = arith.remsi %add3A_127, %select_n3A_550 : i32
        %ne3A_552 = arith.constant 0 : i32
        %ne3A_553 = arith.cmpi ne, %rem3A_551, %ne3A_552 : i32
        %lt3A_554 = arith.constant 0 : i32
        %lt3A_555 = arith.cmpi slt, %rem3A_551, %lt3A_554 : i32
        %lt3A_556 = arith.constant 0 : i32
        %lt3A_557 = arith.cmpi slt, %select_n3A_550, %lt3A_556 : i32
        %ne3A_558 = arith.xori %lt3A_555, %lt3A_557 : i1
        %and3A_559 = arith.andi %ne3A_558, %ne3A_553 : i1
        %add3A_560 = arith.addi %rem3A_551, %select_n3A_550 : i32
        %select_n3A_561 = arith.select %and3A_559, %add3A_560, %rem3A_551 : i32
        %mul3A_562 = arith.constant 112 : i32
        %mul3A_563 = arith.muli %select_n3A_561, %mul3A_562 : i32
        %dma_wait3A_564 = arith.constant 0 : i32
        %dma_wait3A_565 = tpu.memref_slice %arg5[%select_n3A_543, %rem3A_545, %mul3A_563, %dma_wait3A_564] : memref<4x96x224x224xf32, #tpu.memory_space<hbm>> -> memref<1x1x112x224xf32, #tpu.memory_space<hbm>>
        %dma_wait3A_566 = tpu.memref_squeeze %dma_wait3A_565 : memref<1x1x112x224xf32, #tpu.memory_space<hbm>> -> memref<112x224xf32, #tpu.memory_space<hbm>>
        %dma_wait3A_567 = arith.constant 0 : i32
        %dma_wait3A_568 = tpu.memref_slice %arg5[%select_n3A_543, %rem3A_545, %mul3A_563, %dma_wait3A_567] : memref<4x96x224x224xf32, #tpu.memory_space<hbm>> -> memref<1x1x112x224xf32, #tpu.memory_space<hbm>>
        %dma_wait3A_569 = tpu.memref_squeeze %dma_wait3A_568 : memref<1x1x112x224xf32, #tpu.memory_space<hbm>> -> memref<112x224xf32, #tpu.memory_space<hbm>>
        tpu.wait_dma2 semaphore(%arg17 : memref<!tpu.dma_semaphore, #tpu.memory_space<semaphore_mem>>) src(%arg9 : memref<112x224xf32, #tpu.memory_space<vmem>>) dst(%dma_wait3A_569 : memref<112x224xf32, #tpu.memory_space<hbm>>)
      } else {
      }
      %jit3A_365 = arith.constant 2 : i32
      %div3A_366 = arith.divsi %add3A_127, %jit3A_365 : i32
      %sign3A_367 = arith.constant 0 : i32
      %sign3A_368 = arith.cmpi sgt, %add3A_127, %sign3A_367 : i32
      %sign3A_369 = arith.extui %sign3A_368 : i1 to i32
      %sign3A_370 = arith.constant 0 : i32
      %sign3A_371 = arith.cmpi slt, %add3A_127, %sign3A_370 : i32
      %sign3A_372 = arith.extui %sign3A_371 : i1 to i32
      %sign3A_373 = arith.subi %sign3A_369, %sign3A_372 : i32
      %sign3A_374 = arith.constant 0 : i32
      %sign3A_375 = arith.cmpi sgt, %jit3A_365, %sign3A_374 : i32
      %sign3A_376 = arith.extui %sign3A_375 : i1 to i32
      %sign3A_377 = arith.constant 0 : i32
      %sign3A_378 = arith.cmpi slt, %jit3A_365, %sign3A_377 : i32
      %sign3A_379 = arith.extui %sign3A_378 : i1 to i32
      %sign3A_380 = arith.subi %sign3A_376, %sign3A_379 : i32
      %ne3A_381 = arith.cmpi ne, %sign3A_373, %sign3A_380 : i32
      %rem3A_382 = arith.remsi %add3A_127, %jit3A_365 : i32
      %ne3A_383 = arith.constant 0 : i32
      %ne3A_384 = arith.cmpi ne, %rem3A_382, %ne3A_383 : i32
      %and3A_385 = arith.andi %ne3A_381, %ne3A_384 : i1
      %sub3A_386 = arith.constant 1 : i32
      %sub3A_387 = arith.subi %div3A_366, %sub3A_386 : i32
      %select_n3A_388 = arith.select %and3A_385, %sub3A_387, %div3A_366 : i32
      %jit3A_389 = arith.constant 2 : i32
      %div3A_390 = arith.divsi %add3A_127, %jit3A_389 : i32
      %sign3A_391 = arith.constant 0 : i32
      %sign3A_392 = arith.cmpi sgt, %add3A_127, %sign3A_391 : i32
      %sign3A_393 = arith.extui %sign3A_392 : i1 to i32
      %sign3A_394 = arith.constant 0 : i32
      %sign3A_395 = arith.cmpi slt, %add3A_127, %sign3A_394 : i32
      %sign3A_396 = arith.extui %sign3A_395 : i1 to i32
      %sign3A_397 = arith.subi %sign3A_393, %sign3A_396 : i32
      %sign3A_398 = arith.constant 0 : i32
      %sign3A_399 = arith.cmpi sgt, %jit3A_389, %sign3A_398 : i32
      %sign3A_400 = arith.extui %sign3A_399 : i1 to i32
      %sign3A_401 = arith.constant 0 : i32
      %sign3A_402 = arith.cmpi slt, %jit3A_389, %sign3A_401 : i32
      %sign3A_403 = arith.extui %sign3A_402 : i1 to i32
      %sign3A_404 = arith.subi %sign3A_400, %sign3A_403 : i32
      %ne3A_405 = arith.cmpi ne, %sign3A_397, %sign3A_404 : i32
      %rem3A_406 = arith.remsi %add3A_127, %jit3A_389 : i32
      %ne3A_407 = arith.constant 0 : i32
      %ne3A_408 = arith.cmpi ne, %rem3A_406, %ne3A_407 : i32
      %and3A_409 = arith.andi %ne3A_405, %ne3A_408 : i1
      %sub3A_410 = arith.constant 1 : i32
      %sub3A_411 = arith.subi %div3A_390, %sub3A_410 : i32
      %select_n3A_412 = arith.select %and3A_409, %sub3A_411, %div3A_390 : i32
      %parallel_loop3A_413 = arith.constant 0 : i32
      %parallel_loop3A_414 = arith.constant 112 : i32
      %parallel_loop3A_415 = arith.constant 1 : i32
      scf.for %parallel_loop3A_493 = %parallel_loop3A_413 to %parallel_loop3A_414 step %parallel_loop3A_415  : i32 {
        %parallel_loop3A_494 = arith.index_cast %parallel_loop3A_493 : i32 to index
        %parallel_loop3A_495 = arith.constant 0 : index
        %parallel_loop3A_496 = tpu.vector_load %arg7[%parallel_loop3A_494, %parallel_loop3A_495] {strides = array<i32>} : memref<112x224xf32, #tpu.memory_space<vmem>>, vector<16xf32>,
        %parallel_loop3A_497 = arith.subf %parallel_loop3A_496, %get3A_1 : vector<16xf32>
        %parallel_loop3A_498 = arith.mulf %parallel_loop3A_497, %get3A_3 : vector<16xf32>
        %parallel_loop3A_499 = arith.constant 0.000000e+00 : f32
        %parallel_loop3A_500 = vector.broadcast %parallel_loop3A_499 : f32 to vector<16xf32>
        %parallel_loop3A_501 = arith.maximumf %parallel_loop3A_498, %parallel_loop3A_500 : vector<16xf32>
        %parallel_loop3A_502 = arith.constant 99.9999923 : f32
        %parallel_loop3A_503 = vector.broadcast %parallel_loop3A_502 : f32 to vector<16xf32>
        %parallel_loop3A_504 = arith.minimumf %parallel_loop3A_501, %parallel_loop3A_503 : vector<16xf32>
        %parallel_loop3A_505 = arith.fptosi %parallel_loop3A_504 : vector<16xf32> to vector<16xi32>
        %parallel_loop3A_506 = arith.constant 0 : i32
        %parallel_loop3A_507 = tpu.memref_slice %arg11[%select_n3A_388, %parallel_loop3A_506] : memref<12x112xf32, #tpu.memory_space<vmem>> -> memref<1x112xf32, #tpu.memory_space<vmem>>
        %parallel_loop3A_508 = tpu.memref_squeeze %parallel_loop3A_507 : memref<1x112xf32, #tpu.memory_space<vmem>> -> memref<112xf32, #tpu.memory_space<vmem>>
        %parallel_loop3A_509 = tpu.vector_load_idx %parallel_loop3A_508[%parallel_loop3A_505] : memref<112xf32, #tpu.memory_space<vmem>>[vector<16xi32>], vector<16xf32>,
        %parallel_loop3A_510 = arith.constant 0 : i32
        %parallel_loop3A_511 = tpu.memref_slice %arg12[%select_n3A_412, %parallel_loop3A_510] : memref<12x112xf32, #tpu.memory_space<vmem>> -> memref<1x112xf32, #tpu.memory_space<vmem>>
        %parallel_loop3A_512 = tpu.memref_squeeze %parallel_loop3A_511 : memref<1x112xf32, #tpu.memory_space<vmem>> -> memref<112xf32, #tpu.memory_space<vmem>>
        %parallel_loop3A_513 = tpu.vector_load_idx %parallel_loop3A_512[%parallel_loop3A_505] : memref<112xf32, #tpu.memory_space<vmem>>[vector<16xi32>], vector<16xf32>,
        %parallel_loop3A_514 = arith.mulf %parallel_loop3A_513, %parallel_loop3A_504 : vector<16xf32>
        %parallel_loop3A_515 = arith.addf %parallel_loop3A_509, %parallel_loop3A_514 : vector<16xf32>
        %parallel_loop3A_516 = arith.index_cast %parallel_loop3A_493 : i32 to index
        %parallel_loop3A_517 = arith.constant 0 : index
        %parallel_loop3A_518 = tpu.vector_load %arg9[%parallel_loop3A_516, %parallel_loop3A_517] {strides = array<i32>} : memref<112x224xf32, #tpu.memory_space<vmem>>, vector<16xf32>,
        tpu.vector_store %arg9[%parallel_loop3A_516, %parallel_loop3A_517], %parallel_loop3A_515 {strides = array<i32>} : memref<112x224xf32, #tpu.memory_space<vmem>>, vector<16xf32>,
        %parallel_loop3A_519 = arith.index_cast %parallel_loop3A_493 : i32 to index
        %parallel_loop3A_520 = arith.constant 16 : index
        %parallel_loop3A_521 = tpu.vector_load %arg7[%parallel_loop3A_519, %parallel_loop3A_520] {strides = array<i32>} : memref<112x224xf32, #tpu.memory_space<vmem>>, vector<16xf32>,
        %parallel_loop3A_522 = arith.subf %parallel_loop3A_521, %get3A_1 : vector<16xf32>
        %parallel_loop3A_523 = arith.mulf %parallel_loop3A_522, %get3A_3 : vector<16xf32>
        %parallel_loop3A_524 = arith.constant 0.000000e+00 : f32
        %parallel_loop3A_525 = vector.broadcast %parallel_loop3A_524 : f32 to vector<16xf32>
        %parallel_loop3A_526 = arith.maximumf %parallel_loop3A_523, %parallel_loop3A_525 : vector<16xf32>
        %parallel_loop3A_527 = arith.constant 99.9999923 : f32
        %parallel_loop3A_528 = vector.broadcast %parallel_loop3A_527 : f32 to vector<16xf32>
        %parallel_loop3A_529 = arith.minimumf %parallel_loop3A_526, %parallel_loop3A_528 : vector<16xf32>
        %parallel_loop3A_530 = arith.fptosi %parallel_loop3A_529 : vector<16xf32> to vector<16xi32>
        %parallel_loop3A_531 = arith.constant 0 : i32
        %parallel_loop3A_532 = tpu.memref_slice %arg11[%select_n3A_388, %parallel_loop3A_531] : memref<12x112xf32, #tpu.memory_space<vmem>> -> memref<1x112xf32, #tpu.memory_space<vmem>>
        %parallel_loop3A_533 = tpu.memref_squeeze %parallel_loop3A_532 : memref<1x112xf32, #tpu.memory_space<vmem>> -> memref<112xf32, #tpu.memory_space<vmem>>
        %parallel_loop3A_534 = tpu.vector_load_idx %parallel_loop3A_533[%parallel_loop3A_530] : memref<112xf32, #tpu.memory_space<vmem>>[vector<16xi32>], vector<16xf32>,
        %parallel_loop3A_535 = arith.constant 0 : i32
        %parallel_loop3A_536 = tpu.memref_slice %arg12[%select_n3A_412, %parallel_loop3A_535] : memref<12x112xf32, #tpu.memory_space<vmem>> -> memref<1x112xf32, #tpu.memory_space<vmem>>
        %parallel_loop3A_537 = tpu.memref_squeeze %parallel_loop3A_536 : memref<1x112xf32, #tpu.memory_space<vmem>> -> memref<112xf32, #tpu.memory_space<vmem>>
        %parallel_loop3A_538 = tpu.vector_load_idx %parallel_loop3A_537[%parallel_loop3A_530] : memref<112xf32, #tpu.memory_space<vmem>>[vector<16xi32>], vector<16xf32>,
        %parallel_loop3A_539 = arith.mulf %parallel_loop3A_538, %parallel_loop3A_529 : vector<16xf32>
        %parallel_loop3A_540 = arith.addf %parallel_loop3A_534, %parallel_loop3A_539 : vector<16xf32>
        %parallel_loop3A_541 = arith.index_cast %parallel_loop3A_493 : i32 to index
        %parallel_loop3A_542 = arith.constant 16 : index
        %parallel_loop3A_543 = tpu.vector_load %arg9[%parallel_loop3A_541, %parallel_loop3A_542] {strides = array<i32>} : memref<112x224xf32, #tpu.memory_space<vmem>>, vector<16xf32>,
        tpu.vector_store %arg9[%parallel_loop3A_541, %parallel_loop3A_542], %parallel_loop3A_540 {strides = array<i32>} : memref<112x224xf32, #tpu.memory_space<vmem>>, vector<16xf32>,
        %parallel_loop3A_544 = arith.index_cast %parallel_loop3A_493 : i32 to index
        %parallel_loop3A_545 = arith.constant 32 : index
        %parallel_loop3A_546 = tpu.vector_load %arg7[%parallel_loop3A_544, %parallel_loop3A_545] {strides = array<i32>} : memref<112x224xf32, #tpu.memory_space<vmem>>, vector<16xf32>,
        %parallel_loop3A_547 = arith.subf %parallel_loop3A_546, %get3A_1 : vector<16xf32>
        %parallel_loop3A_548 = arith.mulf %parallel_loop3A_547, %get3A_3 : vector<16xf32>
        %parallel_loop3A_549 = arith.constant 0.000000e+00 : f32
        %parallel_loop3A_550 = vector.broadcast %parallel_loop3A_549 : f32 to vector<16xf32>
        %parallel_loop3A_551 = arith.maximumf %parallel_loop3A_548, %parallel_loop3A_550 : vector<16xf32>
        %parallel_loop3A_552 = arith.constant 99.9999923 : f32
        %parallel_loop3A_553 = vector.broadcast %parallel_loop3A_552 : f32 to vector<16xf32>
        %parallel_loop3A_554 = arith.minimumf %parallel_loop3A_551, %parallel_loop3A_553 : vector<16xf32>
        %parallel_loop3A_555 = arith.fptosi %parallel_loop3A_554 : vector<16xf32> to vector<16xi32>
        %parallel_loop3A_556 = arith.constant 0 : i32
        %parallel_loop3A_557 = tpu.memref_slice %arg11[%select_n3A_388, %parallel_loop3A_556] : memref<12x112xf32, #tpu.memory_space<vmem>> -> memref<1x112xf32, #tpu.memory_space<vmem>>
        %parallel_loop3A_558 = tpu.memref_squeeze %parallel_loop3A_557 : memref<1x112xf32, #tpu.memory_space<vmem>> -> memref<112xf32, #tpu.memory_space<vmem>>
        %parallel_loop3A_559 = tpu.vector_load_idx %parallel_loop3A_558[%parallel_loop3A_555] : memref<112xf32, #tpu.memory_space<vmem>>[vector<16xi32>], vector<16xf32>,
        %parallel_loop3A_560 = arith.constant 0 : i32
        %parallel_loop3A_561 = tpu.memref_slice %arg12[%select_n3A_412, %parallel_loop3A_560] : memref<12x112xf32, #tpu.memory_space<vmem>> -> memref<1x112xf32, #tpu.memory_space<vmem>>
        %parallel_loop3A_562 = tpu.memref_squeeze %parallel_loop3A_561 : memref<1x112xf32, #tpu.memory_space<vmem>> -> memref<112xf32, #tpu.memory_space<vmem>>
        %parallel_loop3A_563 = tpu.vector_load_idx %parallel_loop3A_562[%parallel_loop3A_555] : memref<112xf32, #tpu.memory_space<vmem>>[vector<16xi32>], vector<16xf32>,
        %parallel_loop3A_564 = arith.mulf %parallel_loop3A_563, %parallel_loop3A_554 : vector<16xf32>
        %parallel_loop3A_565 = arith.addf %parallel_loop3A_559, %parallel_loop3A_564 : vector<16xf32>
        %parallel_loop3A_566 = arith.index_cast %parallel_loop3A_493 : i32 to index
        %parallel_loop3A_567 = arith.constant 32 : index
        %parallel_loop3A_568 = tpu.vector_load %arg9[%parallel_loop3A_566, %parallel_loop3A_567] {strides = array<i32>} : memref<112x224xf32, #tpu.memory_space<vmem>>, vector<16xf32>,
        tpu.vector_store %arg9[%parallel_loop3A_566, %parallel_loop3A_567], %parallel_loop3A_565 {strides = array<i32>} : memref<112x224xf32, #tpu.memory_space<vmem>>, vector<16xf32>,
        %parallel_loop3A_569 = arith.index_cast %parallel_loop3A_493 : i32 to index
        %parallel_loop3A_570 = arith.constant 48 : index
        %parallel_loop3A_571 = tpu.vector_load %arg7[%parallel_loop3A_569, %parallel_loop3A_570] {strides = array<i32>} : memref<112x224xf32, #tpu.memory_space<vmem>>, vector<16xf32>,
        %parallel_loop3A_572 = arith.subf %parallel_loop3A_571, %get3A_1 : vector<16xf32>
        %parallel_loop3A_573 = arith.mulf %parallel_loop3A_572, %get3A_3 : vector<16xf32>
        %parallel_loop3A_574 = arith.constant 0.000000e+00 : f32
        %parallel_loop3A_575 = vector.broadcast %parallel_loop3A_574 : f32 to vector<16xf32>
        %parallel_loop3A_576 = arith.maximumf %parallel_loop3A_573, %parallel_loop3A_575 : vector<16xf32>
        %parallel_loop3A_577 = arith.constant 99.9999923 : f32
        %parallel_loop3A_578 = vector.broadcast %parallel_loop3A_577 : f32 to vector<16xf32>
        %parallel_loop3A_579 = arith.minimumf %parallel_loop3A_576, %parallel_loop3A_578 : vector<16xf32>
        %parallel_loop3A_580 = arith.fptosi %parallel_loop3A_579 : vector<16xf32> to vector<16xi32>
        %parallel_loop3A_581 = arith.constant 0 : i32
        %parallel_loop3A_582 = tpu.memref_slice %arg11[%select_n3A_388, %parallel_loop3A_581] : memref<12x112xf32, #tpu.memory_space<vmem>> -> memref<1x112xf32, #tpu.memory_space<vmem>>
        %parallel_loop3A_583 = tpu.memref_squeeze %parallel_loop3A_582 : memref<1x112xf32, #tpu.memory_space<vmem>> -> memref<112xf32, #tpu.memory_space<vmem>>
        %parallel_loop3A_584 = tpu.vector_load_idx %parallel_loop3A_583[%parallel_loop3A_580] : memref<112xf32, #tpu.memory_space<vmem>>[vector<16xi32>], vector<16xf32>,
        %parallel_loop3A_585 = arith.constant 0 : i32
        %parallel_loop3A_586 = tpu.memref_slice %arg12[%select_n3A_412, %parallel_loop3A_585] : memref<12x112xf32, #tpu.memory_space<vmem>> -> memref<1x112xf32, #tpu.memory_space<vmem>>
        %parallel_loop3A_587 = tpu.memref_squeeze %parallel_loop3A_586 : memref<1x112xf32, #tpu.memory_space<vmem>> -> memref<112xf32, #tpu.memory_space<vmem>>
        %parallel_loop3A_588 = tpu.vector_load_idx %parallel_loop3A_587[%parallel_loop3A_580] : memref<112xf32, #tpu.memory_space<vmem>>[vector<16xi32>], vector<16xf32>,
        %parallel_loop3A_589 = arith.mulf %parallel_loop3A_588, %parallel_loop3A_579 : vector<16xf32>
        %parallel_loop3A_590 = arith.addf %parallel_loop3A_584, %parallel_loop3A_589 : vector<16xf32>
        %parallel_loop3A_591 = arith.index_cast %parallel_loop3A_493 : i32 to index
        %parallel_loop3A_592 = arith.constant 48 : index
        %parallel_loop3A_593 = tpu.vector_load %arg9[%parallel_loop3A_591, %parallel_loop3A_592] {strides = array<i32>} : memref<112x224xf32, #tpu.memory_space<vmem>>, vector<16xf32>,
        tpu.vector_store %arg9[%parallel_loop3A_591, %parallel_loop3A_592], %parallel_loop3A_590 {strides = array<i32>} : memref<112x224xf32, #tpu.memory_space<vmem>>, vector<16xf32>,
        %parallel_loop3A_594 = arith.index_cast %parallel_loop3A_493 : i32 to index
        %parallel_loop3A_595 = arith.constant 64 : index
        %parallel_loop3A_596 = tpu.vector_load %arg7[%parallel_loop3A_594, %parallel_loop3A_595] {strides = array<i32>} : memref<112x224xf32, #tpu.memory_space<vmem>>, vector<16xf32>,
        %parallel_loop3A_597 = arith.subf %parallel_loop3A_596, %get3A_1 : vector<16xf32>
        %parallel_loop3A_598 = arith.mulf %parallel_loop3A_597, %get3A_3 : vector<16xf32>
        %parallel_loop3A_599 = arith.constant 0.000000e+00 : f32
        %parallel_loop3A_600 = vector.broadcast %parallel_loop3A_599 : f32 to vector<16xf32>
        %parallel_loop3A_601 = arith.maximumf %parallel_loop3A_598, %parallel_loop3A_600 : vector<16xf32>
        %parallel_loop3A_602 = arith.constant 99.9999923 : f32
        %parallel_loop3A_603 = vector.broadcast %parallel_loop3A_602 : f32 to vector<16xf32>
        %parallel_loop3A_604 = arith.minimumf %parallel_loop3A_601, %parallel_loop3A_603 : vector<16xf32>
        %parallel_loop3A_605 = arith.fptosi %parallel_loop3A_604 : vector<16xf32> to vector<16xi32>
        %parallel_loop3A_606 = arith.constant 0 : i32
        %parallel_loop3A_607 = tpu.memref_slice %arg11[%select_n3A_388, %parallel_loop3A_606] : memref<12x112xf32, #tpu.memory_space<vmem>> -> memref<1x112xf32, #tpu.memory_space<vmem>>
        %parallel_loop3A_608 = tpu.memref_squeeze %parallel_loop3A_607 : memref<1x112xf32, #tpu.memory_space<vmem>> -> memref<112xf32, #tpu.memory_space<vmem>>
        %parallel_loop3A_609 = tpu.vector_load_idx %parallel_loop3A_608[%parallel_loop3A_605] : memref<112xf32, #tpu.memory_space<vmem>>[vector<16xi32>], vector<16xf32>,
        %parallel_loop3A_610 = arith.constant 0 : i32
        %parallel_loop3A_611 = tpu.memref_slice %arg12[%select_n3A_412, %parallel_loop3A_610] : memref<12x112xf32, #tpu.memory_space<vmem>> -> memref<1x112xf32, #tpu.memory_space<vmem>>
        %parallel_loop3A_612 = tpu.memref_squeeze %parallel_loop3A_611 : memref<1x112xf32, #tpu.memory_space<vmem>> -> memref<112xf32, #tpu.memory_space<vmem>>
        %parallel_loop3A_613 = tpu.vector_load_idx %parallel_loop3A_612[%parallel_loop3A_605] : memref<112xf32, #tpu.memory_space<vmem>>[vector<16xi32>], vector<16xf32>,
        %parallel_loop3A_614 = arith.mulf %parallel_loop3A_613, %parallel_loop3A_604 : vector<16xf32>
        %parallel_loop3A_615 = arith.addf %parallel_loop3A_609, %parallel_loop3A_614 : vector<16xf32>
        %parallel_loop3A_616 = arith.index_cast %parallel_loop3A_493 : i32 to index
        %parallel_loop3A_617 = arith.constant 64 : index
        %parallel_loop3A_618 = tpu.vector_load %arg9[%parallel_loop3A_616, %parallel_loop3A_617] {strides = array<i32>} : memref<112x224xf32, #tpu.memory_space<vmem>>, vector<16xf32>,
        tpu.vector_store %arg9[%parallel_loop3A_616, %parallel_loop3A_617], %parallel_loop3A_615 {strides = array<i32>} : memref<112x224xf32, #tpu.memory_space<vmem>>, vector<16xf32>,
        %parallel_loop3A_619 = arith.index_cast %parallel_loop3A_493 : i32 to index
        %parallel_loop3A_620 = arith.constant 80 : index
        %parallel_loop3A_621 = tpu.vector_load %arg7[%parallel_loop3A_619, %parallel_loop3A_620] {strides = array<i32>} : memref<112x224xf32, #tpu.memory_space<vmem>>, vector<16xf32>,
        %parallel_loop3A_622 = arith.subf %parallel_loop3A_621, %get3A_1 : vector<16xf32>
        %parallel_loop3A_623 = arith.mulf %parallel_loop3A_622, %get3A_3 : vector<16xf32>
        %parallel_loop3A_624 = arith.constant 0.000000e+00 : f32
        %parallel_loop3A_625 = vector.broadcast %parallel_loop3A_624 : f32 to vector<16xf32>
        %parallel_loop3A_626 = arith.maximumf %parallel_loop3A_623, %parallel_loop3A_625 : vector<16xf32>
        %parallel_loop3A_627 = arith.constant 99.9999923 : f32
        %parallel_loop3A_628 = vector.broadcast %parallel_loop3A_627 : f32 to vector<16xf32>
        %parallel_loop3A_629 = arith.minimumf %parallel_loop3A_626, %parallel_loop3A_628 : vector<16xf32>
        %parallel_loop3A_630 = arith.fptosi %parallel_loop3A_629 : vector<16xf32> to vector<16xi32>
        %parallel_loop3A_631 = arith.constant 0 : i32
        %parallel_loop3A_632 = tpu.memref_slice %arg11[%select_n3A_388, %parallel_loop3A_631] : memref<12x112xf32, #tpu.memory_space<vmem>> -> memref<1x112xf32, #tpu.memory_space<vmem>>
        %parallel_loop3A_633 = tpu.memref_squeeze %parallel_loop3A_632 : memref<1x112xf32, #tpu.memory_space<vmem>> -> memref<112xf32, #tpu.memory_space<vmem>>
        %parallel_loop3A_634 = tpu.vector_load_idx %parallel_loop3A_633[%parallel_loop3A_630] : memref<112xf32, #tpu.memory_space<vmem>>[vector<16xi32>], vector<16xf32>,
        %parallel_loop3A_635 = arith.constant 0 : i32
        %parallel_loop3A_636 = tpu.memref_slice %arg12[%select_n3A_412, %parallel_loop3A_635] : memref<12x112xf32, #tpu.memory_space<vmem>> -> memref<1x112xf32, #tpu.memory_space<vmem>>
        %parallel_loop3A_637 = tpu.memref_squeeze %parallel_loop3A_636 : memref<1x112xf32, #tpu.memory_space<vmem>> -> memref<112xf32, #tpu.memory_space<vmem>>
        %parallel_loop3A_638 = tpu.vector_load_idx %parallel_loop3A_637[%parallel_loop3A_630] : memref<112xf32, #tpu.memory_space<vmem>>[vector<16xi32>], vector<16xf32>,
        %parallel_loop3A_639 = arith.mulf %parallel_loop3A_638, %parallel_loop3A_629 : vector<16xf32>
        %parallel_loop3A_640 = arith.addf %parallel_loop3A_634, %parallel_loop3A_639 : vector<16xf32>
        %parallel_loop3A_641 = arith.index_cast %parallel_loop3A_493 : i32 to index
        %parallel_loop3A_642 = arith.constant 80 : index
        %parallel_loop3A_643 = tpu.vector_load %arg9[%parallel_loop3A_641, %parallel_loop3A_642] {strides = array<i32>} : memref<112x224xf32, #tpu.memory_space<vmem>>, vector<16xf32>,
        tpu.vector_store %arg9[%parallel_loop3A_641, %parallel_loop3A_642], %parallel_loop3A_640 {strides = array<i32>} : memref<112x224xf32, #tpu.memory_space<vmem>>, vector<16xf32>,
        %parallel_loop3A_644 = arith.index_cast %parallel_loop3A_493 : i32 to index
        %parallel_loop3A_645 = arith.constant 96 : index
        %parallel_loop3A_646 = tpu.vector_load %arg7[%parallel_loop3A_644, %parallel_loop3A_645] {strides = array<i32>} : memref<112x224xf32, #tpu.memory_space<vmem>>, vector<16xf32>,
        %parallel_loop3A_647 = arith.subf %parallel_loop3A_646, %get3A_1 : vector<16xf32>
        %parallel_loop3A_648 = arith.mulf %parallel_loop3A_647, %get3A_3 : vector<16xf32>
        %parallel_loop3A_649 = arith.constant 0.000000e+00 : f32
        %parallel_loop3A_650 = vector.broadcast %parallel_loop3A_649 : f32 to vector<16xf32>
        %parallel_loop3A_651 = arith.maximumf %parallel_loop3A_648, %parallel_loop3A_650 : vector<16xf32>
        %parallel_loop3A_652 = arith.constant 99.9999923 : f32
        %parallel_loop3A_653 = vector.broadcast %parallel_loop3A_652 : f32 to vector<16xf32>
        %parallel_loop3A_654 = arith.minimumf %parallel_loop3A_651, %parallel_loop3A_653 : vector<16xf32>
        %parallel_loop3A_655 = arith.fptosi %parallel_loop3A_654 : vector<16xf32> to vector<16xi32>
        %parallel_loop3A_656 = arith.constant 0 : i32
        %parallel_loop3A_657 = tpu.memref_slice %arg11[%select_n3A_388, %parallel_loop3A_656] : memref<12x112xf32, #tpu.memory_space<vmem>> -> memref<1x112xf32, #tpu.memory_space<vmem>>
        %parallel_loop3A_658 = tpu.memref_squeeze %parallel_loop3A_657 : memref<1x112xf32, #tpu.memory_space<vmem>> -> memref<112xf32, #tpu.memory_space<vmem>>
        %parallel_loop3A_659 = tpu.vector_load_idx %parallel_loop3A_658[%parallel_loop3A_655] : memref<112xf32, #tpu.memory_space<vmem>>[vector<16xi32>], vector<16xf32>,
        %parallel_loop3A_660 = arith.constant 0 : i32
        %parallel_loop3A_661 = tpu.memref_slice %arg12[%select_n3A_412, %parallel_loop3A_660] : memref<12x112xf32, #tpu.memory_space<vmem>> -> memref<1x112xf32, #tpu.memory_space<vmem>>
        %parallel_loop3A_662 = tpu.memref_squeeze %parallel_loop3A_661 : memref<1x112xf32, #tpu.memory_space<vmem>> -> memref<112xf32, #tpu.memory_space<vmem>>
        %parallel_loop3A_663 = tpu.vector_load_idx %parallel_loop3A_662[%parallel_loop3A_655] : memref<112xf32, #tpu.memory_space<vmem>>[vector<16xi32>], vector<16xf32>,
        %parallel_loop3A_664 = arith.mulf %parallel_loop3A_663, %parallel_loop3A_654 : vector<16xf32>
        %parallel_loop3A_665 = arith.addf %parallel_loop3A_659, %parallel_loop3A_664 : vector<16xf32>
        %parallel_loop3A_666 = arith.index_cast %parallel_loop3A_493 : i32 to index
        %parallel_loop3A_667 = arith.constant 96 : index
        %parallel_loop3A_668 = tpu.vector_load %arg9[%parallel_loop3A_666, %parallel_loop3A_667] {strides = array<i32>} : memref<112x224xf32, #tpu.memory_space<vmem>>, vector<16xf32>,
        tpu.vector_store %arg9[%parallel_loop3A_666, %parallel_loop3A_667], %parallel_loop3A_665 {strides = array<i32>} : memref<112x224xf32, #tpu.memory_space<vmem>>, vector<16xf32>,
        %parallel_loop3A_669 = arith.index_cast %parallel_loop3A_493 : i32 to index
        %parallel_loop3A_670 = arith.constant 112 : index
        %parallel_loop3A_671 = tpu.vector_load %arg7[%parallel_loop3A_669, %parallel_loop3A_670] {strides = array<i32>} : memref<112x224xf32, #tpu.memory_space<vmem>>, vector<16xf32>,
        %parallel_loop3A_672 = arith.subf %parallel_loop3A_671, %get3A_1 : vector<16xf32>
        %parallel_loop3A_673 = arith.mulf %parallel_loop3A_672, %get3A_3 : vector<16xf32>
        %parallel_loop3A_674 = arith.constant 0.000000e+00 : f32
        %parallel_loop3A_675 = vector.broadcast %parallel_loop3A_674 : f32 to vector<16xf32>
        %parallel_loop3A_676 = arith.maximumf %parallel_loop3A_673, %parallel_loop3A_675 : vector<16xf32>
        %parallel_loop3A_677 = arith.constant 99.9999923 : f32
        %parallel_loop3A_678 = vector.broadcast %parallel_loop3A_677 : f32 to vector<16xf32>
        %parallel_loop3A_679 = arith.minimumf %parallel_loop3A_676, %parallel_loop3A_678 : vector<16xf32>
        %parallel_loop3A_680 = arith.fptosi %parallel_loop3A_679 : vector<16xf32> to vector<16xi32>
        %parallel_loop3A_681 = arith.constant 0 : i32
        %parallel_loop3A_682 = tpu.memref_slice %arg11[%select_n3A_388, %parallel_loop3A_681] : memref<12x112xf32, #tpu.memory_space<vmem>> -> memref<1x112xf32, #tpu.memory_space<vmem>>
        %parallel_loop3A_683 = tpu.memref_squeeze %parallel_loop3A_682 : memref<1x112xf32, #tpu.memory_space<vmem>> -> memref<112xf32, #tpu.memory_space<vmem>>
        %parallel_loop3A_684 = tpu.vector_load_idx %parallel_loop3A_683[%parallel_loop3A_680] : memref<112xf32, #tpu.memory_space<vmem>>[vector<16xi32>], vector<16xf32>,
        %parallel_loop3A_685 = arith.constant 0 : i32
        %parallel_loop3A_686 = tpu.memref_slice %arg12[%select_n3A_412, %parallel_loop3A_685] : memref<12x112xf32, #tpu.memory_space<vmem>> -> memref<1x112xf32, #tpu.memory_space<vmem>>
        %parallel_loop3A_687 = tpu.memref_squeeze %parallel_loop3A_686 : memref<1x112xf32, #tpu.memory_space<vmem>> -> memref<112xf32, #tpu.memory_space<vmem>>
        %parallel_loop3A_688 = tpu.vector_load_idx %parallel_loop3A_687[%parallel_loop3A_680] : memref<112xf32, #tpu.memory_space<vmem>>[vector<16xi32>], vector<16xf32>,
        %parallel_loop3A_689 = arith.mulf %parallel_loop3A_688, %parallel_loop3A_679 : vector<16xf32>
        %parallel_loop3A_690 = arith.addf %parallel_loop3A_684, %parallel_loop3A_689 : vector<16xf32>
        %parallel_loop3A_691 = arith.index_cast %parallel_loop3A_493 : i32 to index
        %parallel_loop3A_692 = arith.constant 112 : index
        %parallel_loop3A_693 = tpu.vector_load %arg9[%parallel_loop3A_691, %parallel_loop3A_692] {strides = array<i32>} : memref<112x224xf32, #tpu.memory_space<vmem>>, vector<16xf32>,
        tpu.vector_store %arg9[%parallel_loop3A_691, %parallel_loop3A_692], %parallel_loop3A_690 {strides = array<i32>} : memref<112x224xf32, #tpu.memory_space<vmem>>, vector<16xf32>,
        %parallel_loop3A_694 = arith.index_cast %parallel_loop3A_493 : i32 to index
        %parallel_loop3A_695 = arith.constant 128 : index
        %parallel_loop3A_696 = tpu.vector_load %arg7[%parallel_loop3A_694, %parallel_loop3A_695] {strides = array<i32>} : memref<112x224xf32, #tpu.memory_space<vmem>>, vector<16xf32>,
        %parallel_loop3A_697 = arith.subf %parallel_loop3A_696, %get3A_1 : vector<16xf32>
        %parallel_loop3A_698 = arith.mulf %parallel_loop3A_697, %get3A_3 : vector<16xf32>
        %parallel_loop3A_699 = arith.constant 0.000000e+00 : f32
        %parallel_loop3A_700 = vector.broadcast %parallel_loop3A_699 : f32 to vector<16xf32>
        %parallel_loop3A_701 = arith.maximumf %parallel_loop3A_698, %parallel_loop3A_700 : vector<16xf32>
        %parallel_loop3A_702 = arith.constant 99.9999923 : f32
        %parallel_loop3A_703 = vector.broadcast %parallel_loop3A_702 : f32 to vector<16xf32>
        %parallel_loop3A_704 = arith.minimumf %parallel_loop3A_701, %parallel_loop3A_703 : vector<16xf32>
        %parallel_loop3A_705 = arith.fptosi %parallel_loop3A_704 : vector<16xf32> to vector<16xi32>
        %parallel_loop3A_706 = arith.constant 0 : i32
        %parallel_loop3A_707 = tpu.memref_slice %arg11[%select_n3A_388, %parallel_loop3A_706] : memref<12x112xf32, #tpu.memory_space<vmem>> -> memref<1x112xf32, #tpu.memory_space<vmem>>
        %parallel_loop3A_708 = tpu.memref_squeeze %parallel_loop3A_707 : memref<1x112xf32, #tpu.memory_space<vmem>> -> memref<112xf32, #tpu.memory_space<vmem>>
        %parallel_loop3A_709 = tpu.vector_load_idx %parallel_loop3A_708[%parallel_loop3A_705] : memref<112xf32, #tpu.memory_space<vmem>>[vector<16xi32>], vector<16xf32>,
        %parallel_loop3A_710 = arith.constant 0 : i32
        %parallel_loop3A_711 = tpu.memref_slice %arg12[%select_n3A_412, %parallel_loop3A_710] : memref<12x112xf32, #tpu.memory_space<vmem>> -> memref<1x112xf32, #tpu.memory_space<vmem>>
        %parallel_loop3A_712 = tpu.memref_squeeze %parallel_loop3A_711 : memref<1x112xf32, #tpu.memory_space<vmem>> -> memref<112xf32, #tpu.memory_space<vmem>>
        %parallel_loop3A_713 = tpu.vector_load_idx %parallel_loop3A_712[%parallel_loop3A_705] : memref<112xf32, #tpu.memory_space<vmem>>[vector<16xi32>], vector<16xf32>,
        %parallel_loop3A_714 = arith.mulf %parallel_loop3A_713, %parallel_loop3A_704 : vector<16xf32>
        %parallel_loop3A_715 = arith.addf %parallel_loop3A_709, %parallel_loop3A_714 : vector<16xf32>
        %parallel_loop3A_716 = arith.index_cast %parallel_loop3A_493 : i32 to index
        %parallel_loop3A_717 = arith.constant 128 : index
        %parallel_loop3A_718 = tpu.vector_load %arg9[%parallel_loop3A_716, %parallel_loop3A_717] {strides = array<i32>} : memref<112x224xf32, #tpu.memory_space<vmem>>, vector<16xf32>,
        tpu.vector_store %arg9[%parallel_loop3A_716, %parallel_loop3A_717], %parallel_loop3A_715 {strides = array<i32>} : memref<112x224xf32, #tpu.memory_space<vmem>>, vector<16xf32>,
        %parallel_loop3A_719 = arith.index_cast %parallel_loop3A_493 : i32 to index
        %parallel_loop3A_720 = arith.constant 144 : index
        %parallel_loop3A_721 = tpu.vector_load %arg7[%parallel_loop3A_719, %parallel_loop3A_720] {strides = array<i32>} : memref<112x224xf32, #tpu.memory_space<vmem>>, vector<16xf32>,
        %parallel_loop3A_722 = arith.subf %parallel_loop3A_721, %get3A_1 : vector<16xf32>
        %parallel_loop3A_723 = arith.mulf %parallel_loop3A_722, %get3A_3 : vector<16xf32>
        %parallel_loop3A_724 = arith.constant 0.000000e+00 : f32
        %parallel_loop3A_725 = vector.broadcast %parallel_loop3A_724 : f32 to vector<16xf32>
        %parallel_loop3A_726 = arith.maximumf %parallel_loop3A_723, %parallel_loop3A_725 : vector<16xf32>
        %parallel_loop3A_727 = arith.constant 99.9999923 : f32
        %parallel_loop3A_728 = vector.broadcast %parallel_loop3A_727 : f32 to vector<16xf32>
        %parallel_loop3A_729 = arith.minimumf %parallel_loop3A_726, %parallel_loop3A_728 : vector<16xf32>
        %parallel_loop3A_730 = arith.fptosi %parallel_loop3A_729 : vector<16xf32> to vector<16xi32>
        %parallel_loop3A_731 = arith.constant 0 : i32
        %parallel_loop3A_732 = tpu.memref_slice %arg11[%select_n3A_388, %parallel_loop3A_731] : memref<12x112xf32, #tpu.memory_space<vmem>> -> memref<1x112xf32, #tpu.memory_space<vmem>>
        %parallel_loop3A_733 = tpu.memref_squeeze %parallel_loop3A_732 : memref<1x112xf32, #tpu.memory_space<vmem>> -> memref<112xf32, #tpu.memory_space<vmem>>
        %parallel_loop3A_734 = tpu.vector_load_idx %parallel_loop3A_733[%parallel_loop3A_730] : memref<112xf32, #tpu.memory_space<vmem>>[vector<16xi32>], vector<16xf32>,
        %parallel_loop3A_735 = arith.constant 0 : i32
        %parallel_loop3A_736 = tpu.memref_slice %arg12[%select_n3A_412, %parallel_loop3A_735] : memref<12x112xf32, #tpu.memory_space<vmem>> -> memref<1x112xf32, #tpu.memory_space<vmem>>
        %parallel_loop3A_737 = tpu.memref_squeeze %parallel_loop3A_736 : memref<1x112xf32, #tpu.memory_space<vmem>> -> memref<112xf32, #tpu.memory_space<vmem>>
        %parallel_loop3A_738 = tpu.vector_load_idx %parallel_loop3A_737[%parallel_loop3A_730] : memref<112xf32, #tpu.memory_space<vmem>>[vector<16xi32>], vector<16xf32>,
        %parallel_loop3A_739 = arith.mulf %parallel_loop3A_738, %parallel_loop3A_729 : vector<16xf32>
        %parallel_loop3A_740 = arith.addf %parallel_loop3A_734, %parallel_loop3A_739 : vector<16xf32>
        %parallel_loop3A_741 = arith.index_cast %parallel_loop3A_493 : i32 to index
        %parallel_loop3A_742 = arith.constant 144 : index
        %parallel_loop3A_743 = tpu.vector_load %arg9[%parallel_loop3A_741, %parallel_loop3A_742] {strides = array<i32>} : memref<112x224xf32, #tpu.memory_space<vmem>>, vector<16xf32>,
        tpu.vector_store %arg9[%parallel_loop3A_741, %parallel_loop3A_742], %parallel_loop3A_740 {strides = array<i32>} : memref<112x224xf32, #tpu.memory_space<vmem>>, vector<16xf32>,
        %parallel_loop3A_744 = arith.index_cast %parallel_loop3A_493 : i32 to index
        %parallel_loop3A_745 = arith.constant 160 : index
        %parallel_loop3A_746 = tpu.vector_load %arg7[%parallel_loop3A_744, %parallel_loop3A_745] {strides = array<i32>} : memref<112x224xf32, #tpu.memory_space<vmem>>, vector<16xf32>,
        %parallel_loop3A_747 = arith.subf %parallel_loop3A_746, %get3A_1 : vector<16xf32>
        %parallel_loop3A_748 = arith.mulf %parallel_loop3A_747, %get3A_3 : vector<16xf32>
        %parallel_loop3A_749 = arith.constant 0.000000e+00 : f32
        %parallel_loop3A_750 = vector.broadcast %parallel_loop3A_749 : f32 to vector<16xf32>
        %parallel_loop3A_751 = arith.maximumf %parallel_loop3A_748, %parallel_loop3A_750 : vector<16xf32>
        %parallel_loop3A_752 = arith.constant 99.9999923 : f32
        %parallel_loop3A_753 = vector.broadcast %parallel_loop3A_752 : f32 to vector<16xf32>
        %parallel_loop3A_754 = arith.minimumf %parallel_loop3A_751, %parallel_loop3A_753 : vector<16xf32>
        %parallel_loop3A_755 = arith.fptosi %parallel_loop3A_754 : vector<16xf32> to vector<16xi32>
        %parallel_loop3A_756 = arith.constant 0 : i32
        %parallel_loop3A_757 = tpu.memref_slice %arg11[%select_n3A_388, %parallel_loop3A_756] : memref<12x112xf32, #tpu.memory_space<vmem>> -> memref<1x112xf32, #tpu.memory_space<vmem>>
        %parallel_loop3A_758 = tpu.memref_squeeze %parallel_loop3A_757 : memref<1x112xf32, #tpu.memory_space<vmem>> -> memref<112xf32, #tpu.memory_space<vmem>>
        %parallel_loop3A_759 = tpu.vector_load_idx %parallel_loop3A_758[%parallel_loop3A_755] : memref<112xf32, #tpu.memory_space<vmem>>[vector<16xi32>], vector<16xf32>,
        %parallel_loop3A_760 = arith.constant 0 : i32
        %parallel_loop3A_761 = tpu.memref_slice %arg12[%select_n3A_412, %parallel_loop3A_760] : memref<12x112xf32, #tpu.memory_space<vmem>> -> memref<1x112xf32, #tpu.memory_space<vmem>>
        %parallel_loop3A_762 = tpu.memref_squeeze %parallel_loop3A_761 : memref<1x112xf32, #tpu.memory_space<vmem>> -> memref<112xf32, #tpu.memory_space<vmem>>
        %parallel_loop3A_763 = tpu.vector_load_idx %parallel_loop3A_762[%parallel_loop3A_755] : memref<112xf32, #tpu.memory_space<vmem>>[vector<16xi32>], vector<16xf32>,
        %parallel_loop3A_764 = arith.mulf %parallel_loop3A_763, %parallel_loop3A_754 : vector<16xf32>
        %parallel_loop3A_765 = arith.addf %parallel_loop3A_759, %parallel_loop3A_764 : vector<16xf32>
        %parallel_loop3A_766 = arith.index_cast %parallel_loop3A_493 : i32 to index
        %parallel_loop3A_767 = arith.constant 160 : index
        %parallel_loop3A_768 = tpu.vector_load %arg9[%parallel_loop3A_766, %parallel_loop3A_767] {strides = array<i32>} : memref<112x224xf32, #tpu.memory_space<vmem>>, vector<16xf32>,
        tpu.vector_store %arg9[%parallel_loop3A_766, %parallel_loop3A_767], %parallel_loop3A_765 {strides = array<i32>} : memref<112x224xf32, #tpu.memory_space<vmem>>, vector<16xf32>,
        %parallel_loop3A_769 = arith.index_cast %parallel_loop3A_493 : i32 to index
        %parallel_loop3A_770 = arith.constant 176 : index
        %parallel_loop3A_771 = tpu.vector_load %arg7[%parallel_loop3A_769, %parallel_loop3A_770] {strides = array<i32>} : memref<112x224xf32, #tpu.memory_space<vmem>>, vector<16xf32>,
        %parallel_loop3A_772 = arith.subf %parallel_loop3A_771, %get3A_1 : vector<16xf32>
        %parallel_loop3A_773 = arith.mulf %parallel_loop3A_772, %get3A_3 : vector<16xf32>
        %parallel_loop3A_774 = arith.constant 0.000000e+00 : f32
        %parallel_loop3A_775 = vector.broadcast %parallel_loop3A_774 : f32 to vector<16xf32>
        %parallel_loop3A_776 = arith.maximumf %parallel_loop3A_773, %parallel_loop3A_775 : vector<16xf32>
        %parallel_loop3A_777 = arith.constant 99.9999923 : f32
        %parallel_loop3A_778 = vector.broadcast %parallel_loop3A_777 : f32 to vector<16xf32>
        %parallel_loop3A_779 = arith.minimumf %parallel_loop3A_776, %parallel_loop3A_778 : vector<16xf32>
        %parallel_loop3A_780 = arith.fptosi %parallel_loop3A_779 : vector<16xf32> to vector<16xi32>
        %parallel_loop3A_781 = arith.constant 0 : i32
        %parallel_loop3A_782 = tpu.memref_slice %arg11[%select_n3A_388, %parallel_loop3A_781] : memref<12x112xf32, #tpu.memory_space<vmem>> -> memref<1x112xf32, #tpu.memory_space<vmem>>
        %parallel_loop3A_783 = tpu.memref_squeeze %parallel_loop3A_782 : memref<1x112xf32, #tpu.memory_space<vmem>> -> memref<112xf32, #tpu.memory_space<vmem>>
        %parallel_loop3A_784 = tpu.vector_load_idx %parallel_loop3A_783[%parallel_loop3A_780] : memref<112xf32, #tpu.memory_space<vmem>>[vector<16xi32>], vector<16xf32>,
        %parallel_loop3A_785 = arith.constant 0 : i32
        %parallel_loop3A_786 = tpu.memref_slice %arg12[%select_n3A_412, %parallel_loop3A_785] : memref<12x112xf32, #tpu.memory_space<vmem>> -> memref<1x112xf32, #tpu.memory_space<vmem>>
        %parallel_loop3A_787 = tpu.memref_squeeze %parallel_loop3A_786 : memref<1x112xf32, #tpu.memory_space<vmem>> -> memref<112xf32, #tpu.memory_space<vmem>>
        %parallel_loop3A_788 = tpu.vector_load_idx %parallel_loop3A_787[%parallel_loop3A_780] : memref<112xf32, #tpu.memory_space<vmem>>[vector<16xi32>], vector<16xf32>,
        %parallel_loop3A_789 = arith.mulf %parallel_loop3A_788, %parallel_loop3A_779 : vector<16xf32>
        %parallel_loop3A_790 = arith.addf %parallel_loop3A_784, %parallel_loop3A_789 : vector<16xf32>
        %parallel_loop3A_791 = arith.index_cast %parallel_loop3A_493 : i32 to index
        %parallel_loop3A_792 = arith.constant 176 : index
        %parallel_loop3A_793 = tpu.vector_load %arg9[%parallel_loop3A_791, %parallel_loop3A_792] {strides = array<i32>} : memref<112x224xf32, #tpu.memory_space<vmem>>, vector<16xf32>,
        tpu.vector_store %arg9[%parallel_loop3A_791, %parallel_loop3A_792], %parallel_loop3A_790 {strides = array<i32>} : memref<112x224xf32, #tpu.memory_space<vmem>>, vector<16xf32>,
        %parallel_loop3A_794 = arith.index_cast %parallel_loop3A_493 : i32 to index
        %parallel_loop3A_795 = arith.constant 192 : index
        %parallel_loop3A_796 = tpu.vector_load %arg7[%parallel_loop3A_794, %parallel_loop3A_795] {strides = array<i32>} : memref<112x224xf32, #tpu.memory_space<vmem>>, vector<16xf32>,
        %parallel_loop3A_797 = arith.subf %parallel_loop3A_796, %get3A_1 : vector<16xf32>
        %parallel_loop3A_798 = arith.mulf %parallel_loop3A_797, %get3A_3 : vector<16xf32>
        %parallel_loop3A_799 = arith.constant 0.000000e+00 : f32
        %parallel_loop3A_800 = vector.broadcast %parallel_loop3A_799 : f32 to vector<16xf32>
        %parallel_loop3A_801 = arith.maximumf %parallel_loop3A_798, %parallel_loop3A_800 : vector<16xf32>
        %parallel_loop3A_802 = arith.constant 99.9999923 : f32
        %parallel_loop3A_803 = vector.broadcast %parallel_loop3A_802 : f32 to vector<16xf32>
        %parallel_loop3A_804 = arith.minimumf %parallel_loop3A_801, %parallel_loop3A_803 : vector<16xf32>
        %parallel_loop3A_805 = arith.fptosi %parallel_loop3A_804 : vector<16xf32> to vector<16xi32>
        %parallel_loop3A_806 = arith.constant 0 : i32
        %parallel_loop3A_807 = tpu.memref_slice %arg11[%select_n3A_388, %parallel_loop3A_806] : memref<12x112xf32, #tpu.memory_space<vmem>> -> memref<1x112xf32, #tpu.memory_space<vmem>>
        %parallel_loop3A_808 = tpu.memref_squeeze %parallel_loop3A_807 : memref<1x112xf32, #tpu.memory_space<vmem>> -> memref<112xf32, #tpu.memory_space<vmem>>
        %parallel_loop3A_809 = tpu.vector_load_idx %parallel_loop3A_808[%parallel_loop3A_805] : memref<112xf32, #tpu.memory_space<vmem>>[vector<16xi32>], vector<16xf32>,
        %parallel_loop3A_810 = arith.constant 0 : i32
        %parallel_loop3A_811 = tpu.memref_slice %arg12[%select_n3A_412, %parallel_loop3A_810] : memref<12x112xf32, #tpu.memory_space<vmem>> -> memref<1x112xf32, #tpu.memory_space<vmem>>
        %parallel_loop3A_812 = tpu.memref_squeeze %parallel_loop3A_811 : memref<1x112xf32, #tpu.memory_space<vmem>> -> memref<112xf32, #tpu.memory_space<vmem>>
        %parallel_loop3A_813 = tpu.vector_load_idx %parallel_loop3A_812[%parallel_loop3A_805] : memref<112xf32, #tpu.memory_space<vmem>>[vector<16xi32>], vector<16xf32>,
        %parallel_loop3A_814 = arith.mulf %parallel_loop3A_813, %parallel_loop3A_804 : vector<16xf32>
        %parallel_loop3A_815 = arith.addf %parallel_loop3A_809, %parallel_loop3A_814 : vector<16xf32>
        %parallel_loop3A_816 = arith.index_cast %parallel_loop3A_493 : i32 to index
        %parallel_loop3A_817 = arith.constant 192 : index
        %parallel_loop3A_818 = tpu.vector_load %arg9[%parallel_loop3A_816, %parallel_loop3A_817] {strides = array<i32>} : memref<112x224xf32, #tpu.memory_space<vmem>>, vector<16xf32>,
        tpu.vector_store %arg9[%parallel_loop3A_816, %parallel_loop3A_817], %parallel_loop3A_815 {strides = array<i32>} : memref<112x224xf32, #tpu.memory_space<vmem>>, vector<16xf32>,
        %parallel_loop3A_819 = arith.index_cast %parallel_loop3A_493 : i32 to index
        %parallel_loop3A_820 = arith.constant 208 : index
        %parallel_loop3A_821 = tpu.vector_load %arg7[%parallel_loop3A_819, %parallel_loop3A_820] {strides = array<i32>} : memref<112x224xf32, #tpu.memory_space<vmem>>, vector<16xf32>,
        %parallel_loop3A_822 = arith.subf %parallel_loop3A_821, %get3A_1 : vector<16xf32>
        %parallel_loop3A_823 = arith.mulf %parallel_loop3A_822, %get3A_3 : vector<16xf32>
        %parallel_loop3A_824 = arith.constant 0.000000e+00 : f32
        %parallel_loop3A_825 = vector.broadcast %parallel_loop3A_824 : f32 to vector<16xf32>
        %parallel_loop3A_826 = arith.maximumf %parallel_loop3A_823, %parallel_loop3A_825 : vector<16xf32>
        %parallel_loop3A_827 = arith.constant 99.9999923 : f32
        %parallel_loop3A_828 = vector.broadcast %parallel_loop3A_827 : f32 to vector<16xf32>
        %parallel_loop3A_829 = arith.minimumf %parallel_loop3A_826, %parallel_loop3A_828 : vector<16xf32>
        %parallel_loop3A_830 = arith.fptosi %parallel_loop3A_829 : vector<16xf32> to vector<16xi32>
        %parallel_loop3A_831 = arith.constant 0 : i32
        %parallel_loop3A_832 = tpu.memref_slice %arg11[%select_n3A_388, %parallel_loop3A_831] : memref<12x112xf32, #tpu.memory_space<vmem>> -> memref<1x112xf32, #tpu.memory_space<vmem>>
        %parallel_loop3A_833 = tpu.memref_squeeze %parallel_loop3A_832 : memref<1x112xf32, #tpu.memory_space<vmem>> -> memref<112xf32, #tpu.memory_space<vmem>>
        %parallel_loop3A_834 = tpu.vector_load_idx %parallel_loop3A_833[%parallel_loop3A_830] : memref<112xf32, #tpu.memory_space<vmem>>[vector<16xi32>], vector<16xf32>,
        %parallel_loop3A_835 = arith.constant 0 : i32
        %parallel_loop3A_836 = tpu.memref_slice %arg12[%select_n3A_412, %parallel_loop3A_835] : memref<12x112xf32, #tpu.memory_space<vmem>> -> memref<1x112xf32, #tpu.memory_space<vmem>>
        %parallel_loop3A_837 = tpu.memref_squeeze %parallel_loop3A_836 : memref<1x112xf32, #tpu.memory_space<vmem>> -> memref<112xf32, #tpu.memory_space<vmem>>
        %parallel_loop3A_838 = tpu.vector_load_idx %parallel_loop3A_837[%parallel_loop3A_830] : memref<112xf32, #tpu.memory_space<vmem>>[vector<16xi32>], vector<16xf32>,
        %parallel_loop3A_839 = arith.mulf %parallel_loop3A_838, %parallel_loop3A_829 : vector<16xf32>
        %parallel_loop3A_840 = arith.addf %parallel_loop3A_834, %parallel_loop3A_839 : vector<16xf32>
        %parallel_loop3A_841 = arith.index_cast %parallel_loop3A_493 : i32 to index
        %parallel_loop3A_842 = arith.constant 208 : index
        %parallel_loop3A_843 = tpu.vector_load %arg9[%parallel_loop3A_841, %parallel_loop3A_842] {strides = array<i32>} : memref<112x224xf32, #tpu.memory_space<vmem>>, vector<16xf32>,
        tpu.vector_store %arg9[%parallel_loop3A_841, %parallel_loop3A_842], %parallel_loop3A_840 {strides = array<i32>} : memref<112x224xf32, #tpu.memory_space<vmem>>, vector<16xf32>,
      } {sc.loop_unroll_factor = 2 : i64, sc.parallel_access}
      %mul3A_416 = arith.constant 12 : i32
      %mul3A_417 = arith.muli %add3A, %mul3A_416 : i32
      %jit3A_418 = arith.constant 2 : i32
      %div3A_419 = arith.divsi %add3A_127, %jit3A_418 : i32
      %sign3A_420 = arith.constant 0 : i32
      %sign3A_421 = arith.cmpi sgt, %add3A_127, %sign3A_420 : i32
      %sign3A_422 = arith.extui %sign3A_421 : i1 to i32
      %sign3A_423 = arith.constant 0 : i32
      %sign3A_424 = arith.cmpi slt, %add3A_127, %sign3A_423 : i32
      %sign3A_425 = arith.extui %sign3A_424 : i1 to i32
      %sign3A_426 = arith.subi %sign3A_422, %sign3A_425 : i32
      %sign3A_427 = arith.constant 0 : i32
      %sign3A_428 = arith.cmpi sgt, %jit3A_418, %sign3A_427 : i32
      %sign3A_429 = arith.extui %sign3A_428 : i1 to i32
      %sign3A_430 = arith.constant 0 : i32
      %sign3A_431 = arith.cmpi slt, %jit3A_418, %sign3A_430 : i32
      %sign3A_432 = arith.extui %sign3A_431 : i1 to i32
      %sign3A_433 = arith.subi %sign3A_429, %sign3A_432 : i32
      %ne3A_434 = arith.cmpi ne, %sign3A_426, %sign3A_433 : i32
      %rem3A_435 = arith.remsi %add3A_127, %jit3A_418 : i32
      %ne3A_436 = arith.constant 0 : i32
      %ne3A_437 = arith.cmpi ne, %rem3A_435, %ne3A_436 : i32
      %and3A_438 = arith.andi %ne3A_434, %ne3A_437 : i1
      %sub3A_439 = arith.constant 1 : i32
      %sub3A_440 = arith.subi %div3A_419, %sub3A_439 : i32
      %select_n3A_441 = arith.select %and3A_438, %sub3A_440, %div3A_419 : i32
      %add3A_442 = arith.addi %mul3A_417, %select_n3A_441 : i32
      %jit3A_443 = arith.constant 96 : i32
      %div3A_444 = arith.divsi %add3A_442, %jit3A_443 : i32
      %sign3A_445 = arith.constant 0 : i32
      %sign3A_446 = arith.cmpi sgt, %add3A_442, %sign3A_445 : i32
      %sign3A_447 = arith.extui %sign3A_446 : i1 to i32
      %sign3A_448 = arith.constant 0 : i32
      %sign3A_449 = arith.cmpi slt, %add3A_442, %sign3A_448 : i32
      %sign3A_450 = arith.extui %sign3A_449 : i1 to i32
      %sign3A_451 = arith.subi %sign3A_447, %sign3A_450 : i32
      %sign3A_452 = arith.constant 0 : i32
      %sign3A_453 = arith.cmpi sgt, %jit3A_443, %sign3A_452 : i32
      %sign3A_454 = arith.extui %sign3A_453 : i1 to i32
      %sign3A_455 = arith.constant 0 : i32
      %sign3A_456 = arith.cmpi slt, %jit3A_443, %sign3A_455 : i32
      %sign3A_457 = arith.extui %sign3A_456 : i1 to i32
      %sign3A_458 = arith.subi %sign3A_454, %sign3A_457 : i32
      %ne3A_459 = arith.cmpi ne, %sign3A_451, %sign3A_458 : i32
      %rem3A_460 = arith.remsi %add3A_442, %jit3A_443 : i32
      %ne3A_461 = arith.constant 0 : i32
      %ne3A_462 = arith.cmpi ne, %rem3A_460, %ne3A_461 : i32
      %and3A_463 = arith.andi %ne3A_459, %ne3A_462 : i1
      %sub3A_464 = arith.constant 1 : i32
      %sub3A_465 = arith.subi %div3A_444, %sub3A_464 : i32
      %select_n3A_466 = arith.select %and3A_463, %sub3A_465, %div3A_444 : i32
      %rem3A_467 = arith.constant 96 : i32
      %rem3A_468 = arith.remsi %add3A_442, %rem3A_467 : i32
      %jit3A_469 = arith.constant 2 : i32
      %eq3A_470 = arith.constant 0 : i32
      %eq3A_471 = arith.cmpi eq, %jit3A_469, %eq3A_470 : i32
      %jit3A_472 = arith.constant 1 : i32
      %select_n3A_473 = arith.select %eq3A_471, %jit3A_472, %jit3A_469 : i32
      %rem3A_474 = arith.remsi %add3A_127, %select_n3A_473 : i32
      %ne3A_475 = arith.constant 0 : i32
      %ne3A_476 = arith.cmpi ne, %rem3A_474, %ne3A_475 : i32
      %lt3A_477 = arith.constant 0 : i32
      %lt3A_478 = arith.cmpi slt, %rem3A_474, %lt3A_477 : i32
      %lt3A_479 = arith.constant 0 : i32
      %lt3A_480 = arith.cmpi slt, %select_n3A_473, %lt3A_479 : i32
      %ne3A_481 = arith.xori %lt3A_478, %lt3A_480 : i1
      %and3A_482 = arith.andi %ne3A_481, %ne3A_476 : i1
      %add3A_483 = arith.addi %rem3A_474, %select_n3A_473 : i32
      %select_n3A_484 = arith.select %and3A_482, %add3A_483, %rem3A_474 : i32
      %mul3A_485 = arith.constant 112 : i32
      %mul3A_486 = arith.muli %select_n3A_484, %mul3A_485 : i32
      %dma_start3A_487 = arith.constant 0 : i32
      %dma_start3A_488 = tpu.memref_slice %arg5[%select_n3A_466, %rem3A_468, %mul3A_486, %dma_start3A_487] : memref<4x96x224x224xf32, #tpu.memory_space<hbm>> -> memref<1x1x112x224xf32, #tpu.memory_space<hbm>>
      %dma_start3A_489 = tpu.memref_squeeze %dma_start3A_488 : memref<1x1x112x224xf32, #tpu.memory_space<hbm>> -> memref<112x224xf32, #tpu.memory_space<hbm>>
      %dma_start3A_490 = arith.constant 0 : i32
      %dma_start3A_491 = tpu.memref_slice %arg5[%select_n3A_466, %rem3A_468, %mul3A_486, %dma_start3A_490] : memref<4x96x224x224xf32, #tpu.memory_space<hbm>> -> memref<1x1x112x224xf32, #tpu.memory_space<hbm>>
      %dma_start3A_492 = tpu.memref_squeeze %dma_start3A_491 : memref<1x1x112x224xf32, #tpu.memory_space<hbm>> -> memref<112x224xf32, #tpu.memory_space<hbm>>
      tpu.enqueue_dma source(%arg9 : memref<112x224xf32, #tpu.memory_space<vmem>>) target(%dma_start3A_492 : memref<112x224xf32, #tpu.memory_space<hbm>>) target_semaphore(%arg17 : memref<!tpu.dma_semaphore, #tpu.memory_space<semaphore_mem>>)
    }
    %scan3A_45 = arith.constant 12 : i32
    %mul3A_46 = arith.constant 12 : i32
    %mul3A_47 = arith.muli %add3A, %mul3A_46 : i32
    %add3A_48 = arith.constant 11 : i32
    %add3A_49 = arith.addi %mul3A_47, %add3A_48 : i32
    %jit3A_50 = arith.constant 96 : i32
    %div3A_51 = arith.divsi %add3A_49, %jit3A_50 : i32
    %sign3A_52 = arith.constant 0 : i32
    %sign3A_53 = arith.cmpi sgt, %add3A_49, %sign3A_52 : i32
    %sign3A_54 = arith.extui %sign3A_53 : i1 to i32
    %sign3A_55 = arith.constant 0 : i32
    %sign3A_56 = arith.cmpi slt, %add3A_49, %sign3A_55 : i32
    %sign3A_57 = arith.extui %sign3A_56 : i1 to i32
    %sign3A_58 = arith.subi %sign3A_54, %sign3A_57 : i32
    %sign3A_59 = arith.constant 0 : i32
    %sign3A_60 = arith.cmpi sgt, %jit3A_50, %sign3A_59 : i32
    %sign3A_61 = arith.extui %sign3A_60 : i1 to i32
    %sign3A_62 = arith.constant 0 : i32
    %sign3A_63 = arith.cmpi slt, %jit3A_50, %sign3A_62 : i32
    %sign3A_64 = arith.extui %sign3A_63 : i1 to i32
    %sign3A_65 = arith.subi %sign3A_61, %sign3A_64 : i32
    %ne3A_66 = arith.cmpi ne, %sign3A_58, %sign3A_65 : i32
    %rem3A_67 = arith.remsi %add3A_49, %jit3A_50 : i32
    %ne3A_68 = arith.constant 0 : i32
    %ne3A_69 = arith.cmpi ne, %rem3A_67, %ne3A_68 : i32
    %and3A_70 = arith.andi %ne3A_66, %ne3A_69 : i1
    %sub3A_71 = arith.constant 1 : i32
    %sub3A_72 = arith.subi %div3A_51, %sub3A_71 : i32
    %select_n3A_73 = arith.select %and3A_70, %sub3A_72, %div3A_51 : i32
    %rem3A_74 = arith.constant 96 : i32
    %rem3A_75 = arith.remsi %add3A_49, %rem3A_74 : i32
    %dma_wait3A = arith.constant 0 : i32
    %dma_wait3A_76 = arith.constant 0 : i32
    %dma_wait3A_77 = tpu.memref_slice %arg5[%select_n3A_73, %rem3A_75, %dma_wait3A, %dma_wait3A_76] : memref<4x96x224x224xf32, #tpu.memory_space<hbm>> -> memref<1x1x112x224xf32, #tpu.memory_space<hbm>>
    %dma_wait3A_78 = tpu.memref_squeeze %dma_wait3A_77 : memref<1x1x112x224xf32, #tpu.memory_space<hbm>> -> memref<112x224xf32, #tpu.memory_space<hbm>>
    %dma_wait3A_79 = arith.constant 0 : i32
    %dma_wait3A_80 = arith.constant 0 : i32
    %dma_wait3A_81 = tpu.memref_slice %arg5[%select_n3A_73, %rem3A_75, %dma_wait3A_79, %dma_wait3A_80] : memref<4x96x224x224xf32, #tpu.memory_space<hbm>> -> memref<1x1x112x224xf32, #tpu.memory_space<hbm>>
    %dma_wait3A_82 = tpu.memref_squeeze %dma_wait3A_81 : memref<1x1x112x224xf32, #tpu.memory_space<hbm>> -> memref<112x224xf32, #tpu.memory_space<hbm>>
    tpu.wait_dma2 semaphore(%arg16 : memref<!tpu.dma_semaphore, #tpu.memory_space<semaphore_mem>>) src(%arg8 : memref<112x224xf32, #tpu.memory_space<vmem>>) dst(%dma_wait3A_82 : memref<112x224xf32, #tpu.memory_space<hbm>>)
    %mul3A_83 = arith.constant 12 : i32
    %mul3A_84 = arith.muli %add3A, %mul3A_83 : i32
    %add3A_85 = arith.constant 11 : i32
    %add3A_86 = arith.addi %mul3A_84, %add3A_85 : i32
    %jit3A_87 = arith.constant 96 : i32
    %div3A_88 = arith.divsi %add3A_86, %jit3A_87 : i32
    %sign3A_89 = arith.constant 0 : i32
    %sign3A_90 = arith.cmpi sgt, %add3A_86, %sign3A_89 : i32
    %sign3A_91 = arith.extui %sign3A_90 : i1 to i32
    %sign3A_92 = arith.constant 0 : i32
    %sign3A_93 = arith.cmpi slt, %add3A_86, %sign3A_92 : i32
    %sign3A_94 = arith.extui %sign3A_93 : i1 to i32
    %sign3A_95 = arith.subi %sign3A_91, %sign3A_94 : i32
    %sign3A_96 = arith.constant 0 : i32
    %sign3A_97 = arith.cmpi sgt, %jit3A_87, %sign3A_96 : i32
    %sign3A_98 = arith.extui %sign3A_97 : i1 to i32
    %sign3A_99 = arith.constant 0 : i32
    %sign3A_100 = arith.cmpi slt, %jit3A_87, %sign3A_99 : i32
    %sign3A_101 = arith.extui %sign3A_100 : i1 to i32
    %sign3A_102 = arith.subi %sign3A_98, %sign3A_101 : i32
    %ne3A_103 = arith.cmpi ne, %sign3A_95, %sign3A_102 : i32
    %rem3A_104 = arith.remsi %add3A_86, %jit3A_87 : i32
    %ne3A_105 = arith.constant 0 : i32
    %ne3A_106 = arith.cmpi ne, %rem3A_104, %ne3A_105 : i32
    %and3A_107 = arith.andi %ne3A_103, %ne3A_106 : i1
    %sub3A_108 = arith.constant 1 : i32
    %sub3A_109 = arith.subi %div3A_88, %sub3A_108 : i32
    %select_n3A_110 = arith.select %and3A_107, %sub3A_109, %div3A_88 : i32
    %rem3A_111 = arith.constant 96 : i32
    %rem3A_112 = arith.remsi %add3A_86, %rem3A_111 : i32
    %dma_wait3A_113 = arith.constant 112 : i32
    %dma_wait3A_114 = arith.constant 0 : i32
    %dma_wait3A_115 = tpu.memref_slice %arg5[%select_n3A_110, %rem3A_112, %dma_wait3A_113, %dma_wait3A_114] : memref<4x96x224x224xf32, #tpu.memory_space<hbm>> -> memref<1x1x112x224xf32, #tpu.memory_space<hbm>>
    %dma_wait3A_116 = tpu.memref_squeeze %dma_wait3A_115 : memref<1x1x112x224xf32, #tpu.memory_space<hbm>> -> memref<112x224xf32, #tpu.memory_space<hbm>>
    %dma_wait3A_117 = arith.constant 112 : i32
    %dma_wait3A_118 = arith.constant 0 : i32
    %dma_wait3A_119 = tpu.memref_slice %arg5[%select_n3A_110, %rem3A_112, %dma_wait3A_117, %dma_wait3A_118] : memref<4x96x224x224xf32, #tpu.memory_space<hbm>> -> memref<1x1x112x224xf32, #tpu.memory_space<hbm>>
    %dma_wait3A_120 = tpu.memref_squeeze %dma_wait3A_119 : memref<1x1x112x224xf32, #tpu.memory_space<hbm>> -> memref<112x224xf32, #tpu.memory_space<hbm>>
    tpu.wait_dma2 semaphore(%arg17 : memref<!tpu.dma_semaphore, #tpu.memory_space<semaphore_mem>>) src(%arg9 : memref<112x224xf32, #tpu.memory_space<vmem>>) dst(%dma_wait3A_120 : memref<112x224xf32, #tpu.memory_space<hbm>>)
    return
  }
}

</mosaic_0001>

<sc_bundles>
// kernel: kernel.3.cloned.1.call-start
scs
__scs_entry_jumppad:
0x0: {  	(pc) =	sbr.rel $0x88, $3  }
0x1: {  	(tag) =	ssettag $0x0;
	lr =	simm.s32 $0x1  }
0x2: {  	[smem:$0x3F9D] =	sst lr;
	_ =	strace $0xD0000000  }
0x3: {  	_ = 	snop  }
0x4: {  	_ = 	snop  }
0x5: {  	_ = 	snop  }
0x6: {  	_ = 	snop  }
0x7: {  	_ = 	snop  }
__scs_overlays_trampoline_lowered:
0x8: {  	[smem:$0x3FAC] =	sst s0  }
0x9: {  	[smem:$0x3FAD] =	sst s1  }
0xa: {  	[smem:$0x3FAE] =	sst s2  }
0xb: {  	[smem:$0x3FAF] =	sst s3  }
0xc: {  	[smem:$0x3FB0] =	sst s4  }
0xd: {  	[smem:$0x3FB1] =	sst s5  }
0xe: {  	[smem:$0x3FB2] =	sst s6  }
0xf: {  	[smem:$0x3FB3] =	sst s7  }
0x10: {  	[smem:$0x3FB4] =	sst s8  }
0x11: {  	[smem:$0x3FB5] =	sst s9;
	s0 =	simm.s32 @!p0 $0x0  }
0x12: {  	s1 =	sld [smem:$0x3F9B];
	s0 =	simm.s32 @p0 $0x1  }
0x13: {  	[smem:$0x3FB6] =	sst s0;
	s0 =	simm.s32 @!p1 $0x0  }
0x14: {  	s2 =	sld [smem:$0x3F9A];
	s0 =	simm.s32 @p1 $0x1  }
0x15: {  	[smem:$0x3FB7] =	sst s0;
	s0 =	simm.s32 @!p2 $0x0  }
0x16: {  	s3 =	sld [smem:$0x3FDB];
	s0 =	simm.s32 @p2 $0x1  }
0x17: {  	s4 =	simm.s32 $0x1BF5;
	[smem:$0x3FB9] =	sst s0  }
0x18: {  	s0 =	sld [smem:$0x3F9C];
	_ =	swait.ge [sflag:s4], $0x0  }
0x19: {  	s7 =	sld [smem:$0x3F9D]  }
0x1a: {  	s8 =	sadd.s32 $0xFFFFE003, lr  }
0x1b: {  	s9 =	sadd.s32 $0xFFFFFEF7, lr;
	s5 =	simm.s32 $0xFFFFFFFF;
	p2 =	slt.u32 s8, $0xFFFFF086  }
0x1c: {  	p1 =	slt.u32 s9, $0xF7A;
	s5 =	simm.s32 @!p2 $0x0  }
0x1d: {  	s5 =	simm.s32 @p1 $0x1;
	p0 =	seq.s32 s7, s2  }
0x1e: {  	s7 =	smul.u32 @!p0 $0xF7A, s2;
	p2 =	seq.s32 @!p0 s5, $0x0  }
0x1f: {  	s9 =	smul.u32 $0xF7A, s1;
	s8 =	simm.s32 @!p0 $0x1BF5;
	p2 =	por !p2, p0  }
0x20: {  	[sflag:s8] =	ssyncset.s32 @!p0 $0xFFFFF086;
	s6 =	sadd.s32 @!p0 s3, s7;
	s7 =	simm.s32 @!p0 $0x108  }
0x21: {  	s3 =	sadd.s32 s3, s9;
	s6 =	sadd.s32 @!p0 $0x88, s6;
	s7 =	simm.s32 @p2 $0x1082  }
0x22: {  	[simem:s7], [sflag:s8] =	dma.local @!p0 [hbm:s6], $0xF7A  }
0x23: {  	s9 =	sor.u32 $0xD0000000, s2;
	s6 =	simm.s32 $0x108;
	_ =	swait.ge @!p0 [sflag:s8], $0x0  }
0x24: {  	s3 =	sadd.s32 $0x88, s3;
	s6 =	simm.s32 @!p1 $0x1082;
	[sflag:s4] =	ssyncset.s32 $0xFFFFF086  }
0x25: {  	[simem:s6], [sflag:s4] =	dma.local [hbm:s3], $0xF7A  }
0x26: {  	[smem:$0x3F9D] =	sst s1;
	(tag) =	ssettag s2;
	_ =	strace s9  }
0x27: {  	s1 =	sld [smem:$0x3FAD]  }
0x28: {  	s2 =	sld [smem:$0x3FAE]  }
0x29: {  	s4 =	sld [smem:$0x3FB0]  }
0x2a: {  	p0 =	seq.s32 s5, $0x0;
	s5 =	sld [smem:$0x3FB1]  }
0x2b: {  	s6 =	sld [smem:$0x3FB2]  }
0x2c: {  	s7 =	sld [smem:$0x3FB3]  }
0x2d: {  	s3 =	simm.s32 $0x108;
	s8 =	sld [smem:$0x3FB4]  }
0x2e: {  	s3 =	simm.s32 @!p0 $0x1082;
	s9 =	sld [smem:$0x3FB5]  }
0x2f: {  	lr =	sadd.s32 s0, s3;
	s0 =	sld [smem:$0x3FAC]  }
0x30: {  	s3 =	sld [smem:$0x3FAF]  }
0x31: {  	[smem:$0x3FB8] =	sst s10  }
0x32: {  	s10 =	sld [smem:$0x3FB6];
	_ =	sdelay $0x3  }
0x33: {  	p0 =	seq.s32 s10, $0x1;
	s10 =	sld [smem:$0x3FB8];
	_ =	sdelay $0x3  }
0x34: {  	[smem:$0x3FB8] =	sst s10  }
0x35: {  	s10 =	sld [smem:$0x3FB7];
	_ =	sdelay $0x3  }
0x36: {  	p1 =	seq.s32 s10, $0x1;
	s10 =	sld [smem:$0x3FB8];
	_ =	sdelay $0x3  }
0x37: {  	[smem:$0x3FB8] =	sst s10  }
0x38: {  	s10 =	sld [smem:$0x3FB9]  }
0x39: {  	_ = 	snop;
	(pc) =	sbr.ind lr, $3  }
0x3a: {  	_ = 	snop  }
0x3b: {  	_ = 	snop  }
0x3c: {  	p2 =	seq.s32 s10, $0x1;
	s10 =	sld [smem:$0x3FB8]  }
0x3d: {  	_ =	shalt  }
0x3e: {  	_ =	shalt  }
0x3f: {  	_ =	shalt  }
0x40: {  	_ =	shalt  }
0x41: {  	_ =	shalt  }
0x42: {  	_ =	shalt  }
0x43: {  	_ =	shalt  }
0x44: {  	_ =	shalt  }
0x45: {  	_ =	shalt  }
0x46: {  	_ =	shalt  }
0x47: {  	_ =	shalt  }
0x48: {  	_ =	shalt  }
0x49: {  	_ =	shalt  }
0x4a: {  	_ =	shalt  }
0x4b: {  	_ =	shalt  }
0x4c: {  	_ =	shalt  }
0x4d: {  	_ =	shalt  }
0x4e: {  	_ =	shalt  }
0x4f: {  	_ =	shalt  }
0x50: {  	_ =	shalt  }
0x51: {  	_ =	shalt  }
0x52: {  	_ =	shalt  }
0x53: {  	_ =	shalt  }
0x54: {  	_ =	shalt  }
0x55: {  	_ =	shalt  }
0x56: {  	_ =	shalt  }
0x57: {  	_ =	shalt  }
0x58: {  	_ =	shalt  }
0x59: {  	_ =	shalt  }
0x5a: {  	_ =	shalt  }
0x5b: {  	_ =	shalt  }
0x5c: {  	_ =	shalt  }
0x5d: {  	_ =	shalt  }
0x5e: {  	_ =	shalt  }
0x5f: {  	_ =	shalt  }
0x60: {  	_ =	shalt  }
0x61: {  	_ =	shalt  }
0x62: {  	_ =	shalt  }
0x63: {  	_ =	shalt  }
0x64: {  	_ =	shalt  }
0x65: {  	_ =	shalt  }
0x66: {  	_ =	shalt  }
0x67: {  	_ =	shalt  }
0x68: {  	_ =	shalt  }
0x69: {  	_ =	shalt  }
0x6a: {  	_ =	shalt  }
0x6b: {  	_ =	shalt  }
0x6c: {  	_ =	shalt  }
0x6d: {  	_ =	shalt  }
0x6e: {  	_ =	shalt  }
0x6f: {  	_ =	shalt  }
0x70: {  	_ =	shalt  }
0x71: {  	_ =	shalt  }
0x72: {  	_ =	shalt  }
0x73: {  	_ =	shalt  }
0x74: {  	_ =	shalt  }
0x75: {  	_ =	shalt  }
0x76: {  	_ =	shalt  }
0x77: {  	_ =	shalt  }
0x78: {  	_ =	shalt  }
0x79: {  	_ =	shalt  }
0x7a: {  	_ =	shalt  }
0x7b: {  	_ =	shalt  }
0x7c: {  	_ =	shalt  }
0x7d: {  	_ =	shalt  }
0x7e: {  	_ =	shalt  }
0x7f: {  	_ =	shalt  }
0x80: {  	_ =	shalt  }
0x81: {  	_ =	shalt  }
0x82: {  	_ =	shalt  }
0x83: {  	_ =	shalt  }
0x84: {  	_ =	shalt  }
0x85: {  	_ =	shalt  }
0x86: {  	_ =	shalt  }
0x87: {  	_ =	shalt  }
.Lfunc_end0:
.L_simem_size_0:
called_computation_lowered:
.L_overlay_start_0:
0x88: {  	s2 =	sld [smem:$0x3FD9]  }
0x89: {  	s3 =	sld [smem:$0x3FFE];
	_ =	sdelay $0x1  }
0x8a: {  	s1 =	srdreg.scid  }
0x8b: {  	s0 =	sand.u32 $0x1, s1  }
0x8c: {  	s17 =	sshll.u32 s0, $0xA;
	s2 =	sadd.s32 s3, s2  }
0x8d: {  	s2 =	sadd.s32 s2, s17  }
0x8e: {  	[smem:$0x3FC4] =	sst s2  }
0x8f: {  	_ = 	snop  }
0x90: {  	s2 =	sld [smem:$0x3FC9]  }
0x91: {  	s18 =	sld [smem:$0x3FD0];
	(tm) =	ssettm $0x1  }
0x92: {  	s4 =	sld [smem:$0x3FFB];
	_ =	sdelay $0x3  }
0x93: {  	_ =	strace s4  }
0x94: {  	s4 =	sld [smem:$0x3FFC];
	_ =	sdelay $0x3  }
0x95: {  	_ =	strace s4  }
0x96: {  	s4 =	sld [smem:$0x3FFD];
	_ =	sdelay $0x3  }
0x97: {  	_ =	strace s4  }
0x98: {  	_ =	strace $0x8FFFFFFF  }
0x99: {  	s19 =	sld [smem:$0x3FDB];
	_ =	sdelay $0x1  }
0x9a: {  	s5 =	simm.s32 $_scs_section_size  }
0x9b: {  	s6 =	simm.s32 $_size__tile_overlayer_lowered;
	s7 =	simm.s32 $_tile_overlayer_lowered  }
0x9c: {  	s22 =	simm.s32 $0x1BFF;
	s21 =	sshll.u32 s7, $0x1;
	s4 =	sadd.s32 s5, s19  }
0x9d: {  	s8 =	simm.s32 $0x0;
	s20 =	sshll.u32 s6, $0x1;
	s6 =	sadd.s32 s21, s4  }
0x9e: {  	[timem:s8], [sflag:s22] =	dma.local [hbm:s6], s20  }
0x9f: {  	_ =	swait.ge [sflag:s22], s20  }
0xa0: {  	s5 =	ssub.s32 $0x0, s20;
	[sflag:s22] =	ssyncset.done $0x0  }
0xa1: {  	[sflag:s22] =	ssyncadd.s32 s5;
	_ =	sdelay $0x1  }
0xa2: {  	s23 =	simm.s32 $0x1B8B  }
0xa3: {  	_ =	swait.ge [sflag:s23], $0x1  }
0xa4: {  	[sflag:s23] =	ssyncset.done $0x0  }
0xa5: {  	s25 =	simm.s32 $0x1B8E;
	s24 =	sld [smem:$0x3FFE];
	[sflag:s23] =	ssyncadd.s32 $0xFFFFFFFF  }
0xa6: {  	s26 =	simm.s32 $execute0_lowered;
	[smem:$0x3FD2] =	sst s25  }
0xa7: {  	s6 =	sshll.u32 s26, $0x1;
	_ =	strace $0x80000046;
	[dreg:$0x1] =	wrdreg $0xFFFFFFFF  }
0xa8: {  	s28 =	simm.s32 $_size_execute0_lowered;
	s4 =	sadd.s32 s4, s6;
	[dreg:$0x0] =	wrdreg $0x0  }
0xa9: {  	s6 =	sshll.u32 s28, $0x1;
	[dreg:$0x2] =	wrdreg s4  }
0xaa: {  	[dreg:$0x3] =	wrdreg s6  }
0xab: {  	[dreg:$0x4] =	wrdreg $0xC0  }
0xac: {  	_ =	task [dreg:s8], $0x5FFFF  }
0xad: {  	[dreg:$0x1] =	wrdreg $0xFFFFFFFF  }
0xae: {  	[dreg:$0x0] =	wrdreg $0x60  }
0xaf: {  	[dreg:$0x2] =	wrdreg s2  }
0xb0: {  	[dreg:$0x3] =	wrdreg s24  }
0xb1: {  	[dreg:$0x4] =	wrdreg s18  }
0xb2: {  	[dreg:$0x5] =	wrdreg $0x9  }
0xb3: {  	_ =	task.clear_ibuf [dreg:s8], $0x6FFFF;
	_ =	strace $0x90000046  }
0xb4: {  	s29 =	simm.s32 $0x9;
	_ =	strace $0x80000048  }
0xb5: {  	_ =	swait.ge [sflag:s29], $0x1  }
0xb6: {  	[sflag:s29] =	ssyncadd.s32 $0xFFFFFFFF  }
0xb7: {  	_ =	strace $0x90000048  }
0xb8: {  	_ =	sfence  }
0xb9: {  	s30 =	sld [smem:$0x0];
	_ =	sdelay $0x2  }
0xba: {  	s31 =	sshll.u32 s1, $0xD;
	s1 =	sshrl.u32 s1, $0x2  }
0xbb: {  	s3 =	sand.u32 $0x4000, s31;
	s1 =	sadd.s32 s1, s30  }
0xbc: {  	s0 =	sor.u32 s3, s0;
	s1 =	sshll.u32 s1, $0x11  }
0xbd: {  	s0 =	sor.u32 s1, s0  }
0xbe: {  	s0 =	sadd.s32 $0x8F2B, s0  }
0xbf: {  	[sflag:s0] =	ssyncadd.remote.s32 $0x1  }
0xc0: {  	_ =	sfence.sel $0xFFFF  }
0xc1: {  	[dreg:$0x0] =	wrdreg $0xFFFFFFFF;
	(pc) =	sbr.abs _section_cstart, $3  }
0xc2: {  	[dreg:$0x1] =	wrdreg $0xFFFFFFFF  }
0xc3: {  	_ =	task.clear_ibuf [dreg:s8], $0x2FFFF;
	_ =	strace $0x9FFFFFFF  }
0xc4: {  	(tm) =	ssettm $0x7FFFFFFF  }
0xc5: {  	_ =	shalt  }
tec
execute0_lowered:
.L_overlay_start_1:
0x0: {  	(tag) =	ssettag $0x1  }
0x1: {  	v0 =	vimm.f32 $-1.500000000e+01;
	vm14 =	vcmask $0x300  }
0x2: {  	vm13 =	vcmask $0x704;
	vm12 =	vcmask $0xB08;
	vm11 =	vcmask $0xF0C  }
0x3: {  	vm10 =	vcmask $0x1310;
	vm9 =	vcmask $0x1714;
	vm8 =	vcmask $0x1B18  }
0x4: {  	vm7 =	vcmask $0x1F1C;
	vm6 =	vcmask $0x2320;
	vm5 =	vcmask $0x2724  }
0x5: {  	vm4 =	vcmask $0x2B28;
	vm3 =	vcmask $0x2F2C;
	vm2 =	vcmask $0x3330  }
0x6: {  	v10 =	vlaneseq.u32;
	vm1 =	vcmask $0x3734;
	vm0 =	vcmask $0x3B38  }
0x7: {  	v2 =	vimm.f32 $-3.100000000e+01;
	v4 =	vimm.f32 $-4.700000000e+01;
	v5 =	vimm.f32 $-6.300000000e+01  }
0x8: {  	v8 =	vimm.f32 $-7.900000000e+01;
	v9 =	vimm.s32 $0x6C6B6A69;
	v13 =	vimm.s32 $0x68676665  }
0x9: {  	vm15 =	vcmask $0x1F10;
	v0 =	vsel vm14, $0x80000000, v0;
	v3 =	vsel vm14, $0xC1800000, v2  }
0xa: {  	v2 =	vadd.s32 $0x11, v10;
	v4 =	vsel vm14, $0xC2000000, v4;
	v5 =	vsel vm14, $0xC2400000, v5  }
0xb: {  	v11 =	vsel vm14, $0xC2800000, v8;
	v9 =	vunpack.c.0.s8.s32 v9;
	v8 =	vimm.s32 $0x6F6F6E6D  }
0xc: {  	v13 =	vunpack.c.0.s8.s32 v13;
	v0 =	vsel vm13, $0xBF800000, v0;
	v3 =	vsel vm13, $0xC1880000, v3  }
0xd: {  	v4 =	vsel vm13, $0xC2040000, v4;
	v5 =	vsel vm13, $0xC2440000, v5;
	v12 =	vunpack.c.0.s8.s32 v8  }
0xe: {  	v8 =	vimm.s32 $0x64636261;
	v11 =	vsel vm13, $0xC2820000, v11;
	v0 =	vsel vm12, $0xC0000000, v0  }
0xf: {  	v3 =	vsel vm12, $0xC1900000, v3;
	v4 =	vsel vm12, $0xC2080000, v4;
	v5 =	vsel vm12, $0xC2480000, v5  }
0x10: {  	v14 =	vunpack.c.0.s8.s32 v8;
	v8 =	vadd.s32 $0x41, v10;
	v11 =	vsel vm12, $0xC2840000, v11  }
0x11: {  	v0 =	vsel vm11, $0xC0400000, v0;
	v3 =	vsel vm11, $0xC1980000, v3;
	v4 =	vsel vm11, $0xC20C0000, v4  }
0x12: {  	v5 =	vsel vm11, $0xC24C0000, v5;
	v12 =	vsel vm15, v12, v9;
	v9 =	vimm.f32 $-9.500000000e+01  }
0x13: {  	v11 =	vsel vm11, $0xC2860000, v11;
	v0 =	vsel vm10, $0xC0800000, v0;
	v3 =	vsel vm10, $0xC1A00000, v3  }
0x14: {  	v4 =	vsel vm10, $0xC2100000, v4;
	v5 =	vsel vm10, $0xC2500000, v5;
	v13 =	vsel vm15, v13, v14  }
0x15: {  	v14 =	vimm.f32 $-1.110000000e+02;
	v9 =	vsel vm14, $0xC2A00000, v9;
	v11 =	vsel vm10, $0xC2880000, v11  }
0x16: {  	v0 =	vsel vm9, $0xC0A00000, v0;
	v3 =	vsel vm9, $0xC1A80000, v3;
	v4 =	vsel vm9, $0xC2140000, v4  }
0x17: {  	v5 =	vsel vm9, $0xC2540000, v5;
	v14 =	vsel vm14, $0xC2C00000, v14;
	v9 =	vsel vm13, $0xC2A20000, v9  }
0x18: {  	v11 =	vsel vm9, $0xC28A0000, v11;
	v12 =	vcombine.low v13, v12;
	v0 =	vsel vm8, $0xC0C00000, v0  }
0x19: {  	v3 =	vsel vm8, $0xC1B00000, v3;
	v4 =	vsel vm8, $0xC2180000, v4;
	v5 =	vsel vm8, $0xC2580000, v5  }
0x1a: {  	v14 =	vsel vm13, $0xC2C20000, v14;
	v9 =	vsel vm12, $0xC2A40000, v9;
	v11 =	vsel vm8, $0xC28C0000, v11  }
0x1b: {  	v0 =	vsel vm7, $0xC0E00000, v0;
	v3 =	vsel vm7, $0xC1B80000, v3;
	v4 =	vsel vm7, $0xC21C0000, v4  }
0x1c: {  	v5 =	vsel vm7, $0xC25C0000, v5;
	v14 =	vsel vm12, $0xC2C40000, v14;
	v9 =	vsel vm11, $0xC2A60000, v9  }
0x1d: {  	v11 =	vsel vm7, $0xC28E0000, v11;
	v0 =	vsel vm6, $0xC1000000, v0;
	v3 =	vsel vm6, $0xC1C00000, v3  }
0x1e: {  	v4 =	vsel vm6, $0xC2200000, v4;
	v5 =	vsel vm6, $0xC2600000, v5;
	v14 =	vsel vm11, $0xC2C60000, v14  }
0x1f: {  	v9 =	vsel vm10, $0xC2A80000, v9;
	v11 =	vsel vm6, $0xC2900000, v11;
	v0 =	vsel vm5, $0xC1100000, v0  }
0x20: {  	v3 =	vsel vm5, $0xC1C80000, v3;
	v4 =	vsel vm5, $0xC2240000, v4;
	v5 =	vsel vm5, $0xC2640000, v5  }
0x21: {  	s0 =	srdreg.scid;
	s4 =	stileid.u32;
	v14 =	vsel vm10, $0xC2C80000, v14;
	v9 =	vsel vm9, $0xC2AA0000, v9;
	v11 =	vsel vm5, $0xC2920000, v11  }
0x22: {  	s0 =	sand.u32 $0x1, s0;
	s1 =	sshll.u32 s4, $0x1;
	v0 =	vsel vm4, $0xC1200000, v0;
	v3 =	vsel vm4, $0xC1D00000, v3;
	v4 =	vsel vm4, $0xC2280000, v4  }
0x23: {  	s1 =	sor.u32 s0, s1;
	v5 =	vsel vm4, $0xC2680000, v5;
	v14 =	vsel vm9, $0xC2CA0000, v14;
	v9 =	vsel vm8, $0xC2AC0000, v9  }
0x24: {  	s2 =	smul.u32 $0x2004, s1;
	v11 =	vsel vm4, $0xC2940000, v11;
	v0 =	vsel vm3, $0xC1300000, v0;
	v3 =	vsel vm3, $0xC1D80000, v3  }
0x25: {  	v4 =	vsel vm3, $0xC22C0000, v4;
	v5 =	vsel vm3, $0xC26C0000, v5;
	v14 =	vsel vm8, $0xC2CC0000, v14  }
0x26: {  	s6 =	rddreg [dreg:$0x0];
	s5 =	smul.u32 $0xC, s1;
	s28 =	sshrl.u32 s2, $0x10;
	v9 =	vsel vm7, $0xC2AE0000, v9;
	v11 =	vsel vm3, $0xC2960000, v11;
	v0 =	vsel vm2, $0xC1400000, v0  }
0x27: {  	s29 =	rddreg [dreg:$0x1];
	s12 =	simm.s32 $0x0;
	s1 =	smul.u32 $0x60, s28;
	v3 =	vsel vm2, $0xC1E00000, v3;
	v6 =	vsel vm2, $0xC2300000, v4;
	v4 =	vadd.s32 $0x21, v10  }
0x28: {  	[smem:$0x7FF] =	sst s12;
	v7 =	vsel vm2, $0xC2700000, v5;
	v14 =	vsel vm7, $0xC2CE0000, v14;
	v9 =	vsel vm6, $0xC2B00000, v9  }
0x29: {  	s4 =	sshrl.u32 s4, $0x2;
	_ =	strace $0x80000047;
	[tilespmem:$0x1FF90] =	vst v2;
	s1 =	ssub.s32 s5, s1;
	v11 =	vsel vm2, $0xC2980000, v11;
	v1 =	vsel vm1, $0xC1500000, v0;
	v0 =	vadd.s32 $0x1, v10  }
0x2a: {  	s4 =	smul.u32 $0x540000, s4;
	s0 =	ssub.s32 $0x2, s0;
	[tilespmem:$0x1FFF0] =	vst v8;
	s1 =	sand.u32 $0xFFFC, s1;
	v3 =	vsel vm1, $0xC1E80000, v3;
	v6 =	vsel vm1, $0xC2340000, v6;
	v7 =	vsel vm1, $0xC2740000, v7  }
0x2b: {  	s30 =	sshrl.u32 s0, $0x1;
	s3 =	smul.u32 $0xE, s1;
	v14 =	vsel vm6, $0xC2D00000, v14;
	v9 =	vsel vm5, $0xC2B20000, v9;
	v11 =	vsel vm1, $0xC29A0000, v11;
	[tilespmem:$0x1FFB0] =	vst v4  }
0x2c: {  	s0 =	ssub.s32 s0, s30;
	s1 =	smul.u32 $0xE000, s1;
	v1 =	vsel vm0, $0xC1600000, v1;
	v3 =	vsel vm0, $0xC1F00000, v3;
	v14 =	vsel vm5, $0xC2D20000, v14;
	[tilespmem:$0x1FF70] =	vst v0  }
0x2d: {  	s2 =	sadd.s32 $0x800, s29;
	s0 =	smax.u32 s0, $0x1;
	[dreg:$0x8] =	wrdreg s5;
	v5 =	vsel vm0, $0xC2380000, v6;
	v9 =	vsel vm4, $0xC2B40000, v9;
	v14 =	vsel vm4, $0xC2D40000, v14;
	[tilespmem:$0x1FF80] =	vst v1  }
0x2e: {  	[dreg:$0x9] =	wrdreg s2;
	s3 =	sadd.s32 s3, s29;
	s1 =	sadd.s32 s4, s1;
	v6 =	vadd.s32 $0x31, v10;
	v15 =	vsel vm3, $0xC2B60000, v9;
	[tilespmem:$0x1FFA0] =	vst v3;
	v14 =	vsel vm3, $0xC2D60000, v14  }
0x2f: {  	[dreg:$0xc] =	wrdreg s0;
	s1 =	sshrl.u32 s1, $0x3;
	s31 =	sadd.s32 $0xA00, s3;
	v9 =	vsel vm0, $0xC29C0000, v11;
	[tilespmem:$0x1FFC0] =	vst v5;
	v11 =	vsel vm2, $0xC2B80000, v15;
	v14 =	vsel vm2, $0xC2D80000, v14  }
0x30: {  	[dreg:$0xa] =	wrdreg s31;
	s1 =	sadd.s32 s6, s1;
	v7 =	vsel vm0, $0xC2780000, v7;
	[tilespmem:$0x1FFD0] =	vst v6;
	v11 =	vsel vm1, $0xC2BA0000, v11;
	v14 =	vsel vm1, $0xC2DA0000, v14  }
0x31: {  	s14 =	simm.s32 $0x1C000;
	[dreg:$0xb] =	wrdreg s1;
	v10 =	vadd.s32 $0x51, v10;
	s1 =	simm.s32 $0x0;
	[tilespmem:$0x1FFE0] =	vst v7;
	v11 =	vsel vm0, $0xC2BC0000, v11;
	v13 =	vsel vm0, $0xC2DC0000, v14  }
.LBB2_1:
0x32: {  	[dreg:$0xd] =	wrdreg s1  }
0x33: {  	s0 =	rddreg [dreg:$0x9];
	s26 =	simm.s32 $0x1D580;
	s2 =	simm.s32 $0x5  }
0x34: {  	[tilespmem:s26], [sflag:$0x5] =	stream.linear.gather [hbm4b:s0+s12], $0x80, $0x38;
	[tilespmem:$0x1D600] =	vst v63  }
0x35: {  	_ =	swait.ge [sflag:s2], $0x80  }
0x36: {  	[sflag:s2] =	ssyncset.done $0x0  }
0x37: {  	[sflag:s2] =	ssyncadd.s32 $0xFFFFFF80  }
0x38: {  	s3 =	rddreg [dreg:$0xa];
	v14 =	vld [tilespmem:$0x1D580]  }
0x39: {  	v16 =	vadd.s32 s12, v0;
	v15 =	vld [tilespmem:$0x1D590];
	[tilespmem:s14], [sflag:$0x5] =	stream.linear.gather [hbm4b:s3+s12], $0x540, $0x38  }
0x3a: {  	_ =	swait.ge [sflag:s2], $0x540  }
0x3b: {  	[sflag:s2] =	ssyncset.done $0x0  }
0x3c: {  	s17 =	simm.s32 $0x1C030;
	[sflag:s2] =	ssyncadd.s32 $0xFFFFFAC0  }
0x3d: {  	v17 =	vld [tilespmem:s17+$0xFFFFFFD0]  }
0x3e: {  	v16 =	vld.idx.msk [tilespmem:v16+s14+$0x0], $0xffff;
	_ =	sdelay $0x4  }
0x3f: {  	s11 =	simm.s32 $0x70;
	v16 =	vsub.f32 v16, v17  }
0x40: {  	v19 =	vadd.s32 s11, v0  }
0x41: {  	v18 =	vmul.f32 v1, v16  }
0x42: {  	v20 =	vadd.s32 s12, v2  }
0x43: {  	v17 =	vadd.f32 v18, v17  }
0x44: {  	s28 =	simm.s32 $0x1C5B0  }
0x45: {  	s5 =	simm.s32 $0x1C0A0;
	s7 =	simm.s32 $0x1CDB0;
	v18 =	vld.idx.msk [tilespmem:v19+s14+$0x0], $0xffff;
	[tilespmem:s28+$0xFFFFFFD0] =	vst v17  }
0x46: {  	v17 =	vld [tilespmem:s5+$0xFFFFFFD0];
	[tilespmem:s7+$0xFFFFFFD0] =	vst v16  }
0x47: {  	v16 =	vld.idx.msk [tilespmem:v20+s14+$0x0], $0xffff  }
0x48: {  	v19 =	vld [tilespmem:s17+$0xFFFFFFE0];
	_ =	sdelay $0x2  }
0x49: {  	s30 =	simm.s32 $0xE0;
	v18 =	vsub.f32 v18, v17  }
0x4a: {  	v20 =	vadd.s32 s30, v0  }
0x4b: {  	v21 =	vmul.f32 v1, v18;
	v16 =	vsub.f32 v16, v19  }
0x4c: {  	v22 =	vadd.s32 s11, v2  }
0x4d: {  	s29 =	simm.s32 $0x1C110;
	v17 =	vadd.f32 v21, v17;
	v21 =	vmul.f32 v3, v16  }
0x4e: {  	s22 =	simm.s32 $0x1C630;
	v23 =	vadd.s32 s12, v4;
	v24 =	vld [tilespmem:s29+$0xFFFFFFD0]  }
0x4f: {  	s4 =	simm.s32 $0x1CE30;
	[tilespmem:s22+$0xFFFFFFD0] =	vst v17;
	v17 =	vadd.f32 v21, v19;
	v19 =	vld.idx.msk [tilespmem:v20+s14+$0x0], $0xffff  }
0x50: {  	[tilespmem:s4+$0xFFFFFFD0] =	vst v18  }
0x51: {  	[tilespmem:s28+$0xFFFFFFE0] =	vst v17;
	v17 =	vld.idx.msk [tilespmem:v22+s14+$0x0], $0xffff  }
0x52: {  	[tilespmem:s7+$0xFFFFFFE0] =	vst v16;
	v16 =	vld [tilespmem:s5+$0xFFFFFFE0]  }
0x53: {  	v18 =	vld.idx.msk [tilespmem:v23+s14+$0x0], $0xffff  }
0x54: {  	v20 =	vld [tilespmem:s17+$0xFFFFFFF0];
	v19 =	vsub.f32 v19, v24  }
0x55: {  	s21 =	simm.s32 $0x150  }
0x56: {  	v22 =	vadd.s32 s21, v0;
	v21 =	vmul.f32 v1, v19  }
0x57: {  	v23 =	vadd.s32 s30, v2;
	v17 =	vsub.f32 v17, v16  }
0x58: {  	v21 =	vadd.f32 v21, v24  }
0x59: {  	s8 =	simm.s32 $0x1C6B0;
	s3 =	simm.s32 $0x1C180;
	v18 =	vsub.f32 v18, v20;
	v24 =	vmul.f32 v3, v17  }
0x5a: {  	s13 =	simm.s32 $0x1CEB0;
	v25 =	vld [tilespmem:s3+$0xFFFFFFD0];
	[tilespmem:s8+$0xFFFFFFD0] =	vst v21;
	v21 =	vadd.s32 s11, v4  }
0x5b: {  	v22 =	vld.idx.msk [tilespmem:v22+s14+$0x0], $0xffff;
	v26 =	vmul.f32 v5, v18;
	v16 =	vadd.f32 v24, v16;
	[tilespmem:s13+$0xFFFFFFD0] =	vst v19  }
0x5c: {  	v19 =	vadd.s32 s12, v6;
	v23 =	vld.idx.msk [tilespmem:v23+s14+$0x0], $0xffff  }
0x5d: {  	v20 =	vadd.f32 v26, v20;
	[tilespmem:s22+$0xFFFFFFE0] =	vst v16;
	v16 =	vld [tilespmem:s29+$0xFFFFFFE0]  }
0x5e: {  	[tilespmem:s4+$0xFFFFFFE0] =	vst v17  }
0x5f: {  	[tilespmem:s28+$0xFFFFFFF0] =	vst v20;
	v17 =	vld.idx.msk [tilespmem:v21+s14+$0x0], $0xffff  }
0x60: {  	s6 =	simm.s32 $0x1C0;
	v20 =	vld [tilespmem:s5+$0xFFFFFFF0];
	[tilespmem:s7+$0xFFFFFFF0] =	vst v18;
	v18 =	vsub.f32 v22, v25  }
0x61: {  	v24 =	vadd.s32 s6, v0;
	v19 =	vld.idx.msk [tilespmem:v19+s14+$0x0], $0xffff  }
0x62: {  	v21 =	vld [tilespmem:s17+$0x0];
	v22 =	vmul.f32 v1, v18;
	v23 =	vsub.f32 v23, v16  }
0x63: {  	v26 =	vadd.s32 s21, v2  }
0x64: {  	v22 =	vadd.f32 v22, v25;
	v25 =	vmul.f32 v3, v23  }
0x65: {  	s26 =	simm.s32 $0x1C730;
	v27 =	vadd.s32 s30, v4;
	v17 =	vsub.f32 v17, v20  }
0x66: {  	s25 =	simm.s32 $0x1C1F0;
	s31 =	simm.s32 $0x1CF30;
	v24 =	vld.idx.msk [tilespmem:v24+s14+$0x0], $0xffff;
	[tilespmem:s26+$0xFFFFFFD0] =	vst v22;
	v16 =	vadd.f32 v25, v16  }
0x67: {  	v22 =	vld [tilespmem:s25+$0xFFFFFFD0];
	v19 =	vsub.f32 v19, v21;
	v25 =	vmul.f32 v5, v17;
	[tilespmem:s31+$0xFFFFFFD0] =	vst v18  }
0x68: {  	v18 =	vld.idx.msk [tilespmem:v26+s14+$0x0], $0xffff;
	[tilespmem:s8+$0xFFFFFFE0] =	vst v16;
	v16 =	vadd.s32 s11, v6  }
0x69: {  	v20 =	vadd.f32 v25, v20;
	v25 =	vmul.f32 v7, v19;
	[tilespmem:s13+$0xFFFFFFE0] =	vst v23;
	v23 =	vld [tilespmem:s3+$0xFFFFFFE0]  }
0x6a: {  	v26 =	vld.idx.msk [tilespmem:v27+s14+$0x0], $0xffff  }
0x6b: {  	v27 =	vadd.s32 s12, v8;
	v21 =	vadd.f32 v25, v21;
	[tilespmem:s22+$0xFFFFFFF0] =	vst v20;
	v20 =	vld [tilespmem:s29+$0xFFFFFFF0]  }
0x6c: {  	[tilespmem:s4+$0xFFFFFFF0] =	vst v17  }
0x6d: {  	v17 =	vsub.f32 v24, v22;
	[tilespmem:s28+$0x0] =	vst v21;
	v16 =	vld.idx.msk [tilespmem:v16+s14+$0x0], $0xffff  }
0x6e: {  	s16 =	simm.s32 $0x230;
	[tilespmem:s7+$0x0] =	vst v19;
	v19 =	vld [tilespmem:s5+$0x0]  }
0x6f: {  	v24 =	vadd.s32 s16, v0;
	v21 =	vmul.f32 v1, v17;
	v18 =	vsub.f32 v18, v23;
	v28 =	vld [tilespmem:s17+$0x10]  }
0x70: {  	v25 =	vld.idx.msk [tilespmem:v27+s14+$0x0], $0xffff;
	v27 =	vadd.s32 s6, v2;
	v26 =	vsub.f32 v26, v20  }
0x71: {  	v21 =	vadd.f32 v21, v22;
	v22 =	vmul.f32 v3, v18  }
0x72: {  	s18 =	simm.s32 $0x1C7B0;
	s9 =	simm.s32 $0x1C260;
	v29 =	vadd.s32 s21, v4;
	v30 =	vmul.f32 v5, v26  }
0x73: {  	s10 =	simm.s32 $0x1CFB0;
	[tilespmem:s18+$0xFFFFFFD0] =	vst v21;
	v21 =	vadd.f32 v22, v23;
	v22 =	vld [tilespmem:s9+$0xFFFFFFD0];
	v16 =	vsub.f32 v16, v19  }
0x74: {  	v23 =	vld.idx.msk [tilespmem:v24+s14+$0x0], $0xffff;
	[tilespmem:s10+$0xFFFFFFD0] =	vst v17;
	v17 =	vadd.s32 s30, v6;
	v20 =	vadd.f32 v30, v20  }
0x75: {  	[tilespmem:s26+$0xFFFFFFE0] =	vst v21;
	v21 =	vld.idx.msk [tilespmem:v27+s14+$0x0], $0xffff;
	v24 =	vmul.f32 v7, v16;
	v25 =	vsub.f32 v25, v28  }
0x76: {  	[tilespmem:s31+$0xFFFFFFE0] =	vst v18;
	v18 =	vld [tilespmem:s25+$0xFFFFFFE0]  }
0x77: {  	[tilespmem:s8+$0xFFFFFFF0] =	vst v20;
	v27 =	vld.idx.msk [tilespmem:v29+s14+$0x0], $0xffff;
	v29 =	vadd.s32 s11, v8;
	v19 =	vadd.f32 v24, v19;
	v20 =	vmul.f32 v9, v25  }
0x78: {  	v24 =	vld [tilespmem:s3+$0xFFFFFFF0];
	[tilespmem:s13+$0xFFFFFFF0] =	vst v26  }
0x79: {  	v26 =	vadd.s32 s12, v10;
	v17 =	vld.idx.msk [tilespmem:v17+s14+$0x0], $0xffff;
	[tilespmem:s22+$0x0] =	vst v19;
	v19 =	vadd.f32 v20, v28;
	v20 =	vsub.f32 v23, v22  }
0x7a: {  	v23 =	vld [tilespmem:s29+$0x0];
	[tilespmem:s4+$0x0] =	vst v16  }
0x7b: {  	s2 =	simm.s32 $0x2A0;
	v16 =	vsub.f32 v21, v18;
	[tilespmem:s28+$0x10] =	vst v19;
	v21 =	vmul.f32 v1, v20  }
0x7c: {  	v19 =	vld.idx.msk [tilespmem:v29+s14+$0x0], $0xffff;
	[tilespmem:s7+$0x10] =	vst v25;
	v25 =	vadd.s32 s2, v0  }
0x7d: {  	v29 =	vld [tilespmem:s5+$0x10];
	v27 =	vsub.f32 v27, v24;
	v28 =	vmul.f32 v3, v16;
	v21 =	vadd.f32 v21, v22  }
0x7e: {  	s19 =	simm.s32 $0x1C830;
	v26 =	vld.idx.msk [tilespmem:v26+s14+$0x0], $0xffff;
	v22 =	vadd.s32 s16, v2  }
0x7f: {  	s20 =	simm.s32 $0x1D030;
	v30 =	vld [tilespmem:s17+$0x20];
	v17 =	vsub.f32 v17, v23;
	v18 =	vadd.f32 v28, v18;
	v28 =	vmul.f32 v5, v27;
	[tilespmem:s19+$0xFFFFFFD0] =	vst v21  }
0x80: {  	s15 =	simm.s32 $0x1C2D0;
	v21 =	vadd.s32 s6, v4;
	[tilespmem:s20+$0xFFFFFFD0] =	vst v20  }
0x81: {  	v32 =	vld [tilespmem:s15+$0xFFFFFFD0];
	v31 =	vmul.f32 v7, v17;
	[tilespmem:s18+$0xFFFFFFE0] =	vst v18;
	v24 =	vadd.f32 v28, v24  }
0x82: {  	v18 =	vadd.s32 s21, v6;
	v25 =	vld.idx.msk [tilespmem:v25+s14+$0x0], $0xffff;
	v19 =	vsub.f32 v19, v29;
	[tilespmem:s10+$0xFFFFFFE0] =	vst v16  }
0x83: {  	v28 =	vld [tilespmem:s9+$0xFFFFFFE0];
	v20 =	vadd.f32 v31, v23;
	[tilespmem:s26+$0xFFFFFFF0] =	vst v24  }
0x84: {  	v22 =	vld.idx.msk [tilespmem:v22+s14+$0x0], $0xffff;
	v16 =	vadd.s32 s30, v8;
	v26 =	vsub.f32 v26, v30;
	v23 =	vmul.f32 v9, v19;
	[tilespmem:s31+$0xFFFFFFF0] =	vst v27  }
0x85: {  	v21 =	vld.idx.msk [tilespmem:v21+s14+$0x0], $0xffff;
	[tilespmem:s8+$0x0] =	vst v20  }
0x86: {  	v24 =	vadd.s32 s11, v10;
	v20 =	vadd.f32 v23, v29;
	v23 =	vmul.f32 v11, v26;
	[tilespmem:s13+$0x0] =	vst v17;
	v17 =	vld [tilespmem:s3+$0x0]  }
0x87: {  	v18 =	vld.idx.msk [tilespmem:v18+s14+$0x0], $0xffff  }
0x88: {  	v27 =	vld [tilespmem:s25+$0xFFFFFFF0];
	v25 =	vsub.f32 v25, v32;
	[tilespmem:s22+$0x10] =	vst v20;
	v20 =	vadd.f32 v23, v30;
	v23 =	vadd.s32 s12, v12  }
0x89: {  	v16 =	vld.idx.msk [tilespmem:v16+s14+$0x0], $0xffff;
	[tilespmem:s4+$0x10] =	vst v19;
	v19 =	vsub.f32 v22, v28  }
0x8a: {  	s12 =	simm.s32 $0x1CDB0;
	v30 =	vld [tilespmem:s29+$0x10];
	v22 =	vmul.f32 v1, v25;
	[tilespmem:s28+$0x20] =	vst v20  }
0x8b: {  	s8 =	simm.s32 $0x310;
	v24 =	vld.idx.msk [tilespmem:v24+s14+$0x0], $0xffff;
	v29 =	vmul.f32 v3, v19;
	[tilespmem:s12+$0x20] =	vst v26  }
0x8c: {  	s4 =	simm.s32 $0x1C0A0;
	v20 =	vadd.s32 s8, v0;
	v22 =	vadd.f32 v22, v32;
	v18 =	vsub.f32 v18, v17;
	v31 =	vld [tilespmem:s17+$0x30]  }
0x8d: {  	s1 =	simm.s32 $0x1C8B0;
	v21 =	vsub.f32 v21, v27;
	v26 =	vadd.s32 s2, v2;
	v28 =	vadd.f32 v29, v28;
	v62 =	vld.idx.msk [tilespmem:v23+s14+$0x0], $0xffff;
	[dreg:$0x4] =	wrdreg s4  }
0x8e: {  	[tilespmem:s1+$0xFFFFFFD0] =	vst v22;
	v22 =	vmul.f32 v7, v18  }
0x8f: {  	v34 =	vmul.f32 v5, v21;
	v29 =	vadd.s32 s16, v4;
	s16 =	simm.s32 $0x1C340;
	s14 =	simm.s32 $0x1D0B0;
	v33 =	vld [tilespmem:s5+$0x20];
	[tilespmem:s19+$0xFFFFFFE0] =	vst v28  }
0x90: {  	s18 =	simm.s32 $0x1C000;
	v23 =	vld [tilespmem:s16+$0xFFFFFFD0];
	[tilespmem:s14+$0xFFFFFFD0] =	vst v25;
	v17 =	vadd.f32 v22, v17  }
0x91: {  	v35 =	vsub.f32 v16, v30;
	v28 =	vld.idx.msk [tilespmem:v20+s18+$0x0], $0xffff;
	v25 =	vadd.s32 s6, v6;
	v22 =	vadd.f32 v34, v27;
	[tilespmem:s20+$0xFFFFFFE0] =	vst v19  }
0x92: {  	s3 =	simm.s32 $0x1C7B0;
	v63 =	vld.idx.msk [tilespmem:v26+s18+$0x0], $0xffff;
	[tilespmem:s26+$0x0] =	vst v17  }
0x93: {  	v19 =	vmul.f32 v9, v35;
	v27 =	vld [tilespmem:s15+$0xFFFFFFE0];
	v17 =	vadd.s32 s21, v8;
	v20 =	vsub.f32 v62, v31;
	[tilespmem:s3+$0xFFFFFFF0] =	vst v22;
	s21 =	simm.s32 $0xE0  }
0x94: {  	s23 =	simm.s32 $0x1CE30;
	s24 =	simm.s32 $0x1C830;
	v36 =	vld.idx.msk [tilespmem:v29+s18+$0x0], $0xffff;
	v16 =	vsub.f32 v24, v33;
	[dreg:$0x5] =	wrdreg s21  }
0x95: {  	s0 =	simm.s32 $0x1C180;
	s7 =	simm.s32 $0x1CFB0;
	s2 =	simm.s32 $0x230;
	v29 =	vadd.s32 s30, v10;
	v19 =	vadd.f32 v19, v30;
	v24 =	vld [tilespmem:s9+$0xFFFFFFF0];
	[tilespmem:s10+$0xFFFFFFF0] =	vst v21;
	v21 =	vmul.f32 v13, v20  }
0x96: {  	s17 =	simm.s32 $0x1C2D0;
	s4 =	simm.s32 $0x1D030;
	s30 =	simm.s32 $0x1C6B0;
	[tilespmem:s31+$0x0] =	vst v18;
	v30 =	vmul.f32 v11, v16;
	v26 =	vld.idx.msk [tilespmem:v25+s18+$0x0], $0xffff  }
0x97: {  	s5 =	simm.s32 $0x380;
	s19 =	simm.s32 $0x1C0;
	s6 =	simm.s32 $0x150;
	[tilespmem:s30+$0x10] =	vst v19;
	v28 =	vsub.f32 v28, v23;
	v22 =	vld [tilespmem:s25+$0x0];
	v19 =	vadd.f32 v21, v31  }
0x98: {  	s15 =	simm.s32 $0x310;
	s20 =	simm.s32 $0x1C260;
	s21 =	simm.s32 $0x1C8B0;
	[tilespmem:s13+$0x10] =	vst v35;
	v25 =	vadd.f32 v30, v33;
	v21 =	vld.idx.msk [tilespmem:v17+s18+$0x0], $0xffff  }
0x99: {  	s9 =	simm.s32 $0x1C1F0;
	s25 =	simm.s32 $0x1CEB0;
	s13 =	simm.s32 $0x1C340;
	v30 =	vmul.f32 v1, v28;
	v17 =	vld [tilespmem:s29+$0x20];
	[tilespmem:s28+$0x30] =	vst v19  }
0x9a: {  	v18 =	vadd.s32 s11, v12;
	s29 =	simm.s32 $0x2A0;
	v19 =	vld.idx.msk [tilespmem:v29+s18+$0x0], $0xffff;
	v29 =	vsub.f32 v63, v27;
	s28 =	simm.s32 $0x1C110;
	s18 =	simm.s32 $0x1D0B0;
	[tilespmem:s22+$0x20] =	vst v25;
	v25 =	vsub.f32 v36, v24  }
.LBB2_2:
0x9b: {  	[dreg:$0x6] =	wrdreg s22  }
0x9c: {  	v31 =	vadd.s32 s5, v0;
	p0 =	sne.s32 s5, $0x4D0;
	v32 =	vld [tilespmem:s0+$0x10];
	[tilespmem:s12+$0x30] =	vst v20;
	s8 =	smov.u32 s5;
	s5 =	sadd.s32 $0x70, s5;
	v23 =	vadd.f32 v30, v23  }
0x9d: {  	s1 =	sadd.s32 $0x80, s1;
	s12 =	smov.u32 s3;
	s10 =	smov.u32 s24;
	v30 =	vmul.f32 v3, v29;
	[tilespmem:s23+$0x20] =	vst v16  }
0x9e: {  	v20 =	vadd.s32 s15, v2;
	v34 =	vsub.f32 v26, v22;
	s14 =	sadd.s32 $0x80, s14;
	[dreg:$0x7] =	wrdreg s8;
	s8 =	simm.s32 $0x1C000;
	[tilespmem:s1+$0xFFFFFFD0] =	vst v23  }
0x9f: {  	v26 =	vadd.s32 s29, v4;
	s3 =	smov.u32 s21;
	s16 =	sadd.s32 $0x70, s16;
	s11 =	rddreg [dreg:$0x4];
	v16 =	vadd.f32 v30, v27;
	v18 =	vld.idx.msk [tilespmem:v18+s8+$0x0], $0xffff  }
0xa0: {  	s21 =	smov.u32 s15;
	s15 =	smov.u32 s29;
	s29 =	smov.u32 s31;
	v27 =	vmul.f32 v7, v34;
	v30 =	vld [tilespmem:s11+$0x30]  }
0xa1: {  	s31 =	smov.u32 s26;
	s26 =	smov.u32 s0;
	s0 =	smov.u32 s9;
	v33 =	vmul.f32 v5, v25;
	v23 =	vld [tilespmem:s16+$0xFFFFFFD0];
	[tilespmem:s3+$0xFFFFFFE0] =	vst v16  }
0xa2: {  	s24 =	smov.u32 s3;
	s3 =	smov.u32 s7;
	v16 =	vadd.f32 v27, v22;
	v63 =	vsub.f32 v21, v32;
	s7 =	smov.u32 s18;
	v31 =	vld.idx.msk [tilespmem:v31+s8+$0x0], $0xffff;
	[tilespmem:s14+$0xFFFFFFD0] =	vst v28;
	v28 =	vadd.s32 s2, v6  }
0xa3: {  	v24 =	vadd.f32 v33, v24;
	s11 =	smov.u32 s23;
	s23 =	smov.u32 s25;
	s25 =	smov.u32 s4;
	v35 =	vld.idx.msk [tilespmem:v20+s8+$0x0], $0xffff;
	[tilespmem:s7+$0xFFFFFFE0] =	vst v29  }
0xa4: {  	s4 =	smov.u32 s28;
	s28 =	smov.u32 s20;
	s20 =	smov.u32 s13;
	v22 =	vmul.f32 v9, v63;
	v36 =	vld.idx.msk [tilespmem:v26+s8+$0x0], $0xffff;
	[tilespmem:s12+$0x0] =	vst v16  }
0xa5: {  	[dreg:$0x4] =	wrdreg s4;
	s4 =	smov.u32 s7;
	s7 =	smov.u32 s17;
	v16 =	vsub.f32 v19, v17;
	v27 =	vld [tilespmem:s20+$0xFFFFFFE0];
	[tilespmem:s10+$0xFFFFFFF0] =	vst v24  }
0xa6: {  	s22 =	smov.u32 s1;
	s13 =	smov.u32 s16;
	v21 =	vadd.s32 s19, v8;
	s17 =	smov.u32 s20;
	v20 =	vsub.f32 v18, v30;
	v18 =	vadd.f32 v22, v32;
	v24 =	vld [tilespmem:s7+$0xFFFFFFF0];
	[tilespmem:s25+$0xFFFFFFF0] =	vst v25  }
0xa7: {  	v19 =	vadd.s32 s6, v10;
	s20 =	smov.u32 s7;
	s7 =	smov.u32 s25;
	s25 =	rddreg [dreg:$0x5];
	v26 =	vld.idx.msk [tilespmem:v28+s8+$0x0], $0xffff;
	[tilespmem:s3+$0x0] =	vst v34  }
0xa8: {  	s18 =	smov.u32 s14;
	s9 =	smov.u32 s28;
	v25 =	vmul.f32 v11, v16;
	v22 =	vld [tilespmem:s28+$0x0];
	[tilespmem:s31+$0x10] =	vst v18;
	v18 =	vadd.s32 s25, v12;
	s25 =	smov.u32 s6  }
0xa9: {  	s6 =	smov.u32 s19;
	s19 =	smov.u32 s2;
	s2 =	smov.u32 s15  }
.Ltmp0:
0xaa: {  	v29 =	vmul.f32 v13, v20;
	v17 =	vadd.f32 v25, v17;
	[dreg:$0x5] =	wrdreg s25;
	s25 =	smov.u32 s29;
	(pc) =	sbr.rel @p0 .LBB2_2-.Ltmp0, $4  }
0xab: {  	v21 =	vld.idx.msk [tilespmem:v21+s8+$0x0], $0xffff;
	[tilespmem:s29+$0x10] =	vst v63;
	s29 =	smov.u32 s21;
	s21 =	smov.u32 s22;
	s22 =	rddreg [dreg:$0x7]  }
0xac: {  	v28 =	vsub.f32 v31, v23;
	s28 =	smov.u32 s26;
	v31 =	vadd.f32 v29, v30;
	s15 =	smov.u32 s22;
	v19 =	vld.idx.msk [tilespmem:v19+s8+$0x0], $0xffff;
	[tilespmem:s30+$0x20] =	vst v17;
	s22 =	smov.u32 s30  }
0xad: {  	s30 =	smov.u32 s31;
	s31 =	smov.u32 s3;
	v17 =	vld [tilespmem:s26+$0x20];
	s26 =	rddreg [dreg:$0x6]  }
0xae: {  	v30 =	vmul.f32 v1, v28;
	v29 =	vsub.f32 v35, v27;
	s3 =	smov.u32 s10;
	v25 =	vsub.f32 v36, v24;
	[tilespmem:s26+$0x30] =	vst v31;
	s26 =	smov.u32 s12;
	s12 =	smov.u32 s11  }
0xaf: {  	v31 =	vadd.s32 s15, v2  }
0xb0: {  	v23 =	vadd.f32 v30, v23  }
0xb1: {  	s1 =	sadd.s32 $0x80, s1  }
0xb2: {  	s14 =	sadd.s32 $0x80, s14;
	[tilespmem:s1+$0xFFFFFFD0] =	vst v23  }
0xb3: {  	s10 =	simm.s32 $0x1C000;
	[tilespmem:s14+$0xFFFFFFD0] =	vst v28  }
0xb4: {  	v23 =	vld.idx.msk [tilespmem:v31+s10+$0x0], $0xffff  }
0xb5: {  	v28 =	vld [tilespmem:s13+$0xFFFFFFE0];
	_ =	sdelay $0x1  }
0xb6: {  	v53 =	vmul.f32 v3, v29  }
0xb7: {  	v54 =	vadd.s32 s29, v4  }
0xb8: {  	v27 =	vadd.f32 v53, v27  }
0xb9: {  	v23 =	vsub.f32 v23, v28  }
0xba: {  	[tilespmem:s21+$0xFFFFFFE0] =	vst v27  }
0xbb: {  	[tilespmem:s18+$0xFFFFFFE0] =	vst v29;
	v55 =	vmul.f32 v3, v23  }
0xbc: {  	v32 =	vadd.s32 s15, v4;
	v57 =	vld.idx.msk [tilespmem:v54+s10+$0x0], $0xffff  }
0xbd: {  	v58 =	vld [tilespmem:s17+$0xFFFFFFF0];
	v56 =	vadd.f32 v55, v28;
	_ =	sdelay $0x1  }
0xbe: {  	[tilespmem:s1+$0xFFFFFFE0] =	vst v56  }
0xbf: {  	[tilespmem:s14+$0xFFFFFFE0] =	vst v23  }
0xc0: {  	v23 =	vld.idx.msk [tilespmem:v32+s10+$0x0], $0xffff  }
0xc1: {  	v28 =	vsub.f32 v57, v58;
	v59 =	vld [tilespmem:s13+$0xFFFFFFF0];
	_ =	sdelay $0x1  }
0xc2: {  	v62 =	vmul.f32 v5, v28  }
0xc3: {  	v63 =	vadd.s32 s29, v6  }
0xc4: {  	v60 =	vmul.f32 v5, v25;
	v0 =	vadd.f32 v62, v58  }
0xc5: {  	v61 =	vadd.s32 s2, v6;
	v23 =	vsub.f32 v23, v59  }
0xc6: {  	v24 =	vadd.f32 v60, v24;
	[tilespmem:s21+$0xFFFFFFF0] =	vst v0  }
0xc7: {  	[tilespmem:s18+$0xFFFFFFF0] =	vst v28;
	v1 =	vmul.f32 v5, v23  }
0xc8: {  	v2 =	vadd.s32 s15, v6;
	[tilespmem:s24+$0xFFFFFFF0] =	vst v24;
	v28 =	vld.idx.msk [tilespmem:v63+s10+$0x0], $0xffff  }
0xc9: {  	[tilespmem:s4+$0xFFFFFFF0] =	vst v25;
	v6 =	vld [tilespmem:s17+$0x0];
	v4 =	vadd.f32 v1, v59  }
0xca: {  	v3 =	vld.idx.msk [tilespmem:v61+s10+$0x0], $0xffff  }
0xcb: {  	v5 =	vld [tilespmem:s20+$0x0];
	[tilespmem:s1+$0xFFFFFFF0] =	vst v4  }
0xcc: {  	v36 =	vsub.f32 v26, v22;
	[tilespmem:s14+$0xFFFFFFF0] =	vst v23  }
0xcd: {  	v25 =	vld.idx.msk [tilespmem:v2+s10+$0x0], $0xffff  }
0xce: {  	v38 =	vmul.f32 v7, v36;
	v28 =	vsub.f32 v28, v6;
	v37 =	vld [tilespmem:s13+$0x0]  }
0xcf: {  	v39 =	vadd.s32 s19, v8  }
0xd0: {  	v40 =	vadd.f32 v38, v22;
	v44 =	vmul.f32 v7, v28;
	v30 =	vsub.f32 v3, v5  }
0xd1: {  	v45 =	vadd.s32 s29, v8  }
0xd2: {  	[tilespmem:s3+$0x0] =	vst v40;
	v24 =	vadd.f32 v44, v6;
	v41 =	vmul.f32 v7, v30  }
0xd3: {  	v42 =	vadd.s32 s2, v8;
	v43 =	vld [tilespmem:s0+$0x10];
	[tilespmem:s7+$0x0] =	vst v36;
	v25 =	vsub.f32 v25, v37  }
0xd4: {  	v31 =	vld.idx.msk [tilespmem:v39+s10+$0x0], $0xffff;
	[tilespmem:s21+$0x0] =	vst v24;
	v27 =	vadd.f32 v41, v5  }
0xd5: {  	v47 =	vld [tilespmem:s9+$0x10];
	[tilespmem:s18+$0x0] =	vst v28;
	v46 =	vmul.f32 v7, v25  }
0xd6: {  	v48 =	vadd.s32 s15, v8;
	v23 =	vld.idx.msk [tilespmem:v45+s10+$0x0], $0xffff;
	[tilespmem:s24+$0x0] =	vst v27  }
0xd7: {  	v52 =	vld [tilespmem:s17+$0x10];
	[tilespmem:s4+$0x0] =	vst v30;
	v49 =	vadd.f32 v46, v37  }
0xd8: {  	v21 =	vsub.f32 v21, v43;
	v32 =	vld.idx.msk [tilespmem:v42+s10+$0x0], $0xffff  }
0xd9: {  	v50 =	vld [tilespmem:s20+$0x10];
	[tilespmem:s1+$0x0] =	vst v49  }
0xda: {  	v51 =	vmul.f32 v9, v21;
	v54 =	vsub.f32 v31, v47;
	[tilespmem:s14+$0x0] =	vst v25  }
0xdb: {  	v53 =	vadd.s32 s6, v10;
	v30 =	vld.idx.msk [tilespmem:v48+s10+$0x0], $0xffff  }
0xdc: {  	v22 =	vadd.f32 v51, v43;
	v31 =	vmul.f32 v9, v54;
	v23 =	vsub.f32 v23, v52;
	v55 =	vld [tilespmem:s13+$0x10]  }
0xdd: {  	v56 =	vadd.s32 s19, v10  }
0xde: {  	[tilespmem:s26+$0x10] =	vst v22;
	v57 =	vadd.f32 v31, v47;
	v62 =	vmul.f32 v9, v23;
	v32 =	vsub.f32 v32, v50  }
0xdf: {  	[tilespmem:s31+$0x10] =	vst v21  }
0xe0: {  	[tilespmem:s3+$0x10] =	vst v57;
	v0 =	vld [tilespmem:s0+$0x20];
	v1 =	vadd.s32 s29, v10;
	v2 =	vadd.f32 v62, v52;
	v58 =	vmul.f32 v9, v32  }
0xe1: {  	v60 =	vadd.s32 s2, v10;
	[tilespmem:s7+$0x10] =	vst v54;
	v59 =	vld.idx.msk [tilespmem:v53+s10+$0x0], $0xffff;
	v63 =	vsub.f32 v30, v55  }
0xe2: {  	[tilespmem:s21+$0x10] =	vst v2;
	v61 =	vadd.f32 v58, v50  }
0xe3: {  	v22 =	vld.idx.msk [tilespmem:v56+s10+$0x0], $0xffff;
	[tilespmem:s18+$0x10] =	vst v23;
	v3 =	vmul.f32 v9, v63  }
0xe4: {  	v19 =	vsub.f32 v19, v17;
	v4 =	vld [tilespmem:s9+$0x20];
	v5 =	vadd.s32 s15, v10;
	[tilespmem:s24+$0x10] =	vst v61  }
0xe5: {  	v36 =	vld.idx.msk [tilespmem:v1+s10+$0x0], $0xffff;
	[tilespmem:s4+$0x10] =	vst v32;
	v6 =	vadd.f32 v3, v55  }
0xe6: {  	[tilespmem:s12+$0x30] =	vst v20;
	v35 =	vmul.f32 v11, v19;
	v20 =	vsub.f32 v59, v0;
	v25 =	vld.idx.msk [tilespmem:v60+s10+$0x0], $0xffff  }
0xe7: {  	v7 =	vld [tilespmem:s20+$0x20];
	[tilespmem:s1+$0x10] =	vst v6  }
0xe8: {  	v17 =	vadd.f32 v35, v17;
	v39 =	vmul.f32 v11, v20;
	v38 =	vld [tilespmem:s17+$0x20];
	s11 =	rddreg [dreg:$0x5];
	[tilespmem:s14+$0x10] =	vst v63  }
0xe9: {  	[tilespmem:s23+$0x20] =	vst v16;
	v29 =	vld.idx.msk [tilespmem:v5+s10+$0x0], $0xffff  }
0xea: {  	v40 =	vadd.s32 s6, v12;
	v22 =	vsub.f32 v22, v4;
	v16 =	vld [tilespmem:s13+$0x20];
	s16 =	rddreg [dreg:$0x4];
	[tilespmem:s30+$0x20] =	vst v17;
	v17 =	vadd.f32 v39, v0  }
0xeb: {  	v37 =	vadd.s32 s11, v12;
	v18 =	vld.idx.msk [tilespmem:v18+s10+$0x0], $0xffff;
	[tilespmem:s25+$0x20] =	vst v19  }
0xec: {  	v42 =	vmul.f32 v11, v22;
	v25 =	vsub.f32 v25, v7;
	v41 =	vld [tilespmem:s16+$0x30];
	[tilespmem:s26+$0x20] =	vst v17  }
0xed: {  	v26 =	vsub.f32 v36, v38;
	v19 =	vld [tilespmem:s28+$0x30];
	[tilespmem:s31+$0x20] =	vst v20  }
0xee: {  	v43 =	vadd.s32 s19, v12;
	v44 =	vmul.f32 v11, v25;
	v17 =	vadd.f32 v42, v4;
	v20 =	vld [tilespmem:s0+$0x30]  }
0xef: {  	v46 =	vmul.f32 v11, v26;
	v31 =	vld.idx.msk [tilespmem:v40+s10+$0x0], $0xffff  }
0xf0: {  	v45 =	vadd.s32 s2, v12;
	[tilespmem:s3+$0x20] =	vst v17;
	v17 =	vadd.f32 v44, v7;
	v21 =	vld.idx.msk [tilespmem:v37+s10+$0x0], $0xffff;
	v47 =	vsub.f32 v29, v16  }
0xf1: {  	v48 =	vadd.s32 s29, v12;
	[tilespmem:s7+$0x20] =	vst v22  }
0xf2: {  	v22 =	vld [tilespmem:s9+$0x30];
	v18 =	vsub.f32 v18, v41;
	[tilespmem:s24+$0x20] =	vst v17;
	v17 =	vadd.f32 v46, v38;
	v49 =	vmul.f32 v11, v47  }
0xf3: {  	v50 =	vadd.s32 s15, v12;
	v30 =	vld.idx.msk [tilespmem:v43+s10+$0x0], $0xffff;
	[tilespmem:s4+$0x20] =	vst v25  }
0xf4: {  	v25 =	vld [tilespmem:s20+$0x30];
	[tilespmem:s21+$0x20] =	vst v17;
	v17 =	vmul.f32 v13, v18;
	v16 =	vadd.f32 v49, v16;
	v31 =	vsub.f32 v31, v20  }
0xf5: {  	v51 =	vld.idx.msk [tilespmem:v45+s10+$0x0], $0xffff;
	[tilespmem:s18+$0x20] =	vst v26;
	v21 =	vsub.f32 v21, v19  }
0xf6: {  	v26 =	vld [tilespmem:s17+$0x30];
	v17 =	vadd.f32 v17, v41;
	[tilespmem:s1+$0x20] =	vst v16;
	v53 =	vmul.f32 v13, v31  }
0xf7: {  	v16 =	vld.idx.msk [tilespmem:v48+s10+$0x0], $0xffff;
	v52 =	vmul.f32 v13, v21;
	[tilespmem:s14+$0x20] =	vst v47  }
0xf8: {  	v54 =	vsub.f32 v30, v22;
	[tilespmem:s22+$0x30] =	vst v17;
	v17 =	vld [tilespmem:s13+$0x30];
	v56 =	vadd.f32 v53, v20  }
0xf9: {  	[tilespmem:s23+$0x30] =	vst v18;
	v55 =	vld.idx.msk [tilespmem:v50+s10+$0x0], $0xffff;
	v19 =	vadd.f32 v52, v19  }
0xfa: {  	v57 =	vmul.f32 v13, v54;
	v23 =	vsub.f32 v51, v25;
	[tilespmem:s26+$0x30] =	vst v56  }
0xfb: {  	[tilespmem:s30+$0x30] =	vst v19  }
0xfc: {  	v58 =	vadd.f32 v57, v22;
	v59 =	vmul.f32 v13, v23;
	v16 =	vsub.f32 v16, v26;
	[tilespmem:s31+$0x30] =	vst v31  }
0xfd: {  	[tilespmem:s25+$0x30] =	vst v21  }
0xfe: {  	[tilespmem:s3+$0x30] =	vst v58;
	v60 =	vadd.f32 v59, v25;
	v61 =	vmul.f32 v13, v16;
	v18 =	vsub.f32 v55, v17  }
0xff: {  	[tilespmem:s7+$0x30] =	vst v54  }
0x100: {  	[tilespmem:s24+$0x30] =	vst v60;
	v62 =	vadd.f32 v61, v26;
	v63 =	vmul.f32 v13, v18  }
0x101: {  	[tilespmem:s4+$0x30] =	vst v23  }
0x102: {  	[tilespmem:s21+$0x30] =	vst v62;
	v17 =	vadd.f32 v63, v17  }
0x103: {  	s12 =	simm.s32 $0x0;
	s8 =	simm.s32 $0x7000;
	[tilespmem:s18+$0x30] =	vst v16  }
0x104: {  	s15 =	simm.s32 $0x15000;
	s11 =	simm.s32 $0x2;
	s7 =	rddreg [dreg:$0x2];
	[tilespmem:s1+$0x30] =	vst v17  }
0x105: {  	s9 =	simm.s32 $0x1;
	s10 =	simm.s32 $0xE000;
	s4 =	rddreg [dreg:$0x0];
	[tilespmem:s14+$0x30] =	vst v18  }
0x106: {  	s13 =	simm.s32 $0x4;
	s25 =	simm.s32 $0x0;
	s31 =	rddreg [dreg:$0xb]  }
0x107: {  	s21 =	simm.s32 $0x0;
	s14 =	simm.s32 $0x1C000;
	s5 =	rddreg [dreg:$0x8]  }
0x108: {  	[tilespmem:s21], [sflag:$0x1] =	stream.linear.gather [hbm4b:s31+s21], $0x7000, $0x38;
	[tilespmem:$0x1D600] =	vst v63  }
.LBB2_4:
0x109: {  	s0 =	sadd.s32 s5, s25  }
0x10a: {  	s1 =	smulhi.u32 $0xAAAAAAAB, s0;
	_ =	sdelay $0x1  }
0x10b: {  	s1 =	sshrl.u32 s1, $0x6  }
0x10c: {  	s2 =	smul.u32 $0x60, s1;
	_ =	sdelay $0x1  }
0x10d: {  	s1 =	smul.u32 $0x540000, s1;
	s0 =	ssub.s32 s0, s2  }
0x10e: {  	s0 =	smul.u32 $0xE000, s0;
	_ =	sdelay $0x1  }
0x10f: {  	s0 =	sadd.s32 s0, s1  }
0x110: {  	s26 =	sshrl.u32 s0, $0x3  }
0x111: {  	s22 =	sadd.s32 $0xE00, s26  }
0x112: {  	s2 =	sadd.s32 s4, s22  }
0x113: {  	[tilespmem:s8], [sflag:$0x2] =	stream.linear.gather [hbm4b:s2+s12], $0x7000, $0x38;
	[tilespmem:$0x1D600] =	vst v63  }
0x114: {  	_ =	swait.ge [sflag:s9], $0x7000  }
0x115: {  	p0 =	seq.s32 s25, $0x0;
	[sflag:s9] =	ssyncset.done $0x0  }
0x116: {  	s0 =	simm.s32 @!p0 $0x3;
	[sflag:s9] =	ssyncadd.s32 $0xFFFF9000  }
0x117: {  	_ =	swait.ge @!p0 [sflag:s0], $0x7000  }
0x118: {  	s3 =	sand.u32 $0x7800, s21;
	s6 =	sand.u32 $0x300, s21;
	[sflag:s0] =	ssyncset.done @!p0 $0x0  }
0x119: {  	s28 =	sor.u32 s6, s3;
	[sflag:s0] =	ssyncadd.s32 @!p0 $0xFFFF9000  }
0x11a: {  	v16 =	vld [tilespmem:s28+$0x80];
	_ =	sdelay $0x4  }
0x11b: {  	v16 =	vsub.f32 v16, v14  }
0x11c: {  	v17 =	vld [tilespmem:s28+$0x0]  }
0x11d: {  	v16 =	vmul.f32 v16, v15;
	_ =	sdelay $0x1  }
0x11e: {  	v18 =	vld [tilespmem:s28+$0x90];
	v16 =	vmax.f32 v16, $0.0e+00  }
0x11f: {  	v16 =	vmin.f32 v16, $9.999999230e+01  }
0x120: {  	v17 =	vsub.f32 v17, v14;
	v19 =	vtrunc.f32 v16  }
0x121: {  	v19 =	vcvt.f32.s32 v19  }
0x122: {  	v17 =	vmul.f32 v17, v15  }
0x123: {  	v18 =	vsub.f32 v18, v14  }
0x124: {  	v17 =	vmax.f32 v17, $0.0e+00  }
0x125: {  	s16 =	sshll.u32 s25, $0x7;
	v20 =	vld [tilespmem:s28+$0x10];
	v18 =	vmul.f32 v18, v15;
	v17 =	vmin.f32 v17, $9.999999230e+01  }
0x126: {  	s24 =	sadd.s32 $0x1CD80, s16;
	v24 =	vtrunc.f32 v17  }
0x127: {  	v18 =	vmax.f32 v18, $0.0e+00;
	v24 =	vcvt.f32.s32 v24;
	v25 =	vld.idx.msk [tilespmem:v19+s24+$0x0], $0xffff  }
0x128: {  	s23 =	sadd.s32 $0x1C580, s16;
	v26 =	vmin.f32 v18, $9.999999230e+01;
	v18 =	vld [tilespmem:s28+$0xA0]  }
0x129: {  	v19 =	vld.idx.msk [tilespmem:v19+s23+$0x0], $0xffff  }
0x12a: {  	v20 =	vsub.f32 v20, v14;
	v28 =	vtrunc.f32 v26  }
0x12b: {  	v28 =	vcvt.f32.s32 v28  }
0x12c: {  	v20 =	vmul.f32 v20, v15;
	v16 =	vmul.f32 v16, v25  }
0x12d: {  	v25 =	vld.idx.msk [tilespmem:v24+s24+$0x0], $0xffff  }
0x12e: {  	v21 =	vld [tilespmem:s28+$0x20];
	v20 =	vmax.f32 v20, $0.0e+00;
	v18 =	vsub.f32 v18, v14;
	v16 =	vadd.f32 v16, v19  }
0x12f: {  	v19 =	vmin.f32 v20, $9.999999230e+01;
	v20 =	vld.idx.msk [tilespmem:v24+s23+$0x0], $0xffff  }
0x130: {  	v24 =	vtrunc.f32 v19;
	[tilespmem:s28+$0xE080] =	vst v16;
	v16 =	vmul.f32 v18, v15  }
0x131: {  	v24 =	vcvt.f32.s32 v24;
	v33 =	vld.idx.msk [tilespmem:v28+s24+$0x0], $0xffff  }
0x132: {  	v17 =	vmul.f32 v17, v25;
	v25 =	vld.idx.msk [tilespmem:v28+s23+$0x0], $0xffff;
	v16 =	vmax.f32 v16, $0.0e+00  }
0x133: {  	v28 =	vmin.f32 v16, $9.999999230e+01;
	v16 =	vld [tilespmem:s28+$0xB0]  }
0x134: {  	v21 =	vsub.f32 v21, v14;
	v17 =	vadd.f32 v17, v20;
	v20 =	vtrunc.f32 v28  }
0x135: {  	v20 =	vcvt.f32.s32 v20  }
0x136: {  	v21 =	vmul.f32 v21, v15;
	[tilespmem:s28+$0xE000] =	vst v17;
	v17 =	vmul.f32 v26, v33  }
0x137: {  	v26 =	vld.idx.msk [tilespmem:v24+s24+$0x0], $0xffff  }
0x138: {  	v22 =	vld [tilespmem:s28+$0x30];
	v21 =	vmax.f32 v21, $0.0e+00;
	v17 =	vadd.f32 v17, v25;
	v16 =	vsub.f32 v16, v14  }
0x139: {  	v21 =	vmin.f32 v21, $9.999999230e+01;
	v24 =	vld.idx.msk [tilespmem:v24+s23+$0x0], $0xffff  }
0x13a: {  	v25 =	vtrunc.f32 v21;
	[tilespmem:s28+$0xE090] =	vst v17;
	v16 =	vmul.f32 v16, v15  }
0x13b: {  	v25 =	vcvt.f32.s32 v25;
	v48 =	vld.idx.msk [tilespmem:v20+s24+$0x0], $0xffff  }
0x13c: {  	v35 =	vld [tilespmem:s28+$0xC0];
	v19 =	vmul.f32 v19, v26;
	v16 =	vmax.f32 v16, $0.0e+00  }
0x13d: {  	v20 =	vld.idx.msk [tilespmem:v20+s23+$0x0], $0xffff;
	v26 =	vmin.f32 v16, $9.999999230e+01  }
0x13e: {  	v22 =	vsub.f32 v22, v14;
	v19 =	vadd.f32 v19, v24;
	v24 =	vtrunc.f32 v26  }
0x13f: {  	v24 =	vcvt.f32.s32 v24  }
0x140: {  	v23 =	vld [tilespmem:s28+$0x40];
	v22 =	vmul.f32 v22, v15;
	[tilespmem:s28+$0xE010] =	vst v19;
	v19 =	vmul.f32 v28, v48  }
0x141: {  	v28 =	vld.idx.msk [tilespmem:v25+s24+$0x0], $0xffff  }
0x142: {  	v27 =	vld [tilespmem:s28+$0x50];
	v22 =	vmax.f32 v22, $0.0e+00;
	v19 =	vadd.f32 v19, v20;
	v20 =	vsub.f32 v35, v14  }
0x143: {  	v22 =	vmin.f32 v22, $9.999999230e+01;
	v25 =	vld.idx.msk [tilespmem:v25+s23+$0x0], $0xffff  }
0x144: {  	v29 =	vld [tilespmem:s28+$0x60];
	v49 =	vtrunc.f32 v22;
	[tilespmem:s28+$0xE0A0] =	vst v19;
	v19 =	vmul.f32 v20, v15  }
0x145: {  	v20 =	vcvt.f32.s32 v49;
	v50 =	vld.idx.msk [tilespmem:v24+s24+$0x0], $0xffff  }
0x146: {  	v21 =	vmul.f32 v21, v28;
	v24 =	vld.idx.msk [tilespmem:v24+s23+$0x0], $0xffff;
	v19 =	vmax.f32 v19, $0.0e+00  }
0x147: {  	v28 =	vld [tilespmem:s28+$0xD0];
	v19 =	vmin.f32 v19, $9.999999230e+01  }
0x148: {  	v30 =	vld [tilespmem:s28+$0x70];
	v23 =	vsub.f32 v23, v14;
	v21 =	vadd.f32 v21, v25;
	v25 =	vtrunc.f32 v19  }
0x149: {  	v32 =	vld [tilespmem:s28+$0x410];
	v25 =	vcvt.f32.s32 v25  }
0x14a: {  	v52 =	vld [tilespmem:s28+$0xF0];
	v23 =	vmul.f32 v23, v15;
	[tilespmem:s28+$0xE020] =	vst v21;
	v21 =	vmul.f32 v26, v50  }
0x14b: {  	s17 =	simm.s32 $0x100;
	s18 =	simm.s32 $0x200;
	v26 =	vld.idx.msk [tilespmem:v20+s24+$0x0], $0xffff  }
0x14c: {  	s1 =	sand.u32 $0x7800, s18;
	s0 =	sand.u32 $0x300, s17;
	v39 =	vld [tilespmem:s28+$0x480];
	v23 =	vmax.f32 v23, $0.0e+00;
	v21 =	vadd.f32 v21, v24;
	v24 =	vsub.f32 v28, v14  }
0x14d: {  	s29 =	sor.u32 s0, s1;
	v23 =	vmin.f32 v23, $9.999999230e+01;
	v20 =	vld.idx.msk [tilespmem:v20+s23+$0x0], $0xffff  }
0x14e: {  	v40 =	vld [tilespmem:s29+$0x10];
	v28 =	vtrunc.f32 v23;
	[tilespmem:s28+$0xE0B0] =	vst v21;
	v21 =	vmul.f32 v24, v15  }
0x14f: {  	v28 =	vcvt.f32.s32 v28;
	v24 =	vld.idx.msk [tilespmem:v25+s24+$0x0], $0xffff  }
0x150: {  	v22 =	vmul.f32 v22, v26;
	v25 =	vld.idx.msk [tilespmem:v25+s23+$0x0], $0xffff;
	v21 =	vmax.f32 v21, $0.0e+00  }
0x151: {  	v26 =	vsub.f32 v29, v14;
	v29 =	vmin.f32 v21, $9.999999230e+01;
	v21 =	vld [tilespmem:s28+$0xE0]  }
0x152: {  	v31 =	vld [tilespmem:s28+$0x400];
	v27 =	vsub.f32 v27, v14;
	v20 =	vadd.f32 v22, v20;
	v22 =	vtrunc.f32 v29  }
0x153: {  	v41 =	vld [tilespmem:s29+$0x20];
	v32 =	vsub.f32 v32, v14;
	v55 =	vsub.f32 v52, v14;
	v22 =	vcvt.f32.s32 v22  }
0x154: {  	v56 =	vld [tilespmem:s29+$0x0];
	v58 =	vsub.f32 v39, v14;
	v27 =	vmul.f32 v27, v15;
	[tilespmem:s28+$0xE030] =	vst v20;
	v19 =	vmul.f32 v19, v24  }
0x155: {  	v40 =	vsub.f32 v40, v14;
	v26 =	vmul.f32 v26, v15;
	v20 =	vsub.f32 v30, v14;
	v51 =	vld.idx.msk [tilespmem:v28+s24+$0x0], $0xffff  }
0x156: {  	v27 =	vmax.f32 v27, $0.0e+00;
	v19 =	vadd.f32 v19, v25;
	v21 =	vsub.f32 v21, v14  }
0x157: {  	v30 =	vmin.f32 v27, $9.999999230e+01;
	v24 =	vmax.f32 v26, $0.0e+00;
	v26 =	vld.idx.msk [tilespmem:v28+s23+$0x0], $0xffff;
	v20 =	vmul.f32 v20, v15  }
0x158: {  	v43 =	vld [tilespmem:s29+$0x30];
	v41 =	vsub.f32 v41, v14;
	v25 =	vtrunc.f32 v30;
	[tilespmem:s28+$0xE0C0] =	vst v19;
	v19 =	vmul.f32 v21, v15  }
0x159: {  	v33 =	vsub.f32 v56, v14;
	v25 =	vcvt.f32.s32 v25;
	v20 =	vmax.f32 v20, $0.0e+00;
	v28 =	vld.idx.msk [tilespmem:v22+s24+$0x0], $0xffff  }
0x15a: {  	v34 =	vld [tilespmem:s28+$0x420];
	v21 =	vsub.f32 v31, v14;
	v31 =	vmul.f32 v23, v51;
	v19 =	vmax.f32 v19, $0.0e+00  }
0x15b: {  	v33 =	vmul.f32 v33, v15;
	v22 =	vld.idx.msk [tilespmem:v22+s23+$0x0], $0xffff;
	v23 =	vmin.f32 v20, $9.999999230e+01;
	v19 =	vmin.f32 v19, $9.999999230e+01  }
0x15c: {  	v20 =	vmul.f32 v21, v15;
	v26 =	vadd.f32 v31, v26;
	v21 =	vtrunc.f32 v19  }
0x15d: {  	v43 =	vsub.f32 v43, v14;
	v59 =	vmul.f32 v58, v15;
	v53 =	vcvt.f32.s32 v21  }
0x15e: {  	v18 =	vld [tilespmem:s28+$0x430];
	v33 =	vmax.f32 v33, $0.0e+00;
	v20 =	vmax.f32 v20, $0.0e+00;
	[tilespmem:s28+$0xE040] =	vst v26;
	v26 =	vmul.f32 v29, v28  }
0x15f: {  	v31 =	vtrunc.f32 v23;
	v21 =	vmin.f32 v20, $9.999999230e+01;
	v20 =	vsub.f32 v34, v14;
	v54 =	vld.idx.msk [tilespmem:v25+s24+$0x0], $0xffff  }
0x160: {  	v28 =	vtrunc.f32 v21;
	v29 =	vmul.f32 v32, v15;
	v38 =	vld.idx.msk [tilespmem:v25+s23+$0x0], $0xffff;
	v26 =	vadd.f32 v26, v22  }
0x161: {  	v33 =	vmin.f32 v33, $9.999999230e+01;
	v25 =	vcvt.f32.s32 v31;
	v22 =	vcvt.f32.s32 v28;
	v28 =	vld [tilespmem:s29+$0x80]  }
0x162: {  	v44 =	vld [tilespmem:s29+$0x40];
	v31 =	vmul.f32 v55, v15;
	v20 =	vmul.f32 v20, v15;
	v29 =	vmax.f32 v29, $0.0e+00;
	[tilespmem:s28+$0xE0D0] =	vst v26  }
0x163: {  	v18 =	vsub.f32 v18, v14;
	v61 =	vtrunc.f32 v33;
	v26 =	vmin.f32 v29, $9.999999230e+01;
	v29 =	vld.idx.msk [tilespmem:v53+s24+$0x0], $0xffff  }
0x164: {  	v45 =	vld [tilespmem:s29+$0x50];
	v62 =	vcvt.f32.s32 v61;
	v31 =	vmax.f32 v31, $0.0e+00;
	v20 =	vmax.f32 v20, $0.0e+00  }
0x165: {  	v18 =	vmul.f32 v18, v15;
	v31 =	vmin.f32 v31, $9.999999230e+01;
	v32 =	vmin.f32 v20, $9.999999230e+01;
	v35 =	vld.idx.msk [tilespmem:v53+s23+$0x0], $0xffff  }
0x166: {  	v56 =	vld [tilespmem:s28+$0x4A0];
	v57 =	vtrunc.f32 v31;
	v36 =	vtrunc.f32 v32;
	v28 =	vsub.f32 v28, v14  }
0x167: {  	v18 =	vmax.f32 v18, $0.0e+00;
	v17 =	vld [tilespmem:s28+$0x440];
	v42 =	vcvt.f32.s32 v57;
	v37 =	vcvt.f32.s32 v36  }
0x168: {  	v16 =	vld [tilespmem:s28+$0x450];
	v36 =	vmin.f32 v18, $9.999999230e+01;
	v18 =	vmul.f32 v19, v29;
	v19 =	vmul.f32 v28, v15  }
0x169: {  	v45 =	vsub.f32 v45, v14;
	v40 =	vmul.f32 v40, v15;
	v41 =	vmul.f32 v41, v15;
	v48 =	vld [tilespmem:s28+$0x490]  }
0x16a: {  	v43 =	vmul.f32 v43, v15;
	v52 =	vld.idx.msk [tilespmem:v62+s24+$0x0], $0xffff;
	v18 =	vadd.f32 v18, v35;
	v19 =	vmax.f32 v19, $0.0e+00  }
0x16b: {  	v40 =	vmax.f32 v40, $0.0e+00;
	v34 =	vmax.f32 v59, $0.0e+00;
	v46 =	vmin.f32 v19, $9.999999230e+01;
	v19 =	vld [tilespmem:s29+$0x90]  }
0x16c: {  	v47 =	vmin.f32 v34, $9.999999230e+01;
	v34 =	vld [tilespmem:s29+$0x400];
	v30 =	vmul.f32 v30, v54;
	[tilespmem:s28+$0xE0E0] =	vst v18;
	v18 =	vtrunc.f32 v46  }
0x16d: {  	v17 =	vsub.f32 v17, v14;
	v24 =	vmin.f32 v24, $9.999999230e+01;
	v60 =	vld.idx.msk [tilespmem:v42+s24+$0x0], $0xffff;
	v18 =	vcvt.f32.s32 v18  }
0x16e: {  	v27 =	vtrunc.f32 v24;
	v55 =	vmin.f32 v40, $9.999999230e+01;
	v40 =	vld [tilespmem:s29+$0x410];
	v30 =	vadd.f32 v30, v38  }
0x16f: {  	v45 =	vmul.f32 v45, v15;
	v27 =	vcvt.f32.s32 v27;
	v42 =	vld.idx.msk [tilespmem:v42+s23+$0x0], $0xffff  }
0x170: {  	v17 =	vmul.f32 v17, v15;
	v53 =	vld [tilespmem:s29+$0xA0];
	[tilespmem:s28+$0xE050] =	vst v30;
	v30 =	vtrunc.f32 v47;
	v19 =	vsub.f32 v19, v14  }
0x171: {  	v41 =	vmax.f32 v41, $0.0e+00;
	v16 =	vsub.f32 v16, v14;
	v38 =	vld.idx.msk [tilespmem:v62+s23+$0x0], $0xffff;
	v30 =	vcvt.f32.s32 v30  }
0x172: {  	v17 =	vmax.f32 v17, $0.0e+00;
	v28 =	vld [tilespmem:s29+$0x60];
	v31 =	vmul.f32 v31, v60;
	v51 =	vmul.f32 v19, v15  }
0x173: {  	v16 =	vmul.f32 v16, v15;
	v17 =	vmin.f32 v17, $9.999999230e+01;
	v0 =	vsub.f32 v48, v14;
	v50 =	vld.idx.msk [tilespmem:v18+s24+$0x0], $0xffff  }
0x174: {  	v29 =	vtrunc.f32 v36;
	v2 =	vld.idx.msk [tilespmem:v18+s23+$0x0], $0xffff;
	v31 =	vadd.f32 v31, v42;
	v18 =	vmax.f32 v51, $0.0e+00  }
0x175: {  	v63 =	vtrunc.f32 v17;
	v49 =	vld.idx.msk [tilespmem:v27+s24+$0x0], $0xffff;
	v39 =	vcvt.f32.s32 v29;
	v51 =	vmin.f32 v18, $9.999999230e+01  }
0x176: {  	v43 =	vmax.f32 v43, $0.0e+00;
	v29 =	vld [tilespmem:s29+$0x70];
	[tilespmem:s28+$0xE0F0] =	vst v31;
	v31 =	vmul.f32 v0, v15;
	v3 =	vtrunc.f32 v51  }
0x177: {  	v16 =	vmax.f32 v16, $0.0e+00;
	v53 =	vsub.f32 v53, v14;
	v4 =	vld.idx.msk [tilespmem:v30+s24+$0x0], $0xffff;
	v54 =	vcvt.f32.s32 v3  }
0x178: {  	v33 =	vmul.f32 v33, v52;
	v35 =	vld [tilespmem:s29+$0x420];
	v31 =	vmax.f32 v31, $0.0e+00;
	v5 =	vmul.f32 v46, v50  }
0x179: {  	v59 =	vmul.f32 v53, v15;
	v19 =	vcvt.f32.s32 v63;
	v6 =	vld.idx.msk [tilespmem:v30+s23+$0x0], $0xffff;
	v31 =	vmin.f32 v31, $9.999999230e+01  }
0x17a: {  	v63 =	vld [tilespmem:s29+$0xB0];
	v30 =	vtrunc.f32 v55;
	v7 =	vtrunc.f32 v31;
	v48 =	vadd.f32 v5, v2  }
0x17b: {  	v61 =	vmax.f32 v59, $0.0e+00;
	v57 =	vcvt.f32.s32 v30;
	v30 =	vld [tilespmem:s29+$0x430];
	v50 =	vcvt.f32.s32 v7  }
0x17c: {  	v33 =	vadd.f32 v33, v38;
	v46 =	vmin.f32 v61, $9.999999230e+01;
	v5 =	vld [tilespmem:s28+$0x4B0];
	v42 =	vmul.f32 v47, v4;
	[tilespmem:s29+$0xE080] =	vst v48  }
0x17d: {  	v43 =	vmin.f32 v43, $9.999999230e+01;
	v16 =	vmin.f32 v16, $9.999999230e+01;
	v0 =	vtrunc.f32 v46;
	v48 =	vld.idx.msk [tilespmem:v54+s24+$0x0], $0xffff  }
0x17e: {  	v62 =	vsub.f32 v56, v14;
	[tilespmem:s29+$0xE000] =	vst v33;
	v33 =	vcvt.f32.s32 v0;
	v0 =	vld [tilespmem:s29+$0xC0];
	v42 =	vadd.f32 v42, v6  }
0x17f: {  	v58 =	vtrunc.f32 v43;
	v1 =	vtrunc.f32 v16;
	v40 =	vsub.f32 v40, v14;
	v60 =	vld.idx.msk [tilespmem:v54+s23+$0x0], $0xffff  }
0x180: {  	v20 =	vtrunc.f32 v26;
	v53 =	vmin.f32 v41, $9.999999230e+01;
	v47 =	vmul.f32 v62, v15;
	v6 =	vld.idx.msk [tilespmem:v27+s23+$0x0], $0xffff;
	[tilespmem:s28+$0xE480] =	vst v42  }
0x181: {  	v44 =	vsub.f32 v44, v14;
	v40 =	vmul.f32 v40, v15;
	v41 =	vtrunc.f32 v53;
	v42 =	vld.idx.msk [tilespmem:v50+s24+$0x0], $0xffff  }
0x182: {  	v18 =	vcvt.f32.s32 v1;
	v1 =	vld.idx.msk [tilespmem:v57+s24+$0x0], $0xffff;
	v47 =	vmax.f32 v47, $0.0e+00;
	v48 =	vmul.f32 v51, v48  }
0x183: {  	v24 =	vmul.f32 v24, v49;
	v52 =	vsub.f32 v63, v14;
	v47 =	vmin.f32 v47, $9.999999230e+01;
	v50 =	vld.idx.msk [tilespmem:v50+s23+$0x0], $0xffff  }
0x184: {  	v3 =	vmul.f32 v44, v15;
	v2 =	vld.idx.msk [tilespmem:v57+s23+$0x0], $0xffff;
	v4 =	vtrunc.f32 v47;
	v38 =	vadd.f32 v48, v60  }
0x185: {  	v52 =	vmul.f32 v52, v15;
	v27 =	vld [tilespmem:s29+$0x440];
	v44 =	vcvt.f32.s32 v4;
	v24 =	vadd.f32 v24, v6  }
0x186: {  	v51 =	vcvt.f32.s32 v41;
	v48 =	vsub.f32 v5, v14;
	v5 =	vld [tilespmem:s28+$0x4C0];
	[tilespmem:s29+$0xE090] =	vst v38;
	v31 =	vmul.f32 v31, v42  }
0x187: {  	v20 =	vcvt.f32.s32 v20;
	v28 =	vsub.f32 v28, v14;
	v7 =	vmul.f32 v55, v1;
	[tilespmem:s28+$0xE060] =	vst v24;
	v60 =	vld.idx.msk [tilespmem:v33+s24+$0x0], $0xffff  }
0x188: {  	v63 =	vmax.f32 v52, $0.0e+00;
	v55 =	vcvt.f32.s32 v58;
	v58 =	vld.idx.msk [tilespmem:v25+s24+$0x0], $0xffff;
	v31 =	vadd.f32 v31, v50  }
0x189: {  	v29 =	vsub.f32 v29, v14;
	v56 =	vmin.f32 v63, $9.999999230e+01;
	v42 =	vadd.f32 v7, v2;
	v62 =	vld.idx.msk [tilespmem:v33+s23+$0x0], $0xffff  }
0x18a: {  	v41 =	vmax.f32 v3, $0.0e+00;
	v1 =	vmul.f32 v48, v15;
	v25 =	vld.idx.msk [tilespmem:v25+s23+$0x0], $0xffff;
	[tilespmem:s28+$0xE490] =	vst v31;
	v31 =	vtrunc.f32 v56  }
0x18b: {  	v28 =	vmul.f32 v28, v15;
	v41 =	vmin.f32 v41, $9.999999230e+01;
	[tilespmem:s29+$0xE010] =	vst v42;
	v59 =	vld.idx.msk [tilespmem:v44+s24+$0x0], $0xffff;
	v31 =	vcvt.f32.s32 v31  }
0x18c: {  	v61 =	vtrunc.f32 v41;
	v42 =	vmax.f32 v1, $0.0e+00;
	v3 =	vld.idx.msk [tilespmem:v51+s24+$0x0], $0xffff;
	v46 =	vmul.f32 v46, v60  }
0x18d: {  	v52 =	vcvt.f32.s32 v61;
	v7 =	vsub.f32 v0, v14;
	v49 =	vmin.f32 v42, $9.999999230e+01;
	v44 =	vld.idx.msk [tilespmem:v44+s23+$0x0], $0xffff  }
0x18e: {  	v0 =	vmul.f32 v29, v15;
	v51 =	vld.idx.msk [tilespmem:v51+s23+$0x0], $0xffff;
	v6 =	vtrunc.f32 v49;
	v46 =	vadd.f32 v46, v62  }
0x18f: {  	v38 =	vld [tilespmem:s29+$0x450];
	v24 =	vcvt.f32.s32 v6;
	v23 =	vmul.f32 v23, v58  }
0x190: {  	v2 =	vmax.f32 v45, $0.0e+00;
	v1 =	vld [tilespmem:s29+$0xD0];
	v60 =	vmul.f32 v7, v15;
	[tilespmem:s29+$0xE0A0] =	vst v46;
	v59 =	vmul.f32 v47, v59  }
0x191: {  	v33 =	vmin.f32 v2, $9.999999230e+01;
	v23 =	vadd.f32 v23, v25;
	v45 =	vmul.f32 v53, v3;
	v61 =	vld.idx.msk [tilespmem:v31+s24+$0x0], $0xffff  }
0x192: {  	v63 =	vsub.f32 v5, v14;
	v5 =	vld [tilespmem:s28+$0x4D0];
	v62 =	vmax.f32 v60, $0.0e+00;
	v44 =	vadd.f32 v59, v44  }
0x193: {  	v4 =	vtrunc.f32 v33;
	[tilespmem:s28+$0xE070] =	vst v23;
	v29 =	vadd.f32 v45, v51;
	v45 =	vmin.f32 v62, $9.999999230e+01;
	v31 =	vld.idx.msk [tilespmem:v31+s23+$0x0], $0xffff  }
0x194: {  	v47 =	vmul.f32 v63, v15;
	v57 =	vld.idx.msk [tilespmem:v22+s24+$0x0], $0xffff;
	v2 =	vtrunc.f32 v45;
	[tilespmem:s28+$0xE4A0] =	vst v44  }
0x195: {  	v42 =	vcvt.f32.s32 v4;
	[tilespmem:s29+$0xE020] =	vst v29;
	v44 =	vcvt.f32.s32 v2;
	v3 =	vld.idx.msk [tilespmem:v24+s24+$0x0], $0xffff  }
0x196: {  	v46 =	vsub.f32 v1, v14;
	v47 =	vmax.f32 v47, $0.0e+00;
	v4 =	vld.idx.msk [tilespmem:v55+s24+$0x0], $0xffff;
	v50 =	vmul.f32 v56, v61  }
0x197: {  	v35 =	vsub.f32 v35, v14;
	v25 =	vmax.f32 v0, $0.0e+00;
	v47 =	vmin.f32 v47, $9.999999230e+01;
	v24 =	vld.idx.msk [tilespmem:v24+s23+$0x0], $0xffff  }
0x198: {  	v22 =	vld.idx.msk [tilespmem:v22+s23+$0x0], $0xffff;
	v46 =	vmul.f32 v46, v15;
	v6 =	vtrunc.f32 v47;
	v50 =	vadd.f32 v50, v31  }
0x199: {  	s19 =	simm.s32 $0x200;
	s20 =	simm.s32 $0x400;
	v23 =	vsub.f32 v34, v14;
	v54 =	vcvt.f32.s32 v6;
	v31 =	vmin.f32 v25, $9.999999230e+01;
	v25 =	vld.idx.msk [tilespmem:v55+s23+$0x0], $0xffff  }
0x19a: {  	s1 =	sand.u32 $0x7800, s20;
	s0 =	sand.u32 $0x300, s19;
	v35 =	vmul.f32 v35, v15;
	v63 =	vld [tilespmem:s29+$0xE0];
	v60 =	vmax.f32 v46, $0.0e+00;
	[tilespmem:s29+$0xE0B0] =	vst v50;
	v49 =	vmul.f32 v49, v3  }
0x19b: {  	s30 =	sor.u32 s0, s1;
	v30 =	vsub.f32 v30, v14;
	v23 =	vmul.f32 v23, v15;
	v62 =	vmin.f32 v60, $9.999999230e+01;
	v58 =	vld.idx.msk [tilespmem:v44+s24+$0x0], $0xffff  }
0x19c: {  	v21 =	vmul.f32 v21, v57;
	v60 =	vld [tilespmem:s30+$0x0];
	v43 =	vmul.f32 v43, v4;
	v24 =	vadd.f32 v49, v24  }
0x19d: {  	v30 =	vmul.f32 v30, v15;
	v23 =	vmax.f32 v23, $0.0e+00;
	v61 =	vsub.f32 v5, v14;
	v59 =	vld.idx.msk [tilespmem:v44+s23+$0x0], $0xffff  }
0x19e: {  	v57 =	vld [tilespmem:s30+$0x30];
	v21 =	vadd.f32 v21, v22;
	v25 =	vadd.f32 v43, v25;
	[tilespmem:s28+$0xE4B0] =	vst v24;
	v24 =	vtrunc.f32 v62  }
0x19f: {  	v46 =	vmul.f32 v61, v15;
	v44 =	vmin.f32 v23, $9.999999230e+01;
	v23 =	vld.idx.msk [tilespmem:v54+s24+$0x0], $0xffff;
	v24 =	vcvt.f32.s32 v24  }
0x1a0: {  	v5 =	vld [tilespmem:s29+$0xF0];
	[tilespmem:s29+$0xE030] =	vst v25;
	v25 =	vtrunc.f32 v44;
	v51 =	vmul.f32 v45, v58  }
0x1a1: {  	v38 =	vsub.f32 v38, v14;
	[tilespmem:s28+$0xE400] =	vst v21;
	v46 =	vmax.f32 v46, $0.0e+00;
	v45 =	vcvt.f32.s32 v25;
	v25 =	vld.idx.msk [tilespmem:v54+s23+$0x0], $0xffff  }
0x1a2: {  	v3 =	vld.idx.msk [tilespmem:v20+s24+$0x0], $0xffff;
	v53 =	vmin.f32 v46, $9.999999230e+01;
	v43 =	vsub.f32 v63, v14;
	v1 =	vadd.f32 v51, v59  }
0x1a3: {  	v28 =	vmax.f32 v28, $0.0e+00;
	v38 =	vmul.f32 v38, v15;
	v2 =	vtrunc.f32 v53;
	v0 =	vld.idx.msk [tilespmem:v52+s24+$0x0], $0xffff  }
0x1a4: {  	v28 =	vmin.f32 v28, $9.999999230e+01;
	v43 =	vmul.f32 v43, v15;
	v58 =	vld [tilespmem:s30+$0x20];
	[tilespmem:s29+$0xE0C0] =	vst v1;
	v23 =	vmul.f32 v47, v23  }
0x1a5: {  	v40 =	vmax.f32 v40, $0.0e+00;
	v29 =	vtrunc.f32 v28;
	v21 =	vcvt.f32.s32 v2;
	v46 =	vld.idx.msk [tilespmem:v24+s24+$0x0], $0xffff  }
0x1a6: {  	v29 =	vcvt.f32.s32 v29;
	v23 =	vadd.f32 v23, v25;
	v25 =	vld.idx.msk [tilespmem:v24+s23+$0x0], $0xffff;
	v24 =	vmax.f32 v43, $0.0e+00  }
0x1a7: {  	v7 =	vtrunc.f32 v31;
	v57 =	vsub.f32 v57, v14;
	v22 =	vld.idx.msk [tilespmem:v52+s23+$0x0], $0xffff;
	v4 =	vmin.f32 v24, $9.999999230e+01  }
0x1a8: {  	v34 =	vcvt.f32.s32 v7;
	v24 =	vmax.f32 v35, $0.0e+00;
	v35 =	vld.idx.msk [tilespmem:v20+s23+$0x0], $0xffff;
	v20 =	vtrunc.f32 v4  }
0x1a9: {  	v27 =	vsub.f32 v27, v14;
	v7 =	vld [tilespmem:s30+$0x80];
	v57 =	vmul.f32 v57, v15;
	v20 =	vcvt.f32.s32 v20  }
0x1aa: {  	v38 =	vmax.f32 v38, $0.0e+00;
	v63 =	vld [tilespmem:s29+$0x480];
	v48 =	vmul.f32 v26, v3;
	[tilespmem:s28+$0xE4C0] =	vst v23;
	v46 =	vmul.f32 v62, v46  }
0x1ab: {  	v52 =	vsub.f32 v60, v14;
	v41 =	vmul.f32 v41, v0;
	v58 =	vsub.f32 v58, v14;
	v50 =	vld.idx.msk [tilespmem:v21+s24+$0x0], $0xffff  }
0x1ac: {  	v47 =	vld.idx.msk [tilespmem:v21+s23+$0x0], $0xffff;
	v21 =	vmul.f32 v27, v15;
	v27 =	vsub.f32 v5, v14;
	v25 =	vadd.f32 v46, v25  }
0x1ad: {  	v3 =	vmul.f32 v52, v15;
	v1 =	vld [tilespmem:s30+$0x10];
	v43 =	vmin.f32 v40, $9.999999230e+01;
	v22 =	vadd.f32 v41, v22  }
0x1ae: {  	v41 =	vsub.f32 v7, v14;
	v58 =	vmul.f32 v58, v15;
	v5 =	vld [tilespmem:s30+$0x90];
	v59 =	vmul.f32 v27, v15;
	[tilespmem:s29+$0xE0D0] =	vst v25  }
0x1af: {  	v24 =	vmin.f32 v24, $9.999999230e+01;
	v23 =	vtrunc.f32 v43;
	[tilespmem:s29+$0xE040] =	vst v22;
	v22 =	vmax.f32 v30, $0.0e+00;
	v61 =	vld.idx.msk [tilespmem:v20+s24+$0x0], $0xffff  }
0x1b0: {  	v6 =	vtrunc.f32 v24;
	v41 =	vmul.f32 v41, v15;
	v30 =	vld.idx.msk [tilespmem:v42+s24+$0x0], $0xffff;
	v51 =	vmax.f32 v59, $0.0e+00  }
0x1b1: {  	v27 =	vcvt.f32.s32 v6;
	v62 =	vld.idx.msk [tilespmem:v20+s23+$0x0], $0xffff;
	v20 =	vmin.f32 v38, $9.999999230e+01;
	v38 =	vmin.f32 v51, $9.999999230e+01  }
0x1b2: {  	v22 =	vmin.f32 v22, $9.999999230e+01;
	v42 =	vld.idx.msk [tilespmem:v42+s23+$0x0], $0xffff;
	v46 =	vcvt.f32.s32 v23;
	v2 =	vtrunc.f32 v38  }
0x1b3: {  	v41 =	vmax.f32 v41, $0.0e+00;
	v23 =	vtrunc.f32 v22;
	v26 =	vcvt.f32.s32 v2  }
0x1b4: {  	v41 =	vmin.f32 v41, $9.999999230e+01;
	v51 =	vsub.f32 v63, v14;
	v40 =	vmul.f32 v4, v61  }
0x1b5: {  	v56 =	vld [tilespmem:s30+$0x60];
	v49 =	vmax.f32 v3, $0.0e+00;
	v6 =	vtrunc.f32 v41;
	v30 =	vmul.f32 v33, v30  }
0x1b6: {  	v52 =	vld [tilespmem:s30+$0x50];
	v51 =	vmul.f32 v51, v15;
	v4 =	vsub.f32 v1, v14;
	v40 =	vadd.f32 v40, v62  }
0x1b7: {  	v7 =	vld [tilespmem:s29+$0x490];
	v25 =	vcvt.f32.s32 v23;
	v42 =	vadd.f32 v30, v42;
	v2 =	vsub.f32 v5, v14  }
0x1b8: {  	v33 =	vld [tilespmem:s30+$0x40];
	v0 =	vtrunc.f32 v20;
	v51 =	vmax.f32 v51, $0.0e+00;
	v54 =	vmul.f32 v4, v15;
	[tilespmem:s29+$0xE0E0] =	vst v40  }
0x1b9: {  	[tilespmem:s29+$0xE050] =	vst v42;
	v42 =	vmul.f32 v2, v15;
	v40 =	vmin.f32 v49, $9.999999230e+01;
	v49 =	vcvt.f32.s32 v6;
	v60 =	vld.idx.msk [tilespmem:v26+s24+$0x0], $0xffff  }
0x1ba: {  	v30 =	vtrunc.f32 v40;
	v62 =	vld.idx.msk [tilespmem:v26+s23+$0x0], $0xffff;
	v26 =	vcvt.f32.s32 v0;
	v0 =	vmax.f32 v54, $0.0e+00  }
0x1bb: {  	v63 =	vld [tilespmem:s30+$0x400];
	v61 =	vcvt.f32.s32 v30;
	v30 =	vadd.f32 v48, v35;
	v35 =	vmin.f32 v51, $9.999999230e+01  }
0x1bc: {  	v55 =	vld.idx.msk [tilespmem:v29+s24+$0x0], $0xffff;
	v48 =	vmul.f32 v53, v50;
	v54 =	vmin.f32 v0, $9.999999230e+01;
	v1 =	vtrunc.f32 v35  }
0x1bd: {  	v21 =	vmax.f32 v21, $0.0e+00;
	v8 =	vld.idx.msk [tilespmem:v29+s23+$0x0], $0xffff;
	v3 =	vtrunc.f32 v54;
	v53 =	vcvt.f32.s32 v1  }
0x1be: {  	v21 =	vmin.f32 v21, $9.999999230e+01;
	v59 =	vcvt.f32.s32 v3;
	v3 =	vld [tilespmem:s29+$0x4A0];
	v38 =	vmul.f32 v38, v60  }
0x1bf: {  	v23 =	vtrunc.f32 v21;
	v33 =	vsub.f32 v33, v14;
	v42 =	vmax.f32 v42, $0.0e+00;
	v4 =	vld.idx.msk [tilespmem:v49+s24+$0x0], $0xffff  }
0x1c0: {  	v42 =	vmin.f32 v42, $9.999999230e+01;
	v51 =	vsub.f32 v7, v14;
	v49 =	vld.idx.msk [tilespmem:v49+s23+$0x0], $0xffff;
	v38 =	vadd.f32 v38, v62  }
0x1c1: {  	v57 =	vmax.f32 v57, $0.0e+00;
	v33 =	vmul.f32 v33, v15;
	v6 =	vtrunc.f32 v42;
	v62 =	vld [tilespmem:s30+$0xA0]  }
0x1c2: {  	v58 =	vmax.f32 v58, $0.0e+00;
	v55 =	vmul.f32 v28, v55;
	v5 =	vmul.f32 v51, v15;
	v0 =	vld.idx.msk [tilespmem:v61+s24+$0x0], $0xffff;
	[tilespmem:s29+$0xE0F0] =	vst v38  }
0x1c3: {  	v51 =	vsub.f32 v52, v14;
	v52 =	vmin.f32 v58, $9.999999230e+01;
	v58 =	vcvt.f32.s32 v6;
	v1 =	vld.idx.msk [tilespmem:v53+s24+$0x0], $0xffff  }
0x1c4: {  	v8 =	vadd.f32 v55, v8;
	v61 =	vld.idx.msk [tilespmem:v61+s23+$0x0], $0xffff;
	v38 =	vmax.f32 v5, $0.0e+00;
	v41 =	vmul.f32 v41, v4  }
0x1c5: {  	[tilespmem:s28+$0xE410] =	vst v30;
	v2 =	vtrunc.f32 v52;
	v53 =	vld.idx.msk [tilespmem:v53+s23+$0x0], $0xffff;
	v60 =	vmin.f32 v38, $9.999999230e+01;
	v38 =	vmin.f32 v57, $9.999999230e+01  }
0x1c6: {  	[tilespmem:s29+$0xE060] =	vst v8;
	v8 =	vld.idx.msk [tilespmem:v37+s24+$0x0], $0xffff;
	v57 =	vtrunc.f32 v60;
	v41 =	vadd.f32 v41, v49;
	v49 =	vsub.f32 v62, v14  }
0x1c7: {  	v56 =	vsub.f32 v56, v14;
	v50 =	vld [tilespmem:s30+$0x70];
	v57 =	vcvt.f32.s32 v57;
	v0 =	vmul.f32 v40, v0  }
0x1c8: {  	v33 =	vmax.f32 v33, $0.0e+00;
	v37 =	vld.idx.msk [tilespmem:v37+s23+$0x0], $0xffff;
	[tilespmem:s30+$0xE080] =	vst v41;
	v7 =	vmul.f32 v49, v15;
	v1 =	vmul.f32 v35, v1  }
0x1c9: {  	v2 =	vcvt.f32.s32 v2;
	v51 =	vmul.f32 v51, v15;
	v0 =	vadd.f32 v0, v61;
	v49 =	vld.idx.msk [tilespmem:v58+s24+$0x0], $0xffff  }
0x1ca: {  	v3 =	vsub.f32 v3, v14;
	v41 =	vmax.f32 v7, $0.0e+00;
	v1 =	vadd.f32 v1, v53;
	v53 =	vld.idx.msk [tilespmem:v58+s23+$0x0], $0xffff  }
0x1cb: {  	v6 =	vmax.f32 v51, $0.0e+00;
	v8 =	vmul.f32 v32, v8;
	[tilespmem:s30+$0xE000] =	vst v0;
	v41 =	vmin.f32 v41, $9.999999230e+01;
	v58 =	vld [tilespmem:s30+$0xB0]  }
0x1cc: {  	v3 =	vmul.f32 v3, v15;
	v35 =	vsub.f32 v50, v14;
	v61 =	vld.idx.msk [tilespmem:v59+s24+$0x0], $0xffff;
	v0 =	vtrunc.f32 v41;
	[tilespmem:s29+$0xE480] =	vst v1  }
0x1cd: {  	v50 =	vmin.f32 v33, $9.999999230e+01;
	v33 =	vmul.f32 v56, v15;
	v0 =	vcvt.f32.s32 v0;
	v1 =	vld.idx.msk [tilespmem:v57+s24+$0x0], $0xffff  }
0x1ce: {  	v3 =	vmax.f32 v3, $0.0e+00;
	v7 =	vtrunc.f32 v50;
	v56 =	vld.idx.msk [tilespmem:v59+s23+$0x0], $0xffff;
	v49 =	vmul.f32 v42, v49  }
0x1cf: {  	v3 =	vmin.f32 v3, $9.999999230e+01;
	v51 =	vcvt.f32.s32 v7;
	v29 =	vmax.f32 v33, $0.0e+00;
	v57 =	vld.idx.msk [tilespmem:v57+s23+$0x0], $0xffff  }
0x1d0: {  	v7 =	vld [tilespmem:s29+$0x4B0];
	v42 =	vmin.f32 v6, $9.999999230e+01;
	v6 =	vtrunc.f32 v3;
	v53 =	vadd.f32 v49, v53  }
0x1d1: {  	v5 =	vld [tilespmem:s30+$0x420];
	v35 =	vmul.f32 v35, v15;
	v29 =	vmin.f32 v29, $9.999999230e+01;
	v6 =	vcvt.f32.s32 v6  }
0x1d2: {  	v32 =	vld [tilespmem:s30+$0xE0];
	v59 =	vtrunc.f32 v42;
	v33 =	vsub.f32 v58, v14;
	[tilespmem:s30+$0xE090] =	vst v53;
	v1 =	vmul.f32 v60, v1  }
0x1d3: {  	v35 =	vmax.f32 v35, $0.0e+00;
	v49 =	vcvt.f32.s32 v59;
	v54 =	vmul.f32 v54, v61;
	v59 =	vld.idx.msk [tilespmem:v0+s24+$0x0], $0xffff  }
0x1d4: {  	v4 =	vld [tilespmem:s30+$0x410];
	v58 =	vsub.f32 v63, v14;
	v33 =	vmul.f32 v33, v15;
	v1 =	vadd.f32 v1, v57  }
0x1d5: {  	v28 =	vmin.f32 v35, $9.999999230e+01;
	v35 =	vld [tilespmem:s30+$0xC0];
	v7 =	vsub.f32 v7, v14;
	v54 =	vadd.f32 v54, v56  }
0x1d6: {  	v62 =	vtrunc.f32 v38;
	v56 =	vtrunc.f32 v29;
	v0 =	vld.idx.msk [tilespmem:v0+s23+$0x0], $0xffff;
	v33 =	vmax.f32 v33, $0.0e+00;
	[tilespmem:s29+$0xE490] =	vst v1  }
0x1d7: {  	v7 =	vmul.f32 v7, v15;
	v58 =	vmul.f32 v58, v15;
	[tilespmem:s30+$0xE010] =	vst v54;
	v60 =	vmin.f32 v33, $9.999999230e+01;
	v54 =	vld.idx.msk [tilespmem:v6+s24+$0x0], $0xffff  }
0x1d8: {  	v33 =	vtrunc.f32 v60;
	v55 =	vmul.f32 v41, v59;
	v59 =	vld.idx.msk [tilespmem:v2+s24+$0x0], $0xffff  }
0x1d9: {  	v7 =	vmax.f32 v7, $0.0e+00;
	v1 =	vtrunc.f32 v28;
	v61 =	vcvt.f32.s32 v33;
	v6 =	vld.idx.msk [tilespmem:v6+s23+$0x0], $0xffff  }
0x1da: {  	v33 =	vcvt.f32.s32 v1;
	v1 =	vld.idx.msk [tilespmem:v2+s23+$0x0], $0xffff;
	v2 =	vmin.f32 v7, $9.999999230e+01;
	v7 =	vmax.f32 v58, $0.0e+00  }
0x1db: {  	v41 =	vcvt.f32.s32 v56;
	v56 =	vld [tilespmem:s29+$0x4C0];
	v63 =	vtrunc.f32 v2;
	v30 =	vmin.f32 v7, $9.999999230e+01  }
0x1dc: {  	v40 =	vld [tilespmem:s30+$0x430];
	v7 =	vsub.f32 v35, v14;
	v0 =	vadd.f32 v55, v0;
	v55 =	vcvt.f32.s32 v63  }
0x1dd: {  	v62 =	vcvt.f32.s32 v62;
	v4 =	vsub.f32 v4, v14;
	v58 =	vld.idx.msk [tilespmem:v34+s23+$0x0], $0xffff;
	v3 =	vmul.f32 v3, v54  }
0x1de: {  	v7 =	vmul.f32 v7, v15;
	[tilespmem:s30+$0xE0A0] =	vst v0;
	v54 =	vld.idx.msk [tilespmem:v34+s24+$0x0], $0xffff;
	v59 =	vmul.f32 v52, v59  }
0x1df: {  	v4 =	vmul.f32 v4, v15;
	v63 =	vtrunc.f32 v30;
	v0 =	vld.idx.msk [tilespmem:v61+s24+$0x0], $0xffff;
	v3 =	vadd.f32 v3, v6  }
0x1e0: {  	v7 =	vmax.f32 v7, $0.0e+00;
	v1 =	vadd.f32 v59, v1;
	v6 =	vld.idx.msk [tilespmem:v61+s23+$0x0], $0xffff;
	v61 =	vsub.f32 v56, v14  }
0x1e1: {  	v5 =	vsub.f32 v5, v14;
	v35 =	vcvt.f32.s32 v63;
	v52 =	vld [tilespmem:s30+$0xD0];
	v7 =	vmin.f32 v7, $9.999999230e+01;
	[tilespmem:s29+$0xE4A0] =	vst v3  }
0x1e2: {  	v4 =	vmax.f32 v4, $0.0e+00;
	v63 =	vtrunc.f32 v7;
	[tilespmem:s30+$0xE020] =	vst v1;
	v56 =	vmul.f32 v61, v15;
	v3 =	vld.idx.msk [tilespmem:v55+s24+$0x0], $0xffff  }
0x1e3: {  	v5 =	vmul.f32 v5, v15;
	v34 =	vmin.f32 v4, $9.999999230e+01;
	v1 =	vcvt.f32.s32 v63;
	v59 =	vld.idx.msk [tilespmem:v62+s24+$0x0], $0xffff  }
0x1e4: {  	v31 =	vmul.f32 v31, v54;
	v0 =	vmul.f32 v60, v0;
	v4 =	vld.idx.msk [tilespmem:v55+s23+$0x0], $0xffff;
	v61 =	vmax.f32 v56, $0.0e+00  }
0x1e5: {  	v8 =	vadd.f32 v8, v37;
	v5 =	vmax.f32 v5, $0.0e+00;
	v55 =	vld.idx.msk [tilespmem:v62+s23+$0x0], $0xffff;
	v54 =	vmin.f32 v61, $9.999999230e+01  }
0x1e6: {  	v63 =	vadd.f32 v31, v58;
	v0 =	vadd.f32 v0, v6;
	v6 =	vld [tilespmem:s29+$0x4D0];
	v60 =	vtrunc.f32 v54  }
0x1e7: {  	v53 =	vld [tilespmem:s30+$0x440];
	v52 =	vsub.f32 v52, v14;
	v31 =	vmin.f32 v5, $9.999999230e+01;
	v5 =	vcvt.f32.s32 v60  }
0x1e8: {  	v32 =	vsub.f32 v32, v14;
	v57 =	vld [tilespmem:s30+$0x450];
	v58 =	vtrunc.f32 v34;
	[tilespmem:s29+$0xE070] =	vst v63;
	v2 =	vmul.f32 v2, v3  }
0x1e9: {  	v52 =	vmul.f32 v52, v15;
	[tilespmem:s30+$0xE0B0] =	vst v0;
	v0 =	vld.idx.msk [tilespmem:v45+s24+$0x0], $0xffff;
	v59 =	vmul.f32 v38, v59  }
0x1ea: {  	v56 =	vtrunc.f32 v31;
	v3 =	vsub.f32 v40, v14;
	v60 =	vld.idx.msk [tilespmem:v1+s24+$0x0], $0xffff;
	v2 =	vadd.f32 v2, v4  }
0x1eb: {  	v52 =	vmax.f32 v52, $0.0e+00;
	v45 =	vld.idx.msk [tilespmem:v45+s23+$0x0], $0xffff;
	v61 =	vadd.f32 v59, v55;
	v6 =	vsub.f32 v6, v14  }
0x1ec: {  	v38 =	vcvt.f32.s32 v58;
	v40 =	vcvt.f32.s32 v56;
	v1 =	vld.idx.msk [tilespmem:v1+s23+$0x0], $0xffff;
	v56 =	vsub.f32 v53, v14;
	[tilespmem:s29+$0xE4B0] =	vst v2  }
0x1ed: {  	v3 =	vmul.f32 v3, v15;
	v55 =	vmin.f32 v52, $9.999999230e+01;
	[tilespmem:s30+$0xE030] =	vst v61;
	v6 =	vmul.f32 v6, v15;
	v63 =	vld.idx.msk [tilespmem:v5+s24+$0x0], $0xffff  }
0x1ee: {  	v62 =	vtrunc.f32 v55;
	v2 =	vadd.f32 v48, v47;
	v48 =	vld.idx.msk [tilespmem:v51+s24+$0x0], $0xffff;
	v0 =	vmul.f32 v44, v0  }
0x1ef: {  	v4 =	vcvt.f32.s32 v62;
	v3 =	vmax.f32 v3, $0.0e+00;
	v5 =	vld.idx.msk [tilespmem:v5+s23+$0x0], $0xffff;
	v6 =	vmax.f32 v6, $0.0e+00  }
0x1f0: {  	[tilespmem:s28+$0xE420] =	vst v8;
	v7 =	vmul.f32 v7, v60;
	v8 =	vld.idx.msk [tilespmem:v51+s23+$0x0], $0xffff;
	v0 =	vadd.f32 v0, v45;
	v45 =	vmin.f32 v6, $9.999999230e+01  }
0x1f1: {  	v58 =	vmul.f32 v56, v15;
	v60 =	vld.idx.msk [tilespmem:v39+s24+$0x0], $0xffff;
	v37 =	vmin.f32 v3, $9.999999230e+01;
	v59 =	vtrunc.f32 v45  }
0x1f2: {  	v52 =	vld [tilespmem:s30+$0xF0];
	v62 =	vtrunc.f32 v37;
	v1 =	vadd.f32 v7, v1;
	[tilespmem:s29+$0xE400] =	vst v0;
	v0 =	vcvt.f32.s32 v59  }
0x1f3: {  	v3 =	vld.idx.msk [tilespmem:v39+s23+$0x0], $0xffff;
	v6 =	vmax.f32 v58, $0.0e+00;
	v58 =	vmul.f32 v32, v15;
	v47 =	vmul.f32 v54, v63  }
0x1f4: {  	v61 =	vsub.f32 v57, v14;
	v39 =	vcvt.f32.s32 v62;
	[tilespmem:s30+$0xE0C0] =	vst v1;
	v1 =	vld.idx.msk [tilespmem:v46+s24+$0x0], $0xffff;
	v48 =	vmul.f32 v50, v48  }
0x1f5: {  	v44 =	vmin.f32 v6, $9.999999230e+01;
	v62 =	vmax.f32 v58, $0.0e+00;
	v56 =	vld.idx.msk [tilespmem:v4+s24+$0x0], $0xffff;
	v5 =	vadd.f32 v47, v5  }
0x1f6: {  	v63 =	vmul.f32 v61, v15;
	v6 =	vld.idx.msk [tilespmem:v46+s23+$0x0], $0xffff;
	v60 =	vmul.f32 v36, v60;
	v8 =	vadd.f32 v48, v8  }
0x1f7: {  	v23 =	vcvt.f32.s32 v23;
	v59 =	vtrunc.f32 v44;
	v51 =	vld.idx.msk [tilespmem:v4+s23+$0x0], $0xffff;
	v50 =	vmin.f32 v62, $9.999999230e+01;
	[tilespmem:s29+$0xE4C0] =	vst v5  }
0x1f8: {  	v57 =	vmax.f32 v63, $0.0e+00;
	v3 =	vadd.f32 v60, v3;
	v63 =	vtrunc.f32 v50;
	[tilespmem:s30+$0xE040] =	vst v8;
	v46 =	vld.idx.msk [tilespmem:v0+s24+$0x0], $0xffff  }
0x1f9: {  	v32 =	vmin.f32 v57, $9.999999230e+01;
	v53 =	vcvt.f32.s32 v63;
	v54 =	vld.idx.msk [tilespmem:v49+s24+$0x0], $0xffff;
	v1 =	vmul.f32 v43, v1  }
0x1fa: {  	[tilespmem:s28+$0xE4D0] =	vst v2;
	v61 =	vtrunc.f32 v32;
	v48 =	vld.idx.msk [tilespmem:v0+s23+$0x0], $0xffff;
	v55 =	vmul.f32 v55, v56  }
0x1fb: {  	s31 =	simm.s32 $0x300;
	s3 =	simm.s32 $0x4;
	s0 =	simm.s32 $0x600;
	v47 =	vcvt.f32.s32 v59;
	[tilespmem:s28+$0xE430] =	vst v3;
	v36 =	vcvt.f32.s32 v61;
	v49 =	vld.idx.msk [tilespmem:v49+s23+$0x0], $0xffff;
	v43 =	vadd.f32 v1, v6  }
.LBB2_5:
0x1fc: {  	s1 =	sand.u32 $0x7800, s0;
	s2 =	sand.u32 $0x300, s31;
	v0 =	vadd.f32 v55, v51;
	v1 =	vld.idx.msk [tilespmem:v19+s24+$0x0], $0xffff  }
0x1fd: {  	s3 =	sadd.s32 $0x2, s3;
	v2 =	vsub.f32 v52, v14;
	s6 =	sor.u32 s2, s1;
	[tilespmem:s29+$0xE410] =	vst v43;
	v3 =	vld.idx.msk [tilespmem:v19+s23+$0x0], $0xffff;
	v19 =	vmov v23;
	v23 =	vmov v47  }
0x1fe: {  	p1 =	slt.u32 s3, $0x6E;
	v4 =	vld [tilespmem:s6+$0x80];
	[tilespmem:s30+$0xE0D0] =	vst v0;
	v0 =	vmul.f32 v45, v46  }
0x1ff: {  	v5 =	vmul.f32 v42, v54;
	v2 =	vmul.f32 v2, v15;
	v6 =	vld.idx.msk [tilespmem:v53+s24+$0x0], $0xffff  }
0x200: {  	v7 =	vld [tilespmem:s6+$0x0];
	v0 =	vadd.f32 v0, v48  }
0x201: {  	v5 =	vadd.f32 v5, v49;
	v2 =	vmax.f32 v2, $0.0e+00;
	v8 =	vld.idx.msk [tilespmem:v53+s23+$0x0], $0xffff  }
0x202: {  	v2 =	vmin.f32 v2, $9.999999230e+01;
	v42 =	vld [tilespmem:s6+$0x10];
	[tilespmem:s29+$0xE4D0] =	vst v0;
	v0 =	vmul.f32 v17, v1;
	v17 =	vmovc v21;
	v21 =	vmov v44  }
0x203: {  	v1 =	vtrunc.f32 v2;
	[tilespmem:s30+$0xE050] =	vst v5;
	v5 =	vld [tilespmem:s30+$0x480]  }
0x204: {  	v4 =	vsub.f32 v4, v14;
	v1 =	vcvt.f32.s32 v1;
	v43 =	vld [tilespmem:s6+$0x20];
	v0 =	vadd.f32 v0, v3  }
0x205: {  	v6 =	vmul.f32 v50, v6;
	v3 =	vsub.f32 v7, v14;
	v7 =	vld [tilespmem:s6+$0x30]  }
0x206: {  	v4 =	vmul.f32 v4, v15;
	v44 =	vld [tilespmem:s6+$0x40];
	[tilespmem:s28+$0xE440] =	vst v0  }
0x207: {  	v6 =	vadd.f32 v6, v8;
	v0 =	vmul.f32 v3, v15;
	v3 =	vsub.f32 v42, v14;
	v42 =	vld [tilespmem:s6+$0x50]  }
0x208: {  	v4 =	vmax.f32 v4, $0.0e+00;
	v8 =	vld [tilespmem:s6+$0x60];
	v5 =	vsub.f32 v5, v14  }
0x209: {  	v4 =	vmin.f32 v4, $9.999999230e+01;
	v0 =	vmax.f32 v0, $0.0e+00;
	v3 =	vmul.f32 v3, v15;
	v45 =	vld [tilespmem:s6+$0x90];
	[tilespmem:s30+$0xE0E0] =	vst v6  }
0x20a: {  	v6 =	vtrunc.f32 v4;
	v0 =	vmin.f32 v0, $9.999999230e+01;
	v46 =	vld.idx.msk [tilespmem:v1+s24+$0x0], $0xffff;
	v5 =	vmul.f32 v5, v15  }
0x20b: {  	v6 =	vcvt.f32.s32 v6;
	v47 =	vtrunc.f32 v0;
	v3 =	vmax.f32 v3, $0.0e+00;
	v50 =	vld [tilespmem:s6+$0x70]  }
0x20c: {  	v47 =	vcvt.f32.s32 v47;
	v49 =	vmin.f32 v3, $9.999999230e+01;
	v1 =	vld.idx.msk [tilespmem:v1+s23+$0x0], $0xffff;
	v3 =	vmax.f32 v5, $0.0e+00  }
0x20d: {  	v43 =	vsub.f32 v43, v14;
	v5 =	vtrunc.f32 v49;
	v52 =	vld.idx.msk [tilespmem:v41+s24+$0x0], $0xffff;
	v3 =	vmin.f32 v3, $9.999999230e+01  }
0x20e: {  	v7 =	vsub.f32 v7, v14;
	v5 =	vcvt.f32.s32 v5;
	v48 =	vtrunc.f32 v3;
	v51 =	vld [tilespmem:s30+$0x490]  }
0x20f: {  	v43 =	vmul.f32 v43, v15;
	v45 =	vsub.f32 v45, v14;
	v54 =	vld.idx.msk [tilespmem:v41+s23+$0x0], $0xffff;
	v41 =	vcvt.f32.s32 v48  }
0x210: {  	v53 =	vsub.f32 v44, v14;
	v7 =	vmul.f32 v7, v15;
	v2 =	vmul.f32 v2, v46;
	v55 =	vld [tilespmem:s6+$0x400]  }
0x211: {  	v42 =	vsub.f32 v42, v14;
	v43 =	vmax.f32 v43, $0.0e+00;
	v44 =	vmul.f32 v45, v15;
	v46 =	vld.idx.msk [tilespmem:v6+s24+$0x0], $0xffff  }
0x212: {  	v7 =	vmax.f32 v7, $0.0e+00;
	v48 =	vmin.f32 v43, $9.999999230e+01;
	v1 =	vadd.f32 v2, v1;
	v45 =	vld.idx.msk [tilespmem:v47+s24+$0x0], $0xffff  }
0x213: {  	v2 =	vtrunc.f32 v48;
	v43 =	vmax.f32 v44, $0.0e+00;
	v6 =	vld.idx.msk [tilespmem:v6+s23+$0x0], $0xffff;
	v56 =	vsub.f32 v51, v14  }
0x214: {  	v44 =	vmin.f32 v7, $9.999999230e+01;
	v51 =	vcvt.f32.s32 v2;
	v2 =	vmin.f32 v43, $9.999999230e+01;
	v7 =	vld [tilespmem:s6+$0xA0];
	[tilespmem:s30+$0xE0F0] =	vst v1  }
0x215: {  	v1 =	vsub.f32 v8, v14;
	v8 =	vtrunc.f32 v2;
	v43 =	vld.idx.msk [tilespmem:v41+s24+$0x0], $0xffff;
	v56 =	vmul.f32 v56, v15  }
0x216: {  	v58 =	vsub.f32 v50, v14;
	v8 =	vcvt.f32.s32 v8;
	v57 =	vld.idx.msk [tilespmem:v47+s23+$0x0], $0xffff;
	v47 =	vtrunc.f32 v44  }
0x217: {  	v4 =	vmul.f32 v4, v46;
	v47 =	vcvt.f32.s32 v47;
	v41 =	vld.idx.msk [tilespmem:v41+s23+$0x0], $0xffff;
	v46 =	vmax.f32 v56, $0.0e+00  }
0x218: {  	v0 =	vmul.f32 v0, v45;
	v45 =	vmul.f32 v53, v15;
	v56 =	vld [tilespmem:s6+$0x410];
	v59 =	vmin.f32 v46, $9.999999230e+01  }
0x219: {  	v42 =	vmul.f32 v42, v15;
	v4 =	vadd.f32 v4, v6;
	v6 =	vtrunc.f32 v59;
	v53 =	vld [tilespmem:s30+$0x4A0]  }
0x21a: {  	v45 =	vmax.f32 v45, $0.0e+00;
	v7 =	vsub.f32 v7, v14;
	v60 =	vld [tilespmem:s6+$0x420];
	v6 =	vcvt.f32.s32 v6  }
0x21b: {  	v42 =	vmax.f32 v42, $0.0e+00;
	v46 =	vmin.f32 v45, $9.999999230e+01;
	v3 =	vmul.f32 v3, v43;
	v61 =	vld [tilespmem:s6+$0x430];
	[tilespmem:s6+$0xE080] =	vst v4  }
0x21c: {  	v0 =	vadd.f32 v0, v57;
	v4 =	vtrunc.f32 v46;
	v7 =	vmul.f32 v7, v15;
	v57 =	vld.idx.msk [tilespmem:v8+s24+$0x0], $0xffff  }
0x21d: {  	v42 =	vmin.f32 v42, $9.999999230e+01;
	v45 =	vcvt.f32.s32 v4;
	v3 =	vadd.f32 v3, v41;
	v50 =	vld.idx.msk [tilespmem:v27+s24+$0x0], $0xffff  }
0x21e: {  	v7 =	vmax.f32 v7, $0.0e+00;
	[tilespmem:s6+$0xE000] =	vst v0;
	v0 =	vtrunc.f32 v42;
	v4 =	vld.idx.msk [tilespmem:v8+s23+$0x0], $0xffff;
	v8 =	vsub.f32 v53, v14  }
0x21f: {  	v43 =	vcvt.f32.s32 v0;
	v0 =	vmul.f32 v1, v15;
	v1 =	vmin.f32 v7, $9.999999230e+01;
	v7 =	vld [tilespmem:s6+$0xB0];
	[tilespmem:s30+$0xE480] =	vst v3  }
0x220: {  	v3 =	vsub.f32 v55, v14;
	v41 =	vtrunc.f32 v1;
	v55 =	vld.idx.msk [tilespmem:v6+s24+$0x0], $0xffff;
	v8 =	vmul.f32 v8, v15  }
0x221: {  	v53 =	vmul.f32 v58, v15;
	v62 =	vld.idx.msk [tilespmem:v5+s24+$0x0], $0xffff;
	v0 =	vmax.f32 v0, $0.0e+00;
	v58 =	vcvt.f32.s32 v41  }
0x222: {  	v2 =	vmul.f32 v2, v57;
	v0 =	vmin.f32 v0, $9.999999230e+01;
	v6 =	vld.idx.msk [tilespmem:v6+s23+$0x0], $0xffff;
	v8 =	vmax.f32 v8, $0.0e+00  }
0x223: {  	v52 =	vmul.f32 v29, v52;
	v5 =	vld.idx.msk [tilespmem:v5+s23+$0x0], $0xffff;
	v41 =	vtrunc.f32 v0;
	v8 =	vmin.f32 v8, $9.999999230e+01;
	v29 =	vmovc v0  }
0x224: {  	v0 =	vadd.f32 v2, v4;
	v41 =	vcvt.f32.s32 v41;
	v2 =	vtrunc.f32 v8;
	v4 =	vld [tilespmem:s30+$0x4B0]  }
0x225: {  	v57 =	vmax.f32 v53, $0.0e+00;
	v7 =	vsub.f32 v7, v14;
	v2 =	vcvt.f32.s32 v2;
	v53 =	vld.idx.msk [tilespmem:v27+s23+$0x0], $0xffff;
	v27 =	vmovc v40  }
0x226: {  	v57 =	vmin.f32 v57, $9.999999230e+01;
	v40 =	vmul.f32 v59, v55;
	v63 =	vld [tilespmem:s6+$0x440];
	[tilespmem:s6+$0xE090] =	vst v0;
	v0 =	vadd.f32 v52, v54  }
0x227: {  	v49 =	vmul.f32 v49, v62;
	v54 =	vsub.f32 v56, v14;
	v7 =	vmul.f32 v7, v15;
	v55 =	vld.idx.msk [tilespmem:v58+s24+$0x0], $0xffff  }
0x228: {  	v3 =	vmul.f32 v3, v15;
	v52 =	vtrunc.f32 v57;
	v56 =	vld [tilespmem:s6+$0x450];
	[tilespmem:s30+$0xE060] =	vst v0;
	v0 =	vadd.f32 v40, v6  }
0x229: {  	v5 =	vadd.f32 v49, v5;
	v7 =	vmax.f32 v7, $0.0e+00;
	v6 =	vld.idx.msk [tilespmem:v58+s23+$0x0], $0xffff;
	v4 =	vsub.f32 v4, v14  }
0x22a: {  	v3 =	vmax.f32 v3, $0.0e+00;
	v40 =	vcvt.f32.s32 v52;
	v7 =	vmin.f32 v7, $9.999999230e+01;
	v49 =	vld [tilespmem:s6+$0xC0];
	[tilespmem:s30+$0xE490] =	vst v0  }
0x22b: {  	v52 =	vmin.f32 v3, $9.999999230e+01;
	v0 =	vtrunc.f32 v7;
	[tilespmem:s6+$0xE010] =	vst v5;
	v3 =	vld.idx.msk [tilespmem:v2+s24+$0x0], $0xffff;
	v4 =	vmul.f32 v4, v15  }
0x22c: {  	v59 =	vsub.f32 v60, v14;
	v58 =	vtrunc.f32 v52;
	v0 =	vcvt.f32.s32 v0;
	v5 =	vld.idx.msk [tilespmem:v51+s24+$0x0], $0xffff  }
0x22d: {  	v58 =	vcvt.f32.s32 v58;
	v1 =	vmul.f32 v1, v55;
	v2 =	vld.idx.msk [tilespmem:v2+s23+$0x0], $0xffff;
	v4 =	vmax.f32 v4, $0.0e+00  }
0x22e: {  	v54 =	vmul.f32 v54, v15;
	v55 =	vmul.f32 v59, v15;
	v51 =	vld.idx.msk [tilespmem:v51+s23+$0x0], $0xffff;
	v4 =	vmin.f32 v4, $9.999999230e+01  }
0x22f: {  	v59 =	vsub.f32 v61, v14;
	v1 =	vadd.f32 v1, v6;
	v6 =	vtrunc.f32 v4;
	v60 =	vld [tilespmem:s30+$0x4C0]  }
0x230: {  	v54 =	vmax.f32 v54, $0.0e+00;
	v61 =	vsub.f32 v49, v14;
	v62 =	vld.idx.msk [tilespmem:v33+s24+$0x0], $0xffff;
	v6 =	vcvt.f32.s32 v6  }
0x231: {  	v49 =	vmin.f32 v54, $9.999999230e+01;
	v54 =	vmax.f32 v55, $0.0e+00;
	v3 =	vmul.f32 v8, v3;
	[tilespmem:s6+$0xE0A0] =	vst v1;
	v1 =	vld.idx.msk [tilespmem:v33+s23+$0x0], $0xffff;
	v33 =	vmovc v40  }
0x232: {  	v8 =	vmin.f32 v54, $9.999999230e+01;
	v5 =	vmul.f32 v48, v5;
	v40 =	vmul.f32 v61, v15;
	v48 =	vld.idx.msk [tilespmem:v0+s24+$0x0], $0xffff  }
0x233: {  	v54 =	vtrunc.f32 v49;
	v55 =	vtrunc.f32 v8;
	v2 =	vadd.f32 v3, v2;
	v3 =	vld.idx.msk [tilespmem:v18+s24+$0x0], $0xffff  }
0x234: {  	v5 =	vadd.f32 v5, v51;
	v51 =	vmax.f32 v40, $0.0e+00;
	v0 =	vld.idx.msk [tilespmem:v0+s23+$0x0], $0xffff;
	v60 =	vsub.f32 v60, v14  }
0x235: {  	v54 =	vcvt.f32.s32 v54;
	v40 =	vcvt.f32.s32 v55;
	v51 =	vmin.f32 v51, $9.999999230e+01;
	v55 =	vld [tilespmem:s6+$0xD0];
	[tilespmem:s30+$0xE4A0] =	vst v2  }
0x236: {  	v2 =	vsub.f32 v63, v14;
	[tilespmem:s6+$0xE020] =	vst v5;
	v5 =	vtrunc.f32 v51;
	v61 =	vld.idx.msk [tilespmem:v6+s24+$0x0], $0xffff;
	v60 =	vmul.f32 v60, v15  }
0x237: {  	v56 =	vsub.f32 v56, v14;
	v62 =	vmul.f32 v28, v62;
	v28 =	vmovc v57;
	v63 =	vld.idx.msk [tilespmem:v47+s24+$0x0], $0xffff;
	v5 =	vcvt.f32.s32 v5  }
0x238: {  	v57 =	vmul.f32 v59, v15;
	v7 =	vmul.f32 v7, v48;
	v6 =	vld.idx.msk [tilespmem:v6+s23+$0x0], $0xffff;
	v48 =	vmax.f32 v60, $0.0e+00  }
0x239: {  	v50 =	vmul.f32 v24, v50;
	v24 =	vmovc v31;
	v1 =	vadd.f32 v62, v1;
	v47 =	vld.idx.msk [tilespmem:v47+s23+$0x0], $0xffff;
	v48 =	vmin.f32 v48, $9.999999230e+01  }
0x23a: {  	v31 =	vmovc v8;
	v57 =	vmax.f32 v57, $0.0e+00;
	v0 =	vadd.f32 v7, v0;
	v7 =	vtrunc.f32 v48;
	v59 =	vld [tilespmem:s30+$0x4D0]  }
0x23b: {  	v8 =	vmin.f32 v57, $9.999999230e+01;
	v55 =	vsub.f32 v55, v14;
	[tilespmem:s30+$0xE070] =	vst v1;
	v1 =	vcvt.f32.s32 v7;
	v7 =	vld.idx.msk [tilespmem:v18+s23+$0x0], $0xffff;
	v18 =	vmovc v26  }
0x23c: {  	v50 =	vadd.f32 v50, v53;
	v57 =	vtrunc.f32 v8;
	v4 =	vmul.f32 v4, v61;
	[tilespmem:s6+$0xE0B0] =	vst v0;
	v0 =	vld.idx.msk [tilespmem:v35+s24+$0x0], $0xffff  }
0x23d: {  	v26 =	vmov v36;
	v44 =	vmul.f32 v44, v63;
	v55 =	vmul.f32 v55, v15;
	v53 =	vld.idx.msk [tilespmem:v5+s24+$0x0], $0xffff  }
0x23e: {  	v2 =	vmul.f32 v2, v15;
	v57 =	vcvt.f32.s32 v57;
	v4 =	vadd.f32 v4, v6;
	v36 =	vld.idx.msk [tilespmem:v35+s23+$0x0], $0xffff;
	[tilespmem:s29+$0xE420] =	vst v50  }
0x23f: {  	v6 =	vadd.f32 v44, v47;
	v44 =	vmax.f32 v55, $0.0e+00;
	v35 =	vmovc v58;
	v5 =	vld.idx.msk [tilespmem:v5+s23+$0x0], $0xffff;
	v47 =	vsub.f32 v59, v14  }
0x240: {  	v2 =	vmax.f32 v2, $0.0e+00;
	v50 =	vmul.f32 v56, v15;
	v55 =	vmin.f32 v44, $9.999999230e+01;
	v56 =	vld [tilespmem:s6+$0xE0];
	[tilespmem:s30+$0xE4B0] =	vst v4  }
0x241: {  	v44 =	vmin.f32 v2, $9.999999230e+01;
	v2 =	vtrunc.f32 v55;
	[tilespmem:s6+$0xE030] =	vst v6;
	v4 =	vld.idx.msk [tilespmem:v1+s24+$0x0], $0xffff;
	v6 =	vmul.f32 v47, v15  }
0x242: {  	v50 =	vmax.f32 v50, $0.0e+00;
	v2 =	vcvt.f32.s32 v2;
	v0 =	vmul.f32 v30, v0;
	v30 =	vmovc v52;
	v58 =	vld.idx.msk [tilespmem:v45+s24+$0x0], $0xffff  }
0x243: {  	v47 =	vtrunc.f32 v44;
	v51 =	vmul.f32 v51, v53;
	v1 =	vld.idx.msk [tilespmem:v1+s23+$0x0], $0xffff;
	v6 =	vmax.f32 v6, $0.0e+00  }
0x244: {  	v47 =	vcvt.f32.s32 v47;
	v0 =	vadd.f32 v0, v36;
	v52 =	vld.idx.msk [tilespmem:v45+s23+$0x0], $0xffff;
	v45 =	vmin.f32 v6, $9.999999230e+01  }
0x245: {  	v6 =	vmin.f32 v50, $9.999999230e+01;
	v5 =	vadd.f32 v51, v5;
	v36 =	vtrunc.f32 v45;
	v53 =	vld.idx.msk [tilespmem:v25+s24+$0x0], $0xffff  }
0x246: {  	v50 =	vtrunc.f32 v6;
	v51 =	vsub.f32 v56, v14;
	[tilespmem:s30+$0xE400] =	vst v0;
	v0 =	vcvt.f32.s32 v36;
	v56 =	vld.idx.msk [tilespmem:v25+s23+$0x0], $0xffff;
	v25 =	vmovc v39  }
0x247: {  	v36 =	vcvt.f32.s32 v50;
	v4 =	vmul.f32 v48, v4;
	v39 =	vmov v57;
	[tilespmem:s6+$0xE0C0] =	vst v5;
	v5 =	vld.idx.msk [tilespmem:v38+s24+$0x0], $0xffff  }
0x248: {  	v46 =	vmul.f32 v46, v58;
	v50 =	vmul.f32 v51, v15;
	v48 =	vld.idx.msk [tilespmem:v2+s24+$0x0], $0xffff  }
0x249: {  	v3 =	vmul.f32 v16, v3;
	v16 =	vmovc v20;
	v1 =	vadd.f32 v4, v1;
	v57 =	vld.idx.msk [tilespmem:v38+s23+$0x0], $0xffff;
	v38 =	vmov v54  }
0x24a: {  	v20 =	vmovc v32;
	v32 =	vmov v6;
	v4 =	vadd.f32 v46, v52;
	v51 =	vld.idx.msk [tilespmem:v2+s23+$0x0], $0xffff;
	v2 =	vmax.f32 v50, $0.0e+00  }
.Ltmp1:
0x24b: {  	v50 =	vmin.f32 v2, $9.999999230e+01;
	v52 =	vld [tilespmem:s6+$0xF0];
	[tilespmem:s30+$0xE4C0] =	vst v1;
	v1 =	vmul.f32 v22, v53;
	v2 =	vadd.f32 v3, v7;
	v22 =	vmovc v37;
	(pc) =	sbr.rel @p1 .LBB2_5-.Ltmp1, $4  }
0x24c: {  	v37 =	vmov v8;
	[tilespmem:s6+$0xE040] =	vst v4;
	v3 =	vtrunc.f32 v50;
	v46 =	vld.idx.msk [tilespmem:v0+s24+$0x0], $0xffff  }
0x24d: {  	v54 =	vld.idx.msk [tilespmem:v43+s24+$0x0], $0xffff;
	v53 =	vcvt.f32.s32 v3;
	v3 =	vmul.f32 v34, v5;
	v1 =	vadd.f32 v1, v56;
	[tilespmem:s28+$0xE450] =	vst v2;
	s28 =	smov.u32 s29;
	s29 =	smov.u32 s30;
	s30 =	smov.u32 s6  }
0x24e: {  	v55 =	vmul.f32 v55, v48;
	v34 =	vmov v49;
	v48 =	vld.idx.msk [tilespmem:v0+s23+$0x0], $0xffff  }
0x24f: {  	s31 =	sadd.s32 $0x100, s31;
	s0 =	sadd.s32 $0x200, s0;
	v49 =	vld.idx.msk [tilespmem:v43+s23+$0x0], $0xffff;
	v43 =	vadd.f32 v3, v57;
	[tilespmem:s28+$0xE430] =	vst v1  }
0x250: {  	_ =	sdelay $0x1  }
0x251: {  	v0 =	vadd.f32 v55, v51;
	v1 =	vsub.f32 v52, v14;
	v42 =	vmul.f32 v42, v54;
	_ =	sdelay $0x1  }
0x252: {  	v4 =	vld [tilespmem:s30+$0x480];
	[tilespmem:s30+$0xE0D0] =	vst v0;
	v1 =	vmul.f32 v1, v15;
	v0 =	vadd.f32 v42, v49  }
0x253: {  	v2 =	vld.idx.msk [tilespmem:v53+s24+$0x0], $0xffff  }
0x254: {  	v3 =	vld.idx.msk [tilespmem:v53+s23+$0x0], $0xffff;
	v1 =	vmax.f32 v1, $0.0e+00;
	[tilespmem:s30+$0xE050] =	vst v0  }
0x255: {  	v1 =	vmin.f32 v1, $9.999999230e+01;
	v5 =	vld.idx.msk [tilespmem:v41+s24+$0x0], $0xffff  }
0x256: {  	v49 =	vtrunc.f32 v1  }
0x257: {  	v0 =	vcvt.f32.s32 v49;
	v6 =	vld.idx.msk [tilespmem:v41+s23+$0x0], $0xffff  }
0x258: {  	v2 =	vmul.f32 v50, v2;
	_ =	sdelay $0x1  }
0x259: {  	v50 =	vsub.f32 v4, v14;
	v2 =	vadd.f32 v2, v3;
	v52 =	vmul.f32 v29, v5;
	_ =	sdelay $0x1  }
0x25a: {  	v54 =	vld [tilespmem:s30+$0x490];
	v51 =	vmul.f32 v50, v15;
	[tilespmem:s30+$0xE0E0] =	vst v2;
	v3 =	vadd.f32 v52, v6  }
0x25b: {  	v53 =	vld.idx.msk [tilespmem:v0+s24+$0x0], $0xffff  }
0x25c: {  	v2 =	vmax.f32 v51, $0.0e+00;
	v0 =	vld.idx.msk [tilespmem:v0+s23+$0x0], $0xffff;
	[tilespmem:s30+$0xE060] =	vst v3  }
0x25d: {  	v2 =	vmin.f32 v2, $9.999999230e+01;
	v57 =	vld.idx.msk [tilespmem:v33+s24+$0x0], $0xffff  }
0x25e: {  	v55 =	vtrunc.f32 v2  }
0x25f: {  	v56 =	vcvt.f32.s32 v55;
	v58 =	vld.idx.msk [tilespmem:v33+s23+$0x0], $0xffff  }
0x260: {  	v1 =	vmul.f32 v1, v53;
	_ =	sdelay $0x1  }
0x261: {  	v59 =	vsub.f32 v54, v14;
	v0 =	vadd.f32 v1, v0;
	v61 =	vmul.f32 v28, v57;
	_ =	sdelay $0x1  }
0x262: {  	v63 =	vld [tilespmem:s30+$0x4A0];
	v60 =	vmul.f32 v59, v15;
	[tilespmem:s30+$0xE0F0] =	vst v0;
	v1 =	vadd.f32 v61, v58  }
0x263: {  	v62 =	vld.idx.msk [tilespmem:v56+s24+$0x0], $0xffff  }
0x264: {  	v0 =	vmax.f32 v60, $0.0e+00;
	v3 =	vld.idx.msk [tilespmem:v56+s23+$0x0], $0xffff;
	[tilespmem:s30+$0xE070] =	vst v1  }
0x265: {  	v0 =	vmin.f32 v0, $9.999999230e+01;
	v33 =	vld.idx.msk [tilespmem:v35+s24+$0x0], $0xffff  }
0x266: {  	v28 =	vtrunc.f32 v0  }
0x267: {  	v29 =	vcvt.f32.s32 v28;
	v41 =	vld.idx.msk [tilespmem:v35+s23+$0x0], $0xffff  }
0x268: {  	v2 =	vmul.f32 v2, v62;
	_ =	sdelay $0x1  }
0x269: {  	v42 =	vsub.f32 v63, v14;
	v2 =	vadd.f32 v2, v3;
	v50 =	vmul.f32 v30, v33;
	_ =	sdelay $0x1  }
0x26a: {  	v49 =	vmul.f32 v42, v15;
	[tilespmem:s30+$0xE480] =	vst v2;
	v3 =	vadd.f32 v50, v41  }
0x26b: {  	v51 =	vld.idx.msk [tilespmem:v29+s24+$0x0], $0xffff  }
0x26c: {  	v2 =	vmax.f32 v49, $0.0e+00;
	v1 =	vld.idx.msk [tilespmem:v29+s23+$0x0], $0xffff;
	[tilespmem:s30+$0xE400] =	vst v3  }
0x26d: {  	v2 =	vmin.f32 v2, $9.999999230e+01;
	v55 =	vld.idx.msk [tilespmem:v38+s24+$0x0], $0xffff  }
0x26e: {  	v52 =	vld [tilespmem:s30+$0x4B0];
	v53 =	vtrunc.f32 v2  }
0x26f: {  	v54 =	vcvt.f32.s32 v53;
	v56 =	vld.idx.msk [tilespmem:v38+s23+$0x0], $0xffff  }
0x270: {  	v0 =	vmul.f32 v0, v51;
	_ =	sdelay $0x1  }
0x271: {  	[tilespmem:s29+$0xE410] =	vst v43;
	v0 =	vadd.f32 v0, v1;
	v59 =	vmul.f32 v34, v55  }
0x272: {  	v57 =	vsub.f32 v52, v14;
	v61 =	vld.idx.msk [tilespmem:v27+s24+$0x0], $0xffff  }
0x273: {  	v8 =	vld.idx.msk [tilespmem:v27+s23+$0x0], $0xffff;
	[tilespmem:s30+$0xE490] =	vst v0;
	v1 =	vadd.f32 v59, v56  }
0x274: {  	v58 =	vmul.f32 v57, v15;
	v60 =	vld.idx.msk [tilespmem:v54+s24+$0x0], $0xffff  }
0x275: {  	v3 =	vld.idx.msk [tilespmem:v54+s23+$0x0], $0xffff;
	[tilespmem:s30+$0xE410] =	vst v1  }
0x276: {  	v0 =	vmax.f32 v58, $0.0e+00;
	v28 =	vld.idx.msk [tilespmem:v40+s24+$0x0], $0xffff  }
0x277: {  	v7 =	vld [tilespmem:s30+$0x4C0];
	v6 =	vmul.f32 v24, v61;
	v0 =	vmin.f32 v0, $9.999999230e+01  }
0x278: {  	v62 =	vtrunc.f32 v0;
	v29 =	vld.idx.msk [tilespmem:v40+s23+$0x0], $0xffff  }
0x279: {  	v6 =	vadd.f32 v6, v8;
	v63 =	vcvt.f32.s32 v62;
	v2 =	vmul.f32 v2, v60;
	_ =	sdelay $0x1  }
0x27a: {  	[tilespmem:s29+$0xE420] =	vst v6;
	v2 =	vadd.f32 v2, v3;
	v31 =	vmul.f32 v31, v28  }
0x27b: {  	v30 =	vsub.f32 v7, v14;
	v6 =	vld.idx.msk [tilespmem:v25+s24+$0x0], $0xffff  }
0x27c: {  	v8 =	vld.idx.msk [tilespmem:v25+s23+$0x0], $0xffff;
	[tilespmem:s30+$0xE4A0] =	vst v2;
	v2 =	vadd.f32 v31, v29  }
0x27d: {  	v34 =	vld [tilespmem:s30+$0x4D0];
	v3 =	vmul.f32 v30, v15  }
0x27e: {  	v33 =	vld.idx.msk [tilespmem:v63+s24+$0x0], $0xffff;
	[tilespmem:s30+$0xE420] =	vst v2  }
0x27f: {  	v3 =	vmax.f32 v3, $0.0e+00;
	v38 =	vld.idx.msk [tilespmem:v39+s24+$0x0], $0xffff  }
0x280: {  	v1 =	vld.idx.msk [tilespmem:v63+s23+$0x0], $0xffff;
	v3 =	vmin.f32 v3, $9.999999230e+01  }
0x281: {  	v41 =	vmul.f32 v22, v6;
	v35 =	vtrunc.f32 v3;
	v39 =	vld.idx.msk [tilespmem:v39+s23+$0x0], $0xffff  }
0x282: {  	v2 =	vcvt.f32.s32 v35  }
0x283: {  	v50 =	vadd.f32 v41, v8;
	v0 =	vmul.f32 v0, v33  }
0x284: {  	v42 =	vld.idx.msk [tilespmem:v19+s24+$0x0], $0xffff;
	v7 =	vmul.f32 v37, v38  }
0x285: {  	v43 =	vld.idx.msk [tilespmem:v19+s23+$0x0], $0xffff;
	[tilespmem:s29+$0xE430] =	vst v50;
	v40 =	vsub.f32 v34, v14;
	v0 =	vadd.f32 v0, v1  }
0x286: {  	v1 =	vld.idx.msk [tilespmem:v23+s24+$0x0], $0xffff;
	v4 =	vadd.f32 v7, v39  }
0x287: {  	v8 =	vld.idx.msk [tilespmem:v23+s23+$0x0], $0xffff;
	v49 =	vmul.f32 v40, v15;
	[tilespmem:s30+$0xE4B0] =	vst v0  }
0x288: {  	v51 =	vld.idx.msk [tilespmem:v2+s24+$0x0], $0xffff;
	[tilespmem:s30+$0xE430] =	vst v4  }
0x289: {  	v52 =	vmul.f32 v17, v42;
	v0 =	vmax.f32 v49, $0.0e+00;
	v54 =	vld.idx.msk [tilespmem:v47+s24+$0x0], $0xffff  }
0x28a: {  	v2 =	vld.idx.msk [tilespmem:v2+s23+$0x0], $0xffff;
	v0 =	vmin.f32 v0, $9.999999230e+01  }
0x28b: {  	v53 =	vtrunc.f32 v0;
	v1 =	vmul.f32 v21, v1;
	v4 =	vadd.f32 v52, v43;
	v55 =	vld.idx.msk [tilespmem:v47+s23+$0x0], $0xffff  }
0x28c: {  	v6 =	vcvt.f32.s32 v53  }
0x28d: {  	v1 =	vadd.f32 v1, v8;
	v3 =	vmul.f32 v3, v51;
	[tilespmem:s28+$0xE440] =	vst v4  }
0x28e: {  	v56 =	vld.idx.msk [tilespmem:v18+s24+$0x0], $0xffff;
	v57 =	vmul.f32 v44, v54  }
0x28f: {  	v58 =	vld.idx.msk [tilespmem:v18+s23+$0x0], $0xffff;
	[tilespmem:s29+$0xE440] =	vst v1;
	v2 =	vadd.f32 v3, v2  }
0x290: {  	v1 =	vld.idx.msk [tilespmem:v26+s24+$0x0], $0xffff;
	v4 =	vadd.f32 v57, v55  }
0x291: {  	v8 =	vld.idx.msk [tilespmem:v26+s23+$0x0], $0xffff;
	[tilespmem:s30+$0xE4C0] =	vst v2  }
0x292: {  	v2 =	vld.idx.msk [tilespmem:v6+s24+$0x0], $0xffff;
	[tilespmem:s30+$0xE440] =	vst v4  }
0x293: {  	v4 =	vld.idx.msk [tilespmem:v36+s24+$0x0], $0xffff  }
0x294: {  	v60 =	vmul.f32 v45, v46;
	v59 =	vld.idx.msk [tilespmem:v6+s23+$0x0], $0xffff  }
0x295: {  	v3 =	vmul.f32 v16, v56;
	v16 =	vld.idx.msk [tilespmem:v36+s23+$0x0], $0xffff  }
0x296: {  	v6 =	vadd.f32 v60, v48;
	v1 =	vmul.f32 v20, v1  }
0x297: {  	v61 =	vadd.f32 v3, v58;
	v0 =	vmul.f32 v0, v2  }
0x298: {  	p1 =	sne.s32 s25, $0xB;
	[tilespmem:s29+$0xE4D0] =	vst v6;
	v1 =	vadd.f32 v1, v8;
	v62 =	vmul.f32 v32, v4  }
.Ltmp2:
0x299: {  	[tilespmem:s28+$0xE450] =	vst v61;
	v0 =	vadd.f32 v0, v59;
	(pc) =	sbr.rel @p1 .LBB2_8-.Ltmp2, $4  }
0x29a: {  	[tilespmem:s29+$0xE450] =	vst v1;
	v63 =	vadd.f32 v62, v16  }
0x29b: {  	[tilespmem:s30+$0xE4D0] =	vst v0  }
0x29c: {  	s0 =	sadd.s32 s7, s26;
	s25 =	sadd.s32 $0x1, s25;
	[tilespmem:s30+$0xE450] =	vst v63  }
0x29d: {  	[hbm4b:s0+s12] =	stream.linear.scatter [tilespmem:s10], [sflag:$0x3], $0x7000, $0x38;
	[tilespmem:$0x1D600] =	vst v63  }
.Ltmp3:
0x29e: {  	(pc) =	sbr.rel .LBB2_9-.Ltmp3, $4  }
0x29f: {  	_ = 	snop  }
0x2a0: {  	_ =	swait.ge [sflag:s11], $0x7000  }
0x2a1: {  	[sflag:s11] =	ssyncset.done $0x0  }
0x2a2: {  	[sflag:s11] =	ssyncadd.s32 $0xFFFF9000  }
.LBB2_8:
0x2a3: {  	s0 =	sadd.s32 s5, s25  }
0x2a4: {  	s1 =	smulhi.u32 $0xAAAAAAAB, s0;
	_ =	sdelay $0x1  }
0x2a5: {  	s1 =	sshrl.u32 s1, $0x6  }
0x2a6: {  	s2 =	smul.u32 $0x60, s1;
	_ =	sdelay $0x1  }
0x2a7: {  	s1 =	smul.u32 $0x540000, s1;
	s0 =	ssub.s32 s0, s2  }
0x2a8: {  	s0 =	smul.u32 $0xE000, s0;
	_ =	sdelay $0x1  }
0x2a9: {  	s0 =	sadd.s32 s0, s1  }
0x2aa: {  	s0 =	sshrl.u32 s0, $0x3  }
.Ltmp4:
0x2ab: {  	s0 =	sadd.s32 s4, s0;
	(pc) =	sbr.rel @p0 .LBB2_10-.Ltmp4, $4  }
0x2ac: {  	[tilespmem:s12], [sflag:$0x1] =	stream.linear.gather [hbm4b:s0+s12], $0x7000, $0x38;
	[tilespmem:$0x1D600] =	vst v63  }
0x2ad: {  	_ =	swait.ge [sflag:s11], $0x7000  }
0x2ae: {  	[sflag:s11] =	ssyncset.done $0x0  }
0x2af: {  	[sflag:s11] =	ssyncadd.s32 $0xFFFF9000  }
.LBB2_9:
0x2b0: {  	_ =	swait.ge [sflag:s13], $0x7000  }
0x2b1: {  	[sflag:s13] =	ssyncset.done $0x0  }
0x2b2: {  	[sflag:s13] =	ssyncadd.s32 $0xFFFF9000  }
.LBB2_10:
0x2b3: {  	s0 =	simm.s32 $0x0  }
0x2b4: {  	s1 =	sand.u32 $0x7800, s0;
	s0 =	sand.u32 $0x300, s0  }
0x2b5: {  	s26 =	sor.u32 s0, s1  }
0x2b6: {  	v0 =	vld [tilespmem:s26+$0x7080];
	_ =	sdelay $0x4  }
0x2b7: {  	v0 =	vsub.f32 v0, v14  }
0x2b8: {  	v1 =	vld [tilespmem:s26+$0x7000]  }
0x2b9: {  	v0 =	vmul.f32 v0, v15;
	_ =	sdelay $0x1  }
0x2ba: {  	v0 =	vmax.f32 v0, $0.0e+00  }
0x2bb: {  	v2 =	vld [tilespmem:s26+$0x7090];
	v0 =	vmin.f32 v0, $9.999999230e+01  }
0x2bc: {  	v1 =	vsub.f32 v1, v14;
	v3 =	vtrunc.f32 v0  }
0x2bd: {  	v3 =	vcvt.f32.s32 v3  }
0x2be: {  	v1 =	vmul.f32 v1, v15;
	_ =	sdelay $0x1  }
0x2bf: {  	v2 =	vsub.f32 v2, v14;
	v1 =	vmax.f32 v1, $0.0e+00  }
0x2c0: {  	v4 =	vld [tilespmem:s26+$0x7010];
	v1 =	vmin.f32 v1, $9.999999230e+01  }
0x2c1: {  	v2 =	vmul.f32 v2, v15;
	v8 =	vtrunc.f32 v1  }
0x2c2: {  	v8 =	vcvt.f32.s32 v8;
	v16 =	vld.idx.msk [tilespmem:v3+s24+$0x0], $0xffff  }
0x2c3: {  	v17 =	vld [tilespmem:s26+$0x70A0];
	v2 =	vmax.f32 v2, $0.0e+00  }
0x2c4: {  	v2 =	vmin.f32 v2, $9.999999230e+01;
	v3 =	vld.idx.msk [tilespmem:v3+s23+$0x0], $0xffff  }
0x2c5: {  	v4 =	vsub.f32 v4, v14;
	v18 =	vtrunc.f32 v2  }
0x2c6: {  	v18 =	vcvt.f32.s32 v18  }
0x2c7: {  	v4 =	vmul.f32 v4, v15;
	v0 =	vmul.f32 v0, v16  }
0x2c8: {  	v16 =	vld.idx.msk [tilespmem:v8+s24+$0x0], $0xffff  }
0x2c9: {  	v5 =	vld [tilespmem:s26+$0x7020];
	v59 =	vsub.f32 v17, v14;
	v4 =	vmax.f32 v4, $0.0e+00;
	v0 =	vadd.f32 v0, v3  }
0x2ca: {  	v4 =	vmin.f32 v4, $9.999999230e+01;
	v8 =	vld.idx.msk [tilespmem:v8+s23+$0x0], $0xffff  }
0x2cb: {  	v60 =	vmul.f32 v59, v15;
	v17 =	vtrunc.f32 v4;
	[tilespmem:s26+$0x15080] =	vst v0  }
0x2cc: {  	v61 =	vcvt.f32.s32 v17;
	v17 =	vld.idx.msk [tilespmem:v18+s24+$0x0], $0xffff  }
0x2cd: {  	v23 =	vld [tilespmem:s26+$0x70B0];
	v0 =	vmax.f32 v60, $0.0e+00;
	v1 =	vmul.f32 v1, v16  }
0x2ce: {  	v16 =	vld.idx.msk [tilespmem:v18+s23+$0x0], $0xffff;
	v0 =	vmin.f32 v0, $9.999999230e+01  }
0x2cf: {  	v5 =	vsub.f32 v5, v14;
	v1 =	vadd.f32 v1, v8;
	v8 =	vtrunc.f32 v0  }
0x2d0: {  	v8 =	vcvt.f32.s32 v8  }
0x2d1: {  	v5 =	vmul.f32 v5, v15;
	[tilespmem:s26+$0x15000] =	vst v1;
	v62 =	vmul.f32 v2, v17  }
0x2d2: {  	v63 =	vld.idx.msk [tilespmem:v61+s24+$0x0], $0xffff  }
0x2d3: {  	v6 =	vld [tilespmem:s26+$0x7030];
	v5 =	vmax.f32 v5, $0.0e+00;
	v1 =	vadd.f32 v62, v16;
	v16 =	vsub.f32 v23, v14  }
0x2d4: {  	v5 =	vmin.f32 v5, $9.999999230e+01;
	v3 =	vld.idx.msk [tilespmem:v61+s23+$0x0], $0xffff  }
0x2d5: {  	v17 =	vtrunc.f32 v5;
	[tilespmem:s26+$0x15090] =	vst v1;
	v32 =	vmul.f32 v16, v15  }
0x2d6: {  	v23 =	vcvt.f32.s32 v17;
	v24 =	vld.idx.msk [tilespmem:v8+s24+$0x0], $0xffff  }
0x2d7: {  	v2 =	vmul.f32 v4, v63;
	v33 =	vld.idx.msk [tilespmem:v8+s23+$0x0], $0xffff;
	v1 =	vmax.f32 v32, $0.0e+00  }
0x2d8: {  	v8 =	vld [tilespmem:s26+$0x70C0];
	v1 =	vmin.f32 v1, $9.999999230e+01  }
0x2d9: {  	v6 =	vsub.f32 v6, v14;
	v2 =	vadd.f32 v2, v3;
	v34 =	vtrunc.f32 v1  }
0x2da: {  	v3 =	vcvt.f32.s32 v34  }
0x2db: {  	v6 =	vmul.f32 v6, v15;
	[tilespmem:s26+$0x15010] =	vst v2;
	v0 =	vmul.f32 v0, v24  }
0x2dc: {  	v2 =	vld.idx.msk [tilespmem:v23+s24+$0x0], $0xffff  }
0x2dd: {  	v7 =	vld [tilespmem:s26+$0x7040];
	v6 =	vmax.f32 v6, $0.0e+00;
	v35 =	vsub.f32 v8, v14;
	v0 =	vadd.f32 v0, v33  }
0x2de: {  	v6 =	vmin.f32 v6, $9.999999230e+01;
	v8 =	vld.idx.msk [tilespmem:v23+s23+$0x0], $0xffff  }
0x2df: {  	v19 =	vld [tilespmem:s26+$0x7050];
	v23 =	vtrunc.f32 v6;
	v36 =	vmul.f32 v35, v15;
	[tilespmem:s26+$0x150A0] =	vst v0  }
0x2e0: {  	v37 =	vcvt.f32.s32 v23;
	v23 =	vld.idx.msk [tilespmem:v3+s24+$0x0], $0xffff  }
0x2e1: {  	v38 =	vld [tilespmem:s26+$0x70D0];
	v0 =	vmax.f32 v36, $0.0e+00;
	v2 =	vmul.f32 v5, v2  }
0x2e2: {  	s18 =	simm.s32 $0x100;
	s19 =	simm.s32 $0x200;
	v3 =	vld.idx.msk [tilespmem:v3+s23+$0x0], $0xffff;
	v0 =	vmin.f32 v0, $9.999999230e+01  }
0x2e3: {  	s1 =	sand.u32 $0x7800, s19;
	s0 =	sand.u32 $0x300, s18;
	v21 =	vld [tilespmem:s26+$0x7070];
	v2 =	vadd.f32 v2, v8;
	v8 =	vtrunc.f32 v0  }
0x2e4: {  	v26 =	vld [tilespmem:s26+$0x7420];
	s28 =	sor.u32 s0, s1;
	v7 =	vsub.f32 v7, v14;
	v8 =	vcvt.f32.s32 v8  }
0x2e5: {  	v31 =	vld [tilespmem:s28+$0x7040];
	v1 =	vmul.f32 v1, v23  }
0x2e6: {  	v20 =	vld [tilespmem:s26+$0x7060];
	v7 =	vmul.f32 v7, v15;
	[tilespmem:s26+$0x15020] =	vst v2  }
0x2e7: {  	v39 =	vsub.f32 v38, v14;
	v2 =	vld.idx.msk [tilespmem:v37+s24+$0x0], $0xffff;
	v1 =	vadd.f32 v1, v3  }
0x2e8: {  	v19 =	vsub.f32 v19, v14;
	v7 =	vmax.f32 v7, $0.0e+00;
	v18 =	vld [tilespmem:s26+$0x7430]  }
0x2e9: {  	v46 =	vsub.f32 v21, v14;
	v41 =	vmul.f32 v39, v15;
	v40 =	vmin.f32 v7, $9.999999230e+01;
	v4 =	vld.idx.msk [tilespmem:v37+s23+$0x0], $0xffff;
	[tilespmem:s26+$0x150B0] =	vst v1  }
0x2ea: {  	v53 =	vsub.f32 v26, v14;
	v31 =	vsub.f32 v31, v14;
	v7 =	vtrunc.f32 v40;
	v43 =	vld.idx.msk [tilespmem:v8+s24+$0x0], $0xffff  }
0x2eb: {  	v19 =	vmul.f32 v19, v15;
	v42 =	vcvt.f32.s32 v7;
	v1 =	vmax.f32 v41, $0.0e+00;
	v44 =	vld.idx.msk [tilespmem:v8+s23+$0x0], $0xffff  }
0x2ec: {  	v2 =	vmul.f32 v6, v2;
	v8 =	vsub.f32 v20, v14;
	v1 =	vmin.f32 v1, $9.999999230e+01;
	v20 =	vld [tilespmem:s26+$0x70E0]  }
0x2ed: {  	v22 =	vld [tilespmem:s26+$0x7400];
	v31 =	vmul.f32 v31, v15;
	v19 =	vmax.f32 v19, $0.0e+00;
	v45 =	vtrunc.f32 v1  }
0x2ee: {  	v17 =	vld [tilespmem:s26+$0x7440];
	v2 =	vadd.f32 v2, v4;
	v4 =	vcvt.f32.s32 v45;
	v8 =	vmul.f32 v8, v15  }
0x2ef: {  	v25 =	vld [tilespmem:s26+$0x7410];
	v47 =	vmin.f32 v19, $9.999999230e+01;
	v31 =	vmax.f32 v31, $0.0e+00;
	v0 =	vmul.f32 v0, v43  }
0x2f0: {  	v18 =	vsub.f32 v18, v14;
	v16 =	vld [tilespmem:s26+$0x7450];
	[tilespmem:s26+$0x15030] =	vst v2;
	v8 =	vmax.f32 v8, $0.0e+00;
	v2 =	vmul.f32 v46, v15  }
0x2f1: {  	v19 =	vld.idx.msk [tilespmem:v42+s24+$0x0], $0xffff;
	v48 =	vsub.f32 v20, v14;
	v20 =	vtrunc.f32 v47;
	v0 =	vadd.f32 v0, v44  }
0x2f2: {  	v33 =	vld [tilespmem:s28+$0x7050];
	v24 =	vmin.f32 v8, $9.999999230e+01;
	v50 =	vcvt.f32.s32 v20;
	v20 =	vsub.f32 v22, v14  }
0x2f3: {  	v61 =	vsub.f32 v17, v14;
	v3 =	vld.idx.msk [tilespmem:v42+s23+$0x0], $0xffff;
	v8 =	vtrunc.f32 v24;
	v49 =	vmul.f32 v48, v15;
	[tilespmem:s26+$0x150C0] =	vst v0  }
0x2f4: {  	v2 =	vmax.f32 v2, $0.0e+00;
	v27 =	vcvt.f32.s32 v8;
	v51 =	vmul.f32 v20, v15;
	v8 =	vld.idx.msk [tilespmem:v4+s24+$0x0], $0xffff  }
0x2f5: {  	v16 =	vsub.f32 v16, v14;
	v23 =	vmin.f32 v2, $9.999999230e+01;
	v0 =	vmax.f32 v49, $0.0e+00;
	v4 =	vld.idx.msk [tilespmem:v4+s23+$0x0], $0xffff  }
0x2f6: {  	v5 =	vmul.f32 v40, v19;
	v0 =	vmin.f32 v0, $9.999999230e+01;
	v19 =	vld [tilespmem:s26+$0x70F0];
	v2 =	vmax.f32 v51, $0.0e+00  }
0x2f7: {  	v33 =	vsub.f32 v33, v14;
	v52 =	vtrunc.f32 v0;
	v21 =	vmin.f32 v2, $9.999999230e+01  }
0x2f8: {  	v56 =	vld [tilespmem:s28+$0x7080];
	v2 =	vmul.f32 v53, v15;
	v3 =	vadd.f32 v5, v3;
	v5 =	vcvt.f32.s32 v52  }
0x2f9: {  	v16 =	vmul.f32 v16, v15;
	v20 =	vsub.f32 v25, v14;
	v1 =	vmul.f32 v1, v8  }
0x2fa: {  	v58 =	vld [tilespmem:s28+$0x7000];
	v33 =	vmul.f32 v33, v15;
	v22 =	vtrunc.f32 v23;
	v2 =	vmax.f32 v2, $0.0e+00  }
0x2fb: {  	v30 =	vld [tilespmem:s28+$0x7020];
	v8 =	vmul.f32 v20, v15;
	v55 =	vsub.f32 v19, v14;
	v1 =	vadd.f32 v1, v4  }
0x2fc: {  	v25 =	vcvt.f32.s32 v22;
	v40 =	vld [tilespmem:s26+$0x7490];
	v54 =	vtrunc.f32 v21;
	[tilespmem:s26+$0x15040] =	vst v3;
	v32 =	vmin.f32 v2, $9.999999230e+01  }
0x2fd: {  	v3 =	vsub.f32 v56, v14;
	v28 =	vld.idx.msk [tilespmem:v50+s24+$0x0], $0xffff;
	v8 =	vmax.f32 v8, $0.0e+00;
	v57 =	vmul.f32 v55, v15;
	[tilespmem:s26+$0x150D0] =	vst v1  }
0x2fe: {  	v22 =	vcvt.f32.s32 v54;
	v19 =	vtrunc.f32 v32;
	v26 =	vmin.f32 v8, $9.999999230e+01;
	v59 =	vld.idx.msk [tilespmem:v5+s24+$0x0], $0xffff  }
0x2ff: {  	v60 =	vmul.f32 v3, v15;
	v8 =	vtrunc.f32 v26;
	v1 =	vmax.f32 v57, $0.0e+00;
	v5 =	vld.idx.msk [tilespmem:v5+s23+$0x0], $0xffff  }
0x300: {  	v20 =	vcvt.f32.s32 v8;
	v8 =	vmul.f32 v18, v15;
	v1 =	vmin.f32 v1, $9.999999230e+01;
	v18 =	vld [tilespmem:s26+$0x7480]  }
0x301: {  	v6 =	vld.idx.msk [tilespmem:v50+s23+$0x0], $0xffff;
	v50 =	vmax.f32 v16, $0.0e+00;
	v4 =	vsub.f32 v58, v14;
	v29 =	vtrunc.f32 v1  }
0x302: {  	v37 =	vcvt.f32.s32 v19;
	v19 =	vld [tilespmem:s28+$0x7010];
	v2 =	vmax.f32 v60, $0.0e+00;
	v29 =	vcvt.f32.s32 v29  }
0x303: {  	v44 =	vld [tilespmem:s28+$0x70A0];
	v4 =	vmul.f32 v4, v15;
	v2 =	vmin.f32 v2, $9.999999230e+01;
	v0 =	vmul.f32 v0, v59  }
0x304: {  	v53 =	vsub.f32 v40, v14;
	v7 =	vmul.f32 v47, v28;
	v28 =	vld [tilespmem:s28+$0x7060];
	v47 =	vtrunc.f32 v2  }
0x305: {  	v4 =	vmax.f32 v4, $0.0e+00;
	v62 =	vsub.f32 v18, v14;
	v18 =	vld [tilespmem:s28+$0x7090];
	v0 =	vadd.f32 v0, v5  }
0x306: {  	v8 =	vmax.f32 v8, $0.0e+00;
	v63 =	vmin.f32 v4, $9.999999230e+01;
	v4 =	vcvt.f32.s32 v47;
	v47 =	vld [tilespmem:s26+$0x74A0]  }
0x307: {  	v41 =	vsub.f32 v19, v14;
	v36 =	vmin.f32 v8, $9.999999230e+01;
	v8 =	vld [tilespmem:s28+$0x7030];
	v5 =	vmul.f32 v62, v15;
	[tilespmem:s26+$0x150E0] =	vst v0  }
0x308: {  	v3 =	vmul.f32 v61, v15;
	v6 =	vadd.f32 v7, v6;
	v34 =	vtrunc.f32 v63;
	v35 =	vld.idx.msk [tilespmem:v29+s24+$0x0], $0xffff  }
0x309: {  	v55 =	vmul.f32 v41, v15;
	v48 =	vcvt.f32.s32 v34;
	v34 =	vld [tilespmem:s28+$0x7400];
	v5 =	vmax.f32 v5, $0.0e+00  }
0x30a: {  	v16 =	vmin.f32 v50, $9.999999230e+01;
	[tilespmem:s26+$0x15050] =	vst v6;
	v38 =	vld.idx.msk [tilespmem:v29+s23+$0x0], $0xffff;
	v5 =	vmin.f32 v5, $9.999999230e+01;
	v18 =	vsub.f32 v18, v14  }
0x30b: {  	v54 =	vtrunc.f32 v16;
	v42 =	vld.idx.msk [tilespmem:v27+s24+$0x0], $0xffff;
	v40 =	vmax.f32 v55, $0.0e+00;
	v49 =	vtrunc.f32 v5  }
0x30c: {  	v46 =	vmin.f32 v40, $9.999999230e+01;
	v40 =	vld [tilespmem:s28+$0x7410];
	v6 =	vcvt.f32.s32 v49;
	v18 =	vmul.f32 v18, v15  }
0x30d: {  	v33 =	vmax.f32 v33, $0.0e+00;
	v56 =	vmul.f32 v53, v15;
	v43 =	vld.idx.msk [tilespmem:v4+s24+$0x0], $0xffff;
	v1 =	vmul.f32 v1, v35  }
0x30e: {  	v3 =	vmax.f32 v3, $0.0e+00;
	v62 =	vsub.f32 v30, v14;
	v30 =	vld [tilespmem:s28+$0x7430];
	v18 =	vmax.f32 v18, $0.0e+00  }
0x30f: {  	v17 =	vtrunc.f32 v36;
	v4 =	vld.idx.msk [tilespmem:v4+s23+$0x0], $0xffff;
	v41 =	vmin.f32 v18, $9.999999230e+01;
	v1 =	vadd.f32 v1, v38  }
0x310: {  	v39 =	vcvt.f32.s32 v17;
	v17 =	vmin.f32 v3, $9.999999230e+01;
	v52 =	vld.idx.msk [tilespmem:v48+s24+$0x0], $0xffff;
	v57 =	vtrunc.f32 v41  }
0x311: {  	v61 =	vsub.f32 v44, v14;
	v51 =	vtrunc.f32 v17;
	v7 =	vld.idx.msk [tilespmem:v48+s23+$0x0], $0xffff;
	v45 =	vcvt.f32.s32 v57;
	[tilespmem:s26+$0x150F0] =	vst v1  }
0x312: {  	v28 =	vsub.f32 v28, v14;
	v19 =	vcvt.f32.s32 v51;
	v2 =	vmul.f32 v2, v43;
	v58 =	vld.idx.msk [tilespmem:v6+s24+$0x0], $0xffff  }
0x313: {  	v59 =	vtrunc.f32 v46;
	v29 =	vld [tilespmem:s28+$0x7070];
	v49 =	vmul.f32 v62, v15;
	v1 =	vmax.f32 v56, $0.0e+00  }
0x314: {  	v48 =	vcvt.f32.s32 v59;
	v2 =	vadd.f32 v2, v4;
	v6 =	vld.idx.msk [tilespmem:v6+s23+$0x0], $0xffff;
	v1 =	vmin.f32 v1, $9.999999230e+01  }
0x315: {  	v0 =	vmul.f32 v63, v52;
	v4 =	vmax.f32 v49, $0.0e+00;
	v49 =	vld.idx.msk [tilespmem:v27+s23+$0x0], $0xffff;
	v60 =	vtrunc.f32 v1  }
0x316: {  	v51 =	vsub.f32 v47, v14;
	v63 =	vmul.f32 v61, v15;
	v52 =	vld [tilespmem:s28+$0x70B0];
	[tilespmem:s28+$0x15080] =	vst v2;
	v43 =	vcvt.f32.s32 v60  }
0x317: {  	v38 =	vsub.f32 v8, v14;
	v0 =	vadd.f32 v0, v7;
	v8 =	vld.idx.msk [tilespmem:v45+s24+$0x0], $0xffff;
	v5 =	vmul.f32 v5, v58  }
0x318: {  	v28 =	vmul.f32 v28, v15;
	v24 =	vmul.f32 v24, v42;
	v2 =	vmax.f32 v63, $0.0e+00;
	v57 =	vld [tilespmem:s26+$0x74B0]  }
0x319: {  	v18 =	vcvt.f32.s32 v54;
	v2 =	vmin.f32 v2, $9.999999230e+01;
	[tilespmem:s28+$0x15000] =	vst v0;
	v50 =	vld.idx.msk [tilespmem:v45+s23+$0x0], $0xffff;
	v5 =	vadd.f32 v5, v6  }
0x31a: {  	v7 =	vmul.f32 v51, v15;
	v53 =	vtrunc.f32 v2;
	v54 =	vld.idx.msk [tilespmem:v48+s24+$0x0], $0xffff;
	v24 =	vadd.f32 v24, v49  }
0x31b: {  	v33 =	vmin.f32 v33, $9.999999230e+01;
	v28 =	vmax.f32 v28, $0.0e+00;
	v0 =	vcvt.f32.s32 v53;
	v56 =	vld.idx.msk [tilespmem:v48+s23+$0x0], $0xffff;
	[tilespmem:s26+$0x15480] =	vst v5  }
0x31c: {  	v4 =	vmin.f32 v4, $9.999999230e+01;
	v7 =	vmax.f32 v7, $0.0e+00;
	[tilespmem:s26+$0x15060] =	vst v24;
	v8 =	vmul.f32 v41, v8;
	v5 =	vld.idx.msk [tilespmem:v43+s24+$0x0], $0xffff  }
0x31d: {  	v55 =	vtrunc.f32 v4;
	v3 =	vmul.f32 v38, v15;
	v7 =	vmin.f32 v7, $9.999999230e+01;
	v24 =	vld.idx.msk [tilespmem:v25+s24+$0x0], $0xffff  }
0x31e: {  	v38 =	vsub.f32 v52, v14;
	v45 =	vcvt.f32.s32 v55;
	v43 =	vld.idx.msk [tilespmem:v43+s23+$0x0], $0xffff;
	v6 =	vadd.f32 v8, v50  }
0x31f: {  	v28 =	vmin.f32 v28, $9.999999230e+01;
	v61 =	vld [tilespmem:s28+$0x70C0];
	v58 =	vmul.f32 v46, v54;
	v8 =	vtrunc.f32 v7  }
0x320: {  	v55 =	vld [tilespmem:s26+$0x74C0];
	v41 =	vmin.f32 v31, $9.999999230e+01;
	v31 =	vmul.f32 v38, v15;
	v8 =	vcvt.f32.s32 v8;
	[tilespmem:s28+$0x15090] =	vst v6  }
0x321: {  	v54 =	vtrunc.f32 v33;
	v6 =	vld.idx.msk [tilespmem:v0+s24+$0x0], $0xffff;
	v1 =	vmul.f32 v1, v5;
	v5 =	vadd.f32 v58, v56  }
0x322: {  	v60 =	vsub.f32 v57, v14;
	v25 =	vld.idx.msk [tilespmem:v25+s23+$0x0], $0xffff;
	v42 =	vcvt.f32.s32 v54;
	v31 =	vmax.f32 v31, $0.0e+00  }
0x323: {  	v23 =	vmul.f32 v23, v24;
	v31 =	vmin.f32 v31, $9.999999230e+01;
	v0 =	vld.idx.msk [tilespmem:v0+s23+$0x0], $0xffff;
	v1 =	vadd.f32 v1, v43;
	[tilespmem:s28+$0x15010] =	vst v5  }
0x324: {  	v3 =	vmax.f32 v3, $0.0e+00;
	v59 =	vtrunc.f32 v41;
	v62 =	vtrunc.f32 v31;
	v52 =	vld.idx.msk [tilespmem:v45+s24+$0x0], $0xffff  }
0x325: {  	v3 =	vmin.f32 v3, $9.999999230e+01;
	v43 =	vmul.f32 v60, v15;
	v45 =	vld.idx.msk [tilespmem:v45+s23+$0x0], $0xffff;
	[tilespmem:s26+$0x15490] =	vst v1;
	v1 =	vcvt.f32.s32 v62  }
0x326: {  	v47 =	vsub.f32 v61, v14;
	v50 =	vtrunc.f32 v3;
	v2 =	vmul.f32 v2, v6;
	v63 =	vld.idx.msk [tilespmem:v8+s24+$0x0], $0xffff  }
0x327: {  	v46 =	vcvt.f32.s32 v59;
	v23 =	vadd.f32 v23, v25;
	v53 =	vld.idx.msk [tilespmem:v8+s23+$0x0], $0xffff;
	v8 =	vmax.f32 v43, $0.0e+00  }
0x328: {  	v35 =	vld [tilespmem:s28+$0x7420];
	v44 =	vcvt.f32.s32 v50;
	v0 =	vadd.f32 v2, v0;
	v8 =	vmin.f32 v8, $9.999999230e+01  }
0x329: {  	v61 =	vld [tilespmem:s28+$0x70D0];
	v59 =	vsub.f32 v29, v14;
	[tilespmem:s26+$0x15070] =	vst v23;
	v56 =	vtrunc.f32 v8;
	v4 =	vmul.f32 v4, v52  }
0x32a: {  	v23 =	vsub.f32 v34, v14;
	v51 =	vld.idx.msk [tilespmem:v22+s24+$0x0], $0xffff;
	v58 =	vmul.f32 v47, v15;
	[tilespmem:s28+$0x150A0] =	vst v0;
	v2 =	vcvt.f32.s32 v56  }
0x32b: {  	v60 =	vsub.f32 v55, v14;
	v57 =	vmul.f32 v7, v63;
	v29 =	vld.idx.msk [tilespmem:v1+s24+$0x0], $0xffff;
	v4 =	vadd.f32 v4, v45  }
0x32c: {  	v24 =	vtrunc.f32 v28;
	v23 =	vmul.f32 v23, v15;
	v5 =	vmax.f32 v58, $0.0e+00;
	v1 =	vld.idx.msk [tilespmem:v1+s23+$0x0], $0xffff  }
0x32d: {  	v5 =	vmin.f32 v5, $9.999999230e+01;
	v6 =	vmul.f32 v60, v15;
	v0 =	vadd.f32 v57, v53;
	[tilespmem:s28+$0x15020] =	vst v4;
	v53 =	vld [tilespmem:s28+$0x70E0]  }
0x32e: {  	v23 =	vmax.f32 v23, $0.0e+00;
	v62 =	vtrunc.f32 v5;
	v43 =	vsub.f32 v61, v14;
	v48 =	vld.idx.msk [tilespmem:v44+s24+$0x0], $0xffff  }
0x32f: {  	v6 =	vmax.f32 v6, $0.0e+00;
	v7 =	vmul.f32 v59, v15;
	v49 =	vld.idx.msk [tilespmem:v44+s23+$0x0], $0xffff;
	[tilespmem:s26+$0x154A0] =	vst v0;
	v0 =	vcvt.f32.s32 v62  }
0x330: {  	v60 =	vsub.f32 v30, v14;
	v6 =	vmin.f32 v6, $9.999999230e+01;
	v63 =	vld.idx.msk [tilespmem:v2+s24+$0x0], $0xffff;
	v31 =	vmul.f32 v31, v29  }
0x331: {  	v43 =	vmul.f32 v43, v15;
	v25 =	vtrunc.f32 v6;
	v7 =	vmax.f32 v7, $0.0e+00;
	v2 =	vld.idx.msk [tilespmem:v2+s23+$0x0], $0xffff  }
0x332: {  	v29 =	vcvt.f32.s32 v24;
	v24 =	vld [tilespmem:s26+$0x74D0];
	v1 =	vadd.f32 v31, v1;
	v31 =	vmin.f32 v7, $9.999999230e+01  }
0x333: {  	v27 =	vld [tilespmem:s28+$0x7440];
	v25 =	vcvt.f32.s32 v25;
	v52 =	vmax.f32 v43, $0.0e+00;
	v50 =	vtrunc.f32 v31  }
0x334: {  	s20 =	simm.s32 $0x200;
	s31 =	simm.s32 $0x400;
	v22 =	vld.idx.msk [tilespmem:v22+s23+$0x0], $0xffff;
	v7 =	vsub.f32 v53, v14;
	v3 =	vmul.f32 v3, v48;
	[tilespmem:s28+$0x150B0] =	vst v1;
	v34 =	vcvt.f32.s32 v50  }
0x335: {  	s1 =	sand.u32 $0x7800, s31;
	s0 =	sand.u32 $0x300, s20;
	v44 =	vmin.f32 v23, $9.999999230e+01;
	v1 =	vmul.f32 v21, v51;
	v4 =	vmul.f32 v8, v63;
	v8 =	vld.idx.msk [tilespmem:v0+s24+$0x0], $0xffff  }
0x336: {  	s29 =	sor.u32 s0, s1;
	v21 =	vtrunc.f32 v44;
	v58 =	vmul.f32 v7, v15;
	v0 =	vld.idx.msk [tilespmem:v0+s23+$0x0], $0xffff;
	v3 =	vadd.f32 v3, v49  }
0x337: {  	v24 =	vsub.f32 v24, v14;
	v49 =	vld [tilespmem:s29+$0x7020];
	v2 =	vadd.f32 v4, v2;
	v4 =	vmin.f32 v52, $9.999999230e+01  }
0x338: {  	v38 =	vld [tilespmem:s28+$0x7450];
	v7 =	vmul.f32 v60, v15;
	[tilespmem:s28+$0x15030] =	vst v3;
	v54 =	vtrunc.f32 v4  }
0x339: {  	v40 =	vsub.f32 v40, v14;
	v24 =	vmul.f32 v24, v15;
	v23 =	vld.idx.msk [tilespmem:v46+s24+$0x0], $0xffff;
	[tilespmem:s26+$0x154B0] =	vst v2;
	v2 =	vcvt.f32.s32 v54  }
0x33a: {  	v45 =	vcvt.f32.s32 v21;
	v1 =	vadd.f32 v1, v22;
	v55 =	vld.idx.msk [tilespmem:v25+s24+$0x0], $0xffff;
	v5 =	vmul.f32 v5, v8  }
0x33b: {  	v8 =	vmax.f32 v24, $0.0e+00;
	v21 =	vld.idx.msk [tilespmem:v25+s23+$0x0], $0xffff;
	v24 =	vsub.f32 v35, v14;
	v25 =	vmul.f32 v40, v15  }
0x33c: {  	v22 =	vld.idx.msk [tilespmem:v46+s23+$0x0], $0xffff;
	[tilespmem:s26+$0x15400] =	vst v1;
	v49 =	vsub.f32 v49, v14;
	v8 =	vmin.f32 v8, $9.999999230e+01;
	v0 =	vadd.f32 v5, v0  }
0x33d: {  	v7 =	vmax.f32 v7, $0.0e+00;
	v35 =	vld.idx.msk [tilespmem:v20+s23+$0x0], $0xffff;
	v56 =	vtrunc.f32 v8;
	v59 =	vmul.f32 v24, v15  }
0x33e: {  	v24 =	vmax.f32 v25, $0.0e+00;
	v49 =	vmul.f32 v49, v15;
	v57 =	vcvt.f32.s32 v56;
	[tilespmem:s28+$0x150C0] =	vst v0;
	v0 =	vld.idx.msk [tilespmem:v20+s24+$0x0], $0xffff  }
0x33f: {  	v5 =	vmax.f32 v58, $0.0e+00;
	v23 =	vmul.f32 v41, v23;
	v3 =	vmul.f32 v6, v55;
	v30 =	vld.idx.msk [tilespmem:v2+s24+$0x0], $0xffff  }
0x340: {  	v43 =	vmin.f32 v24, $9.999999230e+01;
	v5 =	vmin.f32 v5, $9.999999230e+01;
	v20 =	vsub.f32 v27, v14;
	v2 =	vld.idx.msk [tilespmem:v2+s23+$0x0], $0xffff  }
0x341: {  	v62 =	vtrunc.f32 v43;
	v3 =	vadd.f32 v3, v21;
	v21 =	vadd.f32 v23, v22;
	v23 =	vld [tilespmem:s28+$0x70F0]  }
0x342: {  	v25 =	vsub.f32 v38, v14;
	v61 =	vtrunc.f32 v5;
	v46 =	vcvt.f32.s32 v62  }
0x343: {  	v54 =	vld [tilespmem:s29+$0x7000];
	v6 =	vmax.f32 v59, $0.0e+00;
	v50 =	vmul.f32 v20, v15;
	[tilespmem:s26+$0x154C0] =	vst v3;
	v3 =	vcvt.f32.s32 v61  }
0x344: {  	v59 =	vld [tilespmem:s29+$0x7010];
	v24 =	vmin.f32 v6, $9.999999230e+01;
	v22 =	vmin.f32 v7, $9.999999230e+01;
	v4 =	vmul.f32 v4, v30  }
0x345: {  	v20 =	vmul.f32 v25, v15;
	v52 =	vtrunc.f32 v22;
	v1 =	vmax.f32 v50, $0.0e+00;
	v61 =	vld [tilespmem:s29+$0x7030]  }
0x346: {  	[tilespmem:s28+$0x15040] =	vst v21;
	v21 =	vtrunc.f32 v24;
	v30 =	vld [tilespmem:s29+$0x7080];
	v2 =	vadd.f32 v4, v2;
	v51 =	vsub.f32 v23, v14  }
0x347: {  	v25 =	vcvt.f32.s32 v52;
	v40 =	vld.idx.msk [tilespmem:v57+s24+$0x0], $0xffff;
	v27 =	vcvt.f32.s32 v21;
	v21 =	vmin.f32 v1, $9.999999230e+01  }
0x348: {  	v56 =	vmax.f32 v20, $0.0e+00;
	v47 =	vld.idx.msk [tilespmem:v57+s23+$0x0], $0xffff;
	v20 =	vtrunc.f32 v21;
	[tilespmem:s28+$0x150D0] =	vst v2;
	v53 =	vmul.f32 v51, v15  }
0x349: {  	v0 =	vmul.f32 v26, v0;
	v23 =	vcvt.f32.s32 v20;
	v55 =	vld.idx.msk [tilespmem:v3+s24+$0x0], $0xffff  }
0x34a: {  	v57 =	vld [tilespmem:s28+$0x7480];
	v20 =	vmin.f32 v56, $9.999999230e+01;
	v4 =	vsub.f32 v54, v14;
	v2 =	vmax.f32 v53, $0.0e+00  }
0x34b: {  	v58 =	vtrunc.f32 v20;
	v3 =	vld.idx.msk [tilespmem:v3+s23+$0x0], $0xffff;
	v30 =	vsub.f32 v30, v14;
	v2 =	vmin.f32 v2, $9.999999230e+01  }
0x34c: {  	v63 =	vld.idx.msk [tilespmem:v42+s24+$0x0], $0xffff;
	v56 =	vsub.f32 v59, v14;
	v4 =	vmul.f32 v4, v15;
	v60 =	vtrunc.f32 v2  }
0x34d: {  	v7 =	vld.idx.msk [tilespmem:v42+s23+$0x0], $0xffff;
	v62 =	vmul.f32 v30, v15;
	v26 =	vcvt.f32.s32 v60  }
0x34e: {  	v49 =	vmax.f32 v49, $0.0e+00;
	v51 =	vld [tilespmem:s29+$0x7090];
	v6 =	vmul.f32 v56, v15;
	v1 =	vmul.f32 v5, v55  }
0x34f: {  	v41 =	vld [tilespmem:s29+$0x7050];
	v61 =	vsub.f32 v61, v14;
	v48 =	vmul.f32 v8, v40;
	v54 =	vmax.f32 v62, $0.0e+00  }
0x350: {  	v50 =	vld [tilespmem:s28+$0x74A0];
	v55 =	vsub.f32 v57, v14;
	v1 =	vadd.f32 v1, v3;
	v3 =	vmin.f32 v54, $9.999999230e+01  }
0x351: {  	v42 =	vld [tilespmem:s29+$0x7060];
	v4 =	vmax.f32 v4, $0.0e+00;
	v30 =	vmul.f32 v33, v63;
	v57 =	vtrunc.f32 v3  }
0x352: {  	v63 =	vld [tilespmem:s29+$0x7040];
	v5 =	vmul.f32 v55, v15;
	[tilespmem:s28+$0x150E0] =	vst v1;
	v1 =	vmin.f32 v4, $9.999999230e+01;
	v4 =	vcvt.f32.s32 v57  }
0x353: {  	v40 =	vmul.f32 v61, v15;
	v7 =	vadd.f32 v30, v7;
	v59 =	vsub.f32 v51, v14;
	v52 =	vld.idx.msk [tilespmem:v26+s24+$0x0], $0xffff  }
0x354: {  	v5 =	vmax.f32 v5, $0.0e+00;
	v30 =	vtrunc.f32 v1;
	v54 =	vld.idx.msk [tilespmem:v26+s23+$0x0], $0xffff;
	v26 =	vcvt.f32.s32 v58  }
0x355: {  	v58 =	vld [tilespmem:s28+$0x7490];
	v53 =	vcvt.f32.s32 v30;
	v30 =	vadd.f32 v0, v35;
	v0 =	vmin.f32 v5, $9.999999230e+01  }
0x356: {  	v56 =	vld [tilespmem:s29+$0x70A0];
	v6 =	vmax.f32 v6, $0.0e+00;
	v38 =	vmul.f32 v59, v15;
	v8 =	vtrunc.f32 v0  }
0x357: {  	v6 =	vmin.f32 v6, $9.999999230e+01;
	[tilespmem:s28+$0x15050] =	vst v7;
	v7 =	vld [tilespmem:s29+$0x7070];
	v33 =	vsub.f32 v63, v14;
	v8 =	vcvt.f32.s32 v8  }
0x358: {  	v60 =	vtrunc.f32 v6;
	v38 =	vmax.f32 v38, $0.0e+00;
	v2 =	vmul.f32 v2, v52;
	v62 =	vld.idx.msk [tilespmem:v4+s24+$0x0], $0xffff  }
0x359: {  	v59 =	vld [tilespmem:s29+$0x7410];
	v57 =	vmin.f32 v49, $9.999999230e+01;
	v33 =	vmul.f32 v33, v15;
	v52 =	vcvt.f32.s32 v60  }
0x35a: {  	v5 =	vsub.f32 v58, v14;
	v4 =	vld.idx.msk [tilespmem:v4+s23+$0x0], $0xffff;
	v2 =	vadd.f32 v2, v54;
	v54 =	vmin.f32 v38, $9.999999230e+01  }
0x35b: {  	v40 =	vmax.f32 v40, $0.0e+00;
	v60 =	vtrunc.f32 v57;
	v51 =	vld.idx.msk [tilespmem:v53+s24+$0x0], $0xffff;
	v38 =	vtrunc.f32 v54  }
0x35c: {  	v33 =	vmax.f32 v33, $0.0e+00;
	v63 =	vmul.f32 v5, v15;
	v49 =	vld.idx.msk [tilespmem:v53+s23+$0x0], $0xffff;
	[tilespmem:s28+$0x150F0] =	vst v2;
	v53 =	vcvt.f32.s32 v38  }
0x35d: {  	v58 =	vcvt.f32.s32 v60;
	v5 =	vsub.f32 v41, v14;
	v41 =	vld.idx.msk [tilespmem:v8+s24+$0x0], $0xffff;
	v3 =	vmul.f32 v3, v62  }
0x35e: {  	v55 =	vld [tilespmem:s29+$0x7400];
	v60 =	vsub.f32 v42, v14;
	v2 =	vmax.f32 v63, $0.0e+00;
	v38 =	vmin.f32 v40, $9.999999230e+01  }
0x35f: {  	v5 =	vmul.f32 v5, v15;
	v8 =	vld.idx.msk [tilespmem:v8+s23+$0x0], $0xffff;
	v2 =	vmin.f32 v2, $9.999999230e+01;
	v3 =	vadd.f32 v3, v4  }
0x360: {  	v35 =	vld.idx.msk [tilespmem:v29+s24+$0x0], $0xffff;
	v42 =	vtrunc.f32 v38;
	v61 =	vtrunc.f32 v2;
	v4 =	vsub.f32 v56, v14  }
0x361: {  	v40 =	vld [tilespmem:s29+$0x7430];
	v63 =	vsub.f32 v50, v14;
	v56 =	vcvt.f32.s32 v61;
	v1 =	vmul.f32 v1, v51;
	[tilespmem:s29+$0x15080] =	vst v3  }
0x362: {  	v50 =	vmin.f32 v33, $9.999999230e+01;
	v62 =	vmul.f32 v4, v15;
	v0 =	vmul.f32 v0, v41;
	v41 =	vld.idx.msk [tilespmem:v53+s24+$0x0], $0xffff  }
0x363: {  	v33 =	vmul.f32 v63, v15;
	v5 =	vmax.f32 v5, $0.0e+00;
	v63 =	vld.idx.msk [tilespmem:v29+s23+$0x0], $0xffff;
	v4 =	vcvt.f32.s32 v42  }
0x364: {  	v1 =	vadd.f32 v1, v49;
	v3 =	vmax.f32 v62, $0.0e+00;
	v0 =	vadd.f32 v0, v8;
	v8 =	vld.idx.msk [tilespmem:v53+s23+$0x0], $0xffff  }
0x365: {  	v42 =	vmin.f32 v5, $9.999999230e+01;
	v5 =	vmul.f32 v60, v15;
	v60 =	vld [tilespmem:s28+$0x74B0];
	v3 =	vmin.f32 v3, $9.999999230e+01  }
0x366: {  	v53 =	vld [tilespmem:s29+$0x70B0];
	v49 =	vtrunc.f32 v3;
	[tilespmem:s28+$0x15480] =	vst v0  }
0x367: {  	[tilespmem:s29+$0x15000] =	vst v1;
	v0 =	vcvt.f32.s32 v49;
	v1 =	vld.idx.msk [tilespmem:v56+s24+$0x0], $0xffff;
	v41 =	vmul.f32 v54, v41  }
0x368: {  	v7 =	vsub.f32 v7, v14;
	v33 =	vmax.f32 v33, $0.0e+00;
	v62 =	vld.idx.msk [tilespmem:v52+s24+$0x0], $0xffff  }
0x369: {  	v35 =	vmul.f32 v28, v35;
	v54 =	vld.idx.msk [tilespmem:v56+s23+$0x0], $0xffff;
	v56 =	vmin.f32 v33, $9.999999230e+01;
	v8 =	vadd.f32 v41, v8  }
0x36a: {  	v7 =	vmul.f32 v7, v15;
	v5 =	vmax.f32 v5, $0.0e+00;
	v52 =	vld.idx.msk [tilespmem:v52+s23+$0x0], $0xffff;
	v41 =	vtrunc.f32 v56  }
0x36b: {  	v61 =	vld [tilespmem:s29+$0x7420];
	v35 =	vadd.f32 v35, v63;
	v33 =	vcvt.f32.s32 v41;
	[tilespmem:s29+$0x15090] =	vst v8;
	v8 =	vsub.f32 v53, v14  }
0x36c: {  	v60 =	vsub.f32 v60, v14;
	v41 =	vsub.f32 v55, v14;
	v1 =	vmul.f32 v2, v1;
	v2 =	vld [tilespmem:s29+$0x7440]  }
0x36d: {  	[tilespmem:s26+$0x15410] =	vst v30;
	v29 =	vmin.f32 v5, $9.999999230e+01;
	v6 =	vmul.f32 v6, v62;
	v5 =	vld.idx.msk [tilespmem:v0+s24+$0x0], $0xffff;
	v8 =	vmul.f32 v8, v15  }
0x36e: {  	v0 =	vld.idx.msk [tilespmem:v0+s23+$0x0], $0xffff;
	v1 =	vadd.f32 v1, v54;
	v54 =	vmul.f32 v60, v15;
	v60 =	vmul.f32 v41, v15  }
0x36f: {  	v7 =	vmax.f32 v7, $0.0e+00;
	[tilespmem:s28+$0x15060] =	vst v35;
	v6 =	vadd.f32 v6, v52;
	v62 =	vmax.f32 v8, $0.0e+00;
	v8 =	vld [tilespmem:s29+$0x70C0]  }
0x370: {  	v28 =	vmin.f32 v7, $9.999999230e+01;
	[tilespmem:s28+$0x15490] =	vst v1;
	v30 =	vmax.f32 v60, $0.0e+00;
	v60 =	vld.idx.msk [tilespmem:v34+s23+$0x0], $0xffff  }
0x371: {  	v51 =	vtrunc.f32 v50;
	v52 =	vtrunc.f32 v29;
	[tilespmem:s29+$0x15010] =	vst v6;
	v7 =	vmin.f32 v62, $9.999999230e+01;
	v6 =	vld.idx.msk [tilespmem:v33+s24+$0x0], $0xffff  }
0x372: {  	v54 =	vmax.f32 v54, $0.0e+00;
	v55 =	vtrunc.f32 v7;
	v3 =	vmul.f32 v3, v5;
	v5 =	vld.idx.msk [tilespmem:v58+s24+$0x0], $0xffff  }
0x373: {  	v41 =	vcvt.f32.s32 v52;
	v52 =	vmin.f32 v54, $9.999999230e+01;
	v54 =	vld [tilespmem:s28+$0x74C0];
	v55 =	vcvt.f32.s32 v55  }
0x374: {  	v59 =	vsub.f32 v59, v14;
	v51 =	vcvt.f32.s32 v51;
	v1 =	vtrunc.f32 v28;
	v62 =	vld.idx.msk [tilespmem:v33+s23+$0x0], $0xffff  }
0x375: {  	v49 =	vtrunc.f32 v42;
	v33 =	vcvt.f32.s32 v1;
	v1 =	vld.idx.msk [tilespmem:v58+s23+$0x0], $0xffff;
	v0 =	vadd.f32 v3, v0  }
0x376: {  	v49 =	vcvt.f32.s32 v49;
	v58 =	vld.idx.msk [tilespmem:v37+s24+$0x0], $0xffff;
	v30 =	vmin.f32 v30, $9.999999230e+01;
	v63 =	vtrunc.f32 v52  }
0x377: {  	v37 =	vld.idx.msk [tilespmem:v37+s23+$0x0], $0xffff;
	v3 =	vcvt.f32.s32 v63;
	v8 =	vsub.f32 v8, v14;
	[tilespmem:s29+$0x150A0] =	vst v0;
	v0 =	vtrunc.f32 v30  }
0x378: {  	v6 =	vmul.f32 v56, v6;
	v56 =	vld.idx.msk [tilespmem:v34+s24+$0x0], $0xffff;
	v5 =	vmul.f32 v57, v5;
	v54 =	vsub.f32 v54, v14  }
0x379: {  	v8 =	vmul.f32 v8, v15;
	v57 =	vsub.f32 v61, v14;
	v35 =	vcvt.f32.s32 v0;
	v0 =	vld.idx.msk [tilespmem:v55+s24+$0x0], $0xffff  }
0x37a: {  	v61 =	vmul.f32 v59, v15;
	v59 =	vld [tilespmem:s29+$0x70D0];
	v6 =	vadd.f32 v6, v62;
	v54 =	vmul.f32 v54, v15  }
0x37b: {  	v32 =	vmul.f32 v32, v58;
	v1 =	vadd.f32 v5, v1;
	v5 =	vld.idx.msk [tilespmem:v55+s23+$0x0], $0xffff;
	v8 =	vmax.f32 v8, $0.0e+00  }
0x37c: {  	v63 =	vmax.f32 v61, $0.0e+00;
	v8 =	vmin.f32 v8, $9.999999230e+01;
	[tilespmem:s28+$0x154A0] =	vst v6;
	v61 =	vmax.f32 v54, $0.0e+00;
	v54 =	vld [tilespmem:s28+$0x74D0]  }
0x37d: {  	v2 =	vsub.f32 v2, v14;
	[tilespmem:s29+$0x15020] =	vst v1;
	v62 =	vtrunc.f32 v8;
	v6 =	vld.idx.msk [tilespmem:v3+s24+$0x0], $0xffff;
	v31 =	vmul.f32 v31, v56  }
0x37e: {  	v55 =	vld.idx.msk [tilespmem:v4+s24+$0x0], $0xffff;
	v1 =	vcvt.f32.s32 v62;
	v0 =	vmul.f32 v7, v0  }
0x37f: {  	v2 =	vmul.f32 v2, v15;
	v57 =	vmul.f32 v57, v15;
	v3 =	vld.idx.msk [tilespmem:v3+s23+$0x0], $0xffff;
	v56 =	vadd.f32 v31, v60  }
0x380: {  	v32 =	vadd.f32 v32, v37;
	v34 =	vmin.f32 v63, $9.999999230e+01;
	v4 =	vld.idx.msk [tilespmem:v4+s23+$0x0], $0xffff;
	v0 =	vadd.f32 v0, v5  }
0x381: {  	v53 =	vld [tilespmem:s29+$0x7450];
	v62 =	vmax.f32 v57, $0.0e+00;
	v57 =	vtrunc.f32 v34;
	v7 =	vmin.f32 v61, $9.999999230e+01;
	[tilespmem:s28+$0x15070] =	vst v56  }
0x382: {  	v59 =	vsub.f32 v59, v14;
	v63 =	vtrunc.f32 v7;
	v6 =	vmul.f32 v52, v6;
	[tilespmem:s29+$0x150B0] =	vst v0;
	v0 =	vld.idx.msk [tilespmem:v45+s24+$0x0], $0xffff  }
0x383: {  	v31 =	vmin.f32 v62, $9.999999230e+01;
	v5 =	vcvt.f32.s32 v63;
	v55 =	vmul.f32 v38, v55;
	v45 =	vld.idx.msk [tilespmem:v45+s23+$0x0], $0xffff  }
0x384: {  	v59 =	vmul.f32 v59, v15;
	v54 =	vsub.f32 v54, v14;
	v60 =	vld.idx.msk [tilespmem:v1+s24+$0x0], $0xffff;
	v3 =	vadd.f32 v6, v3  }
0x385: {  	[tilespmem:s26+$0x15420] =	vst v32;
	v56 =	vtrunc.f32 v31;
	v52 =	vsub.f32 v40, v14;
	v4 =	vadd.f32 v55, v4;
	v55 =	vld [tilespmem:s29+$0x70E0]  }
0x386: {  	v59 =	vmax.f32 v59, $0.0e+00;
	v38 =	vcvt.f32.s32 v57;
	v63 =	vmul.f32 v54, v15;
	v1 =	vld.idx.msk [tilespmem:v1+s23+$0x0], $0xffff;
	[tilespmem:s28+$0x154B0] =	vst v3  }
0x387: {  	v52 =	vmul.f32 v52, v15;
	v6 =	vmin.f32 v59, $9.999999230e+01;
	v3 =	vadd.f32 v48, v47;
	[tilespmem:s29+$0x15030] =	vst v4;
	v48 =	vld.idx.msk [tilespmem:v39+s24+$0x0], $0xffff  }
0x388: {  	v40 =	vcvt.f32.s32 v56;
	v61 =	vtrunc.f32 v6;
	v57 =	vmax.f32 v63, $0.0e+00;
	v54 =	vld.idx.msk [tilespmem:v51+s24+$0x0], $0xffff  }
0x389: {  	v4 =	vcvt.f32.s32 v61;
	v58 =	vmax.f32 v52, $0.0e+00;
	v62 =	vld.idx.msk [tilespmem:v5+s24+$0x0], $0xffff;
	v0 =	vmul.f32 v44, v0  }
0x38a: {  	v59 =	vld.idx.msk [tilespmem:v51+s23+$0x0], $0xffff;
	v37 =	vmin.f32 v58, $9.999999230e+01;
	v8 =	vmul.f32 v8, v60;
	v63 =	vsub.f32 v55, v14  }
0x38b: {  	v5 =	vld.idx.msk [tilespmem:v5+s23+$0x0], $0xffff;
	v60 =	vsub.f32 v53, v14;
	v0 =	vadd.f32 v0, v45;
	v45 =	vmin.f32 v57, $9.999999230e+01  }
0x38c: {  	v52 =	vld [tilespmem:s29+$0x70F0];
	v1 =	vadd.f32 v8, v1;
	v8 =	vtrunc.f32 v45;
	v58 =	vmul.f32 v63, v15  }
0x38d: {  	[tilespmem:s28+$0x15400] =	vst v0;
	v0 =	vcvt.f32.s32 v8;
	v8 =	vld.idx.msk [tilespmem:v39+s23+$0x0], $0xffff;
	v50 =	vmul.f32 v50, v54  }
0x38e: {  	v2 =	vmax.f32 v2, $0.0e+00;
	v7 =	vmul.f32 v7, v62;
	v62 =	vmul.f32 v60, v15;
	[tilespmem:s29+$0x150C0] =	vst v1;
	v1 =	vld.idx.msk [tilespmem:v46+s24+$0x0], $0xffff  }
0x38f: {  	v61 =	vtrunc.f32 v37;
	v44 =	vmin.f32 v2, $9.999999230e+01;
	v55 =	vld.idx.msk [tilespmem:v4+s24+$0x0], $0xffff;
	v50 =	vadd.f32 v50, v59  }
0x390: {  	v2 =	vld.idx.msk [tilespmem:v46+s23+$0x0], $0xffff;
	v5 =	vadd.f32 v7, v5;
	v57 =	vmax.f32 v62, $0.0e+00;
	v62 =	vmax.f32 v58, $0.0e+00  }
0x391: {  	v39 =	vcvt.f32.s32 v61;
	v60 =	vmul.f32 v36, v48;
	v51 =	vld.idx.msk [tilespmem:v4+s23+$0x0], $0xffff;
	[tilespmem:s29+$0x15040] =	vst v50;
	v50 =	vmin.f32 v62, $9.999999230e+01  }
0x392: {  	v59 =	vtrunc.f32 v44;
	v32 =	vmin.f32 v57, $9.999999230e+01;
	[tilespmem:s28+$0x154C0] =	vst v5;
	v54 =	vld.idx.msk [tilespmem:v49+s24+$0x0], $0xffff;
	v63 =	vtrunc.f32 v50  }
0x393: {  	v5 =	vadd.f32 v60, v8;
	v46 =	vld.idx.msk [tilespmem:v0+s24+$0x0], $0xffff;
	v1 =	vmul.f32 v43, v1;
	v53 =	vcvt.f32.s32 v63  }
0x394: {  	[tilespmem:s26+$0x154D0] =	vst v3;
	v61 =	vtrunc.f32 v32;
	v49 =	vld.idx.msk [tilespmem:v49+s23+$0x0], $0xffff;
	v55 =	vmul.f32 v6, v55  }
0x395: {  	s3 =	simm.s32 $0x4;
	s30 =	simm.s32 $0x300;
	s0 =	simm.s32 $0x600;
	v47 =	vcvt.f32.s32 v59;
	v36 =	vcvt.f32.s32 v61;
	v48 =	vld.idx.msk [tilespmem:v0+s23+$0x0], $0xffff;
	[tilespmem:s26+$0x15430] =	vst v5;
	v43 =	vadd.f32 v1, v2  }
.LBB2_11:
0x396: {  	s1 =	sand.u32 $0x7800, s0;
	s2 =	sand.u32 $0x300, s30;
	v0 =	vadd.f32 v55, v51;
	v1 =	vld.idx.msk [tilespmem:v19+s24+$0x0], $0xffff  }
0x397: {  	s3 =	sadd.s32 $0x2, s3;
	v2 =	vsub.f32 v52, v14;
	s6 =	sor.u32 s2, s1;
	[tilespmem:s28+$0x15410] =	vst v43;
	v3 =	vld.idx.msk [tilespmem:v19+s23+$0x0], $0xffff;
	v19 =	vmov v23;
	v23 =	vmov v47  }
0x398: {  	p0 =	slt.u32 s3, $0x6E;
	v4 =	vld [tilespmem:s6+$0x7080];
	[tilespmem:s29+$0x150D0] =	vst v0;
	v0 =	vmul.f32 v45, v46  }
0x399: {  	v5 =	vmul.f32 v42, v54;
	v2 =	vmul.f32 v2, v15;
	v6 =	vld.idx.msk [tilespmem:v53+s24+$0x0], $0xffff  }
0x39a: {  	v7 =	vld [tilespmem:s6+$0x7000];
	v0 =	vadd.f32 v0, v48  }
0x39b: {  	v5 =	vadd.f32 v5, v49;
	v2 =	vmax.f32 v2, $0.0e+00;
	v8 =	vld.idx.msk [tilespmem:v53+s23+$0x0], $0xffff  }
0x39c: {  	v2 =	vmin.f32 v2, $9.999999230e+01;
	v42 =	vld [tilespmem:s6+$0x7010];
	[tilespmem:s28+$0x154D0] =	vst v0;
	v0 =	vmul.f32 v17, v1;
	v17 =	vmovc v21;
	v21 =	vmov v44  }
0x39d: {  	v1 =	vtrunc.f32 v2;
	[tilespmem:s29+$0x15050] =	vst v5;
	v5 =	vld [tilespmem:s29+$0x7480]  }
0x39e: {  	v4 =	vsub.f32 v4, v14;
	v1 =	vcvt.f32.s32 v1;
	v43 =	vld [tilespmem:s6+$0x7020];
	v0 =	vadd.f32 v0, v3  }
0x39f: {  	v6 =	vmul.f32 v50, v6;
	v3 =	vsub.f32 v7, v14;
	v7 =	vld [tilespmem:s6+$0x7030]  }
0x3a0: {  	v4 =	vmul.f32 v4, v15;
	v44 =	vld [tilespmem:s6+$0x7040];
	[tilespmem:s26+$0x15440] =	vst v0  }
0x3a1: {  	v6 =	vadd.f32 v6, v8;
	v0 =	vmul.f32 v3, v15;
	v3 =	vsub.f32 v42, v14;
	v42 =	vld [tilespmem:s6+$0x7050]  }
0x3a2: {  	v4 =	vmax.f32 v4, $0.0e+00;
	v8 =	vld [tilespmem:s6+$0x7060];
	v5 =	vsub.f32 v5, v14  }
0x3a3: {  	v4 =	vmin.f32 v4, $9.999999230e+01;
	v0 =	vmax.f32 v0, $0.0e+00;
	v3 =	vmul.f32 v3, v15;
	v45 =	vld [tilespmem:s6+$0x7090];
	[tilespmem:s29+$0x150E0] =	vst v6  }
0x3a4: {  	v6 =	vtrunc.f32 v4;
	v0 =	vmin.f32 v0, $9.999999230e+01;
	v46 =	vld.idx.msk [tilespmem:v1+s24+$0x0], $0xffff;
	v5 =	vmul.f32 v5, v15  }
0x3a5: {  	v6 =	vcvt.f32.s32 v6;
	v47 =	vtrunc.f32 v0;
	v3 =	vmax.f32 v3, $0.0e+00;
	v50 =	vld [tilespmem:s6+$0x7070]  }
0x3a6: {  	v47 =	vcvt.f32.s32 v47;
	v49 =	vmin.f32 v3, $9.999999230e+01;
	v1 =	vld.idx.msk [tilespmem:v1+s23+$0x0], $0xffff;
	v3 =	vmax.f32 v5, $0.0e+00  }
0x3a7: {  	v43 =	vsub.f32 v43, v14;
	v5 =	vtrunc.f32 v49;
	v52 =	vld.idx.msk [tilespmem:v41+s24+$0x0], $0xffff;
	v3 =	vmin.f32 v3, $9.999999230e+01  }
0x3a8: {  	v7 =	vsub.f32 v7, v14;
	v5 =	vcvt.f32.s32 v5;
	v48 =	vtrunc.f32 v3;
	v51 =	vld [tilespmem:s29+$0x7490]  }
0x3a9: {  	v43 =	vmul.f32 v43, v15;
	v45 =	vsub.f32 v45, v14;
	v54 =	vld.idx.msk [tilespmem:v41+s23+$0x0], $0xffff;
	v41 =	vcvt.f32.s32 v48  }
0x3aa: {  	v53 =	vsub.f32 v44, v14;
	v7 =	vmul.f32 v7, v15;
	v2 =	vmul.f32 v2, v46;
	v55 =	vld [tilespmem:s6+$0x7400]  }
0x3ab: {  	v42 =	vsub.f32 v42, v14;
	v43 =	vmax.f32 v43, $0.0e+00;
	v44 =	vmul.f32 v45, v15;
	v46 =	vld.idx.msk [tilespmem:v6+s24+$0x0], $0xffff  }
0x3ac: {  	v7 =	vmax.f32 v7, $0.0e+00;
	v48 =	vmin.f32 v43, $9.999999230e+01;
	v1 =	vadd.f32 v2, v1;
	v45 =	vld.idx.msk [tilespmem:v47+s24+$0x0], $0xffff  }
0x3ad: {  	v2 =	vtrunc.f32 v48;
	v43 =	vmax.f32 v44, $0.0e+00;
	v6 =	vld.idx.msk [tilespmem:v6+s23+$0x0], $0xffff;
	v56 =	vsub.f32 v51, v14  }
0x3ae: {  	v44 =	vmin.f32 v7, $9.999999230e+01;
	v51 =	vcvt.f32.s32 v2;
	v2 =	vmin.f32 v43, $9.999999230e+01;
	v7 =	vld [tilespmem:s6+$0x70A0];
	[tilespmem:s29+$0x150F0] =	vst v1  }
0x3af: {  	v1 =	vsub.f32 v8, v14;
	v8 =	vtrunc.f32 v2;
	v43 =	vld.idx.msk [tilespmem:v41+s24+$0x0], $0xffff;
	v56 =	vmul.f32 v56, v15  }
0x3b0: {  	v58 =	vsub.f32 v50, v14;
	v8 =	vcvt.f32.s32 v8;
	v57 =	vld.idx.msk [tilespmem:v47+s23+$0x0], $0xffff;
	v47 =	vtrunc.f32 v44  }
0x3b1: {  	v4 =	vmul.f32 v4, v46;
	v47 =	vcvt.f32.s32 v47;
	v41 =	vld.idx.msk [tilespmem:v41+s23+$0x0], $0xffff;
	v46 =	vmax.f32 v56, $0.0e+00  }
0x3b2: {  	v0 =	vmul.f32 v0, v45;
	v45 =	vmul.f32 v53, v15;
	v56 =	vld [tilespmem:s6+$0x7410];
	v59 =	vmin.f32 v46, $9.999999230e+01  }
0x3b3: {  	v42 =	vmul.f32 v42, v15;
	v4 =	vadd.f32 v4, v6;
	v6 =	vtrunc.f32 v59;
	v53 =	vld [tilespmem:s29+$0x74A0]  }
0x3b4: {  	v45 =	vmax.f32 v45, $0.0e+00;
	v7 =	vsub.f32 v7, v14;
	v60 =	vld [tilespmem:s6+$0x7420];
	v6 =	vcvt.f32.s32 v6  }
0x3b5: {  	v42 =	vmax.f32 v42, $0.0e+00;
	v46 =	vmin.f32 v45, $9.999999230e+01;
	v3 =	vmul.f32 v3, v43;
	v61 =	vld [tilespmem:s6+$0x7430];
	[tilespmem:s6+$0x15080] =	vst v4  }
0x3b6: {  	v0 =	vadd.f32 v0, v57;
	v4 =	vtrunc.f32 v46;
	v7 =	vmul.f32 v7, v15;
	v57 =	vld.idx.msk [tilespmem:v8+s24+$0x0], $0xffff  }
0x3b7: {  	v42 =	vmin.f32 v42, $9.999999230e+01;
	v45 =	vcvt.f32.s32 v4;
	v3 =	vadd.f32 v3, v41;
	v50 =	vld.idx.msk [tilespmem:v27+s24+$0x0], $0xffff  }
0x3b8: {  	v7 =	vmax.f32 v7, $0.0e+00;
	[tilespmem:s6+$0x15000] =	vst v0;
	v0 =	vtrunc.f32 v42;
	v4 =	vld.idx.msk [tilespmem:v8+s23+$0x0], $0xffff;
	v8 =	vsub.f32 v53, v14  }
0x3b9: {  	v43 =	vcvt.f32.s32 v0;
	v0 =	vmul.f32 v1, v15;
	v1 =	vmin.f32 v7, $9.999999230e+01;
	v7 =	vld [tilespmem:s6+$0x70B0];
	[tilespmem:s29+$0x15480] =	vst v3  }
0x3ba: {  	v3 =	vsub.f32 v55, v14;
	v41 =	vtrunc.f32 v1;
	v55 =	vld.idx.msk [tilespmem:v6+s24+$0x0], $0xffff;
	v8 =	vmul.f32 v8, v15  }
0x3bb: {  	v53 =	vmul.f32 v58, v15;
	v62 =	vld.idx.msk [tilespmem:v5+s24+$0x0], $0xffff;
	v0 =	vmax.f32 v0, $0.0e+00;
	v58 =	vcvt.f32.s32 v41  }
0x3bc: {  	v2 =	vmul.f32 v2, v57;
	v0 =	vmin.f32 v0, $9.999999230e+01;
	v6 =	vld.idx.msk [tilespmem:v6+s23+$0x0], $0xffff;
	v8 =	vmax.f32 v8, $0.0e+00  }
0x3bd: {  	v52 =	vmul.f32 v29, v52;
	v5 =	vld.idx.msk [tilespmem:v5+s23+$0x0], $0xffff;
	v41 =	vtrunc.f32 v0;
	v8 =	vmin.f32 v8, $9.999999230e+01;
	v29 =	vmovc v0  }
0x3be: {  	v0 =	vadd.f32 v2, v4;
	v41 =	vcvt.f32.s32 v41;
	v2 =	vtrunc.f32 v8;
	v4 =	vld [tilespmem:s29+$0x74B0]  }
0x3bf: {  	v57 =	vmax.f32 v53, $0.0e+00;
	v7 =	vsub.f32 v7, v14;
	v2 =	vcvt.f32.s32 v2;
	v53 =	vld.idx.msk [tilespmem:v27+s23+$0x0], $0xffff;
	v27 =	vmovc v40  }
0x3c0: {  	v57 =	vmin.f32 v57, $9.999999230e+01;
	v40 =	vmul.f32 v59, v55;
	v63 =	vld [tilespmem:s6+$0x7440];
	[tilespmem:s6+$0x15090] =	vst v0;
	v0 =	vadd.f32 v52, v54  }
0x3c1: {  	v49 =	vmul.f32 v49, v62;
	v54 =	vsub.f32 v56, v14;
	v7 =	vmul.f32 v7, v15;
	v55 =	vld.idx.msk [tilespmem:v58+s24+$0x0], $0xffff  }
0x3c2: {  	v3 =	vmul.f32 v3, v15;
	v52 =	vtrunc.f32 v57;
	v56 =	vld [tilespmem:s6+$0x7450];
	[tilespmem:s29+$0x15060] =	vst v0;
	v0 =	vadd.f32 v40, v6  }
0x3c3: {  	v5 =	vadd.f32 v49, v5;
	v7 =	vmax.f32 v7, $0.0e+00;
	v6 =	vld.idx.msk [tilespmem:v58+s23+$0x0], $0xffff;
	v4 =	vsub.f32 v4, v14  }
0x3c4: {  	v3 =	vmax.f32 v3, $0.0e+00;
	v40 =	vcvt.f32.s32 v52;
	v7 =	vmin.f32 v7, $9.999999230e+01;
	v49 =	vld [tilespmem:s6+$0x70C0];
	[tilespmem:s29+$0x15490] =	vst v0  }
0x3c5: {  	v52 =	vmin.f32 v3, $9.999999230e+01;
	v0 =	vtrunc.f32 v7;
	[tilespmem:s6+$0x15010] =	vst v5;
	v3 =	vld.idx.msk [tilespmem:v2+s24+$0x0], $0xffff;
	v4 =	vmul.f32 v4, v15  }
0x3c6: {  	v59 =	vsub.f32 v60, v14;
	v58 =	vtrunc.f32 v52;
	v0 =	vcvt.f32.s32 v0;
	v5 =	vld.idx.msk [tilespmem:v51+s24+$0x0], $0xffff  }
0x3c7: {  	v58 =	vcvt.f32.s32 v58;
	v1 =	vmul.f32 v1, v55;
	v2 =	vld.idx.msk [tilespmem:v2+s23+$0x0], $0xffff;
	v4 =	vmax.f32 v4, $0.0e+00  }
0x3c8: {  	v54 =	vmul.f32 v54, v15;
	v55 =	vmul.f32 v59, v15;
	v51 =	vld.idx.msk [tilespmem:v51+s23+$0x0], $0xffff;
	v4 =	vmin.f32 v4, $9.999999230e+01  }
0x3c9: {  	v59 =	vsub.f32 v61, v14;
	v1 =	vadd.f32 v1, v6;
	v6 =	vtrunc.f32 v4;
	v60 =	vld [tilespmem:s29+$0x74C0]  }
0x3ca: {  	v54 =	vmax.f32 v54, $0.0e+00;
	v61 =	vsub.f32 v49, v14;
	v62 =	vld.idx.msk [tilespmem:v33+s24+$0x0], $0xffff;
	v6 =	vcvt.f32.s32 v6  }
0x3cb: {  	v49 =	vmin.f32 v54, $9.999999230e+01;
	v54 =	vmax.f32 v55, $0.0e+00;
	v3 =	vmul.f32 v8, v3;
	[tilespmem:s6+$0x150A0] =	vst v1;
	v1 =	vld.idx.msk [tilespmem:v33+s23+$0x0], $0xffff;
	v33 =	vmovc v40  }
0x3cc: {  	v8 =	vmin.f32 v54, $9.999999230e+01;
	v5 =	vmul.f32 v48, v5;
	v40 =	vmul.f32 v61, v15;
	v48 =	vld.idx.msk [tilespmem:v0+s24+$0x0], $0xffff  }
0x3cd: {  	v54 =	vtrunc.f32 v49;
	v55 =	vtrunc.f32 v8;
	v2 =	vadd.f32 v3, v2;
	v3 =	vld.idx.msk [tilespmem:v18+s24+$0x0], $0xffff  }
0x3ce: {  	v5 =	vadd.f32 v5, v51;
	v51 =	vmax.f32 v40, $0.0e+00;
	v0 =	vld.idx.msk [tilespmem:v0+s23+$0x0], $0xffff;
	v60 =	vsub.f32 v60, v14  }
0x3cf: {  	v54 =	vcvt.f32.s32 v54;
	v40 =	vcvt.f32.s32 v55;
	v51 =	vmin.f32 v51, $9.999999230e+01;
	v55 =	vld [tilespmem:s6+$0x70D0];
	[tilespmem:s29+$0x154A0] =	vst v2  }
0x3d0: {  	v2 =	vsub.f32 v63, v14;
	[tilespmem:s6+$0x15020] =	vst v5;
	v5 =	vtrunc.f32 v51;
	v61 =	vld.idx.msk [tilespmem:v6+s24+$0x0], $0xffff;
	v60 =	vmul.f32 v60, v15  }
0x3d1: {  	v56 =	vsub.f32 v56, v14;
	v62 =	vmul.f32 v28, v62;
	v28 =	vmovc v57;
	v63 =	vld.idx.msk [tilespmem:v47+s24+$0x0], $0xffff;
	v5 =	vcvt.f32.s32 v5  }
0x3d2: {  	v57 =	vmul.f32 v59, v15;
	v7 =	vmul.f32 v7, v48;
	v6 =	vld.idx.msk [tilespmem:v6+s23+$0x0], $0xffff;
	v48 =	vmax.f32 v60, $0.0e+00  }
0x3d3: {  	v50 =	vmul.f32 v24, v50;
	v24 =	vmovc v31;
	v1 =	vadd.f32 v62, v1;
	v47 =	vld.idx.msk [tilespmem:v47+s23+$0x0], $0xffff;
	v48 =	vmin.f32 v48, $9.999999230e+01  }
0x3d4: {  	v31 =	vmovc v8;
	v57 =	vmax.f32 v57, $0.0e+00;
	v0 =	vadd.f32 v7, v0;
	v7 =	vtrunc.f32 v48;
	v59 =	vld [tilespmem:s29+$0x74D0]  }
0x3d5: {  	v8 =	vmin.f32 v57, $9.999999230e+01;
	v55 =	vsub.f32 v55, v14;
	[tilespmem:s29+$0x15070] =	vst v1;
	v1 =	vcvt.f32.s32 v7;
	v7 =	vld.idx.msk [tilespmem:v18+s23+$0x0], $0xffff;
	v18 =	vmovc v26  }
0x3d6: {  	v50 =	vadd.f32 v50, v53;
	v57 =	vtrunc.f32 v8;
	v4 =	vmul.f32 v4, v61;
	[tilespmem:s6+$0x150B0] =	vst v0;
	v0 =	vld.idx.msk [tilespmem:v35+s24+$0x0], $0xffff  }
0x3d7: {  	v26 =	vmov v36;
	v44 =	vmul.f32 v44, v63;
	v55 =	vmul.f32 v55, v15;
	v53 =	vld.idx.msk [tilespmem:v5+s24+$0x0], $0xffff  }
0x3d8: {  	v2 =	vmul.f32 v2, v15;
	v57 =	vcvt.f32.s32 v57;
	v4 =	vadd.f32 v4, v6;
	v36 =	vld.idx.msk [tilespmem:v35+s23+$0x0], $0xffff;
	[tilespmem:s28+$0x15420] =	vst v50  }
0x3d9: {  	v6 =	vadd.f32 v44, v47;
	v44 =	vmax.f32 v55, $0.0e+00;
	v35 =	vmovc v58;
	v5 =	vld.idx.msk [tilespmem:v5+s23+$0x0], $0xffff;
	v47 =	vsub.f32 v59, v14  }
0x3da: {  	v2 =	vmax.f32 v2, $0.0e+00;
	v50 =	vmul.f32 v56, v15;
	v55 =	vmin.f32 v44, $9.999999230e+01;
	v56 =	vld [tilespmem:s6+$0x70E0];
	[tilespmem:s29+$0x154B0] =	vst v4  }
0x3db: {  	v44 =	vmin.f32 v2, $9.999999230e+01;
	v2 =	vtrunc.f32 v55;
	[tilespmem:s6+$0x15030] =	vst v6;
	v4 =	vld.idx.msk [tilespmem:v1+s24+$0x0], $0xffff;
	v6 =	vmul.f32 v47, v15  }
0x3dc: {  	v50 =	vmax.f32 v50, $0.0e+00;
	v2 =	vcvt.f32.s32 v2;
	v0 =	vmul.f32 v30, v0;
	v30 =	vmovc v52;
	v58 =	vld.idx.msk [tilespmem:v45+s24+$0x0], $0xffff  }
0x3dd: {  	v47 =	vtrunc.f32 v44;
	v51 =	vmul.f32 v51, v53;
	v1 =	vld.idx.msk [tilespmem:v1+s23+$0x0], $0xffff;
	v6 =	vmax.f32 v6, $0.0e+00  }
0x3de: {  	v47 =	vcvt.f32.s32 v47;
	v0 =	vadd.f32 v0, v36;
	v52 =	vld.idx.msk [tilespmem:v45+s23+$0x0], $0xffff;
	v45 =	vmin.f32 v6, $9.999999230e+01  }
0x3df: {  	v6 =	vmin.f32 v50, $9.999999230e+01;
	v5 =	vadd.f32 v51, v5;
	v36 =	vtrunc.f32 v45;
	v53 =	vld.idx.msk [tilespmem:v25+s24+$0x0], $0xffff  }
0x3e0: {  	v50 =	vtrunc.f32 v6;
	v51 =	vsub.f32 v56, v14;
	[tilespmem:s29+$0x15400] =	vst v0;
	v0 =	vcvt.f32.s32 v36;
	v56 =	vld.idx.msk [tilespmem:v25+s23+$0x0], $0xffff;
	v25 =	vmovc v39  }
0x3e1: {  	v36 =	vcvt.f32.s32 v50;
	v4 =	vmul.f32 v48, v4;
	v39 =	vmov v57;
	[tilespmem:s6+$0x150C0] =	vst v5;
	v5 =	vld.idx.msk [tilespmem:v38+s24+$0x0], $0xffff  }
0x3e2: {  	v46 =	vmul.f32 v46, v58;
	v50 =	vmul.f32 v51, v15;
	v48 =	vld.idx.msk [tilespmem:v2+s24+$0x0], $0xffff  }
0x3e3: {  	v3 =	vmul.f32 v16, v3;
	v16 =	vmovc v20;
	v1 =	vadd.f32 v4, v1;
	v57 =	vld.idx.msk [tilespmem:v38+s23+$0x0], $0xffff;
	v38 =	vmov v54  }
0x3e4: {  	v20 =	vmovc v32;
	v32 =	vmov v6;
	v4 =	vadd.f32 v46, v52;
	v51 =	vld.idx.msk [tilespmem:v2+s23+$0x0], $0xffff;
	v2 =	vmax.f32 v50, $0.0e+00  }
.Ltmp5:
0x3e5: {  	v50 =	vmin.f32 v2, $9.999999230e+01;
	v52 =	vld [tilespmem:s6+$0x70F0];
	[tilespmem:s29+$0x154C0] =	vst v1;
	v1 =	vmul.f32 v22, v53;
	v2 =	vadd.f32 v3, v7;
	v22 =	vmovc v37;
	(pc) =	sbr.rel @p0 .LBB2_11-.Ltmp5, $4  }
0x3e6: {  	v37 =	vmov v8;
	[tilespmem:s6+$0x15040] =	vst v4;
	v3 =	vtrunc.f32 v50;
	v46 =	vld.idx.msk [tilespmem:v0+s24+$0x0], $0xffff  }
0x3e7: {  	v54 =	vld.idx.msk [tilespmem:v43+s24+$0x0], $0xffff;
	v53 =	vcvt.f32.s32 v3;
	v3 =	vmul.f32 v34, v5;
	v1 =	vadd.f32 v1, v56;
	[tilespmem:s26+$0x15450] =	vst v2;
	s26 =	smov.u32 s28;
	s28 =	smov.u32 s29;
	s29 =	smov.u32 s6  }
0x3e8: {  	v55 =	vmul.f32 v55, v48;
	v34 =	vmov v49;
	v48 =	vld.idx.msk [tilespmem:v0+s23+$0x0], $0xffff  }
0x3e9: {  	s30 =	sadd.s32 $0x100, s30;
	s0 =	sadd.s32 $0x200, s0;
	v49 =	vld.idx.msk [tilespmem:v43+s23+$0x0], $0xffff;
	v43 =	vadd.f32 v3, v57;
	[tilespmem:s26+$0x15430] =	vst v1  }
0x3ea: {  	_ =	sdelay $0x1  }
0x3eb: {  	v0 =	vadd.f32 v55, v51;
	v1 =	vsub.f32 v52, v14;
	v42 =	vmul.f32 v42, v54;
	_ =	sdelay $0x1  }
0x3ec: {  	v4 =	vld [tilespmem:s29+$0x7480];
	[tilespmem:s29+$0x150D0] =	vst v0;
	v1 =	vmul.f32 v1, v15;
	v0 =	vadd.f32 v42, v49  }
0x3ed: {  	v2 =	vld.idx.msk [tilespmem:v53+s24+$0x0], $0xffff  }
0x3ee: {  	v3 =	vld.idx.msk [tilespmem:v53+s23+$0x0], $0xffff;
	v1 =	vmax.f32 v1, $0.0e+00;
	[tilespmem:s29+$0x15050] =	vst v0  }
0x3ef: {  	v1 =	vmin.f32 v1, $9.999999230e+01;
	v5 =	vld.idx.msk [tilespmem:v41+s24+$0x0], $0xffff  }
0x3f0: {  	v49 =	vtrunc.f32 v1  }
0x3f1: {  	v0 =	vcvt.f32.s32 v49;
	v6 =	vld.idx.msk [tilespmem:v41+s23+$0x0], $0xffff  }
0x3f2: {  	v2 =	vmul.f32 v50, v2;
	_ =	sdelay $0x1  }
0x3f3: {  	v50 =	vsub.f32 v4, v14;
	v2 =	vadd.f32 v2, v3;
	v52 =	vmul.f32 v29, v5;
	_ =	sdelay $0x1  }
0x3f4: {  	v54 =	vld [tilespmem:s29+$0x7490];
	v51 =	vmul.f32 v50, v15;
	[tilespmem:s29+$0x150E0] =	vst v2;
	v3 =	vadd.f32 v52, v6  }
0x3f5: {  	v53 =	vld.idx.msk [tilespmem:v0+s24+$0x0], $0xffff  }
0x3f6: {  	v2 =	vmax.f32 v51, $0.0e+00;
	v0 =	vld.idx.msk [tilespmem:v0+s23+$0x0], $0xffff;
	[tilespmem:s29+$0x15060] =	vst v3  }
0x3f7: {  	v2 =	vmin.f32 v2, $9.999999230e+01;
	v57 =	vld.idx.msk [tilespmem:v33+s24+$0x0], $0xffff  }
0x3f8: {  	v55 =	vtrunc.f32 v2  }
0x3f9: {  	v56 =	vcvt.f32.s32 v55;
	v58 =	vld.idx.msk [tilespmem:v33+s23+$0x0], $0xffff  }
0x3fa: {  	v1 =	vmul.f32 v1, v53;
	_ =	sdelay $0x1  }
0x3fb: {  	v59 =	vsub.f32 v54, v14;
	v0 =	vadd.f32 v1, v0;
	v61 =	vmul.f32 v28, v57;
	_ =	sdelay $0x1  }
0x3fc: {  	v63 =	vld [tilespmem:s29+$0x74A0];
	v60 =	vmul.f32 v59, v15;
	[tilespmem:s29+$0x150F0] =	vst v0;
	v1 =	vadd.f32 v61, v58  }
0x3fd: {  	v62 =	vld.idx.msk [tilespmem:v56+s24+$0x0], $0xffff  }
0x3fe: {  	v0 =	vmax.f32 v60, $0.0e+00;
	v3 =	vld.idx.msk [tilespmem:v56+s23+$0x0], $0xffff;
	[tilespmem:s29+$0x15070] =	vst v1  }
0x3ff: {  	v0 =	vmin.f32 v0, $9.999999230e+01;
	v33 =	vld.idx.msk [tilespmem:v35+s24+$0x0], $0xffff  }
0x400: {  	v28 =	vtrunc.f32 v0  }
0x401: {  	v29 =	vcvt.f32.s32 v28;
	v41 =	vld.idx.msk [tilespmem:v35+s23+$0x0], $0xffff  }
0x402: {  	v2 =	vmul.f32 v2, v62;
	_ =	sdelay $0x1  }
0x403: {  	v42 =	vsub.f32 v63, v14;
	v2 =	vadd.f32 v2, v3;
	v50 =	vmul.f32 v30, v33;
	_ =	sdelay $0x1  }
0x404: {  	v49 =	vmul.f32 v42, v15;
	[tilespmem:s29+$0x15480] =	vst v2;
	v3 =	vadd.f32 v50, v41  }
0x405: {  	v51 =	vld.idx.msk [tilespmem:v29+s24+$0x0], $0xffff  }
0x406: {  	v2 =	vmax.f32 v49, $0.0e+00;
	v1 =	vld.idx.msk [tilespmem:v29+s23+$0x0], $0xffff;
	[tilespmem:s29+$0x15400] =	vst v3  }
0x407: {  	v2 =	vmin.f32 v2, $9.999999230e+01;
	v55 =	vld.idx.msk [tilespmem:v38+s24+$0x0], $0xffff  }
0x408: {  	v52 =	vld [tilespmem:s29+$0x74B0];
	v53 =	vtrunc.f32 v2  }
0x409: {  	v54 =	vcvt.f32.s32 v53;
	v56 =	vld.idx.msk [tilespmem:v38+s23+$0x0], $0xffff  }
0x40a: {  	v0 =	vmul.f32 v0, v51;
	_ =	sdelay $0x1  }
0x40b: {  	[tilespmem:s28+$0x15410] =	vst v43;
	v0 =	vadd.f32 v0, v1;
	v59 =	vmul.f32 v34, v55  }
0x40c: {  	v57 =	vsub.f32 v52, v14;
	v61 =	vld.idx.msk [tilespmem:v27+s24+$0x0], $0xffff  }
0x40d: {  	v8 =	vld.idx.msk [tilespmem:v27+s23+$0x0], $0xffff;
	[tilespmem:s29+$0x15490] =	vst v0;
	v1 =	vadd.f32 v59, v56  }
0x40e: {  	v58 =	vmul.f32 v57, v15;
	v60 =	vld.idx.msk [tilespmem:v54+s24+$0x0], $0xffff  }
0x40f: {  	v3 =	vld.idx.msk [tilespmem:v54+s23+$0x0], $0xffff;
	[tilespmem:s29+$0x15410] =	vst v1  }
0x410: {  	v0 =	vmax.f32 v58, $0.0e+00;
	v28 =	vld.idx.msk [tilespmem:v40+s24+$0x0], $0xffff  }
0x411: {  	v7 =	vld [tilespmem:s29+$0x74C0];
	v6 =	vmul.f32 v24, v61;
	v0 =	vmin.f32 v0, $9.999999230e+01  }
0x412: {  	v62 =	vtrunc.f32 v0;
	v29 =	vld.idx.msk [tilespmem:v40+s23+$0x0], $0xffff  }
0x413: {  	v6 =	vadd.f32 v6, v8;
	v63 =	vcvt.f32.s32 v62;
	v2 =	vmul.f32 v2, v60;
	_ =	sdelay $0x1  }
0x414: {  	[tilespmem:s28+$0x15420] =	vst v6;
	v2 =	vadd.f32 v2, v3;
	v31 =	vmul.f32 v31, v28  }
0x415: {  	v30 =	vsub.f32 v7, v14;
	v6 =	vld.idx.msk [tilespmem:v25+s24+$0x0], $0xffff  }
0x416: {  	v8 =	vld.idx.msk [tilespmem:v25+s23+$0x0], $0xffff;
	[tilespmem:s29+$0x154A0] =	vst v2;
	v2 =	vadd.f32 v31, v29  }
0x417: {  	v34 =	vld [tilespmem:s29+$0x74D0];
	v3 =	vmul.f32 v30, v15  }
0x418: {  	v33 =	vld.idx.msk [tilespmem:v63+s24+$0x0], $0xffff;
	[tilespmem:s29+$0x15420] =	vst v2  }
0x419: {  	v3 =	vmax.f32 v3, $0.0e+00;
	v38 =	vld.idx.msk [tilespmem:v39+s24+$0x0], $0xffff  }
0x41a: {  	v1 =	vld.idx.msk [tilespmem:v63+s23+$0x0], $0xffff;
	v3 =	vmin.f32 v3, $9.999999230e+01  }
0x41b: {  	v41 =	vmul.f32 v22, v6;
	v35 =	vtrunc.f32 v3;
	v39 =	vld.idx.msk [tilespmem:v39+s23+$0x0], $0xffff  }
0x41c: {  	v2 =	vcvt.f32.s32 v35  }
0x41d: {  	v50 =	vadd.f32 v41, v8;
	v0 =	vmul.f32 v0, v33  }
0x41e: {  	v42 =	vld.idx.msk [tilespmem:v19+s24+$0x0], $0xffff;
	v7 =	vmul.f32 v37, v38  }
0x41f: {  	v43 =	vld.idx.msk [tilespmem:v19+s23+$0x0], $0xffff;
	[tilespmem:s28+$0x15430] =	vst v50;
	v40 =	vsub.f32 v34, v14;
	v0 =	vadd.f32 v0, v1  }
0x420: {  	v1 =	vld.idx.msk [tilespmem:v23+s24+$0x0], $0xffff;
	v4 =	vadd.f32 v7, v39  }
0x421: {  	v8 =	vld.idx.msk [tilespmem:v23+s23+$0x0], $0xffff;
	v49 =	vmul.f32 v40, v15;
	[tilespmem:s29+$0x154B0] =	vst v0  }
0x422: {  	v51 =	vld.idx.msk [tilespmem:v2+s24+$0x0], $0xffff;
	[tilespmem:s29+$0x15430] =	vst v4  }
0x423: {  	v52 =	vmul.f32 v17, v42;
	v0 =	vmax.f32 v49, $0.0e+00;
	v54 =	vld.idx.msk [tilespmem:v47+s24+$0x0], $0xffff  }
0x424: {  	v2 =	vld.idx.msk [tilespmem:v2+s23+$0x0], $0xffff;
	v0 =	vmin.f32 v0, $9.999999230e+01  }
0x425: {  	v53 =	vtrunc.f32 v0;
	v1 =	vmul.f32 v21, v1;
	v4 =	vadd.f32 v52, v43;
	v55 =	vld.idx.msk [tilespmem:v47+s23+$0x0], $0xffff  }
0x426: {  	v6 =	vcvt.f32.s32 v53  }
0x427: {  	v1 =	vadd.f32 v1, v8;
	v3 =	vmul.f32 v3, v51;
	[tilespmem:s26+$0x15440] =	vst v4  }
0x428: {  	v56 =	vld.idx.msk [tilespmem:v18+s24+$0x0], $0xffff;
	v57 =	vmul.f32 v44, v54  }
0x429: {  	v58 =	vld.idx.msk [tilespmem:v18+s23+$0x0], $0xffff;
	[tilespmem:s28+$0x15440] =	vst v1;
	v2 =	vadd.f32 v3, v2  }
0x42a: {  	v1 =	vld.idx.msk [tilespmem:v26+s24+$0x0], $0xffff;
	v4 =	vadd.f32 v57, v55  }
0x42b: {  	v8 =	vld.idx.msk [tilespmem:v26+s23+$0x0], $0xffff;
	[tilespmem:s29+$0x154C0] =	vst v2  }
0x42c: {  	v2 =	vld.idx.msk [tilespmem:v6+s24+$0x0], $0xffff;
	[tilespmem:s29+$0x15440] =	vst v4  }
0x42d: {  	v4 =	vld.idx.msk [tilespmem:v36+s24+$0x0], $0xffff  }
0x42e: {  	v60 =	vmul.f32 v45, v46;
	v59 =	vld.idx.msk [tilespmem:v6+s23+$0x0], $0xffff  }
0x42f: {  	v3 =	vmul.f32 v16, v56;
	v16 =	vld.idx.msk [tilespmem:v36+s23+$0x0], $0xffff  }
0x430: {  	v6 =	vadd.f32 v60, v48;
	v1 =	vmul.f32 v20, v1  }
0x431: {  	v61 =	vadd.f32 v3, v58;
	v0 =	vmul.f32 v0, v2  }
0x432: {  	p0 =	sne.s32 s25, $0xC;
	[tilespmem:s28+$0x154D0] =	vst v6;
	v1 =	vadd.f32 v1, v8;
	v62 =	vmul.f32 v32, v4  }
.Ltmp6:
0x433: {  	[tilespmem:s26+$0x15450] =	vst v61;
	v0 =	vadd.f32 v0, v59;
	(pc) =	sbr.rel @p0 .LBB2_4-.Ltmp6, $4  }
0x434: {  	[tilespmem:s28+$0x15450] =	vst v1;
	v63 =	vadd.f32 v62, v16  }
0x435: {  	[tilespmem:s29+$0x154D0] =	vst v0  }
0x436: {  	s0 =	sadd.s32 s7, s22;
	[tilespmem:s29+$0x15450] =	vst v63  }
0x437: {  	[hbm4b:s0+s12] =	stream.linear.scatter [tilespmem:s15], [sflag:$0x4], $0x7000, $0x38;
	[tilespmem:$0x1D600] =	vst v63  }
0x438: {  	s0 =	simm.s32 $0x3  }
0x439: {  	_ =	swait.ge [sflag:s0], $0x7000  }
0x43a: {  	[sflag:s0] =	ssyncset.done $0x0  }
0x43b: {  	[sflag:s0] =	ssyncadd.s32 $0xFFFF9000  }
0x43c: {  	_ =	swait.ge [sflag:s13], $0x7000  }
0x43d: {  	v0 =	vld [tilespmem:$0x1FF70]  }
0x43e: {  	s1 =	rddreg [dreg:$0xd];
	v1 =	vld [tilespmem:$0x1FF80]  }
0x43f: {  	s31 =	rddreg [dreg:$0xc];
	v2 =	vld [tilespmem:$0x1FF90];
	s1 =	sadd.s32 $0x1, s1  }
0x440: {  	v3 =	vld [tilespmem:$0x1FFA0];
	p0 =	sne.s32 s1, s31  }
.Ltmp7:
0x441: {  	v4 =	vld [tilespmem:$0x1FFB0];
	(pc) =	sbr.rel @p0 .LBB2_1-.Ltmp7, $4  }
0x442: {  	v5 =	vld [tilespmem:$0x1FFC0]  }
0x443: {  	v6 =	vld [tilespmem:$0x1FFD0]  }
0x444: {  	[sflag:s13] =	ssyncset.done $0x0;
	v7 =	vld [tilespmem:$0x1FFE0]  }
0x445: {  	v8 =	vld [tilespmem:$0x1FFF0];
	[sflag:s13] =	ssyncadd.s32 $0xFFFF9000  }
0x446: {  	_ =	sfence.sel $0x180000  }
0x447: {  	[bflag:$0x0] =	sbarrier.arrive $0xFFFF  }
0x448: {  	_ =	strace $0x90000047  }
0x449: {  	s0 =	stileid.u32;
	[bflag:$0x2] =	sbarrier.arrive $0xFFFF  }
0x44a: {  	p0 =	sne.s32 s0, $0x0;
	s0 =	rddreg [dreg:$0x3]  }
0x44b: {  	s0 =	sadd.s32 @!p0 $0x100000, s0  }
0x44c: {  	[sflag:s0] =	ssyncadd.tile.s32 @!p0 $0x1;
	_ =	shalt  }
.Lfunc_end2:
_tile_overlayer_lowered:
.L_overlay_start_2:
0x44d: {  	(tag) =	ssettag $0x2  }
0x44e: {  	s0 =	rddreg [dreg:$0x0];
	s2 =	stileid.u32  }
0x44f: {  	s1 =	rddreg [dreg:$0x1];
	p0 =	sne.s32 s2, $0x0  }
0x450: {  	s3 =	rddreg [dreg:$0x2];
	[bflag:$0x3] =	sbarrier.arrive $0xFFFF;
	s2 =	simm.s32 @!p0 $0x1C05  }
0x451: {  	[timem:s3], [sflag:s2] =	dma.local @!p0 [hbm:s0], s1  }
0x452: {  	s0 =	simm.s32 @!p0 $0x5  }
0x453: {  	_ =	swait.ge @!p0 [sflag:s0], s1  }
0x454: {  	s1 =	ssub.s32 @!p0 $0x0, s1;
	[sflag:s0] =	ssyncset.done @!p0 $0x0  }
0x455: {  	[sflag:s0] =	ssyncadd.s32 @!p0 s1  }
0x456: {  	[bflag:$0x3] =	sbarrier.arrive $0xFFFF  }
0x457: {  	_ =	shalt  }

</sc_bundles>
